<compile_context>
chip_gen: v7x
topology: tpu7x:2x2x1
jax: 0.10.2.dev20260603
libtpu: 0.0.44.dev20260713+nightly
codegen_flags: <defaults>
</compile_context>

<pallas_src>
import dataclasses
import functools
import math

import jax
import jax.numpy as jnp
from jax import lax
from jax.experimental import pallas as pl
from jax.experimental.pallas import tpu as pltpu
from jax.experimental.pallas import tpu_sc as plsc

N, E, D, H, C, G, NC = 10000, 320000, 128, 1, 128, 128, 10


_BN = 1000
_NBLK = N // _BN


def _qkvs_body(x_ref, w_ref, b_ref, q_ref, k_ref, v_ref, s_ref):
    acc = jnp.dot(x_ref[...], w_ref[...], preferred_element_type=jnp.float32)
    acc = acc + b_ref[...]
    q_ref[...] = acc[:, 0:128]
    k_ref[...] = acc[:, 128:256]
    v_ref[...] = acc[:, 256:384]
    s_ref[...] = acc[:, 384:512]


def _tc_qkvs(x, wcat, bcat):
    out = jax.ShapeDtypeStruct((N, 128), jnp.float32)
    return pl.pallas_call(
        _qkvs_body,
        grid=(_NBLK,),
        in_specs=[
            pl.BlockSpec((_BN, 128), lambda i: (i, 0)),
            pl.BlockSpec((128, 512), lambda i: (0, 0)),
            pl.BlockSpec((1, 512), lambda i: (0, 0)),
        ],
        out_specs=[pl.BlockSpec((_BN, 128), lambda i: (i, 0))] * 4,
        out_shape=[out, out, out, out],
    )(x, wcat, bcat)


def _combine(p_ref, d_ref, s_ref):
    den = jnp.sum(d_ref[0], axis=0)
    num = p_ref[0] + p_ref[1]
    h = num / (den[:, None] + 1e-16) + s_ref[...]
    return jnp.maximum(h, 0.0)


def _mid_body(p_ref, d_ref, s_ref, w_ref, b_ref, q_ref, k_ref, v_ref, s_out):
    h = _combine(p_ref, d_ref, s_ref)
    acc = jnp.dot(h, w_ref[...], preferred_element_type=jnp.float32)
    acc = acc + b_ref[...]
    q_ref[...] = acc[:, 0:128]
    k_ref[...] = acc[:, 128:256]
    v_ref[...] = acc[:, 256:384]
    s_out[...] = acc[:, 384:512]


def _tc_mid(p, d, s, wcat, bcat):
    out = jax.ShapeDtypeStruct((N, 128), jnp.float32)
    return pl.pallas_call(
        _mid_body,
        grid=(_NBLK,),
        in_specs=[
            pl.BlockSpec((2, _BN, 128), lambda i: (0, i, 0)),
            pl.BlockSpec((1, 32, _BN), lambda i: (i, 0, 0)),
            pl.BlockSpec((_BN, 128), lambda i: (i, 0)),
            pl.BlockSpec((128, 512), lambda i: (0, 0)),
            pl.BlockSpec((1, 512), lambda i: (0, 0)),
        ],
        out_specs=[pl.BlockSpec((_BN, 128), lambda i: (i, 0))] * 4,
        out_shape=[out, out, out, out],
    )(p, d, s, wcat, bcat)


def _final_body(p_ref, d_ref, s_ref, b_ref, w_ref, lb_ref, o_ref, acc_ref):
    i = pl.program_id(0)

    @pl.when(i == 0)
    def _():
        acc_ref[...] = jnp.zeros_like(acc_ref)

    h = _combine(p_ref, d_ref, s_ref)
    bvec = b_ref[0, 0]
    oh = (bvec[:, None] == lax.broadcasted_iota(jnp.int32, (_BN, G), 1))
    oh = oh.astype(jnp.float32)
    sums = lax.dot_general(oh, h, (((0,), (0,)), ((), ())),
                           preferred_element_type=jnp.float32)
    ones = jnp.ones((_BN, 128), jnp.float32)
    cnts = lax.dot_general(oh, ones, (((0,), (0,)), ((), ())),
                           preferred_element_type=jnp.float32)
    acc_ref[:, 0:128] += sums
    acc_ref[:, 128:256] += cnts

    @pl.when(i == _NBLK - 1)
    def _():
        pooled = acc_ref[:, 0:128] / jnp.maximum(acc_ref[:, 128:256], 1.0)
        o_ref[...] = jnp.dot(pooled, w_ref[...],
                             preferred_element_type=jnp.float32) + lb_ref[...]


def _tc_final(p, d, s, batch2d, linw_pad, linb_pad):
    return pl.pallas_call(
        _final_body,
        grid=(_NBLK,),
        in_specs=[
            pl.BlockSpec((2, _BN, 128), lambda i: (0, i, 0)),
            pl.BlockSpec((1, 32, _BN), lambda i: (i, 0, 0)),
            pl.BlockSpec((_BN, 128), lambda i: (i, 0)),
            pl.BlockSpec((1, 1, _BN), lambda i: (i, 0, 0)),
            pl.BlockSpec((128, 128), lambda i: (0, 0)),
            pl.BlockSpec((1, 128), lambda i: (0, 0)),
        ],
        out_specs=pl.BlockSpec((G, 128), lambda i: (0, 0)),
        out_shape=jax.ShapeDtypeStruct((G, 128), jnp.float32),
        scratch_shapes=[pltpu.VMEM((G, 256), jnp.float32)],
    )(p, d, s, batch2d, linw_pad, linb_pad)



_W = 80
_EPT = E // 32
_NCH = _EPT // _W
_RPT = N // 16
_ZR = 125
_INV_SQRT_C = 1.0 / math.sqrt(C)

_sc_mesh = plsc.VectorSubcoreMesh(core_axis_name="c", subcore_axis_name="s")

_sc_cp = pltpu.CompilerParams()
if "needs_layout_passes" in pltpu.CompilerParams.__dataclass_fields__:
    _sc_cp = dataclasses.replace(_sc_cp, needs_layout_passes=False)


@functools.partial(
    pl.kernel,
    out_type=(
        jax.ShapeDtypeStruct((2 * N, 128), jnp.float32),
        jax.ShapeDtypeStruct((32 * N,), jnp.float32),
    ),
    mesh=_sc_mesh,
    compiler_params=_sc_cp,
    scratch_types=[
        pltpu.VMEM((_W,), jnp.int32),
        pltpu.VMEM((_W,), jnp.int32),
        pltpu.VMEM((_W, 128), jnp.float32),
        pltpu.VMEM((_W, 128), jnp.float32),
        pltpu.VMEM((_W, 128), jnp.float32),
        pltpu.VMEM((N,), jnp.float32),
        pltpu.VMEM_SHARED((N, 128), jnp.float32),
        pltpu.SemaphoreType.DMA,
        pltpu.SemaphoreType.DMA,
        pltpu.SemaphoreType.DMA,
    ],
)
def _sc_edge(q_hbm, k_hbm, v_hbm, src_hbm, dst_hbm, p_out, d_out,
             src_v, dst_v, qbuf, kbuf, vbuf, den_tile,
             sp_out, sem0, sem1, sem2):
    c = lax.axis_index("c")
    s = lax.axis_index("s")
    tile = c * 16 + s
    zeros16 = jnp.zeros((16,), jnp.float32)

    @pl.loop(0, N, step=16)
    def _(i):
        den_tile[pl.ds(i, 16)] = zeros16

    @pl.loop(0, 8)
    def _(r):
        @pl.loop(0, 128, step=16)
        def _(jj):
            vbuf[r, pl.ds(jj, 16)] = zeros16

    @pl.loop(0, 78)
    def _(t):
        b = pl.multiple_of(s * 624 + t * 8, 8)
        pltpu.sync_copy(vbuf.at[pl.ds(0, 8)], sp_out.at[pl.ds(b, 8)])

    @pl.when(s == 15)
    def _():
        @pl.loop(0, 2)
        def _(t):
            b = pl.multiple_of(9984 + t * 8, 8)
            pltpu.sync_copy(vbuf.at[pl.ds(0, 8)], sp_out.at[pl.ds(b, 8)])

    plsc.subcore_barrier()

    lanes = lax.iota(jnp.int32, 16)

    @pl.loop(0, _NCH)
    def _(g):
        base = pl.multiple_of(tile * _EPT + g * _W, 16)
        pltpu.sync_copy(src_hbm.at[pl.ds(base, _W)], src_v)
        pltpu.sync_copy(dst_hbm.at[pl.ds(base, _W)], dst_v)
        cq = pltpu.async_copy(q_hbm.at[dst_v], qbuf, sem0)
        ck = pltpu.async_copy(k_hbm.at[src_v], kbuf, sem1)
        cv = pltpu.async_copy(v_hbm.at[src_v], vbuf, sem2)
        cq.wait()
        ck.wait()
        cv.wait()
        @pl.loop(0, _W)
        def _(e):
            p = qbuf[e, pl.ds(0, 16)] * kbuf[e, pl.ds(0, 16)]
            for j in range(1, 8):
                p = p + qbuf[e, pl.ds(j * 16, 16)] * kbuf[e, pl.ds(j * 16, 16)]
            qbuf[e, pl.ds(0, 16)] = p

        @pl.loop(0, _W // 16)
        def _(gi):
            eidx = lanes + gi * 16
            acc = plsc.load_gather(qbuf, [eidx, jnp.zeros((16,), jnp.int32)])
            for l in range(1, 16):
                acc = acc + plsc.load_gather(
                    qbuf, [eidx, jnp.full((16,), l, jnp.int32)])
            ex = jnp.exp(acc * _INV_SQRT_C)
            dst_g = dst_v[pl.ds(gi * 16, 16)]
            plsc.addupdate_scatter(den_tile, [dst_g], ex)
            for l in range(16):
                e = gi * 16 + l
                sc = ex[l]
                for j in range(8):
                    vbuf[e, pl.ds(j * 16, 16)] = vbuf[e, pl.ds(j * 16, 16)] * sc
        pltpu.sync_copy(vbuf, sp_out.at[dst_v], add=True)

    plsc.subcore_barrier()

    @pl.when(s == 0)
    def _():
        pltpu.sync_copy(sp_out, p_out.at[pl.ds(pl.multiple_of(c * N, 16), N)])

    pltpu.sync_copy(den_tile,
                    d_out.at[pl.ds(pl.multiple_of(tile * N, 16), N)])



def kernel(x, edge_index, batch, Wq0, bq0, Wk0, bk0, Wv0, bv0, Ws0, bs0,
           Wq1, bq1, Wk1, bk1, Wv1, bv1, Ws1, bs1, linW, linb):
    src = edge_index[0]
    dst = edge_index[1]
    wc0 = jnp.concatenate([Wq0, Wk0, Wv0, Ws0], axis=1)
    bc0 = jnp.concatenate([bq0, bk0, bv0, bs0])[None, :]
    wc1 = jnp.concatenate([Wq1, Wk1, Wv1, Ws1], axis=1)
    bc1 = jnp.concatenate([bq1, bk1, bv1, bs1])[None, :]
    linw_pad = jnp.pad(linW, ((0, 0), (0, 128 - NC)))
    linb_pad = jnp.pad(linb, (0, 128 - NC))[None, :]
    batch2d = batch.reshape(_NBLK, 1, _BN)

    q0, k0, v0, s0 = _tc_qkvs(x, wc0, bc0)
    p0, d0 = _sc_edge(q0, k0, v0, src, dst)
    p0 = p0.reshape(2, N, 128)
    d0 = d0.reshape(32, _NBLK, _BN).transpose(1, 0, 2)
    q1, k1, v1, s1 = _tc_mid(p0, d0, s0, wc1, bc1)
    p1, d1 = _sc_edge(q1, k1, v1, src, dst)
    p1 = p1.reshape(2, N, 128)
    d1 = d1.reshape(32, _NBLK, _BN).transpose(1, 0, 2)
    out = _tc_final(p1, d1, s1, batch2d, linw_pad, linb_pad)
    return out[:, :NC]

# --- scband reference (transcript-rebuilt; emitter-appended) ---
"""Pipeline reference for scband-customized-gnn-67826123538757 (READ-ONLY COPY).

The authoritative reference and input builder live on the scoring server;
editing this copy changes nothing except your own understanding.
"""

import jax, jax.numpy as jnp
import numpy as np
import math

N, E, D, H, C, G, NC = 10000, 320000, 128, 1, 128, 128, 10


def setup_inputs(seed: int = 0) -> dict:
    key = jax.random.key(seed)
    ks = jax.random.split(key, 24)
    x = jax.random.normal(ks[0], (N, D), dtype=jnp.float32)
    edge_index = jax.random.randint(ks[1], (2, E), 0, N, dtype=jnp.int32)
    batch = jnp.sort(jax.random.randint(ks[2], (N,), 0, G, dtype=jnp.int32))
    s = 0.05
    def w(k, shp):
        return jax.random.normal(k, shp, dtype=jnp.float32) * s
    inp = {"x": x, "edge_index": edge_index, "batch": batch}
    # layer 0 (in=D=128 -> H*C=128) and layer 1 (in=128 -> 128)
    names = ["Wq", "Wk", "Wv", "Ws"]
    ki = 3
    for l in range(2):
        for nm in names:
            inp[f"{nm}{l}"] = w(ks[ki], (D, H * C)); ki += 1
            inp[f"b{nm[1]}{l}"] = jnp.zeros((H * C,), dtype=jnp.float32)
    inp["linW"] = w(ks[ki], (H * C, NC)); ki += 1
    inp["linb"] = jnp.zeros((NC,), dtype=jnp.float32)
    return inp


def _transformer_conv(x, src, dst, Wq, bq, Wk, bk, Wv, bv, Ws, bs):
    q = (x @ Wq + bq).reshape(N, H, C)
    k = (x @ Wk + bk).reshape(N, H, C)
    v = (x @ Wv + bv).reshape(N, H, C)
    alpha = jnp.sum(q[dst] * k[src], axis=-1) / math.sqrt(C)  # [E, H]
    amax = jax.ops.segment_max(alpha, dst, num_segments=N)
    amax = jnp.where(jnp.isfinite(amax), amax, 0.0)
    ex = jnp.exp(alpha - amax[dst])
    denom = jax.ops.segment_sum(ex, dst, num_segments=N)
    a = ex / (denom[dst] + 1e-16)
    out = jax.ops.segment_sum(a[:, :, None] * v[src], dst, num_segments=N)
    return out.reshape(N, H * C) + (x @ Ws + bs)


def reference(x, edge_index, batch, Wq0, bq0, Wk0, bk0, Wv0, bv0, Ws0, bs0,
              Wq1, bq1, Wk1, bk1, Wv1, bv1, Ws1, bs1, linW, linb):
    src, dst = edge_index[0], edge_index[1]
    h = _transformer_conv(x, src, dst, Wq0, bq0, Wk0, bk0, Wv0, bv0, Ws0, bs0)
    h = jax.nn.relu(h)  # norm=Identity then relu between layers
    h = _transformer_conv(h, src, dst, Wq1, bq1, Wk1, bk1, Wv1, bv1, Ws1, bs1)
    # outer norm = Identity, then relu
    h = jax.nn.relu(h)
    # global mean pool over batch assignment
    sums = jax.ops.segment_sum(h, batch, num_segments=G)
    cnt = jax.ops.segment_sum(jnp.ones((N, 1), dtype=h.dtype), batch, num_segments=G)
    pooled = sums / jnp.maximum(cnt, 1.0)
    # dropout p=0.0 -> identity; final linear
    out = pooled @ linW + linb
    return out

if __name__ == "__main__":
    import jax
    _d = setup_inputs()
    print(jax.jit(kernel)(*tuple(_d.values())))

</pallas_src>

<mosaic_0001>
#map = affine_map<(d0, d1) -> (0, 0)>
#map1 = affine_map<(d0, d1) -> (0)>
module attributes {stable_mosaic.version = 14 : i64} {
  func.func @_sc_edge(%arg0: i32, %arg1: i32, %arg2: memref<10000x128xf32, #tpu.memory_space<hbm>>, %arg3: memref<10000x128xf32, #tpu.memory_space<hbm>>, %arg4: memref<10000x128xf32, #tpu.memory_space<hbm>>, %arg5: memref<320000xi32, #tpu.memory_space<hbm>>, %arg6: memref<320000xi32, #tpu.memory_space<hbm>>, %arg7: memref<20000x128xf32, #tpu.memory_space<hbm>>, %arg8: memref<320000xf32, #tpu.memory_space<hbm>>, %arg9: memref<80xi32, #tpu.memory_space<vmem>>, %arg10: memref<80xi32, #tpu.memory_space<vmem>>, %arg11: memref<80x128xf32, #tpu.memory_space<vmem>>, %arg12: memref<80x128xf32, #tpu.memory_space<vmem>>, %arg13: memref<80x128xf32, #tpu.memory_space<vmem>>, %arg14: memref<10000xf32, #tpu.memory_space<vmem>>, %arg15: memref<10000x128xf32, #tpu.memory_space<vmem_shared>>, %arg16: memref<!tpu.dma_semaphore, #tpu.memory_space<semaphore_mem>>, %arg17: memref<!tpu.dma_semaphore, #tpu.memory_space<semaphore_mem>>, %arg18: memref<!tpu.dma_semaphore, #tpu.memory_space<semaphore_mem>>) attributes {dimension_semantics = [#tpu.dimension_semantics<core_parallel>, #tpu.dimension_semantics<subcore_parallel>], iteration_bounds = array<i64: 2, 16>, scalar_prefetch = 0 : i64, scratch_operands = 10 : i64, tpu.core_type = #tpu.core_type<sc_vector_subcore>, window_params = [{transform_indices = #map}, {transform_indices = #map}, {transform_indices = #map}, {transform_indices = #map1}, {transform_indices = #map1}, {transform_indices = #map}, {transform_indices = #map1}]} {
    %mul3A = arith.constant 16 : i32
    %mul3A_0 = arith.muli %arg0, %mul3A : i32
    %add3A = arith.addi %mul3A_0, %arg1 : i32
    %broadcast_in_dim3A = arith.constant 0.000000e+00 : f32
    %broadcast_in_dim3A_1 = vector.broadcast %broadcast_in_dim3A : f32 to vector<16xf32>
    %scan3A = arith.constant 0 : i32
    %scan3A_2 = arith.constant 625 : i32
    %scan3A_3 = arith.addi %scan3A, %scan3A_2 : i32
    %scan3A_4 = arith.constant 1 : i32
    scf.for %scan3A_31 = %scan3A to %scan3A_3 step %scan3A_4  : i32 {
      %mul3A_32 = arith.constant 16 : i32
      %mul3A_33 = arith.muli %scan3A_31, %mul3A_32 : i32
      %add3A_34 = arith.constant 0 : i32
      %add3A_35 = arith.addi %add3A_34, %mul3A_33 : i32
      %swap3A = arith.index_cast %add3A_35 : i32 to index
      %swap3A_36 = tpu.vector_load %arg14[%swap3A] {strides = array<i32>} : memref<10000xf32, #tpu.memory_space<vmem>>, vector<16xf32>,
      tpu.vector_store %arg14[%swap3A], %broadcast_in_dim3A_1 {strides = array<i32>} : memref<10000xf32, #tpu.memory_space<vmem>>, vector<16xf32>,
    }
    %scan3A_5 = arith.constant 625 : i32
    %scan3A_6 = arith.constant 0 : i32
    %scan3A_7 = arith.constant 8 : i32
    %scan3A_8 = arith.addi %scan3A_6, %scan3A_7 : i32
    %scan3A_9 = arith.constant 1 : i32
    scf.for %scan3A_31 = %scan3A_6 to %scan3A_8 step %scan3A_9  : i32 {
      %mul3A_32 = arith.constant 1 : i32
      %mul3A_33 = arith.muli %scan3A_31, %mul3A_32 : i32
      %add3A_34 = arith.constant 0 : i32
      %add3A_35 = arith.addi %add3A_34, %mul3A_33 : i32
      %scan3A_36 = arith.constant 0 : i32
      %scan3A_37 = arith.constant 8 : i32
      %scan3A_38 = arith.addi %scan3A_36, %scan3A_37 : i32
      %scan3A_39 = arith.constant 1 : i32
      scf.for %scan3A_41 = %scan3A_36 to %scan3A_38 step %scan3A_39  : i32 {
        %mul3A_42 = arith.constant 16 : i32
        %mul3A_43 = arith.muli %scan3A_41, %mul3A_42 : i32
        %add3A_44 = arith.constant 0 : i32
        %add3A_45 = arith.addi %add3A_44, %mul3A_43 : i32
        %swap3A = arith.index_cast %add3A_35 : i32 to index
        %swap3A_46 = arith.index_cast %add3A_45 : i32 to index
        %swap3A_47 = tpu.vector_load %arg13[%swap3A, %swap3A_46] {strides = array<i32>} : memref<80x128xf32, #tpu.memory_space<vmem>>, vector<16xf32>,
        tpu.vector_store %arg13[%swap3A, %swap3A_46], %broadcast_in_dim3A_1 {strides = array<i32>} : memref<80x128xf32, #tpu.memory_space<vmem>>, vector<16xf32>,
      }
      %scan3A_40 = arith.constant 8 : i32
    }
    %scan3A_10 = arith.constant 8 : i32
    %scan3A_11 = arith.constant 0 : i32
    %scan3A_12 = arith.constant 78 : i32
    %scan3A_13 = arith.addi %scan3A_11, %scan3A_12 : i32
    %scan3A_14 = arith.constant 1 : i32
    scf.for %scan3A_31 = %scan3A_11 to %scan3A_13 step %scan3A_14  : i32 {
      %mul3A_32 = arith.constant 1 : i32
      %mul3A_33 = arith.muli %scan3A_31, %mul3A_32 : i32
      %add3A_34 = arith.constant 0 : i32
      %add3A_35 = arith.addi %add3A_34, %mul3A_33 : i32
      %mul3A_36 = arith.constant 624 : i32
      %mul3A_37 = arith.muli %arg1, %mul3A_36 : i32
      %mul3A_38 = arith.constant 8 : i32
      %mul3A_39 = arith.muli %add3A_35, %mul3A_38 : i32
      %add3A_40 = arith.addi %mul3A_37, %mul3A_39 : i32
      %multiple_of3A_41 = tpu.assume_multiple %add3A_40, 8 : i32
      "tpu.region"() ({
        %run_scoped3A = tpu.sem_alloc : memref<!tpu.dma_semaphore, #tpu.memory_space<semaphore_mem>>
        %dma_start3A = arith.constant 0 : i32
        %dma_start3A_42 = arith.constant 0 : i32
        %dma_start3A_43 = tpu.memref_slice %arg13[%dma_start3A, %dma_start3A_42] : memref<80x128xf32, #tpu.memory_space<vmem>> -> memref<8x128xf32, #tpu.memory_space<vmem>>
        %dma_start3A_44 = arith.constant 0 : i32
        %dma_start3A_45 = tpu.memref_slice %arg15[%multiple_of3A_41, %dma_start3A_44] : memref<10000x128xf32, #tpu.memory_space<vmem_shared>> -> memref<8x128xf32, #tpu.memory_space<vmem_shared>>
        %dma_start3A_46 = arith.constant 0 : i32
        %dma_start3A_47 = tpu.memref_slice %arg15[%multiple_of3A_41, %dma_start3A_46] : memref<10000x128xf32, #tpu.memory_space<vmem_shared>> -> memref<8x128xf32, #tpu.memory_space<vmem_shared>>
        %dma_start3A_48 = arith.constant 0 : i32
        %dma_start3A_49 = arith.constant 0 : i32
        %dma_start3A_50 = tpu.memref_slice %arg13[%dma_start3A_48, %dma_start3A_49] : memref<80x128xf32, #tpu.memory_space<vmem>> -> memref<8x128xf32, #tpu.memory_space<vmem>>
        tpu.enqueue_dma source(%dma_start3A_50 : memref<8x128xf32, #tpu.memory_space<vmem>>) target(%dma_start3A_47 : memref<8x128xf32, #tpu.memory_space<vmem_shared>>) target_semaphore(%run_scoped3A : memref<!tpu.dma_semaphore, #tpu.memory_space<semaphore_mem>>)
        %dma_wait3A = arith.constant 0 : i32
        %dma_wait3A_51 = arith.constant 0 : i32
        %dma_wait3A_52 = tpu.memref_slice %arg13[%dma_wait3A, %dma_wait3A_51] : memref<80x128xf32, #tpu.memory_space<vmem>> -> memref<8x128xf32, #tpu.memory_space<vmem>>
        %dma_wait3A_53 = arith.constant 0 : i32
        %dma_wait3A_54 = tpu.memref_slice %arg15[%multiple_of3A_41, %dma_wait3A_53] : memref<10000x128xf32, #tpu.memory_space<vmem_shared>> -> memref<8x128xf32, #tpu.memory_space<vmem_shared>>
        %dma_wait3A_55 = arith.constant 0 : i32
        %dma_wait3A_56 = tpu.memref_slice %arg15[%multiple_of3A_41, %dma_wait3A_55] : memref<10000x128xf32, #tpu.memory_space<vmem_shared>> -> memref<8x128xf32, #tpu.memory_space<vmem_shared>>
        %dma_wait3A_57 = arith.constant 0 : i32
        %dma_wait3A_58 = arith.constant 0 : i32
        %dma_wait3A_59 = tpu.memref_slice %arg13[%dma_wait3A_57, %dma_wait3A_58] : memref<80x128xf32, #tpu.memory_space<vmem>> -> memref<8x128xf32, #tpu.memory_space<vmem>>
        tpu.wait_dma2 semaphore(%run_scoped3A : memref<!tpu.dma_semaphore, #tpu.memory_space<semaphore_mem>>) src(%dma_wait3A_59 : memref<8x128xf32, #tpu.memory_space<vmem>>) dst(%dma_wait3A_56 : memref<8x128xf32, #tpu.memory_space<vmem_shared>>)
        tpu.yield
      }) : () -> ()
    }
    %scan3A_15 = arith.constant 78 : i32
    %eq3A = arith.constant 15 : i32
    %eq3A_16 = arith.cmpi eq, %arg1, %eq3A : i32
    %convert_element_type3A = arith.extui %eq3A_16 : i1 to i32
    %cond3A = arith.constant 0 : i32
    %cond3A_17 = arith.cmpi ne, %convert_element_type3A, %cond3A : i32
    scf.if %cond3A_17 {
      %scan3A_31 = arith.constant 0 : i32
      %scan3A_32 = arith.constant 2 : i32
      %scan3A_33 = arith.addi %scan3A_31, %scan3A_32 : i32
      %scan3A_34 = arith.constant 1 : i32
      scf.for %scan3A_36 = %scan3A_31 to %scan3A_33 step %scan3A_34  : i32 {
        %mul3A_37 = arith.constant 1 : i32
        %mul3A_38 = arith.muli %scan3A_36, %mul3A_37 : i32
        %add3A_39 = arith.constant 0 : i32
        %add3A_40 = arith.addi %add3A_39, %mul3A_38 : i32
        %mul3A_41 = arith.constant 8 : i32
        %mul3A_42 = arith.muli %add3A_40, %mul3A_41 : i32
        %add3A_43 = arith.constant 9984 : i32
        %add3A_44 = arith.addi %add3A_43, %mul3A_42 : i32
        %multiple_of3A_45 = tpu.assume_multiple %add3A_44, 8 : i32
        "tpu.region"() ({
          %run_scoped3A = tpu.sem_alloc : memref<!tpu.dma_semaphore, #tpu.memory_space<semaphore_mem>>
          %dma_start3A = arith.constant 0 : i32
          %dma_start3A_46 = arith.constant 0 : i32
          %dma_start3A_47 = tpu.memref_slice %arg13[%dma_start3A, %dma_start3A_46] : memref<80x128xf32, #tpu.memory_space<vmem>> -> memref<8x128xf32, #tpu.memory_space<vmem>>
          %dma_start3A_48 = arith.constant 0 : i32
          %dma_start3A_49 = tpu.memref_slice %arg15[%multiple_of3A_45, %dma_start3A_48] : memref<10000x128xf32, #tpu.memory_space<vmem_shared>> -> memref<8x128xf32, #tpu.memory_space<vmem_shared>>
          %dma_start3A_50 = arith.constant 0 : i32
          %dma_start3A_51 = tpu.memref_slice %arg15[%multiple_of3A_45, %dma_start3A_50] : memref<10000x128xf32, #tpu.memory_space<vmem_shared>> -> memref<8x128xf32, #tpu.memory_space<vmem_shared>>
          %dma_start3A_52 = arith.constant 0 : i32
          %dma_start3A_53 = arith.constant 0 : i32
          %dma_start3A_54 = tpu.memref_slice %arg13[%dma_start3A_52, %dma_start3A_53] : memref<80x128xf32, #tpu.memory_space<vmem>> -> memref<8x128xf32, #tpu.memory_space<vmem>>
          tpu.enqueue_dma source(%dma_start3A_54 : memref<8x128xf32, #tpu.memory_space<vmem>>) target(%dma_start3A_51 : memref<8x128xf32, #tpu.memory_space<vmem_shared>>) target_semaphore(%run_scoped3A : memref<!tpu.dma_semaphore, #tpu.memory_space<semaphore_mem>>)
          %dma_wait3A = arith.constant 0 : i32
          %dma_wait3A_55 = arith.constant 0 : i32
          %dma_wait3A_56 = tpu.memref_slice %arg13[%dma_wait3A, %dma_wait3A_55] : memref<80x128xf32, #tpu.memory_space<vmem>> -> memref<8x128xf32, #tpu.memory_space<vmem>>
          %dma_wait3A_57 = arith.constant 0 : i32
          %dma_wait3A_58 = tpu.memref_slice %arg15[%multiple_of3A_45, %dma_wait3A_57] : memref<10000x128xf32, #tpu.memory_space<vmem_shared>> -> memref<8x128xf32, #tpu.memory_space<vmem_shared>>
          %dma_wait3A_59 = arith.constant 0 : i32
          %dma_wait3A_60 = tpu.memref_slice %arg15[%multiple_of3A_45, %dma_wait3A_59] : memref<10000x128xf32, #tpu.memory_space<vmem_shared>> -> memref<8x128xf32, #tpu.memory_space<vmem_shared>>
          %dma_wait3A_61 = arith.constant 0 : i32
          %dma_wait3A_62 = arith.constant 0 : i32
          %dma_wait3A_63 = tpu.memref_slice %arg13[%dma_wait3A_61, %dma_wait3A_62] : memref<80x128xf32, #tpu.memory_space<vmem>> -> memref<8x128xf32, #tpu.memory_space<vmem>>
          tpu.wait_dma2 semaphore(%run_scoped3A : memref<!tpu.dma_semaphore, #tpu.memory_space<semaphore_mem>>) src(%dma_wait3A_63 : memref<8x128xf32, #tpu.memory_space<vmem>>) dst(%dma_wait3A_60 : memref<8x128xf32, #tpu.memory_space<vmem_shared>>)
          tpu.yield
        }) : () -> ()
      }
      %scan3A_35 = arith.constant 2 : i32
    } else {
    }
    %barrier3A = arith.constant 0 : index
    tpu.barrier barrier_id(%barrier3A)
    %iota3A = tpu.iota {dimensions = array<i32: 0>} : vector<16xi32>
    %scan3A_18 = arith.constant 0 : i32
    %scan3A_19 = arith.constant 125 : i32
    %scan3A_20 = arith.addi %scan3A_18, %scan3A_19 : i32
    %scan3A_21 = arith.constant 1 : i32
    scf.for %scan3A_31 = %scan3A_18 to %scan3A_20 step %scan3A_21  : i32 {
      %mul3A_32 = arith.constant 1 : i32
      %mul3A_33 = arith.muli %scan3A_31, %mul3A_32 : i32
      %add3A_34 = arith.constant 0 : i32
      %add3A_35 = arith.addi %add3A_34, %mul3A_33 : i32
      %mul3A_36 = arith.constant 10000 : i32
      %mul3A_37 = arith.muli %add3A, %mul3A_36 : i32
      %mul3A_38 = arith.constant 80 : i32
      %mul3A_39 = arith.muli %add3A_35, %mul3A_38 : i32
      %add3A_40 = arith.addi %mul3A_37, %mul3A_39 : i32
      %multiple_of3A_41 = tpu.assume_multiple %add3A_40, 16 : i32
      "tpu.region"() ({
        %run_scoped3A = tpu.sem_alloc : memref<!tpu.dma_semaphore, #tpu.memory_space<semaphore_mem>>
        %dma_start3A_68 = tpu.memref_slice %arg5[%multiple_of3A_41] : memref<320000xi32, #tpu.memory_space<hbm>> -> memref<80xi32, #tpu.memory_space<hbm>>
        %dma_start3A_69 = tpu.memref_slice %arg5[%multiple_of3A_41] : memref<320000xi32, #tpu.memory_space<hbm>> -> memref<80xi32, #tpu.memory_space<hbm>>
        tpu.enqueue_dma source(%dma_start3A_69 : memref<80xi32, #tpu.memory_space<hbm>>) target(%arg9 : memref<80xi32, #tpu.memory_space<vmem>>) target_semaphore(%run_scoped3A : memref<!tpu.dma_semaphore, #tpu.memory_space<semaphore_mem>>)
        %dma_wait3A_70 = tpu.memref_slice %arg5[%multiple_of3A_41] : memref<320000xi32, #tpu.memory_space<hbm>> -> memref<80xi32, #tpu.memory_space<hbm>>
        %dma_wait3A_71 = tpu.memref_slice %arg5[%multiple_of3A_41] : memref<320000xi32, #tpu.memory_space<hbm>> -> memref<80xi32, #tpu.memory_space<hbm>>
        tpu.wait_dma2 semaphore(%run_scoped3A : memref<!tpu.dma_semaphore, #tpu.memory_space<semaphore_mem>>) src(%dma_wait3A_71 : memref<80xi32, #tpu.memory_space<hbm>>) dst(%arg9 : memref<80xi32, #tpu.memory_space<vmem>>)
        tpu.yield
      }) : () -> ()
      "tpu.region"() ({
        %run_scoped3A = tpu.sem_alloc : memref<!tpu.dma_semaphore, #tpu.memory_space<semaphore_mem>>
        %dma_start3A_68 = tpu.memref_slice %arg6[%multiple_of3A_41] : memref<320000xi32, #tpu.memory_space<hbm>> -> memref<80xi32, #tpu.memory_space<hbm>>
        %dma_start3A_69 = tpu.memref_slice %arg6[%multiple_of3A_41] : memref<320000xi32, #tpu.memory_space<hbm>> -> memref<80xi32, #tpu.memory_space<hbm>>
        tpu.enqueue_dma source(%dma_start3A_69 : memref<80xi32, #tpu.memory_space<hbm>>) target(%arg10 : memref<80xi32, #tpu.memory_space<vmem>>) target_semaphore(%run_scoped3A : memref<!tpu.dma_semaphore, #tpu.memory_space<semaphore_mem>>)
        %dma_wait3A_70 = tpu.memref_slice %arg6[%multiple_of3A_41] : memref<320000xi32, #tpu.memory_space<hbm>> -> memref<80xi32, #tpu.memory_space<hbm>>
        %dma_wait3A_71 = tpu.memref_slice %arg6[%multiple_of3A_41] : memref<320000xi32, #tpu.memory_space<hbm>> -> memref<80xi32, #tpu.memory_space<hbm>>
        tpu.wait_dma2 semaphore(%run_scoped3A : memref<!tpu.dma_semaphore, #tpu.memory_space<semaphore_mem>>) src(%dma_wait3A_71 : memref<80xi32, #tpu.memory_space<hbm>>) dst(%arg10 : memref<80xi32, #tpu.memory_space<vmem>>)
        tpu.yield
      }) : () -> ()
      %dma_start3A = arith.constant 0 : i32
      %dma_start3A_42 = arith.constant 0 : i32
      %dma_start3A_43 = tpu.memref_slice %arg2[%dma_start3A, %dma_start3A_42] : memref<10000x128xf32, #tpu.memory_space<hbm>> -> memref<10000x128xf32, #tpu.memory_space<hbm>>
      tpu.enqueue_indirect_dma source(%dma_start3A_43 : memref<10000x128xf32, #tpu.memory_space<hbm>>) target(%arg11 : memref<80x128xf32, #tpu.memory_space<vmem>>) offsets(%arg10 : memref<80xi32, #tpu.memory_space<vmem>>) semaphore(%arg16 : memref<!tpu.dma_semaphore, #tpu.memory_space<semaphore_mem>>)
      %dma_start3A_44 = arith.constant 0 : i32
      %dma_start3A_45 = arith.constant 0 : i32
      %dma_start3A_46 = tpu.memref_slice %arg3[%dma_start3A_44, %dma_start3A_45] : memref<10000x128xf32, #tpu.memory_space<hbm>> -> memref<10000x128xf32, #tpu.memory_space<hbm>>
      tpu.enqueue_indirect_dma source(%dma_start3A_46 : memref<10000x128xf32, #tpu.memory_space<hbm>>) target(%arg12 : memref<80x128xf32, #tpu.memory_space<vmem>>) offsets(%arg9 : memref<80xi32, #tpu.memory_space<vmem>>) semaphore(%arg17 : memref<!tpu.dma_semaphore, #tpu.memory_space<semaphore_mem>>)
      %dma_start3A_47 = arith.constant 0 : i32
      %dma_start3A_48 = arith.constant 0 : i32
      %dma_start3A_49 = tpu.memref_slice %arg4[%dma_start3A_47, %dma_start3A_48] : memref<10000x128xf32, #tpu.memory_space<hbm>> -> memref<10000x128xf32, #tpu.memory_space<hbm>>
      tpu.enqueue_indirect_dma source(%dma_start3A_49 : memref<10000x128xf32, #tpu.memory_space<hbm>>) target(%arg13 : memref<80x128xf32, #tpu.memory_space<vmem>>) offsets(%arg9 : memref<80xi32, #tpu.memory_space<vmem>>) semaphore(%arg18 : memref<!tpu.dma_semaphore, #tpu.memory_space<semaphore_mem>>)
      %dma_wait3A = arith.constant 0 : i32
      %dma_wait3A_50 = arith.constant 0 : i32
      %dma_wait3A_51 = tpu.memref_slice %arg2[%dma_wait3A, %dma_wait3A_50] : memref<10000x128xf32, #tpu.memory_space<hbm>> -> memref<10000x128xf32, #tpu.memory_space<hbm>>
      tpu.wait_indirect_dma semaphore(%arg16 : memref<!tpu.dma_semaphore, #tpu.memory_space<semaphore_mem>>) src(%dma_wait3A_51 : memref<10000x128xf32, #tpu.memory_space<hbm>>) dst(%arg11 : memref<80x128xf32, #tpu.memory_space<vmem>>)
      %dma_wait3A_52 = arith.constant 0 : i32
      %dma_wait3A_53 = arith.constant 0 : i32
      %dma_wait3A_54 = tpu.memref_slice %arg3[%dma_wait3A_52, %dma_wait3A_53] : memref<10000x128xf32, #tpu.memory_space<hbm>> -> memref<10000x128xf32, #tpu.memory_space<hbm>>
      tpu.wait_indirect_dma semaphore(%arg17 : memref<!tpu.dma_semaphore, #tpu.memory_space<semaphore_mem>>) src(%dma_wait3A_54 : memref<10000x128xf32, #tpu.memory_space<hbm>>) dst(%arg12 : memref<80x128xf32, #tpu.memory_space<vmem>>)
      %dma_wait3A_55 = arith.constant 0 : i32
      %dma_wait3A_56 = arith.constant 0 : i32
      %dma_wait3A_57 = tpu.memref_slice %arg4[%dma_wait3A_55, %dma_wait3A_56] : memref<10000x128xf32, #tpu.memory_space<hbm>> -> memref<10000x128xf32, #tpu.memory_space<hbm>>
      tpu.wait_indirect_dma semaphore(%arg18 : memref<!tpu.dma_semaphore, #tpu.memory_space<semaphore_mem>>) src(%dma_wait3A_57 : memref<10000x128xf32, #tpu.memory_space<hbm>>) dst(%arg13 : memref<80x128xf32, #tpu.memory_space<vmem>>)
      %scan3A_58 = arith.constant 0 : i32
      %scan3A_59 = arith.constant 80 : i32
      %scan3A_60 = arith.addi %scan3A_58, %scan3A_59 : i32
      %scan3A_61 = arith.constant 1 : i32
      scf.for %scan3A_68 = %scan3A_58 to %scan3A_60 step %scan3A_61  : i32 {
        %mul3A_69 = arith.constant 1 : i32
        %mul3A_70 = arith.muli %scan3A_68, %mul3A_69 : i32
        %add3A_71 = arith.constant 0 : i32
        %add3A_72 = arith.addi %add3A_71, %mul3A_70 : i32
        %get3A = arith.index_cast %add3A_72 : i32 to index
        %get3A_73 = arith.constant 0 : index
        %get3A_74 = tpu.vector_load %arg11[%get3A, %get3A_73] {strides = array<i32>} : memref<80x128xf32, #tpu.memory_space<vmem>>, vector<16xf32>,
        %get3A_75 = arith.index_cast %add3A_72 : i32 to index
        %get3A_76 = arith.constant 0 : index
        %get3A_77 = tpu.vector_load %arg12[%get3A_75, %get3A_76] {strides = array<i32>} : memref<80x128xf32, #tpu.memory_space<vmem>>, vector<16xf32>,
        %mul3A_78 = arith.mulf %get3A_74, %get3A_77 : vector<16xf32>
        %get3A_79 = arith.index_cast %add3A_72 : i32 to index
        %get3A_80 = arith.constant 16 : index
        %get3A_81 = tpu.vector_load %arg11[%get3A_79, %get3A_80] {strides = array<i32>} : memref<80x128xf32, #tpu.memory_space<vmem>>, vector<16xf32>,
        %get3A_82 = arith.index_cast %add3A_72 : i32 to index
        %get3A_83 = arith.constant 16 : index
        %get3A_84 = tpu.vector_load %arg12[%get3A_82, %get3A_83] {strides = array<i32>} : memref<80x128xf32, #tpu.memory_space<vmem>>, vector<16xf32>,
        %mul3A_85 = arith.mulf %get3A_81, %get3A_84 : vector<16xf32>
        %add3A_86 = arith.addf %mul3A_78, %mul3A_85 : vector<16xf32>
        %get3A_87 = arith.index_cast %add3A_72 : i32 to index
        %get3A_88 = arith.constant 32 : index
        %get3A_89 = tpu.vector_load %arg11[%get3A_87, %get3A_88] {strides = array<i32>} : memref<80x128xf32, #tpu.memory_space<vmem>>, vector<16xf32>,
        %get3A_90 = arith.index_cast %add3A_72 : i32 to index
        %get3A_91 = arith.constant 32 : index
        %get3A_92 = tpu.vector_load %arg12[%get3A_90, %get3A_91] {strides = array<i32>} : memref<80x128xf32, #tpu.memory_space<vmem>>, vector<16xf32>,
        %mul3A_93 = arith.mulf %get3A_89, %get3A_92 : vector<16xf32>
        %add3A_94 = arith.addf %add3A_86, %mul3A_93 : vector<16xf32>
        %get3A_95 = arith.index_cast %add3A_72 : i32 to index
        %get3A_96 = arith.constant 48 : index
        %get3A_97 = tpu.vector_load %arg11[%get3A_95, %get3A_96] {strides = array<i32>} : memref<80x128xf32, #tpu.memory_space<vmem>>, vector<16xf32>,
        %get3A_98 = arith.index_cast %add3A_72 : i32 to index
        %get3A_99 = arith.constant 48 : index
        %get3A_100 = tpu.vector_load %arg12[%get3A_98, %get3A_99] {strides = array<i32>} : memref<80x128xf32, #tpu.memory_space<vmem>>, vector<16xf32>,
        %mul3A_101 = arith.mulf %get3A_97, %get3A_100 : vector<16xf32>
        %add3A_102 = arith.addf %add3A_94, %mul3A_101 : vector<16xf32>
        %get3A_103 = arith.index_cast %add3A_72 : i32 to index
        %get3A_104 = arith.constant 64 : index
        %get3A_105 = tpu.vector_load %arg11[%get3A_103, %get3A_104] {strides = array<i32>} : memref<80x128xf32, #tpu.memory_space<vmem>>, vector<16xf32>,
        %get3A_106 = arith.index_cast %add3A_72 : i32 to index
        %get3A_107 = arith.constant 64 : index
        %get3A_108 = tpu.vector_load %arg12[%get3A_106, %get3A_107] {strides = array<i32>} : memref<80x128xf32, #tpu.memory_space<vmem>>, vector<16xf32>,
        %mul3A_109 = arith.mulf %get3A_105, %get3A_108 : vector<16xf32>
        %add3A_110 = arith.addf %add3A_102, %mul3A_109 : vector<16xf32>
        %get3A_111 = arith.index_cast %add3A_72 : i32 to index
        %get3A_112 = arith.constant 80 : index
        %get3A_113 = tpu.vector_load %arg11[%get3A_111, %get3A_112] {strides = array<i32>} : memref<80x128xf32, #tpu.memory_space<vmem>>, vector<16xf32>,
        %get3A_114 = arith.index_cast %add3A_72 : i32 to index
        %get3A_115 = arith.constant 80 : index
        %get3A_116 = tpu.vector_load %arg12[%get3A_114, %get3A_115] {strides = array<i32>} : memref<80x128xf32, #tpu.memory_space<vmem>>, vector<16xf32>,
        %mul3A_117 = arith.mulf %get3A_113, %get3A_116 : vector<16xf32>
        %add3A_118 = arith.addf %add3A_110, %mul3A_117 : vector<16xf32>
        %get3A_119 = arith.index_cast %add3A_72 : i32 to index
        %get3A_120 = arith.constant 96 : index
        %get3A_121 = tpu.vector_load %arg11[%get3A_119, %get3A_120] {strides = array<i32>} : memref<80x128xf32, #tpu.memory_space<vmem>>, vector<16xf32>,
        %get3A_122 = arith.index_cast %add3A_72 : i32 to index
        %get3A_123 = arith.constant 96 : index
        %get3A_124 = tpu.vector_load %arg12[%get3A_122, %get3A_123] {strides = array<i32>} : memref<80x128xf32, #tpu.memory_space<vmem>>, vector<16xf32>,
        %mul3A_125 = arith.mulf %get3A_121, %get3A_124 : vector<16xf32>
        %add3A_126 = arith.addf %add3A_118, %mul3A_125 : vector<16xf32>
        %get3A_127 = arith.index_cast %add3A_72 : i32 to index
        %get3A_128 = arith.constant 112 : index
        %get3A_129 = tpu.vector_load %arg11[%get3A_127, %get3A_128] {strides = array<i32>} : memref<80x128xf32, #tpu.memory_space<vmem>>, vector<16xf32>,
        %get3A_130 = arith.index_cast %add3A_72 : i32 to index
        %get3A_131 = arith.constant 112 : index
        %get3A_132 = tpu.vector_load %arg12[%get3A_130, %get3A_131] {strides = array<i32>} : memref<80x128xf32, #tpu.memory_space<vmem>>, vector<16xf32>,
        %mul3A_133 = arith.mulf %get3A_129, %get3A_132 : vector<16xf32>
        %add3A_134 = arith.addf %add3A_126, %mul3A_133 : vector<16xf32>
        %swap3A = arith.index_cast %add3A_72 : i32 to index
        %swap3A_135 = arith.constant 0 : index
        %swap3A_136 = tpu.vector_load %arg11[%swap3A, %swap3A_135] {strides = array<i32>} : memref<80x128xf32, #tpu.memory_space<vmem>>, vector<16xf32>,
        tpu.vector_store %arg11[%swap3A, %swap3A_135], %add3A_134 {strides = array<i32>} : memref<80x128xf32, #tpu.memory_space<vmem>>, vector<16xf32>,
      }
      %scan3A_62 = arith.constant 80 : i32
      %scan3A_63 = arith.constant 0 : i32
      %scan3A_64 = arith.constant 5 : i32
      %scan3A_65 = arith.addi %scan3A_63, %scan3A_64 : i32
      %scan3A_66 = arith.constant 1 : i32
      scf.for %scan3A_68 = %scan3A_63 to %scan3A_65 step %scan3A_66  : i32 {
        %mul3A_69 = arith.constant 1 : i32
        %mul3A_70 = arith.muli %scan3A_68, %mul3A_69 : i32
        %add3A_71 = arith.constant 0 : i32
        %add3A_72 = arith.addi %add3A_71, %mul3A_70 : i32
        %mul3A_73 = arith.constant 16 : i32
        %mul3A_74 = arith.muli %add3A_72, %mul3A_73 : i32
        %add3A_75 = vector.broadcast %mul3A_74 : i32 to vector<16xi32>
        %add3A_76 = arith.addi %iota3A, %add3A_75 : vector<16xi32>
        %broadcast_in_dim3A_77 = arith.constant 0 : i32
        %broadcast_in_dim3A_78 = vector.broadcast %broadcast_in_dim3A_77 : i32 to vector<16xi32>
        %gather3A = tpu.vector_load_idx %arg11[%add3A_76, %broadcast_in_dim3A_78] : memref<80x128xf32, #tpu.memory_space<vmem>>[vector<16xi32>, vector<16xi32>], vector<16xf32>,
        %broadcast_in_dim3A_79 = arith.constant 1 : i32
        %broadcast_in_dim3A_80 = vector.broadcast %broadcast_in_dim3A_79 : i32 to vector<16xi32>
        %gather3A_81 = tpu.vector_load_idx %arg11[%add3A_76, %broadcast_in_dim3A_80] : memref<80x128xf32, #tpu.memory_space<vmem>>[vector<16xi32>, vector<16xi32>], vector<16xf32>,
        %add3A_82 = arith.addf %gather3A, %gather3A_81 : vector<16xf32>
        %broadcast_in_dim3A_83 = arith.constant 2 : i32
        %broadcast_in_dim3A_84 = vector.broadcast %broadcast_in_dim3A_83 : i32 to vector<16xi32>
        %gather3A_85 = tpu.vector_load_idx %arg11[%add3A_76, %broadcast_in_dim3A_84] : memref<80x128xf32, #tpu.memory_space<vmem>>[vector<16xi32>, vector<16xi32>], vector<16xf32>,
        %add3A_86 = arith.addf %add3A_82, %gather3A_85 : vector<16xf32>
        %broadcast_in_dim3A_87 = arith.constant 3 : i32
        %broadcast_in_dim3A_88 = vector.broadcast %broadcast_in_dim3A_87 : i32 to vector<16xi32>
        %gather3A_89 = tpu.vector_load_idx %arg11[%add3A_76, %broadcast_in_dim3A_88] : memref<80x128xf32, #tpu.memory_space<vmem>>[vector<16xi32>, vector<16xi32>], vector<16xf32>,
        %add3A_90 = arith.addf %add3A_86, %gather3A_89 : vector<16xf32>
        %broadcast_in_dim3A_91 = arith.constant 4 : i32
        %broadcast_in_dim3A_92 = vector.broadcast %broadcast_in_dim3A_91 : i32 to vector<16xi32>
        %gather3A_93 = tpu.vector_load_idx %arg11[%add3A_76, %broadcast_in_dim3A_92] : memref<80x128xf32, #tpu.memory_space<vmem>>[vector<16xi32>, vector<16xi32>], vector<16xf32>,
        %add3A_94 = arith.addf %add3A_90, %gather3A_93 : vector<16xf32>
        %broadcast_in_dim3A_95 = arith.constant 5 : i32
        %broadcast_in_dim3A_96 = vector.broadcast %broadcast_in_dim3A_95 : i32 to vector<16xi32>
        %gather3A_97 = tpu.vector_load_idx %arg11[%add3A_76, %broadcast_in_dim3A_96] : memref<80x128xf32, #tpu.memory_space<vmem>>[vector<16xi32>, vector<16xi32>], vector<16xf32>,
        %add3A_98 = arith.addf %add3A_94, %gather3A_97 : vector<16xf32>
        %broadcast_in_dim3A_99 = arith.constant 6 : i32
        %broadcast_in_dim3A_100 = vector.broadcast %broadcast_in_dim3A_99 : i32 to vector<16xi32>
        %gather3A_101 = tpu.vector_load_idx %arg11[%add3A_76, %broadcast_in_dim3A_100] : memref<80x128xf32, #tpu.memory_space<vmem>>[vector<16xi32>, vector<16xi32>], vector<16xf32>,
        %add3A_102 = arith.addf %add3A_98, %gather3A_101 : vector<16xf32>
        %broadcast_in_dim3A_103 = arith.constant 7 : i32
        %broadcast_in_dim3A_104 = vector.broadcast %broadcast_in_dim3A_103 : i32 to vector<16xi32>
        %gather3A_105 = tpu.vector_load_idx %arg11[%add3A_76, %broadcast_in_dim3A_104] : memref<80x128xf32, #tpu.memory_space<vmem>>[vector<16xi32>, vector<16xi32>], vector<16xf32>,
        %add3A_106 = arith.addf %add3A_102, %gather3A_105 : vector<16xf32>
        %broadcast_in_dim3A_107 = arith.constant 8 : i32
        %broadcast_in_dim3A_108 = vector.broadcast %broadcast_in_dim3A_107 : i32 to vector<16xi32>
        %gather3A_109 = tpu.vector_load_idx %arg11[%add3A_76, %broadcast_in_dim3A_108] : memref<80x128xf32, #tpu.memory_space<vmem>>[vector<16xi32>, vector<16xi32>], vector<16xf32>,
        %add3A_110 = arith.addf %add3A_106, %gather3A_109 : vector<16xf32>
        %broadcast_in_dim3A_111 = arith.constant 9 : i32
        %broadcast_in_dim3A_112 = vector.broadcast %broadcast_in_dim3A_111 : i32 to vector<16xi32>
        %gather3A_113 = tpu.vector_load_idx %arg11[%add3A_76, %broadcast_in_dim3A_112] : memref<80x128xf32, #tpu.memory_space<vmem>>[vector<16xi32>, vector<16xi32>], vector<16xf32>,
        %add3A_114 = arith.addf %add3A_110, %gather3A_113 : vector<16xf32>
        %broadcast_in_dim3A_115 = arith.constant 10 : i32
        %broadcast_in_dim3A_116 = vector.broadcast %broadcast_in_dim3A_115 : i32 to vector<16xi32>
        %gather3A_117 = tpu.vector_load_idx %arg11[%add3A_76, %broadcast_in_dim3A_116] : memref<80x128xf32, #tpu.memory_space<vmem>>[vector<16xi32>, vector<16xi32>], vector<16xf32>,
        %add3A_118 = arith.addf %add3A_114, %gather3A_117 : vector<16xf32>
        %broadcast_in_dim3A_119 = arith.constant 11 : i32
        %broadcast_in_dim3A_120 = vector.broadcast %broadcast_in_dim3A_119 : i32 to vector<16xi32>
        %gather3A_121 = tpu.vector_load_idx %arg11[%add3A_76, %broadcast_in_dim3A_120] : memref<80x128xf32, #tpu.memory_space<vmem>>[vector<16xi32>, vector<16xi32>], vector<16xf32>,
        %add3A_122 = arith.addf %add3A_118, %gather3A_121 : vector<16xf32>
        %broadcast_in_dim3A_123 = arith.constant 12 : i32
        %broadcast_in_dim3A_124 = vector.broadcast %broadcast_in_dim3A_123 : i32 to vector<16xi32>
        %gather3A_125 = tpu.vector_load_idx %arg11[%add3A_76, %broadcast_in_dim3A_124] : memref<80x128xf32, #tpu.memory_space<vmem>>[vector<16xi32>, vector<16xi32>], vector<16xf32>,
        %add3A_126 = arith.addf %add3A_122, %gather3A_125 : vector<16xf32>
        %broadcast_in_dim3A_127 = arith.constant 13 : i32
        %broadcast_in_dim3A_128 = vector.broadcast %broadcast_in_dim3A_127 : i32 to vector<16xi32>
        %gather3A_129 = tpu.vector_load_idx %arg11[%add3A_76, %broadcast_in_dim3A_128] : memref<80x128xf32, #tpu.memory_space<vmem>>[vector<16xi32>, vector<16xi32>], vector<16xf32>,
        %add3A_130 = arith.addf %add3A_126, %gather3A_129 : vector<16xf32>
        %broadcast_in_dim3A_131 = arith.constant 14 : i32
        %broadcast_in_dim3A_132 = vector.broadcast %broadcast_in_dim3A_131 : i32 to vector<16xi32>
        %gather3A_133 = tpu.vector_load_idx %arg11[%add3A_76, %broadcast_in_dim3A_132] : memref<80x128xf32, #tpu.memory_space<vmem>>[vector<16xi32>, vector<16xi32>], vector<16xf32>,
        %add3A_134 = arith.addf %add3A_130, %gather3A_133 : vector<16xf32>
        %broadcast_in_dim3A_135 = arith.constant 15 : i32
        %broadcast_in_dim3A_136 = vector.broadcast %broadcast_in_dim3A_135 : i32 to vector<16xi32>
        %gather3A_137 = tpu.vector_load_idx %arg11[%add3A_76, %broadcast_in_dim3A_136] : memref<80x128xf32, #tpu.memory_space<vmem>>[vector<16xi32>, vector<16xi32>], vector<16xf32>,
        %add3A_138 = arith.addf %add3A_134, %gather3A_137 : vector<16xf32>
        %mul3A_139 = arith.constant 0.0883883461 : f32
        %mul3A_140 = vector.broadcast %mul3A_139 : f32 to vector<16xf32>
        %mul3A_141 = arith.mulf %add3A_138, %mul3A_140 : vector<16xf32>
        %exp3A = math.exp %mul3A_141 : vector<16xf32>
        %mul3A_142 = arith.constant 16 : i32
        %mul3A_143 = arith.muli %add3A_72, %mul3A_142 : i32
        %get3A = arith.index_cast %mul3A_143 : i32 to index
        %get3A_144 = tpu.vector_load %arg10[%get3A] {strides = array<i32>} : memref<80xi32, #tpu.memory_space<vmem>>, vector<16xi32>,
        tpu.vector_store_idx %arg14[%get3A_144], %exp3A {add = true} : memref<10000xf32, #tpu.memory_space<vmem>>[vector<16xi32>], vector<16xf32>,
        %mul3A_145 = arith.constant 16 : i32
        %mul3A_146 = arith.muli %add3A_72, %mul3A_145 : i32
        %add3A_147 = arith.constant 0 : i32
        %add3A_148 = arith.addi %mul3A_146, %add3A_147 : i32
        %slice3A = vector.extract_strided_slice %exp3A {offsets = [0], sizes = [1], strides = [1]} : vector<16xf32> to vector<1xf32>
        %squeeze3A = vector.extract %slice3A[0] : f32 from vector<1xf32>
        %get3A_149 = arith.index_cast %add3A_148 : i32 to index
        %get3A_150 = arith.constant 0 : index
        %get3A_151 = tpu.vector_load %arg13[%get3A_149, %get3A_150] {strides = array<i32>} : memref<80x128xf32, #tpu.memory_space<vmem>>, vector<16xf32>,
        %mul3A_152 = vector.broadcast %squeeze3A : f32 to vector<16xf32>
        %mul3A_153 = arith.mulf %get3A_151, %mul3A_152 : vector<16xf32>
        %swap3A = arith.index_cast %add3A_148 : i32 to index
        %swap3A_154 = arith.constant 0 : index
        %swap3A_155 = tpu.vector_load %arg13[%swap3A, %swap3A_154] {strides = array<i32>} : memref<80x128xf32, #tpu.memory_space<vmem>>, vector<16xf32>,
        tpu.vector_store %arg13[%swap3A, %swap3A_154], %mul3A_153 {strides = array<i32>} : memref<80x128xf32, #tpu.memory_space<vmem>>, vector<16xf32>,
        %get3A_156 = arith.index_cast %add3A_148 : i32 to index
        %get3A_157 = arith.constant 16 : index
        %get3A_158 = tpu.vector_load %arg13[%get3A_156, %get3A_157] {strides = array<i32>} : memref<80x128xf32, #tpu.memory_space<vmem>>, vector<16xf32>,
        %mul3A_159 = vector.broadcast %squeeze3A : f32 to vector<16xf32>
        %mul3A_160 = arith.mulf %get3A_158, %mul3A_159 : vector<16xf32>
        %swap3A_161 = arith.index_cast %add3A_148 : i32 to index
        %swap3A_162 = arith.constant 16 : index
        %swap3A_163 = tpu.vector_load %arg13[%swap3A_161, %swap3A_162] {strides = array<i32>} : memref<80x128xf32, #tpu.memory_space<vmem>>, vector<16xf32>,
        tpu.vector_store %arg13[%swap3A_161, %swap3A_162], %mul3A_160 {strides = array<i32>} : memref<80x128xf32, #tpu.memory_space<vmem>>, vector<16xf32>,
        %get3A_164 = arith.index_cast %add3A_148 : i32 to index
        %get3A_165 = arith.constant 32 : index
        %get3A_166 = tpu.vector_load %arg13[%get3A_164, %get3A_165] {strides = array<i32>} : memref<80x128xf32, #tpu.memory_space<vmem>>, vector<16xf32>,
        %mul3A_167 = vector.broadcast %squeeze3A : f32 to vector<16xf32>
        %mul3A_168 = arith.mulf %get3A_166, %mul3A_167 : vector<16xf32>
        %swap3A_169 = arith.index_cast %add3A_148 : i32 to index
        %swap3A_170 = arith.constant 32 : index
        %swap3A_171 = tpu.vector_load %arg13[%swap3A_169, %swap3A_170] {strides = array<i32>} : memref<80x128xf32, #tpu.memory_space<vmem>>, vector<16xf32>,
        tpu.vector_store %arg13[%swap3A_169, %swap3A_170], %mul3A_168 {strides = array<i32>} : memref<80x128xf32, #tpu.memory_space<vmem>>, vector<16xf32>,
        %get3A_172 = arith.index_cast %add3A_148 : i32 to index
        %get3A_173 = arith.constant 48 : index
        %get3A_174 = tpu.vector_load %arg13[%get3A_172, %get3A_173] {strides = array<i32>} : memref<80x128xf32, #tpu.memory_space<vmem>>, vector<16xf32>,
        %mul3A_175 = vector.broadcast %squeeze3A : f32 to vector<16xf32>
        %mul3A_176 = arith.mulf %get3A_174, %mul3A_175 : vector<16xf32>
        %swap3A_177 = arith.index_cast %add3A_148 : i32 to index
        %swap3A_178 = arith.constant 48 : index
        %swap3A_179 = tpu.vector_load %arg13[%swap3A_177, %swap3A_178] {strides = array<i32>} : memref<80x128xf32, #tpu.memory_space<vmem>>, vector<16xf32>,
        tpu.vector_store %arg13[%swap3A_177, %swap3A_178], %mul3A_176 {strides = array<i32>} : memref<80x128xf32, #tpu.memory_space<vmem>>, vector<16xf32>,
        %get3A_180 = arith.index_cast %add3A_148 : i32 to index
        %get3A_181 = arith.constant 64 : index
        %get3A_182 = tpu.vector_load %arg13[%get3A_180, %get3A_181] {strides = array<i32>} : memref<80x128xf32, #tpu.memory_space<vmem>>, vector<16xf32>,
        %mul3A_183 = vector.broadcast %squeeze3A : f32 to vector<16xf32>
        %mul3A_184 = arith.mulf %get3A_182, %mul3A_183 : vector<16xf32>
        %swap3A_185 = arith.index_cast %add3A_148 : i32 to index
        %swap3A_186 = arith.constant 64 : index
        %swap3A_187 = tpu.vector_load %arg13[%swap3A_185, %swap3A_186] {strides = array<i32>} : memref<80x128xf32, #tpu.memory_space<vmem>>, vector<16xf32>,
        tpu.vector_store %arg13[%swap3A_185, %swap3A_186], %mul3A_184 {strides = array<i32>} : memref<80x128xf32, #tpu.memory_space<vmem>>, vector<16xf32>,
        %get3A_188 = arith.index_cast %add3A_148 : i32 to index
        %get3A_189 = arith.constant 80 : index
        %get3A_190 = tpu.vector_load %arg13[%get3A_188, %get3A_189] {strides = array<i32>} : memref<80x128xf32, #tpu.memory_space<vmem>>, vector<16xf32>,
        %mul3A_191 = vector.broadcast %squeeze3A : f32 to vector<16xf32>
        %mul3A_192 = arith.mulf %get3A_190, %mul3A_191 : vector<16xf32>
        %swap3A_193 = arith.index_cast %add3A_148 : i32 to index
        %swap3A_194 = arith.constant 80 : index
        %swap3A_195 = tpu.vector_load %arg13[%swap3A_193, %swap3A_194] {strides = array<i32>} : memref<80x128xf32, #tpu.memory_space<vmem>>, vector<16xf32>,
        tpu.vector_store %arg13[%swap3A_193, %swap3A_194], %mul3A_192 {strides = array<i32>} : memref<80x128xf32, #tpu.memory_space<vmem>>, vector<16xf32>,
        %get3A_196 = arith.index_cast %add3A_148 : i32 to index
        %get3A_197 = arith.constant 96 : index
        %get3A_198 = tpu.vector_load %arg13[%get3A_196, %get3A_197] {strides = array<i32>} : memref<80x128xf32, #tpu.memory_space<vmem>>, vector<16xf32>,
        %mul3A_199 = vector.broadcast %squeeze3A : f32 to vector<16xf32>
        %mul3A_200 = arith.mulf %get3A_198, %mul3A_199 : vector<16xf32>
        %swap3A_201 = arith.index_cast %add3A_148 : i32 to index
        %swap3A_202 = arith.constant 96 : index
        %swap3A_203 = tpu.vector_load %arg13[%swap3A_201, %swap3A_202] {strides = array<i32>} : memref<80x128xf32, #tpu.memory_space<vmem>>, vector<16xf32>,
        tpu.vector_store %arg13[%swap3A_201, %swap3A_202], %mul3A_200 {strides = array<i32>} : memref<80x128xf32, #tpu.memory_space<vmem>>, vector<16xf32>,
        %get3A_204 = arith.index_cast %add3A_148 : i32 to index
        %get3A_205 = arith.constant 112 : index
        %get3A_206 = tpu.vector_load %arg13[%get3A_204, %get3A_205] {strides = array<i32>} : memref<80x128xf32, #tpu.memory_space<vmem>>, vector<16xf32>,
        %mul3A_207 = vector.broadcast %squeeze3A : f32 to vector<16xf32>
        %mul3A_208 = arith.mulf %get3A_206, %mul3A_207 : vector<16xf32>
        %swap3A_209 = arith.index_cast %add3A_148 : i32 to index
        %swap3A_210 = arith.constant 112 : index
        %swap3A_211 = tpu.vector_load %arg13[%swap3A_209, %swap3A_210] {strides = array<i32>} : memref<80x128xf32, #tpu.memory_space<vmem>>, vector<16xf32>,
        tpu.vector_store %arg13[%swap3A_209, %swap3A_210], %mul3A_208 {strides = array<i32>} : memref<80x128xf32, #tpu.memory_space<vmem>>, vector<16xf32>,
        %mul3A_212 = arith.constant 16 : i32
        %mul3A_213 = arith.muli %add3A_72, %mul3A_212 : i32
        %add3A_214 = arith.constant 1 : i32
        %add3A_215 = arith.addi %mul3A_213, %add3A_214 : i32
        %slice3A_216 = vector.extract_strided_slice %exp3A {offsets = [1], sizes = [1], strides = [1]} : vector<16xf32> to vector<1xf32>
        %squeeze3A_217 = vector.extract %slice3A_216[0] : f32 from vector<1xf32>
        %get3A_218 = arith.index_cast %add3A_215 : i32 to index
        %get3A_219 = arith.constant 0 : index
        %get3A_220 = tpu.vector_load %arg13[%get3A_218, %get3A_219] {strides = array<i32>} : memref<80x128xf32, #tpu.memory_space<vmem>>, vector<16xf32>,
        %mul3A_221 = vector.broadcast %squeeze3A_217 : f32 to vector<16xf32>
        %mul3A_222 = arith.mulf %get3A_220, %mul3A_221 : vector<16xf32>
        %swap3A_223 = arith.index_cast %add3A_215 : i32 to index
        %swap3A_224 = arith.constant 0 : index
        %swap3A_225 = tpu.vector_load %arg13[%swap3A_223, %swap3A_224] {strides = array<i32>} : memref<80x128xf32, #tpu.memory_space<vmem>>, vector<16xf32>,
        tpu.vector_store %arg13[%swap3A_223, %swap3A_224], %mul3A_222 {strides = array<i32>} : memref<80x128xf32, #tpu.memory_space<vmem>>, vector<16xf32>,
        %get3A_226 = arith.index_cast %add3A_215 : i32 to index
        %get3A_227 = arith.constant 16 : index
        %get3A_228 = tpu.vector_load %arg13[%get3A_226, %get3A_227] {strides = array<i32>} : memref<80x128xf32, #tpu.memory_space<vmem>>, vector<16xf32>,
        %mul3A_229 = vector.broadcast %squeeze3A_217 : f32 to vector<16xf32>
        %mul3A_230 = arith.mulf %get3A_228, %mul3A_229 : vector<16xf32>
        %swap3A_231 = arith.index_cast %add3A_215 : i32 to index
        %swap3A_232 = arith.constant 16 : index
        %swap3A_233 = tpu.vector_load %arg13[%swap3A_231, %swap3A_232] {strides = array<i32>} : memref<80x128xf32, #tpu.memory_space<vmem>>, vector<16xf32>,
        tpu.vector_store %arg13[%swap3A_231, %swap3A_232], %mul3A_230 {strides = array<i32>} : memref<80x128xf32, #tpu.memory_space<vmem>>, vector<16xf32>,
        %get3A_234 = arith.index_cast %add3A_215 : i32 to index
        %get3A_235 = arith.constant 32 : index
        %get3A_236 = tpu.vector_load %arg13[%get3A_234, %get3A_235] {strides = array<i32>} : memref<80x128xf32, #tpu.memory_space<vmem>>, vector<16xf32>,
        %mul3A_237 = vector.broadcast %squeeze3A_217 : f32 to vector<16xf32>
        %mul3A_238 = arith.mulf %get3A_236, %mul3A_237 : vector<16xf32>
        %swap3A_239 = arith.index_cast %add3A_215 : i32 to index
        %swap3A_240 = arith.constant 32 : index
        %swap3A_241 = tpu.vector_load %arg13[%swap3A_239, %swap3A_240] {strides = array<i32>} : memref<80x128xf32, #tpu.memory_space<vmem>>, vector<16xf32>,
        tpu.vector_store %arg13[%swap3A_239, %swap3A_240], %mul3A_238 {strides = array<i32>} : memref<80x128xf32, #tpu.memory_space<vmem>>, vector<16xf32>,
        %get3A_242 = arith.index_cast %add3A_215 : i32 to index
        %get3A_243 = arith.constant 48 : index
        %get3A_244 = tpu.vector_load %arg13[%get3A_242, %get3A_243] {strides = array<i32>} : memref<80x128xf32, #tpu.memory_space<vmem>>, vector<16xf32>,
        %mul3A_245 = vector.broadcast %squeeze3A_217 : f32 to vector<16xf32>
        %mul3A_246 = arith.mulf %get3A_244, %mul3A_245 : vector<16xf32>
        %swap3A_247 = arith.index_cast %add3A_215 : i32 to index
        %swap3A_248 = arith.constant 48 : index
        %swap3A_249 = tpu.vector_load %arg13[%swap3A_247, %swap3A_248] {strides = array<i32>} : memref<80x128xf32, #tpu.memory_space<vmem>>, vector<16xf32>,
        tpu.vector_store %arg13[%swap3A_247, %swap3A_248], %mul3A_246 {strides = array<i32>} : memref<80x128xf32, #tpu.memory_space<vmem>>, vector<16xf32>,
        %get3A_250 = arith.index_cast %add3A_215 : i32 to index
        %get3A_251 = arith.constant 64 : index
        %get3A_252 = tpu.vector_load %arg13[%get3A_250, %get3A_251] {strides = array<i32>} : memref<80x128xf32, #tpu.memory_space<vmem>>, vector<16xf32>,
        %mul3A_253 = vector.broadcast %squeeze3A_217 : f32 to vector<16xf32>
        %mul3A_254 = arith.mulf %get3A_252, %mul3A_253 : vector<16xf32>
        %swap3A_255 = arith.index_cast %add3A_215 : i32 to index
        %swap3A_256 = arith.constant 64 : index
        %swap3A_257 = tpu.vector_load %arg13[%swap3A_255, %swap3A_256] {strides = array<i32>} : memref<80x128xf32, #tpu.memory_space<vmem>>, vector<16xf32>,
        tpu.vector_store %arg13[%swap3A_255, %swap3A_256], %mul3A_254 {strides = array<i32>} : memref<80x128xf32, #tpu.memory_space<vmem>>, vector<16xf32>,
        %get3A_258 = arith.index_cast %add3A_215 : i32 to index
        %get3A_259 = arith.constant 80 : index
        %get3A_260 = tpu.vector_load %arg13[%get3A_258, %get3A_259] {strides = array<i32>} : memref<80x128xf32, #tpu.memory_space<vmem>>, vector<16xf32>,
        %mul3A_261 = vector.broadcast %squeeze3A_217 : f32 to vector<16xf32>
        %mul3A_262 = arith.mulf %get3A_260, %mul3A_261 : vector<16xf32>
        %swap3A_263 = arith.index_cast %add3A_215 : i32 to index
        %swap3A_264 = arith.constant 80 : index
        %swap3A_265 = tpu.vector_load %arg13[%swap3A_263, %swap3A_264] {strides = array<i32>} : memref<80x128xf32, #tpu.memory_space<vmem>>, vector<16xf32>,
        tpu.vector_store %arg13[%swap3A_263, %swap3A_264], %mul3A_262 {strides = array<i32>} : memref<80x128xf32, #tpu.memory_space<vmem>>, vector<16xf32>,
        %get3A_266 = arith.index_cast %add3A_215 : i32 to index
        %get3A_267 = arith.constant 96 : index
        %get3A_268 = tpu.vector_load %arg13[%get3A_266, %get3A_267] {strides = array<i32>} : memref<80x128xf32, #tpu.memory_space<vmem>>, vector<16xf32>,
        %mul3A_269 = vector.broadcast %squeeze3A_217 : f32 to vector<16xf32>
        %mul3A_270 = arith.mulf %get3A_268, %mul3A_269 : vector<16xf32>
        %swap3A_271 = arith.index_cast %add3A_215 : i32 to index
        %swap3A_272 = arith.constant 96 : index
        %swap3A_273 = tpu.vector_load %arg13[%swap3A_271, %swap3A_272] {strides = array<i32>} : memref<80x128xf32, #tpu.memory_space<vmem>>, vector<16xf32>,
        tpu.vector_store %arg13[%swap3A_271, %swap3A_272], %mul3A_270 {strides = array<i32>} : memref<80x128xf32, #tpu.memory_space<vmem>>, vector<16xf32>,
        %get3A_274 = arith.index_cast %add3A_215 : i32 to index
        %get3A_275 = arith.constant 112 : index
        %get3A_276 = tpu.vector_load %arg13[%get3A_274, %get3A_275] {strides = array<i32>} : memref<80x128xf32, #tpu.memory_space<vmem>>, vector<16xf32>,
        %mul3A_277 = vector.broadcast %squeeze3A_217 : f32 to vector<16xf32>
        %mul3A_278 = arith.mulf %get3A_276, %mul3A_277 : vector<16xf32>
        %swap3A_279 = arith.index_cast %add3A_215 : i32 to index
        %swap3A_280 = arith.constant 112 : index
        %swap3A_281 = tpu.vector_load %arg13[%swap3A_279, %swap3A_280] {strides = array<i32>} : memref<80x128xf32, #tpu.memory_space<vmem>>, vector<16xf32>,
        tpu.vector_store %arg13[%swap3A_279, %swap3A_280], %mul3A_278 {strides = array<i32>} : memref<80x128xf32, #tpu.memory_space<vmem>>, vector<16xf32>,
        %mul3A_282 = arith.constant 16 : i32
        %mul3A_283 = arith.muli %add3A_72, %mul3A_282 : i32
        %add3A_284 = arith.constant 2 : i32
        %add3A_285 = arith.addi %mul3A_283, %add3A_284 : i32
        %slice3A_286 = vector.extract_strided_slice %exp3A {offsets = [2], sizes = [1], strides = [1]} : vector<16xf32> to vector<1xf32>
        %squeeze3A_287 = vector.extract %slice3A_286[0] : f32 from vector<1xf32>
        %get3A_288 = arith.index_cast %add3A_285 : i32 to index
        %get3A_289 = arith.constant 0 : index
        %get3A_290 = tpu.vector_load %arg13[%get3A_288, %get3A_289] {strides = array<i32>} : memref<80x128xf32, #tpu.memory_space<vmem>>, vector<16xf32>,
        %mul3A_291 = vector.broadcast %squeeze3A_287 : f32 to vector<16xf32>
        %mul3A_292 = arith.mulf %get3A_290, %mul3A_291 : vector<16xf32>
        %swap3A_293 = arith.index_cast %add3A_285 : i32 to index
        %swap3A_294 = arith.constant 0 : index
        %swap3A_295 = tpu.vector_load %arg13[%swap3A_293, %swap3A_294] {strides = array<i32>} : memref<80x128xf32, #tpu.memory_space<vmem>>, vector<16xf32>,
        tpu.vector_store %arg13[%swap3A_293, %swap3A_294], %mul3A_292 {strides = array<i32>} : memref<80x128xf32, #tpu.memory_space<vmem>>, vector<16xf32>,
        %get3A_296 = arith.index_cast %add3A_285 : i32 to index
        %get3A_297 = arith.constant 16 : index
        %get3A_298 = tpu.vector_load %arg13[%get3A_296, %get3A_297] {strides = array<i32>} : memref<80x128xf32, #tpu.memory_space<vmem>>, vector<16xf32>,
        %mul3A_299 = vector.broadcast %squeeze3A_287 : f32 to vector<16xf32>
        %mul3A_300 = arith.mulf %get3A_298, %mul3A_299 : vector<16xf32>
        %swap3A_301 = arith.index_cast %add3A_285 : i32 to index
        %swap3A_302 = arith.constant 16 : index
        %swap3A_303 = tpu.vector_load %arg13[%swap3A_301, %swap3A_302] {strides = array<i32>} : memref<80x128xf32, #tpu.memory_space<vmem>>, vector<16xf32>,
        tpu.vector_store %arg13[%swap3A_301, %swap3A_302], %mul3A_300 {strides = array<i32>} : memref<80x128xf32, #tpu.memory_space<vmem>>, vector<16xf32>,
        %get3A_304 = arith.index_cast %add3A_285 : i32 to index
        %get3A_305 = arith.constant 32 : index
        %get3A_306 = tpu.vector_load %arg13[%get3A_304, %get3A_305] {strides = array<i32>} : memref<80x128xf32, #tpu.memory_space<vmem>>, vector<16xf32>,
        %mul3A_307 = vector.broadcast %squeeze3A_287 : f32 to vector<16xf32>
        %mul3A_308 = arith.mulf %get3A_306, %mul3A_307 : vector<16xf32>
        %swap3A_309 = arith.index_cast %add3A_285 : i32 to index
        %swap3A_310 = arith.constant 32 : index
        %swap3A_311 = tpu.vector_load %arg13[%swap3A_309, %swap3A_310] {strides = array<i32>} : memref<80x128xf32, #tpu.memory_space<vmem>>, vector<16xf32>,
        tpu.vector_store %arg13[%swap3A_309, %swap3A_310], %mul3A_308 {strides = array<i32>} : memref<80x128xf32, #tpu.memory_space<vmem>>, vector<16xf32>,
        %get3A_312 = arith.index_cast %add3A_285 : i32 to index
        %get3A_313 = arith.constant 48 : index
        %get3A_314 = tpu.vector_load %arg13[%get3A_312, %get3A_313] {strides = array<i32>} : memref<80x128xf32, #tpu.memory_space<vmem>>, vector<16xf32>,
        %mul3A_315 = vector.broadcast %squeeze3A_287 : f32 to vector<16xf32>
        %mul3A_316 = arith.mulf %get3A_314, %mul3A_315 : vector<16xf32>
        %swap3A_317 = arith.index_cast %add3A_285 : i32 to index
        %swap3A_318 = arith.constant 48 : index
        %swap3A_319 = tpu.vector_load %arg13[%swap3A_317, %swap3A_318] {strides = array<i32>} : memref<80x128xf32, #tpu.memory_space<vmem>>, vector<16xf32>,
        tpu.vector_store %arg13[%swap3A_317, %swap3A_318], %mul3A_316 {strides = array<i32>} : memref<80x128xf32, #tpu.memory_space<vmem>>, vector<16xf32>,
        %get3A_320 = arith.index_cast %add3A_285 : i32 to index
        %get3A_321 = arith.constant 64 : index
        %get3A_322 = tpu.vector_load %arg13[%get3A_320, %get3A_321] {strides = array<i32>} : memref<80x128xf32, #tpu.memory_space<vmem>>, vector<16xf32>,
        %mul3A_323 = vector.broadcast %squeeze3A_287 : f32 to vector<16xf32>
        %mul3A_324 = arith.mulf %get3A_322, %mul3A_323 : vector<16xf32>
        %swap3A_325 = arith.index_cast %add3A_285 : i32 to index
        %swap3A_326 = arith.constant 64 : index
        %swap3A_327 = tpu.vector_load %arg13[%swap3A_325, %swap3A_326] {strides = array<i32>} : memref<80x128xf32, #tpu.memory_space<vmem>>, vector<16xf32>,
        tpu.vector_store %arg13[%swap3A_325, %swap3A_326], %mul3A_324 {strides = array<i32>} : memref<80x128xf32, #tpu.memory_space<vmem>>, vector<16xf32>,
        %get3A_328 = arith.index_cast %add3A_285 : i32 to index
        %get3A_329 = arith.constant 80 : index
        %get3A_330 = tpu.vector_load %arg13[%get3A_328, %get3A_329] {strides = array<i32>} : memref<80x128xf32, #tpu.memory_space<vmem>>, vector<16xf32>,
        %mul3A_331 = vector.broadcast %squeeze3A_287 : f32 to vector<16xf32>
        %mul3A_332 = arith.mulf %get3A_330, %mul3A_331 : vector<16xf32>
        %swap3A_333 = arith.index_cast %add3A_285 : i32 to index
        %swap3A_334 = arith.constant 80 : index
        %swap3A_335 = tpu.vector_load %arg13[%swap3A_333, %swap3A_334] {strides = array<i32>} : memref<80x128xf32, #tpu.memory_space<vmem>>, vector<16xf32>,
        tpu.vector_store %arg13[%swap3A_333, %swap3A_334], %mul3A_332 {strides = array<i32>} : memref<80x128xf32, #tpu.memory_space<vmem>>, vector<16xf32>,
        %get3A_336 = arith.index_cast %add3A_285 : i32 to index
        %get3A_337 = arith.constant 96 : index
        %get3A_338 = tpu.vector_load %arg13[%get3A_336, %get3A_337] {strides = array<i32>} : memref<80x128xf32, #tpu.memory_space<vmem>>, vector<16xf32>,
        %mul3A_339 = vector.broadcast %squeeze3A_287 : f32 to vector<16xf32>
        %mul3A_340 = arith.mulf %get3A_338, %mul3A_339 : vector<16xf32>
        %swap3A_341 = arith.index_cast %add3A_285 : i32 to index
        %swap3A_342 = arith.constant 96 : index
        %swap3A_343 = tpu.vector_load %arg13[%swap3A_341, %swap3A_342] {strides = array<i32>} : memref<80x128xf32, #tpu.memory_space<vmem>>, vector<16xf32>,
        tpu.vector_store %arg13[%swap3A_341, %swap3A_342], %mul3A_340 {strides = array<i32>} : memref<80x128xf32, #tpu.memory_space<vmem>>, vector<16xf32>,
        %get3A_344 = arith.index_cast %add3A_285 : i32 to index
        %get3A_345 = arith.constant 112 : index
        %get3A_346 = tpu.vector_load %arg13[%get3A_344, %get3A_345] {strides = array<i32>} : memref<80x128xf32, #tpu.memory_space<vmem>>, vector<16xf32>,
        %mul3A_347 = vector.broadcast %squeeze3A_287 : f32 to vector<16xf32>
        %mul3A_348 = arith.mulf %get3A_346, %mul3A_347 : vector<16xf32>
        %swap3A_349 = arith.index_cast %add3A_285 : i32 to index
        %swap3A_350 = arith.constant 112 : index
        %swap3A_351 = tpu.vector_load %arg13[%swap3A_349, %swap3A_350] {strides = array<i32>} : memref<80x128xf32, #tpu.memory_space<vmem>>, vector<16xf32>,
        tpu.vector_store %arg13[%swap3A_349, %swap3A_350], %mul3A_348 {strides = array<i32>} : memref<80x128xf32, #tpu.memory_space<vmem>>, vector<16xf32>,
        %mul3A_352 = arith.constant 16 : i32
        %mul3A_353 = arith.muli %add3A_72, %mul3A_352 : i32
        %add3A_354 = arith.constant 3 : i32
        %add3A_355 = arith.addi %mul3A_353, %add3A_354 : i32
        %slice3A_356 = vector.extract_strided_slice %exp3A {offsets = [3], sizes = [1], strides = [1]} : vector<16xf32> to vector<1xf32>
        %squeeze3A_357 = vector.extract %slice3A_356[0] : f32 from vector<1xf32>
        %get3A_358 = arith.index_cast %add3A_355 : i32 to index
        %get3A_359 = arith.constant 0 : index
        %get3A_360 = tpu.vector_load %arg13[%get3A_358, %get3A_359] {strides = array<i32>} : memref<80x128xf32, #tpu.memory_space<vmem>>, vector<16xf32>,
        %mul3A_361 = vector.broadcast %squeeze3A_357 : f32 to vector<16xf32>
        %mul3A_362 = arith.mulf %get3A_360, %mul3A_361 : vector<16xf32>
        %swap3A_363 = arith.index_cast %add3A_355 : i32 to index
        %swap3A_364 = arith.constant 0 : index
        %swap3A_365 = tpu.vector_load %arg13[%swap3A_363, %swap3A_364] {strides = array<i32>} : memref<80x128xf32, #tpu.memory_space<vmem>>, vector<16xf32>,
        tpu.vector_store %arg13[%swap3A_363, %swap3A_364], %mul3A_362 {strides = array<i32>} : memref<80x128xf32, #tpu.memory_space<vmem>>, vector<16xf32>,
        %get3A_366 = arith.index_cast %add3A_355 : i32 to index
        %get3A_367 = arith.constant 16 : index
        %get3A_368 = tpu.vector_load %arg13[%get3A_366, %get3A_367] {strides = array<i32>} : memref<80x128xf32, #tpu.memory_space<vmem>>, vector<16xf32>,
        %mul3A_369 = vector.broadcast %squeeze3A_357 : f32 to vector<16xf32>
        %mul3A_370 = arith.mulf %get3A_368, %mul3A_369 : vector<16xf32>
        %swap3A_371 = arith.index_cast %add3A_355 : i32 to index
        %swap3A_372 = arith.constant 16 : index
        %swap3A_373 = tpu.vector_load %arg13[%swap3A_371, %swap3A_372] {strides = array<i32>} : memref<80x128xf32, #tpu.memory_space<vmem>>, vector<16xf32>,
        tpu.vector_store %arg13[%swap3A_371, %swap3A_372], %mul3A_370 {strides = array<i32>} : memref<80x128xf32, #tpu.memory_space<vmem>>, vector<16xf32>,
        %get3A_374 = arith.index_cast %add3A_355 : i32 to index
        %get3A_375 = arith.constant 32 : index
        %get3A_376 = tpu.vector_load %arg13[%get3A_374, %get3A_375] {strides = array<i32>} : memref<80x128xf32, #tpu.memory_space<vmem>>, vector<16xf32>,
        %mul3A_377 = vector.broadcast %squeeze3A_357 : f32 to vector<16xf32>
        %mul3A_378 = arith.mulf %get3A_376, %mul3A_377 : vector<16xf32>
        %swap3A_379 = arith.index_cast %add3A_355 : i32 to index
        %swap3A_380 = arith.constant 32 : index
        %swap3A_381 = tpu.vector_load %arg13[%swap3A_379, %swap3A_380] {strides = array<i32>} : memref<80x128xf32, #tpu.memory_space<vmem>>, vector<16xf32>,
        tpu.vector_store %arg13[%swap3A_379, %swap3A_380], %mul3A_378 {strides = array<i32>} : memref<80x128xf32, #tpu.memory_space<vmem>>, vector<16xf32>,
        %get3A_382 = arith.index_cast %add3A_355 : i32 to index
        %get3A_383 = arith.constant 48 : index
        %get3A_384 = tpu.vector_load %arg13[%get3A_382, %get3A_383] {strides = array<i32>} : memref<80x128xf32, #tpu.memory_space<vmem>>, vector<16xf32>,
        %mul3A_385 = vector.broadcast %squeeze3A_357 : f32 to vector<16xf32>
        %mul3A_386 = arith.mulf %get3A_384, %mul3A_385 : vector<16xf32>
        %swap3A_387 = arith.index_cast %add3A_355 : i32 to index
        %swap3A_388 = arith.constant 48 : index
        %swap3A_389 = tpu.vector_load %arg13[%swap3A_387, %swap3A_388] {strides = array<i32>} : memref<80x128xf32, #tpu.memory_space<vmem>>, vector<16xf32>,
        tpu.vector_store %arg13[%swap3A_387, %swap3A_388], %mul3A_386 {strides = array<i32>} : memref<80x128xf32, #tpu.memory_space<vmem>>, vector<16xf32>,
        %get3A_390 = arith.index_cast %add3A_355 : i32 to index
        %get3A_391 = arith.constant 64 : index
        %get3A_392 = tpu.vector_load %arg13[%get3A_390, %get3A_391] {strides = array<i32>} : memref<80x128xf32, #tpu.memory_space<vmem>>, vector<16xf32>,
        %mul3A_393 = vector.broadcast %squeeze3A_357 : f32 to vector<16xf32>
        %mul3A_394 = arith.mulf %get3A_392, %mul3A_393 : vector<16xf32>
        %swap3A_395 = arith.index_cast %add3A_355 : i32 to index
        %swap3A_396 = arith.constant 64 : index
        %swap3A_397 = tpu.vector_load %arg13[%swap3A_395, %swap3A_396] {strides = array<i32>} : memref<80x128xf32, #tpu.memory_space<vmem>>, vector<16xf32>,
        tpu.vector_store %arg13[%swap3A_395, %swap3A_396], %mul3A_394 {strides = array<i32>} : memref<80x128xf32, #tpu.memory_space<vmem>>, vector<16xf32>,
        %get3A_398 = arith.index_cast %add3A_355 : i32 to index
        %get3A_399 = arith.constant 80 : index
        %get3A_400 = tpu.vector_load %arg13[%get3A_398, %get3A_399] {strides = array<i32>} : memref<80x128xf32, #tpu.memory_space<vmem>>, vector<16xf32>,
        %mul3A_401 = vector.broadcast %squeeze3A_357 : f32 to vector<16xf32>
        %mul3A_402 = arith.mulf %get3A_400, %mul3A_401 : vector<16xf32>
        %swap3A_403 = arith.index_cast %add3A_355 : i32 to index
        %swap3A_404 = arith.constant 80 : index
        %swap3A_405 = tpu.vector_load %arg13[%swap3A_403, %swap3A_404] {strides = array<i32>} : memref<80x128xf32, #tpu.memory_space<vmem>>, vector<16xf32>,
        tpu.vector_store %arg13[%swap3A_403, %swap3A_404], %mul3A_402 {strides = array<i32>} : memref<80x128xf32, #tpu.memory_space<vmem>>, vector<16xf32>,
        %get3A_406 = arith.index_cast %add3A_355 : i32 to index
        %get3A_407 = arith.constant 96 : index
        %get3A_408 = tpu.vector_load %arg13[%get3A_406, %get3A_407] {strides = array<i32>} : memref<80x128xf32, #tpu.memory_space<vmem>>, vector<16xf32>,
        %mul3A_409 = vector.broadcast %squeeze3A_357 : f32 to vector<16xf32>
        %mul3A_410 = arith.mulf %get3A_408, %mul3A_409 : vector<16xf32>
        %swap3A_411 = arith.index_cast %add3A_355 : i32 to index
        %swap3A_412 = arith.constant 96 : index
        %swap3A_413 = tpu.vector_load %arg13[%swap3A_411, %swap3A_412] {strides = array<i32>} : memref<80x128xf32, #tpu.memory_space<vmem>>, vector<16xf32>,
        tpu.vector_store %arg13[%swap3A_411, %swap3A_412], %mul3A_410 {strides = array<i32>} : memref<80x128xf32, #tpu.memory_space<vmem>>, vector<16xf32>,
        %get3A_414 = arith.index_cast %add3A_355 : i32 to index
        %get3A_415 = arith.constant 112 : index
        %get3A_416 = tpu.vector_load %arg13[%get3A_414, %get3A_415] {strides = array<i32>} : memref<80x128xf32, #tpu.memory_space<vmem>>, vector<16xf32>,
        %mul3A_417 = vector.broadcast %squeeze3A_357 : f32 to vector<16xf32>
        %mul3A_418 = arith.mulf %get3A_416, %mul3A_417 : vector<16xf32>
        %swap3A_419 = arith.index_cast %add3A_355 : i32 to index
        %swap3A_420 = arith.constant 112 : index
        %swap3A_421 = tpu.vector_load %arg13[%swap3A_419, %swap3A_420] {strides = array<i32>} : memref<80x128xf32, #tpu.memory_space<vmem>>, vector<16xf32>,
        tpu.vector_store %arg13[%swap3A_419, %swap3A_420], %mul3A_418 {strides = array<i32>} : memref<80x128xf32, #tpu.memory_space<vmem>>, vector<16xf32>,
        %mul3A_422 = arith.constant 16 : i32
        %mul3A_423 = arith.muli %add3A_72, %mul3A_422 : i32
        %add3A_424 = arith.constant 4 : i32
        %add3A_425 = arith.addi %mul3A_423, %add3A_424 : i32
        %slice3A_426 = vector.extract_strided_slice %exp3A {offsets = [4], sizes = [1], strides = [1]} : vector<16xf32> to vector<1xf32>
        %squeeze3A_427 = vector.extract %slice3A_426[0] : f32 from vector<1xf32>
        %get3A_428 = arith.index_cast %add3A_425 : i32 to index
        %get3A_429 = arith.constant 0 : index
        %get3A_430 = tpu.vector_load %arg13[%get3A_428, %get3A_429] {strides = array<i32>} : memref<80x128xf32, #tpu.memory_space<vmem>>, vector<16xf32>,
        %mul3A_431 = vector.broadcast %squeeze3A_427 : f32 to vector<16xf32>
        %mul3A_432 = arith.mulf %get3A_430, %mul3A_431 : vector<16xf32>
        %swap3A_433 = arith.index_cast %add3A_425 : i32 to index
        %swap3A_434 = arith.constant 0 : index
        %swap3A_435 = tpu.vector_load %arg13[%swap3A_433, %swap3A_434] {strides = array<i32>} : memref<80x128xf32, #tpu.memory_space<vmem>>, vector<16xf32>,
        tpu.vector_store %arg13[%swap3A_433, %swap3A_434], %mul3A_432 {strides = array<i32>} : memref<80x128xf32, #tpu.memory_space<vmem>>, vector<16xf32>,
        %get3A_436 = arith.index_cast %add3A_425 : i32 to index
        %get3A_437 = arith.constant 16 : index
        %get3A_438 = tpu.vector_load %arg13[%get3A_436, %get3A_437] {strides = array<i32>} : memref<80x128xf32, #tpu.memory_space<vmem>>, vector<16xf32>,
        %mul3A_439 = vector.broadcast %squeeze3A_427 : f32 to vector<16xf32>
        %mul3A_440 = arith.mulf %get3A_438, %mul3A_439 : vector<16xf32>
        %swap3A_441 = arith.index_cast %add3A_425 : i32 to index
        %swap3A_442 = arith.constant 16 : index
        %swap3A_443 = tpu.vector_load %arg13[%swap3A_441, %swap3A_442] {strides = array<i32>} : memref<80x128xf32, #tpu.memory_space<vmem>>, vector<16xf32>,
        tpu.vector_store %arg13[%swap3A_441, %swap3A_442], %mul3A_440 {strides = array<i32>} : memref<80x128xf32, #tpu.memory_space<vmem>>, vector<16xf32>,
        %get3A_444 = arith.index_cast %add3A_425 : i32 to index
        %get3A_445 = arith.constant 32 : index
        %get3A_446 = tpu.vector_load %arg13[%get3A_444, %get3A_445] {strides = array<i32>} : memref<80x128xf32, #tpu.memory_space<vmem>>, vector<16xf32>,
        %mul3A_447 = vector.broadcast %squeeze3A_427 : f32 to vector<16xf32>
        %mul3A_448 = arith.mulf %get3A_446, %mul3A_447 : vector<16xf32>
        %swap3A_449 = arith.index_cast %add3A_425 : i32 to index
        %swap3A_450 = arith.constant 32 : index
        %swap3A_451 = tpu.vector_load %arg13[%swap3A_449, %swap3A_450] {strides = array<i32>} : memref<80x128xf32, #tpu.memory_space<vmem>>, vector<16xf32>,
        tpu.vector_store %arg13[%swap3A_449, %swap3A_450], %mul3A_448 {strides = array<i32>} : memref<80x128xf32, #tpu.memory_space<vmem>>, vector<16xf32>,
        %get3A_452 = arith.index_cast %add3A_425 : i32 to index
        %get3A_453 = arith.constant 48 : index
        %get3A_454 = tpu.vector_load %arg13[%get3A_452, %get3A_453] {strides = array<i32>} : memref<80x128xf32, #tpu.memory_space<vmem>>, vector<16xf32>,
        %mul3A_455 = vector.broadcast %squeeze3A_427 : f32 to vector<16xf32>
        %mul3A_456 = arith.mulf %get3A_454, %mul3A_455 : vector<16xf32>
        %swap3A_457 = arith.index_cast %add3A_425 : i32 to index
        %swap3A_458 = arith.constant 48 : index
        %swap3A_459 = tpu.vector_load %arg13[%swap3A_457, %swap3A_458] {strides = array<i32>} : memref<80x128xf32, #tpu.memory_space<vmem>>, vector<16xf32>,
        tpu.vector_store %arg13[%swap3A_457, %swap3A_458], %mul3A_456 {strides = array<i32>} : memref<80x128xf32, #tpu.memory_space<vmem>>, vector<16xf32>,
        %get3A_460 = arith.index_cast %add3A_425 : i32 to index
        %get3A_461 = arith.constant 64 : index
        %get3A_462 = tpu.vector_load %arg13[%get3A_460, %get3A_461] {strides = array<i32>} : memref<80x128xf32, #tpu.memory_space<vmem>>, vector<16xf32>,
        %mul3A_463 = vector.broadcast %squeeze3A_427 : f32 to vector<16xf32>
        %mul3A_464 = arith.mulf %get3A_462, %mul3A_463 : vector<16xf32>
        %swap3A_465 = arith.index_cast %add3A_425 : i32 to index
        %swap3A_466 = arith.constant 64 : index
        %swap3A_467 = tpu.vector_load %arg13[%swap3A_465, %swap3A_466] {strides = array<i32>} : memref<80x128xf32, #tpu.memory_space<vmem>>, vector<16xf32>,
        tpu.vector_store %arg13[%swap3A_465, %swap3A_466], %mul3A_464 {strides = array<i32>} : memref<80x128xf32, #tpu.memory_space<vmem>>, vector<16xf32>,
        %get3A_468 = arith.index_cast %add3A_425 : i32 to index
        %get3A_469 = arith.constant 80 : index
        %get3A_470 = tpu.vector_load %arg13[%get3A_468, %get3A_469] {strides = array<i32>} : memref<80x128xf32, #tpu.memory_space<vmem>>, vector<16xf32>,
        %mul3A_471 = vector.broadcast %squeeze3A_427 : f32 to vector<16xf32>
        %mul3A_472 = arith.mulf %get3A_470, %mul3A_471 : vector<16xf32>
        %swap3A_473 = arith.index_cast %add3A_425 : i32 to index
        %swap3A_474 = arith.constant 80 : index
        %swap3A_475 = tpu.vector_load %arg13[%swap3A_473, %swap3A_474] {strides = array<i32>} : memref<80x128xf32, #tpu.memory_space<vmem>>, vector<16xf32>,
        tpu.vector_store %arg13[%swap3A_473, %swap3A_474], %mul3A_472 {strides = array<i32>} : memref<80x128xf32, #tpu.memory_space<vmem>>, vector<16xf32>,
        %get3A_476 = arith.index_cast %add3A_425 : i32 to index
        %get3A_477 = arith.constant 96 : index
        %get3A_478 = tpu.vector_load %arg13[%get3A_476, %get3A_477] {strides = array<i32>} : memref<80x128xf32, #tpu.memory_space<vmem>>, vector<16xf32>,
        %mul3A_479 = vector.broadcast %squeeze3A_427 : f32 to vector<16xf32>
        %mul3A_480 = arith.mulf %get3A_478, %mul3A_479 : vector<16xf32>
        %swap3A_481 = arith.index_cast %add3A_425 : i32 to index
        %swap3A_482 = arith.constant 96 : index
        %swap3A_483 = tpu.vector_load %arg13[%swap3A_481, %swap3A_482] {strides = array<i32>} : memref<80x128xf32, #tpu.memory_space<vmem>>, vector<16xf32>,
        tpu.vector_store %arg13[%swap3A_481, %swap3A_482], %mul3A_480 {strides = array<i32>} : memref<80x128xf32, #tpu.memory_space<vmem>>, vector<16xf32>,
        %get3A_484 = arith.index_cast %add3A_425 : i32 to index
        %get3A_485 = arith.constant 112 : index
        %get3A_486 = tpu.vector_load %arg13[%get3A_484, %get3A_485] {strides = array<i32>} : memref<80x128xf32, #tpu.memory_space<vmem>>, vector<16xf32>,
        %mul3A_487 = vector.broadcast %squeeze3A_427 : f32 to vector<16xf32>
        %mul3A_488 = arith.mulf %get3A_486, %mul3A_487 : vector<16xf32>
        %swap3A_489 = arith.index_cast %add3A_425 : i32 to index
        %swap3A_490 = arith.constant 112 : index
        %swap3A_491 = tpu.vector_load %arg13[%swap3A_489, %swap3A_490] {strides = array<i32>} : memref<80x128xf32, #tpu.memory_space<vmem>>, vector<16xf32>,
        tpu.vector_store %arg13[%swap3A_489, %swap3A_490], %mul3A_488 {strides = array<i32>} : memref<80x128xf32, #tpu.memory_space<vmem>>, vector<16xf32>,
        %mul3A_492 = arith.constant 16 : i32
        %mul3A_493 = arith.muli %add3A_72, %mul3A_492 : i32
        %add3A_494 = arith.constant 5 : i32
        %add3A_495 = arith.addi %mul3A_493, %add3A_494 : i32
        %slice3A_496 = vector.extract_strided_slice %exp3A {offsets = [5], sizes = [1], strides = [1]} : vector<16xf32> to vector<1xf32>
        %squeeze3A_497 = vector.extract %slice3A_496[0] : f32 from vector<1xf32>
        %get3A_498 = arith.index_cast %add3A_495 : i32 to index
        %get3A_499 = arith.constant 0 : index
        %get3A_500 = tpu.vector_load %arg13[%get3A_498, %get3A_499] {strides = array<i32>} : memref<80x128xf32, #tpu.memory_space<vmem>>, vector<16xf32>,
        %mul3A_501 = vector.broadcast %squeeze3A_497 : f32 to vector<16xf32>
        %mul3A_502 = arith.mulf %get3A_500, %mul3A_501 : vector<16xf32>
        %swap3A_503 = arith.index_cast %add3A_495 : i32 to index
        %swap3A_504 = arith.constant 0 : index
        %swap3A_505 = tpu.vector_load %arg13[%swap3A_503, %swap3A_504] {strides = array<i32>} : memref<80x128xf32, #tpu.memory_space<vmem>>, vector<16xf32>,
        tpu.vector_store %arg13[%swap3A_503, %swap3A_504], %mul3A_502 {strides = array<i32>} : memref<80x128xf32, #tpu.memory_space<vmem>>, vector<16xf32>,
        %get3A_506 = arith.index_cast %add3A_495 : i32 to index
        %get3A_507 = arith.constant 16 : index
        %get3A_508 = tpu.vector_load %arg13[%get3A_506, %get3A_507] {strides = array<i32>} : memref<80x128xf32, #tpu.memory_space<vmem>>, vector<16xf32>,
        %mul3A_509 = vector.broadcast %squeeze3A_497 : f32 to vector<16xf32>
        %mul3A_510 = arith.mulf %get3A_508, %mul3A_509 : vector<16xf32>
        %swap3A_511 = arith.index_cast %add3A_495 : i32 to index
        %swap3A_512 = arith.constant 16 : index
        %swap3A_513 = tpu.vector_load %arg13[%swap3A_511, %swap3A_512] {strides = array<i32>} : memref<80x128xf32, #tpu.memory_space<vmem>>, vector<16xf32>,
        tpu.vector_store %arg13[%swap3A_511, %swap3A_512], %mul3A_510 {strides = array<i32>} : memref<80x128xf32, #tpu.memory_space<vmem>>, vector<16xf32>,
        %get3A_514 = arith.index_cast %add3A_495 : i32 to index
        %get3A_515 = arith.constant 32 : index
        %get3A_516 = tpu.vector_load %arg13[%get3A_514, %get3A_515] {strides = array<i32>} : memref<80x128xf32, #tpu.memory_space<vmem>>, vector<16xf32>,
        %mul3A_517 = vector.broadcast %squeeze3A_497 : f32 to vector<16xf32>
        %mul3A_518 = arith.mulf %get3A_516, %mul3A_517 : vector<16xf32>
        %swap3A_519 = arith.index_cast %add3A_495 : i32 to index
        %swap3A_520 = arith.constant 32 : index
        %swap3A_521 = tpu.vector_load %arg13[%swap3A_519, %swap3A_520] {strides = array<i32>} : memref<80x128xf32, #tpu.memory_space<vmem>>, vector<16xf32>,
        tpu.vector_store %arg13[%swap3A_519, %swap3A_520], %mul3A_518 {strides = array<i32>} : memref<80x128xf32, #tpu.memory_space<vmem>>, vector<16xf32>,
        %get3A_522 = arith.index_cast %add3A_495 : i32 to index
        %get3A_523 = arith.constant 48 : index
        %get3A_524 = tpu.vector_load %arg13[%get3A_522, %get3A_523] {strides = array<i32>} : memref<80x128xf32, #tpu.memory_space<vmem>>, vector<16xf32>,
        %mul3A_525 = vector.broadcast %squeeze3A_497 : f32 to vector<16xf32>
        %mul3A_526 = arith.mulf %get3A_524, %mul3A_525 : vector<16xf32>
        %swap3A_527 = arith.index_cast %add3A_495 : i32 to index
        %swap3A_528 = arith.constant 48 : index
        %swap3A_529 = tpu.vector_load %arg13[%swap3A_527, %swap3A_528] {strides = array<i32>} : memref<80x128xf32, #tpu.memory_space<vmem>>, vector<16xf32>,
        tpu.vector_store %arg13[%swap3A_527, %swap3A_528], %mul3A_526 {strides = array<i32>} : memref<80x128xf32, #tpu.memory_space<vmem>>, vector<16xf32>,
        %get3A_530 = arith.index_cast %add3A_495 : i32 to index
        %get3A_531 = arith.constant 64 : index
        %get3A_532 = tpu.vector_load %arg13[%get3A_530, %get3A_531] {strides = array<i32>} : memref<80x128xf32, #tpu.memory_space<vmem>>, vector<16xf32>,
        %mul3A_533 = vector.broadcast %squeeze3A_497 : f32 to vector<16xf32>
        %mul3A_534 = arith.mulf %get3A_532, %mul3A_533 : vector<16xf32>
        %swap3A_535 = arith.index_cast %add3A_495 : i32 to index
        %swap3A_536 = arith.constant 64 : index
        %swap3A_537 = tpu.vector_load %arg13[%swap3A_535, %swap3A_536] {strides = array<i32>} : memref<80x128xf32, #tpu.memory_space<vmem>>, vector<16xf32>,
        tpu.vector_store %arg13[%swap3A_535, %swap3A_536], %mul3A_534 {strides = array<i32>} : memref<80x128xf32, #tpu.memory_space<vmem>>, vector<16xf32>,
        %get3A_538 = arith.index_cast %add3A_495 : i32 to index
        %get3A_539 = arith.constant 80 : index
        %get3A_540 = tpu.vector_load %arg13[%get3A_538, %get3A_539] {strides = array<i32>} : memref<80x128xf32, #tpu.memory_space<vmem>>, vector<16xf32>,
        %mul3A_541 = vector.broadcast %squeeze3A_497 : f32 to vector<16xf32>
        %mul3A_542 = arith.mulf %get3A_540, %mul3A_541 : vector<16xf32>
        %swap3A_543 = arith.index_cast %add3A_495 : i32 to index
        %swap3A_544 = arith.constant 80 : index
        %swap3A_545 = tpu.vector_load %arg13[%swap3A_543, %swap3A_544] {strides = array<i32>} : memref<80x128xf32, #tpu.memory_space<vmem>>, vector<16xf32>,
        tpu.vector_store %arg13[%swap3A_543, %swap3A_544], %mul3A_542 {strides = array<i32>} : memref<80x128xf32, #tpu.memory_space<vmem>>, vector<16xf32>,
        %get3A_546 = arith.index_cast %add3A_495 : i32 to index
        %get3A_547 = arith.constant 96 : index
        %get3A_548 = tpu.vector_load %arg13[%get3A_546, %get3A_547] {strides = array<i32>} : memref<80x128xf32, #tpu.memory_space<vmem>>, vector<16xf32>,
        %mul3A_549 = vector.broadcast %squeeze3A_497 : f32 to vector<16xf32>
        %mul3A_550 = arith.mulf %get3A_548, %mul3A_549 : vector<16xf32>
        %swap3A_551 = arith.index_cast %add3A_495 : i32 to index
        %swap3A_552 = arith.constant 96 : index
        %swap3A_553 = tpu.vector_load %arg13[%swap3A_551, %swap3A_552] {strides = array<i32>} : memref<80x128xf32, #tpu.memory_space<vmem>>, vector<16xf32>,
        tpu.vector_store %arg13[%swap3A_551, %swap3A_552], %mul3A_550 {strides = array<i32>} : memref<80x128xf32, #tpu.memory_space<vmem>>, vector<16xf32>,
        %get3A_554 = arith.index_cast %add3A_495 : i32 to index
        %get3A_555 = arith.constant 112 : index
        %get3A_556 = tpu.vector_load %arg13[%get3A_554, %get3A_555] {strides = array<i32>} : memref<80x128xf32, #tpu.memory_space<vmem>>, vector<16xf32>,
        %mul3A_557 = vector.broadcast %squeeze3A_497 : f32 to vector<16xf32>
        %mul3A_558 = arith.mulf %get3A_556, %mul3A_557 : vector<16xf32>
        %swap3A_559 = arith.index_cast %add3A_495 : i32 to index
        %swap3A_560 = arith.constant 112 : index
        %swap3A_561 = tpu.vector_load %arg13[%swap3A_559, %swap3A_560] {strides = array<i32>} : memref<80x128xf32, #tpu.memory_space<vmem>>, vector<16xf32>,
        tpu.vector_store %arg13[%swap3A_559, %swap3A_560], %mul3A_558 {strides = array<i32>} : memref<80x128xf32, #tpu.memory_space<vmem>>, vector<16xf32>,
        %mul3A_562 = arith.constant 16 : i32
        %mul3A_563 = arith.muli %add3A_72, %mul3A_562 : i32
        %add3A_564 = arith.constant 6 : i32
        %add3A_565 = arith.addi %mul3A_563, %add3A_564 : i32
        %slice3A_566 = vector.extract_strided_slice %exp3A {offsets = [6], sizes = [1], strides = [1]} : vector<16xf32> to vector<1xf32>
        %squeeze3A_567 = vector.extract %slice3A_566[0] : f32 from vector<1xf32>
        %get3A_568 = arith.index_cast %add3A_565 : i32 to index
        %get3A_569 = arith.constant 0 : index
        %get3A_570 = tpu.vector_load %arg13[%get3A_568, %get3A_569] {strides = array<i32>} : memref<80x128xf32, #tpu.memory_space<vmem>>, vector<16xf32>,
        %mul3A_571 = vector.broadcast %squeeze3A_567 : f32 to vector<16xf32>
        %mul3A_572 = arith.mulf %get3A_570, %mul3A_571 : vector<16xf32>
        %swap3A_573 = arith.index_cast %add3A_565 : i32 to index
        %swap3A_574 = arith.constant 0 : index
        %swap3A_575 = tpu.vector_load %arg13[%swap3A_573, %swap3A_574] {strides = array<i32>} : memref<80x128xf32, #tpu.memory_space<vmem>>, vector<16xf32>,
        tpu.vector_store %arg13[%swap3A_573, %swap3A_574], %mul3A_572 {strides = array<i32>} : memref<80x128xf32, #tpu.memory_space<vmem>>, vector<16xf32>,
        %get3A_576 = arith.index_cast %add3A_565 : i32 to index
        %get3A_577 = arith.constant 16 : index
        %get3A_578 = tpu.vector_load %arg13[%get3A_576, %get3A_577] {strides = array<i32>} : memref<80x128xf32, #tpu.memory_space<vmem>>, vector<16xf32>,
        %mul3A_579 = vector.broadcast %squeeze3A_567 : f32 to vector<16xf32>
        %mul3A_580 = arith.mulf %get3A_578, %mul3A_579 : vector<16xf32>
        %swap3A_581 = arith.index_cast %add3A_565 : i32 to index
        %swap3A_582 = arith.constant 16 : index
        %swap3A_583 = tpu.vector_load %arg13[%swap3A_581, %swap3A_582] {strides = array<i32>} : memref<80x128xf32, #tpu.memory_space<vmem>>, vector<16xf32>,
        tpu.vector_store %arg13[%swap3A_581, %swap3A_582], %mul3A_580 {strides = array<i32>} : memref<80x128xf32, #tpu.memory_space<vmem>>, vector<16xf32>,
        %get3A_584 = arith.index_cast %add3A_565 : i32 to index
        %get3A_585 = arith.constant 32 : index
        %get3A_586 = tpu.vector_load %arg13[%get3A_584, %get3A_585] {strides = array<i32>} : memref<80x128xf32, #tpu.memory_space<vmem>>, vector<16xf32>,
        %mul3A_587 = vector.broadcast %squeeze3A_567 : f32 to vector<16xf32>
        %mul3A_588 = arith.mulf %get3A_586, %mul3A_587 : vector<16xf32>
        %swap3A_589 = arith.index_cast %add3A_565 : i32 to index
        %swap3A_590 = arith.constant 32 : index
        %swap3A_591 = tpu.vector_load %arg13[%swap3A_589, %swap3A_590] {strides = array<i32>} : memref<80x128xf32, #tpu.memory_space<vmem>>, vector<16xf32>,
        tpu.vector_store %arg13[%swap3A_589, %swap3A_590], %mul3A_588 {strides = array<i32>} : memref<80x128xf32, #tpu.memory_space<vmem>>, vector<16xf32>,
        %get3A_592 = arith.index_cast %add3A_565 : i32 to index
        %get3A_593 = arith.constant 48 : index
        %get3A_594 = tpu.vector_load %arg13[%get3A_592, %get3A_593] {strides = array<i32>} : memref<80x128xf32, #tpu.memory_space<vmem>>, vector<16xf32>,
        %mul3A_595 = vector.broadcast %squeeze3A_567 : f32 to vector<16xf32>
        %mul3A_596 = arith.mulf %get3A_594, %mul3A_595 : vector<16xf32>
        %swap3A_597 = arith.index_cast %add3A_565 : i32 to index
        %swap3A_598 = arith.constant 48 : index
        %swap3A_599 = tpu.vector_load %arg13[%swap3A_597, %swap3A_598] {strides = array<i32>} : memref<80x128xf32, #tpu.memory_space<vmem>>, vector<16xf32>,
        tpu.vector_store %arg13[%swap3A_597, %swap3A_598], %mul3A_596 {strides = array<i32>} : memref<80x128xf32, #tpu.memory_space<vmem>>, vector<16xf32>,
        %get3A_600 = arith.index_cast %add3A_565 : i32 to index
        %get3A_601 = arith.constant 64 : index
        %get3A_602 = tpu.vector_load %arg13[%get3A_600, %get3A_601] {strides = array<i32>} : memref<80x128xf32, #tpu.memory_space<vmem>>, vector<16xf32>,
        %mul3A_603 = vector.broadcast %squeeze3A_567 : f32 to vector<16xf32>
        %mul3A_604 = arith.mulf %get3A_602, %mul3A_603 : vector<16xf32>
        %swap3A_605 = arith.index_cast %add3A_565 : i32 to index
        %swap3A_606 = arith.constant 64 : index
        %swap3A_607 = tpu.vector_load %arg13[%swap3A_605, %swap3A_606] {strides = array<i32>} : memref<80x128xf32, #tpu.memory_space<vmem>>, vector<16xf32>,
        tpu.vector_store %arg13[%swap3A_605, %swap3A_606], %mul3A_604 {strides = array<i32>} : memref<80x128xf32, #tpu.memory_space<vmem>>, vector<16xf32>,
        %get3A_608 = arith.index_cast %add3A_565 : i32 to index
        %get3A_609 = arith.constant 80 : index
        %get3A_610 = tpu.vector_load %arg13[%get3A_608, %get3A_609] {strides = array<i32>} : memref<80x128xf32, #tpu.memory_space<vmem>>, vector<16xf32>,
        %mul3A_611 = vector.broadcast %squeeze3A_567 : f32 to vector<16xf32>
        %mul3A_612 = arith.mulf %get3A_610, %mul3A_611 : vector<16xf32>
        %swap3A_613 = arith.index_cast %add3A_565 : i32 to index
        %swap3A_614 = arith.constant 80 : index
        %swap3A_615 = tpu.vector_load %arg13[%swap3A_613, %swap3A_614] {strides = array<i32>} : memref<80x128xf32, #tpu.memory_space<vmem>>, vector<16xf32>,
        tpu.vector_store %arg13[%swap3A_613, %swap3A_614], %mul3A_612 {strides = array<i32>} : memref<80x128xf32, #tpu.memory_space<vmem>>, vector<16xf32>,
        %get3A_616 = arith.index_cast %add3A_565 : i32 to index
        %get3A_617 = arith.constant 96 : index
        %get3A_618 = tpu.vector_load %arg13[%get3A_616, %get3A_617] {strides = array<i32>} : memref<80x128xf32, #tpu.memory_space<vmem>>, vector<16xf32>,
        %mul3A_619 = vector.broadcast %squeeze3A_567 : f32 to vector<16xf32>
        %mul3A_620 = arith.mulf %get3A_618, %mul3A_619 : vector<16xf32>
        %swap3A_621 = arith.index_cast %add3A_565 : i32 to index
        %swap3A_622 = arith.constant 96 : index
        %swap3A_623 = tpu.vector_load %arg13[%swap3A_621, %swap3A_622] {strides = array<i32>} : memref<80x128xf32, #tpu.memory_space<vmem>>, vector<16xf32>,
        tpu.vector_store %arg13[%swap3A_621, %swap3A_622], %mul3A_620 {strides = array<i32>} : memref<80x128xf32, #tpu.memory_space<vmem>>, vector<16xf32>,
        %get3A_624 = arith.index_cast %add3A_565 : i32 to index
        %get3A_625 = arith.constant 112 : index
        %get3A_626 = tpu.vector_load %arg13[%get3A_624, %get3A_625] {strides = array<i32>} : memref<80x128xf32, #tpu.memory_space<vmem>>, vector<16xf32>,
        %mul3A_627 = vector.broadcast %squeeze3A_567 : f32 to vector<16xf32>
        %mul3A_628 = arith.mulf %get3A_626, %mul3A_627 : vector<16xf32>
        %swap3A_629 = arith.index_cast %add3A_565 : i32 to index
        %swap3A_630 = arith.constant 112 : index
        %swap3A_631 = tpu.vector_load %arg13[%swap3A_629, %swap3A_630] {strides = array<i32>} : memref<80x128xf32, #tpu.memory_space<vmem>>, vector<16xf32>,
        tpu.vector_store %arg13[%swap3A_629, %swap3A_630], %mul3A_628 {strides = array<i32>} : memref<80x128xf32, #tpu.memory_space<vmem>>, vector<16xf32>,
        %mul3A_632 = arith.constant 16 : i32
        %mul3A_633 = arith.muli %add3A_72, %mul3A_632 : i32
        %add3A_634 = arith.constant 7 : i32
        %add3A_635 = arith.addi %mul3A_633, %add3A_634 : i32
        %slice3A_636 = vector.extract_strided_slice %exp3A {offsets = [7], sizes = [1], strides = [1]} : vector<16xf32> to vector<1xf32>
        %squeeze3A_637 = vector.extract %slice3A_636[0] : f32 from vector<1xf32>
        %get3A_638 = arith.index_cast %add3A_635 : i32 to index
        %get3A_639 = arith.constant 0 : index
        %get3A_640 = tpu.vector_load %arg13[%get3A_638, %get3A_639] {strides = array<i32>} : memref<80x128xf32, #tpu.memory_space<vmem>>, vector<16xf32>,
        %mul3A_641 = vector.broadcast %squeeze3A_637 : f32 to vector<16xf32>
        %mul3A_642 = arith.mulf %get3A_640, %mul3A_641 : vector<16xf32>
        %swap3A_643 = arith.index_cast %add3A_635 : i32 to index
        %swap3A_644 = arith.constant 0 : index
        %swap3A_645 = tpu.vector_load %arg13[%swap3A_643, %swap3A_644] {strides = array<i32>} : memref<80x128xf32, #tpu.memory_space<vmem>>, vector<16xf32>,
        tpu.vector_store %arg13[%swap3A_643, %swap3A_644], %mul3A_642 {strides = array<i32>} : memref<80x128xf32, #tpu.memory_space<vmem>>, vector<16xf32>,
        %get3A_646 = arith.index_cast %add3A_635 : i32 to index
        %get3A_647 = arith.constant 16 : index
        %get3A_648 = tpu.vector_load %arg13[%get3A_646, %get3A_647] {strides = array<i32>} : memref<80x128xf32, #tpu.memory_space<vmem>>, vector<16xf32>,
        %mul3A_649 = vector.broadcast %squeeze3A_637 : f32 to vector<16xf32>
        %mul3A_650 = arith.mulf %get3A_648, %mul3A_649 : vector<16xf32>
        %swap3A_651 = arith.index_cast %add3A_635 : i32 to index
        %swap3A_652 = arith.constant 16 : index
        %swap3A_653 = tpu.vector_load %arg13[%swap3A_651, %swap3A_652] {strides = array<i32>} : memref<80x128xf32, #tpu.memory_space<vmem>>, vector<16xf32>,
        tpu.vector_store %arg13[%swap3A_651, %swap3A_652], %mul3A_650 {strides = array<i32>} : memref<80x128xf32, #tpu.memory_space<vmem>>, vector<16xf32>,
        %get3A_654 = arith.index_cast %add3A_635 : i32 to index
        %get3A_655 = arith.constant 32 : index
        %get3A_656 = tpu.vector_load %arg13[%get3A_654, %get3A_655] {strides = array<i32>} : memref<80x128xf32, #tpu.memory_space<vmem>>, vector<16xf32>,
        %mul3A_657 = vector.broadcast %squeeze3A_637 : f32 to vector<16xf32>
        %mul3A_658 = arith.mulf %get3A_656, %mul3A_657 : vector<16xf32>
        %swap3A_659 = arith.index_cast %add3A_635 : i32 to index
        %swap3A_660 = arith.constant 32 : index
        %swap3A_661 = tpu.vector_load %arg13[%swap3A_659, %swap3A_660] {strides = array<i32>} : memref<80x128xf32, #tpu.memory_space<vmem>>, vector<16xf32>,
        tpu.vector_store %arg13[%swap3A_659, %swap3A_660], %mul3A_658 {strides = array<i32>} : memref<80x128xf32, #tpu.memory_space<vmem>>, vector<16xf32>,
        %get3A_662 = arith.index_cast %add3A_635 : i32 to index
        %get3A_663 = arith.constant 48 : index
        %get3A_664 = tpu.vector_load %arg13[%get3A_662, %get3A_663] {strides = array<i32>} : memref<80x128xf32, #tpu.memory_space<vmem>>, vector<16xf32>,
        %mul3A_665 = vector.broadcast %squeeze3A_637 : f32 to vector<16xf32>
        %mul3A_666 = arith.mulf %get3A_664, %mul3A_665 : vector<16xf32>
        %swap3A_667 = arith.index_cast %add3A_635 : i32 to index
        %swap3A_668 = arith.constant 48 : index
        %swap3A_669 = tpu.vector_load %arg13[%swap3A_667, %swap3A_668] {strides = array<i32>} : memref<80x128xf32, #tpu.memory_space<vmem>>, vector<16xf32>,
        tpu.vector_store %arg13[%swap3A_667, %swap3A_668], %mul3A_666 {strides = array<i32>} : memref<80x128xf32, #tpu.memory_space<vmem>>, vector<16xf32>,
        %get3A_670 = arith.index_cast %add3A_635 : i32 to index
        %get3A_671 = arith.constant 64 : index
        %get3A_672 = tpu.vector_load %arg13[%get3A_670, %get3A_671] {strides = array<i32>} : memref<80x128xf32, #tpu.memory_space<vmem>>, vector<16xf32>,
        %mul3A_673 = vector.broadcast %squeeze3A_637 : f32 to vector<16xf32>
        %mul3A_674 = arith.mulf %get3A_672, %mul3A_673 : vector<16xf32>
        %swap3A_675 = arith.index_cast %add3A_635 : i32 to index
        %swap3A_676 = arith.constant 64 : index
        %swap3A_677 = tpu.vector_load %arg13[%swap3A_675, %swap3A_676] {strides = array<i32>} : memref<80x128xf32, #tpu.memory_space<vmem>>, vector<16xf32>,
        tpu.vector_store %arg13[%swap3A_675, %swap3A_676], %mul3A_674 {strides = array<i32>} : memref<80x128xf32, #tpu.memory_space<vmem>>, vector<16xf32>,
        %get3A_678 = arith.index_cast %add3A_635 : i32 to index
        %get3A_679 = arith.constant 80 : index
        %get3A_680 = tpu.vector_load %arg13[%get3A_678, %get3A_679] {strides = array<i32>} : memref<80x128xf32, #tpu.memory_space<vmem>>, vector<16xf32>,
        %mul3A_681 = vector.broadcast %squeeze3A_637 : f32 to vector<16xf32>
        %mul3A_682 = arith.mulf %get3A_680, %mul3A_681 : vector<16xf32>
        %swap3A_683 = arith.index_cast %add3A_635 : i32 to index
        %swap3A_684 = arith.constant 80 : index
        %swap3A_685 = tpu.vector_load %arg13[%swap3A_683, %swap3A_684] {strides = array<i32>} : memref<80x128xf32, #tpu.memory_space<vmem>>, vector<16xf32>,
        tpu.vector_store %arg13[%swap3A_683, %swap3A_684], %mul3A_682 {strides = array<i32>} : memref<80x128xf32, #tpu.memory_space<vmem>>, vector<16xf32>,
        %get3A_686 = arith.index_cast %add3A_635 : i32 to index
        %get3A_687 = arith.constant 96 : index
        %get3A_688 = tpu.vector_load %arg13[%get3A_686, %get3A_687] {strides = array<i32>} : memref<80x128xf32, #tpu.memory_space<vmem>>, vector<16xf32>,
        %mul3A_689 = vector.broadcast %squeeze3A_637 : f32 to vector<16xf32>
        %mul3A_690 = arith.mulf %get3A_688, %mul3A_689 : vector<16xf32>
        %swap3A_691 = arith.index_cast %add3A_635 : i32 to index
        %swap3A_692 = arith.constant 96 : index
        %swap3A_693 = tpu.vector_load %arg13[%swap3A_691, %swap3A_692] {strides = array<i32>} : memref<80x128xf32, #tpu.memory_space<vmem>>, vector<16xf32>,
        tpu.vector_store %arg13[%swap3A_691, %swap3A_692], %mul3A_690 {strides = array<i32>} : memref<80x128xf32, #tpu.memory_space<vmem>>, vector<16xf32>,
        %get3A_694 = arith.index_cast %add3A_635 : i32 to index
        %get3A_695 = arith.constant 112 : index
        %get3A_696 = tpu.vector_load %arg13[%get3A_694, %get3A_695] {strides = array<i32>} : memref<80x128xf32, #tpu.memory_space<vmem>>, vector<16xf32>,
        %mul3A_697 = vector.broadcast %squeeze3A_637 : f32 to vector<16xf32>
        %mul3A_698 = arith.mulf %get3A_696, %mul3A_697 : vector<16xf32>
        %swap3A_699 = arith.index_cast %add3A_635 : i32 to index
        %swap3A_700 = arith.constant 112 : index
        %swap3A_701 = tpu.vector_load %arg13[%swap3A_699, %swap3A_700] {strides = array<i32>} : memref<80x128xf32, #tpu.memory_space<vmem>>, vector<16xf32>,
        tpu.vector_store %arg13[%swap3A_699, %swap3A_700], %mul3A_698 {strides = array<i32>} : memref<80x128xf32, #tpu.memory_space<vmem>>, vector<16xf32>,
        %mul3A_702 = arith.constant 16 : i32
        %mul3A_703 = arith.muli %add3A_72, %mul3A_702 : i32
        %add3A_704 = arith.constant 8 : i32
        %add3A_705 = arith.addi %mul3A_703, %add3A_704 : i32
        %slice3A_706 = vector.extract_strided_slice %exp3A {offsets = [8], sizes = [1], strides = [1]} : vector<16xf32> to vector<1xf32>
        %squeeze3A_707 = vector.extract %slice3A_706[0] : f32 from vector<1xf32>
        %get3A_708 = arith.index_cast %add3A_705 : i32 to index
        %get3A_709 = arith.constant 0 : index
        %get3A_710 = tpu.vector_load %arg13[%get3A_708, %get3A_709] {strides = array<i32>} : memref<80x128xf32, #tpu.memory_space<vmem>>, vector<16xf32>,
        %mul3A_711 = vector.broadcast %squeeze3A_707 : f32 to vector<16xf32>
        %mul3A_712 = arith.mulf %get3A_710, %mul3A_711 : vector<16xf32>
        %swap3A_713 = arith.index_cast %add3A_705 : i32 to index
        %swap3A_714 = arith.constant 0 : index
        %swap3A_715 = tpu.vector_load %arg13[%swap3A_713, %swap3A_714] {strides = array<i32>} : memref<80x128xf32, #tpu.memory_space<vmem>>, vector<16xf32>,
        tpu.vector_store %arg13[%swap3A_713, %swap3A_714], %mul3A_712 {strides = array<i32>} : memref<80x128xf32, #tpu.memory_space<vmem>>, vector<16xf32>,
        %get3A_716 = arith.index_cast %add3A_705 : i32 to index
        %get3A_717 = arith.constant 16 : index
        %get3A_718 = tpu.vector_load %arg13[%get3A_716, %get3A_717] {strides = array<i32>} : memref<80x128xf32, #tpu.memory_space<vmem>>, vector<16xf32>,
        %mul3A_719 = vector.broadcast %squeeze3A_707 : f32 to vector<16xf32>
        %mul3A_720 = arith.mulf %get3A_718, %mul3A_719 : vector<16xf32>
        %swap3A_721 = arith.index_cast %add3A_705 : i32 to index
        %swap3A_722 = arith.constant 16 : index
        %swap3A_723 = tpu.vector_load %arg13[%swap3A_721, %swap3A_722] {strides = array<i32>} : memref<80x128xf32, #tpu.memory_space<vmem>>, vector<16xf32>,
        tpu.vector_store %arg13[%swap3A_721, %swap3A_722], %mul3A_720 {strides = array<i32>} : memref<80x128xf32, #tpu.memory_space<vmem>>, vector<16xf32>,
        %get3A_724 = arith.index_cast %add3A_705 : i32 to index
        %get3A_725 = arith.constant 32 : index
        %get3A_726 = tpu.vector_load %arg13[%get3A_724, %get3A_725] {strides = array<i32>} : memref<80x128xf32, #tpu.memory_space<vmem>>, vector<16xf32>,
        %mul3A_727 = vector.broadcast %squeeze3A_707 : f32 to vector<16xf32>
        %mul3A_728 = arith.mulf %get3A_726, %mul3A_727 : vector<16xf32>
        %swap3A_729 = arith.index_cast %add3A_705 : i32 to index
        %swap3A_730 = arith.constant 32 : index
        %swap3A_731 = tpu.vector_load %arg13[%swap3A_729, %swap3A_730] {strides = array<i32>} : memref<80x128xf32, #tpu.memory_space<vmem>>, vector<16xf32>,
        tpu.vector_store %arg13[%swap3A_729, %swap3A_730], %mul3A_728 {strides = array<i32>} : memref<80x128xf32, #tpu.memory_space<vmem>>, vector<16xf32>,
        %get3A_732 = arith.index_cast %add3A_705 : i32 to index
        %get3A_733 = arith.constant 48 : index
        %get3A_734 = tpu.vector_load %arg13[%get3A_732, %get3A_733] {strides = array<i32>} : memref<80x128xf32, #tpu.memory_space<vmem>>, vector<16xf32>,
        %mul3A_735 = vector.broadcast %squeeze3A_707 : f32 to vector<16xf32>
        %mul3A_736 = arith.mulf %get3A_734, %mul3A_735 : vector<16xf32>
        %swap3A_737 = arith.index_cast %add3A_705 : i32 to index
        %swap3A_738 = arith.constant 48 : index
        %swap3A_739 = tpu.vector_load %arg13[%swap3A_737, %swap3A_738] {strides = array<i32>} : memref<80x128xf32, #tpu.memory_space<vmem>>, vector<16xf32>,
        tpu.vector_store %arg13[%swap3A_737, %swap3A_738], %mul3A_736 {strides = array<i32>} : memref<80x128xf32, #tpu.memory_space<vmem>>, vector<16xf32>,
        %get3A_740 = arith.index_cast %add3A_705 : i32 to index
        %get3A_741 = arith.constant 64 : index
        %get3A_742 = tpu.vector_load %arg13[%get3A_740, %get3A_741] {strides = array<i32>} : memref<80x128xf32, #tpu.memory_space<vmem>>, vector<16xf32>,
        %mul3A_743 = vector.broadcast %squeeze3A_707 : f32 to vector<16xf32>
        %mul3A_744 = arith.mulf %get3A_742, %mul3A_743 : vector<16xf32>
        %swap3A_745 = arith.index_cast %add3A_705 : i32 to index
        %swap3A_746 = arith.constant 64 : index
        %swap3A_747 = tpu.vector_load %arg13[%swap3A_745, %swap3A_746] {strides = array<i32>} : memref<80x128xf32, #tpu.memory_space<vmem>>, vector<16xf32>,
        tpu.vector_store %arg13[%swap3A_745, %swap3A_746], %mul3A_744 {strides = array<i32>} : memref<80x128xf32, #tpu.memory_space<vmem>>, vector<16xf32>,
        %get3A_748 = arith.index_cast %add3A_705 : i32 to index
        %get3A_749 = arith.constant 80 : index
        %get3A_750 = tpu.vector_load %arg13[%get3A_748, %get3A_749] {strides = array<i32>} : memref<80x128xf32, #tpu.memory_space<vmem>>, vector<16xf32>,
        %mul3A_751 = vector.broadcast %squeeze3A_707 : f32 to vector<16xf32>
        %mul3A_752 = arith.mulf %get3A_750, %mul3A_751 : vector<16xf32>
        %swap3A_753 = arith.index_cast %add3A_705 : i32 to index
        %swap3A_754 = arith.constant 80 : index
        %swap3A_755 = tpu.vector_load %arg13[%swap3A_753, %swap3A_754] {strides = array<i32>} : memref<80x128xf32, #tpu.memory_space<vmem>>, vector<16xf32>,
        tpu.vector_store %arg13[%swap3A_753, %swap3A_754], %mul3A_752 {strides = array<i32>} : memref<80x128xf32, #tpu.memory_space<vmem>>, vector<16xf32>,
        %get3A_756 = arith.index_cast %add3A_705 : i32 to index
        %get3A_757 = arith.constant 96 : index
        %get3A_758 = tpu.vector_load %arg13[%get3A_756, %get3A_757] {strides = array<i32>} : memref<80x128xf32, #tpu.memory_space<vmem>>, vector<16xf32>,
        %mul3A_759 = vector.broadcast %squeeze3A_707 : f32 to vector<16xf32>
        %mul3A_760 = arith.mulf %get3A_758, %mul3A_759 : vector<16xf32>
        %swap3A_761 = arith.index_cast %add3A_705 : i32 to index
        %swap3A_762 = arith.constant 96 : index
        %swap3A_763 = tpu.vector_load %arg13[%swap3A_761, %swap3A_762] {strides = array<i32>} : memref<80x128xf32, #tpu.memory_space<vmem>>, vector<16xf32>,
        tpu.vector_store %arg13[%swap3A_761, %swap3A_762], %mul3A_760 {strides = array<i32>} : memref<80x128xf32, #tpu.memory_space<vmem>>, vector<16xf32>,
        %get3A_764 = arith.index_cast %add3A_705 : i32 to index
        %get3A_765 = arith.constant 112 : index
        %get3A_766 = tpu.vector_load %arg13[%get3A_764, %get3A_765] {strides = array<i32>} : memref<80x128xf32, #tpu.memory_space<vmem>>, vector<16xf32>,
        %mul3A_767 = vector.broadcast %squeeze3A_707 : f32 to vector<16xf32>
        %mul3A_768 = arith.mulf %get3A_766, %mul3A_767 : vector<16xf32>
        %swap3A_769 = arith.index_cast %add3A_705 : i32 to index
        %swap3A_770 = arith.constant 112 : index
        %swap3A_771 = tpu.vector_load %arg13[%swap3A_769, %swap3A_770] {strides = array<i32>} : memref<80x128xf32, #tpu.memory_space<vmem>>, vector<16xf32>,
        tpu.vector_store %arg13[%swap3A_769, %swap3A_770], %mul3A_768 {strides = array<i32>} : memref<80x128xf32, #tpu.memory_space<vmem>>, vector<16xf32>,
        %mul3A_772 = arith.constant 16 : i32
        %mul3A_773 = arith.muli %add3A_72, %mul3A_772 : i32
        %add3A_774 = arith.constant 9 : i32
        %add3A_775 = arith.addi %mul3A_773, %add3A_774 : i32
        %slice3A_776 = vector.extract_strided_slice %exp3A {offsets = [9], sizes = [1], strides = [1]} : vector<16xf32> to vector<1xf32>
        %squeeze3A_777 = vector.extract %slice3A_776[0] : f32 from vector<1xf32>
        %get3A_778 = arith.index_cast %add3A_775 : i32 to index
        %get3A_779 = arith.constant 0 : index
        %get3A_780 = tpu.vector_load %arg13[%get3A_778, %get3A_779] {strides = array<i32>} : memref<80x128xf32, #tpu.memory_space<vmem>>, vector<16xf32>,
        %mul3A_781 = vector.broadcast %squeeze3A_777 : f32 to vector<16xf32>
        %mul3A_782 = arith.mulf %get3A_780, %mul3A_781 : vector<16xf32>
        %swap3A_783 = arith.index_cast %add3A_775 : i32 to index
        %swap3A_784 = arith.constant 0 : index
        %swap3A_785 = tpu.vector_load %arg13[%swap3A_783, %swap3A_784] {strides = array<i32>} : memref<80x128xf32, #tpu.memory_space<vmem>>, vector<16xf32>,
        tpu.vector_store %arg13[%swap3A_783, %swap3A_784], %mul3A_782 {strides = array<i32>} : memref<80x128xf32, #tpu.memory_space<vmem>>, vector<16xf32>,
        %get3A_786 = arith.index_cast %add3A_775 : i32 to index
        %get3A_787 = arith.constant 16 : index
        %get3A_788 = tpu.vector_load %arg13[%get3A_786, %get3A_787] {strides = array<i32>} : memref<80x128xf32, #tpu.memory_space<vmem>>, vector<16xf32>,
        %mul3A_789 = vector.broadcast %squeeze3A_777 : f32 to vector<16xf32>
        %mul3A_790 = arith.mulf %get3A_788, %mul3A_789 : vector<16xf32>
        %swap3A_791 = arith.index_cast %add3A_775 : i32 to index
        %swap3A_792 = arith.constant 16 : index
        %swap3A_793 = tpu.vector_load %arg13[%swap3A_791, %swap3A_792] {strides = array<i32>} : memref<80x128xf32, #tpu.memory_space<vmem>>, vector<16xf32>,
        tpu.vector_store %arg13[%swap3A_791, %swap3A_792], %mul3A_790 {strides = array<i32>} : memref<80x128xf32, #tpu.memory_space<vmem>>, vector<16xf32>,
        %get3A_794 = arith.index_cast %add3A_775 : i32 to index
        %get3A_795 = arith.constant 32 : index
        %get3A_796 = tpu.vector_load %arg13[%get3A_794, %get3A_795] {strides = array<i32>} : memref<80x128xf32, #tpu.memory_space<vmem>>, vector<16xf32>,
        %mul3A_797 = vector.broadcast %squeeze3A_777 : f32 to vector<16xf32>
        %mul3A_798 = arith.mulf %get3A_796, %mul3A_797 : vector<16xf32>
        %swap3A_799 = arith.index_cast %add3A_775 : i32 to index
        %swap3A_800 = arith.constant 32 : index
        %swap3A_801 = tpu.vector_load %arg13[%swap3A_799, %swap3A_800] {strides = array<i32>} : memref<80x128xf32, #tpu.memory_space<vmem>>, vector<16xf32>,
        tpu.vector_store %arg13[%swap3A_799, %swap3A_800], %mul3A_798 {strides = array<i32>} : memref<80x128xf32, #tpu.memory_space<vmem>>, vector<16xf32>,
        %get3A_802 = arith.index_cast %add3A_775 : i32 to index
        %get3A_803 = arith.constant 48 : index
        %get3A_804 = tpu.vector_load %arg13[%get3A_802, %get3A_803] {strides = array<i32>} : memref<80x128xf32, #tpu.memory_space<vmem>>, vector<16xf32>,
        %mul3A_805 = vector.broadcast %squeeze3A_777 : f32 to vector<16xf32>
        %mul3A_806 = arith.mulf %get3A_804, %mul3A_805 : vector<16xf32>
        %swap3A_807 = arith.index_cast %add3A_775 : i32 to index
        %swap3A_808 = arith.constant 48 : index
        %swap3A_809 = tpu.vector_load %arg13[%swap3A_807, %swap3A_808] {strides = array<i32>} : memref<80x128xf32, #tpu.memory_space<vmem>>, vector<16xf32>,
        tpu.vector_store %arg13[%swap3A_807, %swap3A_808], %mul3A_806 {strides = array<i32>} : memref<80x128xf32, #tpu.memory_space<vmem>>, vector<16xf32>,
        %get3A_810 = arith.index_cast %add3A_775 : i32 to index
        %get3A_811 = arith.constant 64 : index
        %get3A_812 = tpu.vector_load %arg13[%get3A_810, %get3A_811] {strides = array<i32>} : memref<80x128xf32, #tpu.memory_space<vmem>>, vector<16xf32>,
        %mul3A_813 = vector.broadcast %squeeze3A_777 : f32 to vector<16xf32>
        %mul3A_814 = arith.mulf %get3A_812, %mul3A_813 : vector<16xf32>
        %swap3A_815 = arith.index_cast %add3A_775 : i32 to index
        %swap3A_816 = arith.constant 64 : index
        %swap3A_817 = tpu.vector_load %arg13[%swap3A_815, %swap3A_816] {strides = array<i32>} : memref<80x128xf32, #tpu.memory_space<vmem>>, vector<16xf32>,
        tpu.vector_store %arg13[%swap3A_815, %swap3A_816], %mul3A_814 {strides = array<i32>} : memref<80x128xf32, #tpu.memory_space<vmem>>, vector<16xf32>,
        %get3A_818 = arith.index_cast %add3A_775 : i32 to index
        %get3A_819 = arith.constant 80 : index
        %get3A_820 = tpu.vector_load %arg13[%get3A_818, %get3A_819] {strides = array<i32>} : memref<80x128xf32, #tpu.memory_space<vmem>>, vector<16xf32>,
        %mul3A_821 = vector.broadcast %squeeze3A_777 : f32 to vector<16xf32>
        %mul3A_822 = arith.mulf %get3A_820, %mul3A_821 : vector<16xf32>
        %swap3A_823 = arith.index_cast %add3A_775 : i32 to index
        %swap3A_824 = arith.constant 80 : index
        %swap3A_825 = tpu.vector_load %arg13[%swap3A_823, %swap3A_824] {strides = array<i32>} : memref<80x128xf32, #tpu.memory_space<vmem>>, vector<16xf32>,
        tpu.vector_store %arg13[%swap3A_823, %swap3A_824], %mul3A_822 {strides = array<i32>} : memref<80x128xf32, #tpu.memory_space<vmem>>, vector<16xf32>,
        %get3A_826 = arith.index_cast %add3A_775 : i32 to index
        %get3A_827 = arith.constant 96 : index
        %get3A_828 = tpu.vector_load %arg13[%get3A_826, %get3A_827] {strides = array<i32>} : memref<80x128xf32, #tpu.memory_space<vmem>>, vector<16xf32>,
        %mul3A_829 = vector.broadcast %squeeze3A_777 : f32 to vector<16xf32>
        %mul3A_830 = arith.mulf %get3A_828, %mul3A_829 : vector<16xf32>
        %swap3A_831 = arith.index_cast %add3A_775 : i32 to index
        %swap3A_832 = arith.constant 96 : index
        %swap3A_833 = tpu.vector_load %arg13[%swap3A_831, %swap3A_832] {strides = array<i32>} : memref<80x128xf32, #tpu.memory_space<vmem>>, vector<16xf32>,
        tpu.vector_store %arg13[%swap3A_831, %swap3A_832], %mul3A_830 {strides = array<i32>} : memref<80x128xf32, #tpu.memory_space<vmem>>, vector<16xf32>,
        %get3A_834 = arith.index_cast %add3A_775 : i32 to index
        %get3A_835 = arith.constant 112 : index
        %get3A_836 = tpu.vector_load %arg13[%get3A_834, %get3A_835] {strides = array<i32>} : memref<80x128xf32, #tpu.memory_space<vmem>>, vector<16xf32>,
        %mul3A_837 = vector.broadcast %squeeze3A_777 : f32 to vector<16xf32>
        %mul3A_838 = arith.mulf %get3A_836, %mul3A_837 : vector<16xf32>
        %swap3A_839 = arith.index_cast %add3A_775 : i32 to index
        %swap3A_840 = arith.constant 112 : index
        %swap3A_841 = tpu.vector_load %arg13[%swap3A_839, %swap3A_840] {strides = array<i32>} : memref<80x128xf32, #tpu.memory_space<vmem>>, vector<16xf32>,
        tpu.vector_store %arg13[%swap3A_839, %swap3A_840], %mul3A_838 {strides = array<i32>} : memref<80x128xf32, #tpu.memory_space<vmem>>, vector<16xf32>,
        %mul3A_842 = arith.constant 16 : i32
        %mul3A_843 = arith.muli %add3A_72, %mul3A_842 : i32
        %add3A_844 = arith.constant 10 : i32
        %add3A_845 = arith.addi %mul3A_843, %add3A_844 : i32
        %slice3A_846 = vector.extract_strided_slice %exp3A {offsets = [10], sizes = [1], strides = [1]} : vector<16xf32> to vector<1xf32>
        %squeeze3A_847 = vector.extract %slice3A_846[0] : f32 from vector<1xf32>
        %get3A_848 = arith.index_cast %add3A_845 : i32 to index
        %get3A_849 = arith.constant 0 : index
        %get3A_850 = tpu.vector_load %arg13[%get3A_848, %get3A_849] {strides = array<i32>} : memref<80x128xf32, #tpu.memory_space<vmem>>, vector<16xf32>,
        %mul3A_851 = vector.broadcast %squeeze3A_847 : f32 to vector<16xf32>
        %mul3A_852 = arith.mulf %get3A_850, %mul3A_851 : vector<16xf32>
        %swap3A_853 = arith.index_cast %add3A_845 : i32 to index
        %swap3A_854 = arith.constant 0 : index
        %swap3A_855 = tpu.vector_load %arg13[%swap3A_853, %swap3A_854] {strides = array<i32>} : memref<80x128xf32, #tpu.memory_space<vmem>>, vector<16xf32>,
        tpu.vector_store %arg13[%swap3A_853, %swap3A_854], %mul3A_852 {strides = array<i32>} : memref<80x128xf32, #tpu.memory_space<vmem>>, vector<16xf32>,
        %get3A_856 = arith.index_cast %add3A_845 : i32 to index
        %get3A_857 = arith.constant 16 : index
        %get3A_858 = tpu.vector_load %arg13[%get3A_856, %get3A_857] {strides = array<i32>} : memref<80x128xf32, #tpu.memory_space<vmem>>, vector<16xf32>,
        %mul3A_859 = vector.broadcast %squeeze3A_847 : f32 to vector<16xf32>
        %mul3A_860 = arith.mulf %get3A_858, %mul3A_859 : vector<16xf32>
        %swap3A_861 = arith.index_cast %add3A_845 : i32 to index
        %swap3A_862 = arith.constant 16 : index
        %swap3A_863 = tpu.vector_load %arg13[%swap3A_861, %swap3A_862] {strides = array<i32>} : memref<80x128xf32, #tpu.memory_space<vmem>>, vector<16xf32>,
        tpu.vector_store %arg13[%swap3A_861, %swap3A_862], %mul3A_860 {strides = array<i32>} : memref<80x128xf32, #tpu.memory_space<vmem>>, vector<16xf32>,
        %get3A_864 = arith.index_cast %add3A_845 : i32 to index
        %get3A_865 = arith.constant 32 : index
        %get3A_866 = tpu.vector_load %arg13[%get3A_864, %get3A_865] {strides = array<i32>} : memref<80x128xf32, #tpu.memory_space<vmem>>, vector<16xf32>,
        %mul3A_867 = vector.broadcast %squeeze3A_847 : f32 to vector<16xf32>
        %mul3A_868 = arith.mulf %get3A_866, %mul3A_867 : vector<16xf32>
        %swap3A_869 = arith.index_cast %add3A_845 : i32 to index
        %swap3A_870 = arith.constant 32 : index
        %swap3A_871 = tpu.vector_load %arg13[%swap3A_869, %swap3A_870] {strides = array<i32>} : memref<80x128xf32, #tpu.memory_space<vmem>>, vector<16xf32>,
        tpu.vector_store %arg13[%swap3A_869, %swap3A_870], %mul3A_868 {strides = array<i32>} : memref<80x128xf32, #tpu.memory_space<vmem>>, vector<16xf32>,
        %get3A_872 = arith.index_cast %add3A_845 : i32 to index
        %get3A_873 = arith.constant 48 : index
        %get3A_874 = tpu.vector_load %arg13[%get3A_872, %get3A_873] {strides = array<i32>} : memref<80x128xf32, #tpu.memory_space<vmem>>, vector<16xf32>,
        %mul3A_875 = vector.broadcast %squeeze3A_847 : f32 to vector<16xf32>
        %mul3A_876 = arith.mulf %get3A_874, %mul3A_875 : vector<16xf32>
        %swap3A_877 = arith.index_cast %add3A_845 : i32 to index
        %swap3A_878 = arith.constant 48 : index
        %swap3A_879 = tpu.vector_load %arg13[%swap3A_877, %swap3A_878] {strides = array<i32>} : memref<80x128xf32, #tpu.memory_space<vmem>>, vector<16xf32>,
        tpu.vector_store %arg13[%swap3A_877, %swap3A_878], %mul3A_876 {strides = array<i32>} : memref<80x128xf32, #tpu.memory_space<vmem>>, vector<16xf32>,
        %get3A_880 = arith.index_cast %add3A_845 : i32 to index
        %get3A_881 = arith.constant 64 : index
        %get3A_882 = tpu.vector_load %arg13[%get3A_880, %get3A_881] {strides = array<i32>} : memref<80x128xf32, #tpu.memory_space<vmem>>, vector<16xf32>,
        %mul3A_883 = vector.broadcast %squeeze3A_847 : f32 to vector<16xf32>
        %mul3A_884 = arith.mulf %get3A_882, %mul3A_883 : vector<16xf32>
        %swap3A_885 = arith.index_cast %add3A_845 : i32 to index
        %swap3A_886 = arith.constant 64 : index
        %swap3A_887 = tpu.vector_load %arg13[%swap3A_885, %swap3A_886] {strides = array<i32>} : memref<80x128xf32, #tpu.memory_space<vmem>>, vector<16xf32>,
        tpu.vector_store %arg13[%swap3A_885, %swap3A_886], %mul3A_884 {strides = array<i32>} : memref<80x128xf32, #tpu.memory_space<vmem>>, vector<16xf32>,
        %get3A_888 = arith.index_cast %add3A_845 : i32 to index
        %get3A_889 = arith.constant 80 : index
        %get3A_890 = tpu.vector_load %arg13[%get3A_888, %get3A_889] {strides = array<i32>} : memref<80x128xf32, #tpu.memory_space<vmem>>, vector<16xf32>,
        %mul3A_891 = vector.broadcast %squeeze3A_847 : f32 to vector<16xf32>
        %mul3A_892 = arith.mulf %get3A_890, %mul3A_891 : vector<16xf32>
        %swap3A_893 = arith.index_cast %add3A_845 : i32 to index
        %swap3A_894 = arith.constant 80 : index
        %swap3A_895 = tpu.vector_load %arg13[%swap3A_893, %swap3A_894] {strides = array<i32>} : memref<80x128xf32, #tpu.memory_space<vmem>>, vector<16xf32>,
        tpu.vector_store %arg13[%swap3A_893, %swap3A_894], %mul3A_892 {strides = array<i32>} : memref<80x128xf32, #tpu.memory_space<vmem>>, vector<16xf32>,
        %get3A_896 = arith.index_cast %add3A_845 : i32 to index
        %get3A_897 = arith.constant 96 : index
        %get3A_898 = tpu.vector_load %arg13[%get3A_896, %get3A_897] {strides = array<i32>} : memref<80x128xf32, #tpu.memory_space<vmem>>, vector<16xf32>,
        %mul3A_899 = vector.broadcast %squeeze3A_847 : f32 to vector<16xf32>
        %mul3A_900 = arith.mulf %get3A_898, %mul3A_899 : vector<16xf32>
        %swap3A_901 = arith.index_cast %add3A_845 : i32 to index
        %swap3A_902 = arith.constant 96 : index
        %swap3A_903 = tpu.vector_load %arg13[%swap3A_901, %swap3A_902] {strides = array<i32>} : memref<80x128xf32, #tpu.memory_space<vmem>>, vector<16xf32>,
        tpu.vector_store %arg13[%swap3A_901, %swap3A_902], %mul3A_900 {strides = array<i32>} : memref<80x128xf32, #tpu.memory_space<vmem>>, vector<16xf32>,
        %get3A_904 = arith.index_cast %add3A_845 : i32 to index
        %get3A_905 = arith.constant 112 : index
        %get3A_906 = tpu.vector_load %arg13[%get3A_904, %get3A_905] {strides = array<i32>} : memref<80x128xf32, #tpu.memory_space<vmem>>, vector<16xf32>,
        %mul3A_907 = vector.broadcast %squeeze3A_847 : f32 to vector<16xf32>
        %mul3A_908 = arith.mulf %get3A_906, %mul3A_907 : vector<16xf32>
        %swap3A_909 = arith.index_cast %add3A_845 : i32 to index
        %swap3A_910 = arith.constant 112 : index
        %swap3A_911 = tpu.vector_load %arg13[%swap3A_909, %swap3A_910] {strides = array<i32>} : memref<80x128xf32, #tpu.memory_space<vmem>>, vector<16xf32>,
        tpu.vector_store %arg13[%swap3A_909, %swap3A_910], %mul3A_908 {strides = array<i32>} : memref<80x128xf32, #tpu.memory_space<vmem>>, vector<16xf32>,
        %mul3A_912 = arith.constant 16 : i32
        %mul3A_913 = arith.muli %add3A_72, %mul3A_912 : i32
        %add3A_914 = arith.constant 11 : i32
        %add3A_915 = arith.addi %mul3A_913, %add3A_914 : i32
        %slice3A_916 = vector.extract_strided_slice %exp3A {offsets = [11], sizes = [1], strides = [1]} : vector<16xf32> to vector<1xf32>
        %squeeze3A_917 = vector.extract %slice3A_916[0] : f32 from vector<1xf32>
        %get3A_918 = arith.index_cast %add3A_915 : i32 to index
        %get3A_919 = arith.constant 0 : index
        %get3A_920 = tpu.vector_load %arg13[%get3A_918, %get3A_919] {strides = array<i32>} : memref<80x128xf32, #tpu.memory_space<vmem>>, vector<16xf32>,
        %mul3A_921 = vector.broadcast %squeeze3A_917 : f32 to vector<16xf32>
        %mul3A_922 = arith.mulf %get3A_920, %mul3A_921 : vector<16xf32>
        %swap3A_923 = arith.index_cast %add3A_915 : i32 to index
        %swap3A_924 = arith.constant 0 : index
        %swap3A_925 = tpu.vector_load %arg13[%swap3A_923, %swap3A_924] {strides = array<i32>} : memref<80x128xf32, #tpu.memory_space<vmem>>, vector<16xf32>,
        tpu.vector_store %arg13[%swap3A_923, %swap3A_924], %mul3A_922 {strides = array<i32>} : memref<80x128xf32, #tpu.memory_space<vmem>>, vector<16xf32>,
        %get3A_926 = arith.index_cast %add3A_915 : i32 to index
        %get3A_927 = arith.constant 16 : index
        %get3A_928 = tpu.vector_load %arg13[%get3A_926, %get3A_927] {strides = array<i32>} : memref<80x128xf32, #tpu.memory_space<vmem>>, vector<16xf32>,
        %mul3A_929 = vector.broadcast %squeeze3A_917 : f32 to vector<16xf32>
        %mul3A_930 = arith.mulf %get3A_928, %mul3A_929 : vector<16xf32>
        %swap3A_931 = arith.index_cast %add3A_915 : i32 to index
        %swap3A_932 = arith.constant 16 : index
        %swap3A_933 = tpu.vector_load %arg13[%swap3A_931, %swap3A_932] {strides = array<i32>} : memref<80x128xf32, #tpu.memory_space<vmem>>, vector<16xf32>,
        tpu.vector_store %arg13[%swap3A_931, %swap3A_932], %mul3A_930 {strides = array<i32>} : memref<80x128xf32, #tpu.memory_space<vmem>>, vector<16xf32>,
        %get3A_934 = arith.index_cast %add3A_915 : i32 to index
        %get3A_935 = arith.constant 32 : index
        %get3A_936 = tpu.vector_load %arg13[%get3A_934, %get3A_935] {strides = array<i32>} : memref<80x128xf32, #tpu.memory_space<vmem>>, vector<16xf32>,
        %mul3A_937 = vector.broadcast %squeeze3A_917 : f32 to vector<16xf32>
        %mul3A_938 = arith.mulf %get3A_936, %mul3A_937 : vector<16xf32>
        %swap3A_939 = arith.index_cast %add3A_915 : i32 to index
        %swap3A_940 = arith.constant 32 : index
        %swap3A_941 = tpu.vector_load %arg13[%swap3A_939, %swap3A_940] {strides = array<i32>} : memref<80x128xf32, #tpu.memory_space<vmem>>, vector<16xf32>,
        tpu.vector_store %arg13[%swap3A_939, %swap3A_940], %mul3A_938 {strides = array<i32>} : memref<80x128xf32, #tpu.memory_space<vmem>>, vector<16xf32>,
        %get3A_942 = arith.index_cast %add3A_915 : i32 to index
        %get3A_943 = arith.constant 48 : index
        %get3A_944 = tpu.vector_load %arg13[%get3A_942, %get3A_943] {strides = array<i32>} : memref<80x128xf32, #tpu.memory_space<vmem>>, vector<16xf32>,
        %mul3A_945 = vector.broadcast %squeeze3A_917 : f32 to vector<16xf32>
        %mul3A_946 = arith.mulf %get3A_944, %mul3A_945 : vector<16xf32>
        %swap3A_947 = arith.index_cast %add3A_915 : i32 to index
        %swap3A_948 = arith.constant 48 : index
        %swap3A_949 = tpu.vector_load %arg13[%swap3A_947, %swap3A_948] {strides = array<i32>} : memref<80x128xf32, #tpu.memory_space<vmem>>, vector<16xf32>,
        tpu.vector_store %arg13[%swap3A_947, %swap3A_948], %mul3A_946 {strides = array<i32>} : memref<80x128xf32, #tpu.memory_space<vmem>>, vector<16xf32>,
        %get3A_950 = arith.index_cast %add3A_915 : i32 to index
        %get3A_951 = arith.constant 64 : index
        %get3A_952 = tpu.vector_load %arg13[%get3A_950, %get3A_951] {strides = array<i32>} : memref<80x128xf32, #tpu.memory_space<vmem>>, vector<16xf32>,
        %mul3A_953 = vector.broadcast %squeeze3A_917 : f32 to vector<16xf32>
        %mul3A_954 = arith.mulf %get3A_952, %mul3A_953 : vector<16xf32>
        %swap3A_955 = arith.index_cast %add3A_915 : i32 to index
        %swap3A_956 = arith.constant 64 : index
        %swap3A_957 = tpu.vector_load %arg13[%swap3A_955, %swap3A_956] {strides = array<i32>} : memref<80x128xf32, #tpu.memory_space<vmem>>, vector<16xf32>,
        tpu.vector_store %arg13[%swap3A_955, %swap3A_956], %mul3A_954 {strides = array<i32>} : memref<80x128xf32, #tpu.memory_space<vmem>>, vector<16xf32>,
        %get3A_958 = arith.index_cast %add3A_915 : i32 to index
        %get3A_959 = arith.constant 80 : index
        %get3A_960 = tpu.vector_load %arg13[%get3A_958, %get3A_959] {strides = array<i32>} : memref<80x128xf32, #tpu.memory_space<vmem>>, vector<16xf32>,
        %mul3A_961 = vector.broadcast %squeeze3A_917 : f32 to vector<16xf32>
        %mul3A_962 = arith.mulf %get3A_960, %mul3A_961 : vector<16xf32>
        %swap3A_963 = arith.index_cast %add3A_915 : i32 to index
        %swap3A_964 = arith.constant 80 : index
        %swap3A_965 = tpu.vector_load %arg13[%swap3A_963, %swap3A_964] {strides = array<i32>} : memref<80x128xf32, #tpu.memory_space<vmem>>, vector<16xf32>,
        tpu.vector_store %arg13[%swap3A_963, %swap3A_964], %mul3A_962 {strides = array<i32>} : memref<80x128xf32, #tpu.memory_space<vmem>>, vector<16xf32>,
        %get3A_966 = arith.index_cast %add3A_915 : i32 to index
        %get3A_967 = arith.constant 96 : index
        %get3A_968 = tpu.vector_load %arg13[%get3A_966, %get3A_967] {strides = array<i32>} : memref<80x128xf32, #tpu.memory_space<vmem>>, vector<16xf32>,
        %mul3A_969 = vector.broadcast %squeeze3A_917 : f32 to vector<16xf32>
        %mul3A_970 = arith.mulf %get3A_968, %mul3A_969 : vector<16xf32>
        %swap3A_971 = arith.index_cast %add3A_915 : i32 to index
        %swap3A_972 = arith.constant 96 : index
        %swap3A_973 = tpu.vector_load %arg13[%swap3A_971, %swap3A_972] {strides = array<i32>} : memref<80x128xf32, #tpu.memory_space<vmem>>, vector<16xf32>,
        tpu.vector_store %arg13[%swap3A_971, %swap3A_972], %mul3A_970 {strides = array<i32>} : memref<80x128xf32, #tpu.memory_space<vmem>>, vector<16xf32>,
        %get3A_974 = arith.index_cast %add3A_915 : i32 to index
        %get3A_975 = arith.constant 112 : index
        %get3A_976 = tpu.vector_load %arg13[%get3A_974, %get3A_975] {strides = array<i32>} : memref<80x128xf32, #tpu.memory_space<vmem>>, vector<16xf32>,
        %mul3A_977 = vector.broadcast %squeeze3A_917 : f32 to vector<16xf32>
        %mul3A_978 = arith.mulf %get3A_976, %mul3A_977 : vector<16xf32>
        %swap3A_979 = arith.index_cast %add3A_915 : i32 to index
        %swap3A_980 = arith.constant 112 : index
        %swap3A_981 = tpu.vector_load %arg13[%swap3A_979, %swap3A_980] {strides = array<i32>} : memref<80x128xf32, #tpu.memory_space<vmem>>, vector<16xf32>,
        tpu.vector_store %arg13[%swap3A_979, %swap3A_980], %mul3A_978 {strides = array<i32>} : memref<80x128xf32, #tpu.memory_space<vmem>>, vector<16xf32>,
        %mul3A_982 = arith.constant 16 : i32
        %mul3A_983 = arith.muli %add3A_72, %mul3A_982 : i32
        %add3A_984 = arith.constant 12 : i32
        %add3A_985 = arith.addi %mul3A_983, %add3A_984 : i32
        %slice3A_986 = vector.extract_strided_slice %exp3A {offsets = [12], sizes = [1], strides = [1]} : vector<16xf32> to vector<1xf32>
        %squeeze3A_987 = vector.extract %slice3A_986[0] : f32 from vector<1xf32>
        %get3A_988 = arith.index_cast %add3A_985 : i32 to index
        %get3A_989 = arith.constant 0 : index
        %get3A_990 = tpu.vector_load %arg13[%get3A_988, %get3A_989] {strides = array<i32>} : memref<80x128xf32, #tpu.memory_space<vmem>>, vector<16xf32>,
        %mul3A_991 = vector.broadcast %squeeze3A_987 : f32 to vector<16xf32>
        %mul3A_992 = arith.mulf %get3A_990, %mul3A_991 : vector<16xf32>
        %swap3A_993 = arith.index_cast %add3A_985 : i32 to index
        %swap3A_994 = arith.constant 0 : index
        %swap3A_995 = tpu.vector_load %arg13[%swap3A_993, %swap3A_994] {strides = array<i32>} : memref<80x128xf32, #tpu.memory_space<vmem>>, vector<16xf32>,
        tpu.vector_store %arg13[%swap3A_993, %swap3A_994], %mul3A_992 {strides = array<i32>} : memref<80x128xf32, #tpu.memory_space<vmem>>, vector<16xf32>,
        %get3A_996 = arith.index_cast %add3A_985 : i32 to index
        %get3A_997 = arith.constant 16 : index
        %get3A_998 = tpu.vector_load %arg13[%get3A_996, %get3A_997] {strides = array<i32>} : memref<80x128xf32, #tpu.memory_space<vmem>>, vector<16xf32>,
        %mul3A_999 = vector.broadcast %squeeze3A_987 : f32 to vector<16xf32>
        %mul3A_1000 = arith.mulf %get3A_998, %mul3A_999 : vector<16xf32>
        %swap3A_1001 = arith.index_cast %add3A_985 : i32 to index
        %swap3A_1002 = arith.constant 16 : index
        %swap3A_1003 = tpu.vector_load %arg13[%swap3A_1001, %swap3A_1002] {strides = array<i32>} : memref<80x128xf32, #tpu.memory_space<vmem>>, vector<16xf32>,
        tpu.vector_store %arg13[%swap3A_1001, %swap3A_1002], %mul3A_1000 {strides = array<i32>} : memref<80x128xf32, #tpu.memory_space<vmem>>, vector<16xf32>,
        %get3A_1004 = arith.index_cast %add3A_985 : i32 to index
        %get3A_1005 = arith.constant 32 : index
        %get3A_1006 = tpu.vector_load %arg13[%get3A_1004, %get3A_1005] {strides = array<i32>} : memref<80x128xf32, #tpu.memory_space<vmem>>, vector<16xf32>,
        %mul3A_1007 = vector.broadcast %squeeze3A_987 : f32 to vector<16xf32>
        %mul3A_1008 = arith.mulf %get3A_1006, %mul3A_1007 : vector<16xf32>
        %swap3A_1009 = arith.index_cast %add3A_985 : i32 to index
        %swap3A_1010 = arith.constant 32 : index
        %swap3A_1011 = tpu.vector_load %arg13[%swap3A_1009, %swap3A_1010] {strides = array<i32>} : memref<80x128xf32, #tpu.memory_space<vmem>>, vector<16xf32>,
        tpu.vector_store %arg13[%swap3A_1009, %swap3A_1010], %mul3A_1008 {strides = array<i32>} : memref<80x128xf32, #tpu.memory_space<vmem>>, vector<16xf32>,
        %get3A_1012 = arith.index_cast %add3A_985 : i32 to index
        %get3A_1013 = arith.constant 48 : index
        %get3A_1014 = tpu.vector_load %arg13[%get3A_1012, %get3A_1013] {strides = array<i32>} : memref<80x128xf32, #tpu.memory_space<vmem>>, vector<16xf32>,
        %mul3A_1015 = vector.broadcast %squeeze3A_987 : f32 to vector<16xf32>
        %mul3A_1016 = arith.mulf %get3A_1014, %mul3A_1015 : vector<16xf32>
        %swap3A_1017 = arith.index_cast %add3A_985 : i32 to index
        %swap3A_1018 = arith.constant 48 : index
        %swap3A_1019 = tpu.vector_load %arg13[%swap3A_1017, %swap3A_1018] {strides = array<i32>} : memref<80x128xf32, #tpu.memory_space<vmem>>, vector<16xf32>,
        tpu.vector_store %arg13[%swap3A_1017, %swap3A_1018], %mul3A_1016 {strides = array<i32>} : memref<80x128xf32, #tpu.memory_space<vmem>>, vector<16xf32>,
        %get3A_1020 = arith.index_cast %add3A_985 : i32 to index
        %get3A_1021 = arith.constant 64 : index
        %get3A_1022 = tpu.vector_load %arg13[%get3A_1020, %get3A_1021] {strides = array<i32>} : memref<80x128xf32, #tpu.memory_space<vmem>>, vector<16xf32>,
        %mul3A_1023 = vector.broadcast %squeeze3A_987 : f32 to vector<16xf32>
        %mul3A_1024 = arith.mulf %get3A_1022, %mul3A_1023 : vector<16xf32>
        %swap3A_1025 = arith.index_cast %add3A_985 : i32 to index
        %swap3A_1026 = arith.constant 64 : index
        %swap3A_1027 = tpu.vector_load %arg13[%swap3A_1025, %swap3A_1026] {strides = array<i32>} : memref<80x128xf32, #tpu.memory_space<vmem>>, vector<16xf32>,
        tpu.vector_store %arg13[%swap3A_1025, %swap3A_1026], %mul3A_1024 {strides = array<i32>} : memref<80x128xf32, #tpu.memory_space<vmem>>, vector<16xf32>,
        %get3A_1028 = arith.index_cast %add3A_985 : i32 to index
        %get3A_1029 = arith.constant 80 : index
        %get3A_1030 = tpu.vector_load %arg13[%get3A_1028, %get3A_1029] {strides = array<i32>} : memref<80x128xf32, #tpu.memory_space<vmem>>, vector<16xf32>,
        %mul3A_1031 = vector.broadcast %squeeze3A_987 : f32 to vector<16xf32>
        %mul3A_1032 = arith.mulf %get3A_1030, %mul3A_1031 : vector<16xf32>
        %swap3A_1033 = arith.index_cast %add3A_985 : i32 to index
        %swap3A_1034 = arith.constant 80 : index
        %swap3A_1035 = tpu.vector_load %arg13[%swap3A_1033, %swap3A_1034] {strides = array<i32>} : memref<80x128xf32, #tpu.memory_space<vmem>>, vector<16xf32>,
        tpu.vector_store %arg13[%swap3A_1033, %swap3A_1034], %mul3A_1032 {strides = array<i32>} : memref<80x128xf32, #tpu.memory_space<vmem>>, vector<16xf32>,
        %get3A_1036 = arith.index_cast %add3A_985 : i32 to index
        %get3A_1037 = arith.constant 96 : index
        %get3A_1038 = tpu.vector_load %arg13[%get3A_1036, %get3A_1037] {strides = array<i32>} : memref<80x128xf32, #tpu.memory_space<vmem>>, vector<16xf32>,
        %mul3A_1039 = vector.broadcast %squeeze3A_987 : f32 to vector<16xf32>
        %mul3A_1040 = arith.mulf %get3A_1038, %mul3A_1039 : vector<16xf32>
        %swap3A_1041 = arith.index_cast %add3A_985 : i32 to index
        %swap3A_1042 = arith.constant 96 : index
        %swap3A_1043 = tpu.vector_load %arg13[%swap3A_1041, %swap3A_1042] {strides = array<i32>} : memref<80x128xf32, #tpu.memory_space<vmem>>, vector<16xf32>,
        tpu.vector_store %arg13[%swap3A_1041, %swap3A_1042], %mul3A_1040 {strides = array<i32>} : memref<80x128xf32, #tpu.memory_space<vmem>>, vector<16xf32>,
        %get3A_1044 = arith.index_cast %add3A_985 : i32 to index
        %get3A_1045 = arith.constant 112 : index
        %get3A_1046 = tpu.vector_load %arg13[%get3A_1044, %get3A_1045] {strides = array<i32>} : memref<80x128xf32, #tpu.memory_space<vmem>>, vector<16xf32>,
        %mul3A_1047 = vector.broadcast %squeeze3A_987 : f32 to vector<16xf32>
        %mul3A_1048 = arith.mulf %get3A_1046, %mul3A_1047 : vector<16xf32>
        %swap3A_1049 = arith.index_cast %add3A_985 : i32 to index
        %swap3A_1050 = arith.constant 112 : index
        %swap3A_1051 = tpu.vector_load %arg13[%swap3A_1049, %swap3A_1050] {strides = array<i32>} : memref<80x128xf32, #tpu.memory_space<vmem>>, vector<16xf32>,
        tpu.vector_store %arg13[%swap3A_1049, %swap3A_1050], %mul3A_1048 {strides = array<i32>} : memref<80x128xf32, #tpu.memory_space<vmem>>, vector<16xf32>,
        %mul3A_1052 = arith.constant 16 : i32
        %mul3A_1053 = arith.muli %add3A_72, %mul3A_1052 : i32
        %add3A_1054 = arith.constant 13 : i32
        %add3A_1055 = arith.addi %mul3A_1053, %add3A_1054 : i32
        %slice3A_1056 = vector.extract_strided_slice %exp3A {offsets = [13], sizes = [1], strides = [1]} : vector<16xf32> to vector<1xf32>
        %squeeze3A_1057 = vector.extract %slice3A_1056[0] : f32 from vector<1xf32>
        %get3A_1058 = arith.index_cast %add3A_1055 : i32 to index
        %get3A_1059 = arith.constant 0 : index
        %get3A_1060 = tpu.vector_load %arg13[%get3A_1058, %get3A_1059] {strides = array<i32>} : memref<80x128xf32, #tpu.memory_space<vmem>>, vector<16xf32>,
        %mul3A_1061 = vector.broadcast %squeeze3A_1057 : f32 to vector<16xf32>
        %mul3A_1062 = arith.mulf %get3A_1060, %mul3A_1061 : vector<16xf32>
        %swap3A_1063 = arith.index_cast %add3A_1055 : i32 to index
        %swap3A_1064 = arith.constant 0 : index
        %swap3A_1065 = tpu.vector_load %arg13[%swap3A_1063, %swap3A_1064] {strides = array<i32>} : memref<80x128xf32, #tpu.memory_space<vmem>>, vector<16xf32>,
        tpu.vector_store %arg13[%swap3A_1063, %swap3A_1064], %mul3A_1062 {strides = array<i32>} : memref<80x128xf32, #tpu.memory_space<vmem>>, vector<16xf32>,
        %get3A_1066 = arith.index_cast %add3A_1055 : i32 to index
        %get3A_1067 = arith.constant 16 : index
        %get3A_1068 = tpu.vector_load %arg13[%get3A_1066, %get3A_1067] {strides = array<i32>} : memref<80x128xf32, #tpu.memory_space<vmem>>, vector<16xf32>,
        %mul3A_1069 = vector.broadcast %squeeze3A_1057 : f32 to vector<16xf32>
        %mul3A_1070 = arith.mulf %get3A_1068, %mul3A_1069 : vector<16xf32>
        %swap3A_1071 = arith.index_cast %add3A_1055 : i32 to index
        %swap3A_1072 = arith.constant 16 : index
        %swap3A_1073 = tpu.vector_load %arg13[%swap3A_1071, %swap3A_1072] {strides = array<i32>} : memref<80x128xf32, #tpu.memory_space<vmem>>, vector<16xf32>,
        tpu.vector_store %arg13[%swap3A_1071, %swap3A_1072], %mul3A_1070 {strides = array<i32>} : memref<80x128xf32, #tpu.memory_space<vmem>>, vector<16xf32>,
        %get3A_1074 = arith.index_cast %add3A_1055 : i32 to index
        %get3A_1075 = arith.constant 32 : index
        %get3A_1076 = tpu.vector_load %arg13[%get3A_1074, %get3A_1075] {strides = array<i32>} : memref<80x128xf32, #tpu.memory_space<vmem>>, vector<16xf32>,
        %mul3A_1077 = vector.broadcast %squeeze3A_1057 : f32 to vector<16xf32>
        %mul3A_1078 = arith.mulf %get3A_1076, %mul3A_1077 : vector<16xf32>
        %swap3A_1079 = arith.index_cast %add3A_1055 : i32 to index
        %swap3A_1080 = arith.constant 32 : index
        %swap3A_1081 = tpu.vector_load %arg13[%swap3A_1079, %swap3A_1080] {strides = array<i32>} : memref<80x128xf32, #tpu.memory_space<vmem>>, vector<16xf32>,
        tpu.vector_store %arg13[%swap3A_1079, %swap3A_1080], %mul3A_1078 {strides = array<i32>} : memref<80x128xf32, #tpu.memory_space<vmem>>, vector<16xf32>,
        %get3A_1082 = arith.index_cast %add3A_1055 : i32 to index
        %get3A_1083 = arith.constant 48 : index
        %get3A_1084 = tpu.vector_load %arg13[%get3A_1082, %get3A_1083] {strides = array<i32>} : memref<80x128xf32, #tpu.memory_space<vmem>>, vector<16xf32>,
        %mul3A_1085 = vector.broadcast %squeeze3A_1057 : f32 to vector<16xf32>
        %mul3A_1086 = arith.mulf %get3A_1084, %mul3A_1085 : vector<16xf32>
        %swap3A_1087 = arith.index_cast %add3A_1055 : i32 to index
        %swap3A_1088 = arith.constant 48 : index
        %swap3A_1089 = tpu.vector_load %arg13[%swap3A_1087, %swap3A_1088] {strides = array<i32>} : memref<80x128xf32, #tpu.memory_space<vmem>>, vector<16xf32>,
        tpu.vector_store %arg13[%swap3A_1087, %swap3A_1088], %mul3A_1086 {strides = array<i32>} : memref<80x128xf32, #tpu.memory_space<vmem>>, vector<16xf32>,
        %get3A_1090 = arith.index_cast %add3A_1055 : i32 to index
        %get3A_1091 = arith.constant 64 : index
        %get3A_1092 = tpu.vector_load %arg13[%get3A_1090, %get3A_1091] {strides = array<i32>} : memref<80x128xf32, #tpu.memory_space<vmem>>, vector<16xf32>,
        %mul3A_1093 = vector.broadcast %squeeze3A_1057 : f32 to vector<16xf32>
        %mul3A_1094 = arith.mulf %get3A_1092, %mul3A_1093 : vector<16xf32>
        %swap3A_1095 = arith.index_cast %add3A_1055 : i32 to index
        %swap3A_1096 = arith.constant 64 : index
        %swap3A_1097 = tpu.vector_load %arg13[%swap3A_1095, %swap3A_1096] {strides = array<i32>} : memref<80x128xf32, #tpu.memory_space<vmem>>, vector<16xf32>,
        tpu.vector_store %arg13[%swap3A_1095, %swap3A_1096], %mul3A_1094 {strides = array<i32>} : memref<80x128xf32, #tpu.memory_space<vmem>>, vector<16xf32>,
        %get3A_1098 = arith.index_cast %add3A_1055 : i32 to index
        %get3A_1099 = arith.constant 80 : index
        %get3A_1100 = tpu.vector_load %arg13[%get3A_1098, %get3A_1099] {strides = array<i32>} : memref<80x128xf32, #tpu.memory_space<vmem>>, vector<16xf32>,
        %mul3A_1101 = vector.broadcast %squeeze3A_1057 : f32 to vector<16xf32>
        %mul3A_1102 = arith.mulf %get3A_1100, %mul3A_1101 : vector<16xf32>
        %swap3A_1103 = arith.index_cast %add3A_1055 : i32 to index
        %swap3A_1104 = arith.constant 80 : index
        %swap3A_1105 = tpu.vector_load %arg13[%swap3A_1103, %swap3A_1104] {strides = array<i32>} : memref<80x128xf32, #tpu.memory_space<vmem>>, vector<16xf32>,
        tpu.vector_store %arg13[%swap3A_1103, %swap3A_1104], %mul3A_1102 {strides = array<i32>} : memref<80x128xf32, #tpu.memory_space<vmem>>, vector<16xf32>,
        %get3A_1106 = arith.index_cast %add3A_1055 : i32 to index
        %get3A_1107 = arith.constant 96 : index
        %get3A_1108 = tpu.vector_load %arg13[%get3A_1106, %get3A_1107] {strides = array<i32>} : memref<80x128xf32, #tpu.memory_space<vmem>>, vector<16xf32>,
        %mul3A_1109 = vector.broadcast %squeeze3A_1057 : f32 to vector<16xf32>
        %mul3A_1110 = arith.mulf %get3A_1108, %mul3A_1109 : vector<16xf32>
        %swap3A_1111 = arith.index_cast %add3A_1055 : i32 to index
        %swap3A_1112 = arith.constant 96 : index
        %swap3A_1113 = tpu.vector_load %arg13[%swap3A_1111, %swap3A_1112] {strides = array<i32>} : memref<80x128xf32, #tpu.memory_space<vmem>>, vector<16xf32>,
        tpu.vector_store %arg13[%swap3A_1111, %swap3A_1112], %mul3A_1110 {strides = array<i32>} : memref<80x128xf32, #tpu.memory_space<vmem>>, vector<16xf32>,
        %get3A_1114 = arith.index_cast %add3A_1055 : i32 to index
        %get3A_1115 = arith.constant 112 : index
        %get3A_1116 = tpu.vector_load %arg13[%get3A_1114, %get3A_1115] {strides = array<i32>} : memref<80x128xf32, #tpu.memory_space<vmem>>, vector<16xf32>,
        %mul3A_1117 = vector.broadcast %squeeze3A_1057 : f32 to vector<16xf32>
        %mul3A_1118 = arith.mulf %get3A_1116, %mul3A_1117 : vector<16xf32>
        %swap3A_1119 = arith.index_cast %add3A_1055 : i32 to index
        %swap3A_1120 = arith.constant 112 : index
        %swap3A_1121 = tpu.vector_load %arg13[%swap3A_1119, %swap3A_1120] {strides = array<i32>} : memref<80x128xf32, #tpu.memory_space<vmem>>, vector<16xf32>,
        tpu.vector_store %arg13[%swap3A_1119, %swap3A_1120], %mul3A_1118 {strides = array<i32>} : memref<80x128xf32, #tpu.memory_space<vmem>>, vector<16xf32>,
        %mul3A_1122 = arith.constant 16 : i32
        %mul3A_1123 = arith.muli %add3A_72, %mul3A_1122 : i32
        %add3A_1124 = arith.constant 14 : i32
        %add3A_1125 = arith.addi %mul3A_1123, %add3A_1124 : i32
        %slice3A_1126 = vector.extract_strided_slice %exp3A {offsets = [14], sizes = [1], strides = [1]} : vector<16xf32> to vector<1xf32>
        %squeeze3A_1127 = vector.extract %slice3A_1126[0] : f32 from vector<1xf32>
        %get3A_1128 = arith.index_cast %add3A_1125 : i32 to index
        %get3A_1129 = arith.constant 0 : index
        %get3A_1130 = tpu.vector_load %arg13[%get3A_1128, %get3A_1129] {strides = array<i32>} : memref<80x128xf32, #tpu.memory_space<vmem>>, vector<16xf32>,
        %mul3A_1131 = vector.broadcast %squeeze3A_1127 : f32 to vector<16xf32>
        %mul3A_1132 = arith.mulf %get3A_1130, %mul3A_1131 : vector<16xf32>
        %swap3A_1133 = arith.index_cast %add3A_1125 : i32 to index
        %swap3A_1134 = arith.constant 0 : index
        %swap3A_1135 = tpu.vector_load %arg13[%swap3A_1133, %swap3A_1134] {strides = array<i32>} : memref<80x128xf32, #tpu.memory_space<vmem>>, vector<16xf32>,
        tpu.vector_store %arg13[%swap3A_1133, %swap3A_1134], %mul3A_1132 {strides = array<i32>} : memref<80x128xf32, #tpu.memory_space<vmem>>, vector<16xf32>,
        %get3A_1136 = arith.index_cast %add3A_1125 : i32 to index
        %get3A_1137 = arith.constant 16 : index
        %get3A_1138 = tpu.vector_load %arg13[%get3A_1136, %get3A_1137] {strides = array<i32>} : memref<80x128xf32, #tpu.memory_space<vmem>>, vector<16xf32>,
        %mul3A_1139 = vector.broadcast %squeeze3A_1127 : f32 to vector<16xf32>
        %mul3A_1140 = arith.mulf %get3A_1138, %mul3A_1139 : vector<16xf32>
        %swap3A_1141 = arith.index_cast %add3A_1125 : i32 to index
        %swap3A_1142 = arith.constant 16 : index
        %swap3A_1143 = tpu.vector_load %arg13[%swap3A_1141, %swap3A_1142] {strides = array<i32>} : memref<80x128xf32, #tpu.memory_space<vmem>>, vector<16xf32>,
        tpu.vector_store %arg13[%swap3A_1141, %swap3A_1142], %mul3A_1140 {strides = array<i32>} : memref<80x128xf32, #tpu.memory_space<vmem>>, vector<16xf32>,
        %get3A_1144 = arith.index_cast %add3A_1125 : i32 to index
        %get3A_1145 = arith.constant 32 : index
        %get3A_1146 = tpu.vector_load %arg13[%get3A_1144, %get3A_1145] {strides = array<i32>} : memref<80x128xf32, #tpu.memory_space<vmem>>, vector<16xf32>,
        %mul3A_1147 = vector.broadcast %squeeze3A_1127 : f32 to vector<16xf32>
        %mul3A_1148 = arith.mulf %get3A_1146, %mul3A_1147 : vector<16xf32>
        %swap3A_1149 = arith.index_cast %add3A_1125 : i32 to index
        %swap3A_1150 = arith.constant 32 : index
        %swap3A_1151 = tpu.vector_load %arg13[%swap3A_1149, %swap3A_1150] {strides = array<i32>} : memref<80x128xf32, #tpu.memory_space<vmem>>, vector<16xf32>,
        tpu.vector_store %arg13[%swap3A_1149, %swap3A_1150], %mul3A_1148 {strides = array<i32>} : memref<80x128xf32, #tpu.memory_space<vmem>>, vector<16xf32>,
        %get3A_1152 = arith.index_cast %add3A_1125 : i32 to index
        %get3A_1153 = arith.constant 48 : index
        %get3A_1154 = tpu.vector_load %arg13[%get3A_1152, %get3A_1153] {strides = array<i32>} : memref<80x128xf32, #tpu.memory_space<vmem>>, vector<16xf32>,
        %mul3A_1155 = vector.broadcast %squeeze3A_1127 : f32 to vector<16xf32>
        %mul3A_1156 = arith.mulf %get3A_1154, %mul3A_1155 : vector<16xf32>
        %swap3A_1157 = arith.index_cast %add3A_1125 : i32 to index
        %swap3A_1158 = arith.constant 48 : index
        %swap3A_1159 = tpu.vector_load %arg13[%swap3A_1157, %swap3A_1158] {strides = array<i32>} : memref<80x128xf32, #tpu.memory_space<vmem>>, vector<16xf32>,
        tpu.vector_store %arg13[%swap3A_1157, %swap3A_1158], %mul3A_1156 {strides = array<i32>} : memref<80x128xf32, #tpu.memory_space<vmem>>, vector<16xf32>,
        %get3A_1160 = arith.index_cast %add3A_1125 : i32 to index
        %get3A_1161 = arith.constant 64 : index
        %get3A_1162 = tpu.vector_load %arg13[%get3A_1160, %get3A_1161] {strides = array<i32>} : memref<80x128xf32, #tpu.memory_space<vmem>>, vector<16xf32>,
        %mul3A_1163 = vector.broadcast %squeeze3A_1127 : f32 to vector<16xf32>
        %mul3A_1164 = arith.mulf %get3A_1162, %mul3A_1163 : vector<16xf32>
        %swap3A_1165 = arith.index_cast %add3A_1125 : i32 to index
        %swap3A_1166 = arith.constant 64 : index
        %swap3A_1167 = tpu.vector_load %arg13[%swap3A_1165, %swap3A_1166] {strides = array<i32>} : memref<80x128xf32, #tpu.memory_space<vmem>>, vector<16xf32>,
        tpu.vector_store %arg13[%swap3A_1165, %swap3A_1166], %mul3A_1164 {strides = array<i32>} : memref<80x128xf32, #tpu.memory_space<vmem>>, vector<16xf32>,
        %get3A_1168 = arith.index_cast %add3A_1125 : i32 to index
        %get3A_1169 = arith.constant 80 : index
        %get3A_1170 = tpu.vector_load %arg13[%get3A_1168, %get3A_1169] {strides = array<i32>} : memref<80x128xf32, #tpu.memory_space<vmem>>, vector<16xf32>,
        %mul3A_1171 = vector.broadcast %squeeze3A_1127 : f32 to vector<16xf32>
        %mul3A_1172 = arith.mulf %get3A_1170, %mul3A_1171 : vector<16xf32>
        %swap3A_1173 = arith.index_cast %add3A_1125 : i32 to index
        %swap3A_1174 = arith.constant 80 : index
        %swap3A_1175 = tpu.vector_load %arg13[%swap3A_1173, %swap3A_1174] {strides = array<i32>} : memref<80x128xf32, #tpu.memory_space<vmem>>, vector<16xf32>,
        tpu.vector_store %arg13[%swap3A_1173, %swap3A_1174], %mul3A_1172 {strides = array<i32>} : memref<80x128xf32, #tpu.memory_space<vmem>>, vector<16xf32>,
        %get3A_1176 = arith.index_cast %add3A_1125 : i32 to index
        %get3A_1177 = arith.constant 96 : index
        %get3A_1178 = tpu.vector_load %arg13[%get3A_1176, %get3A_1177] {strides = array<i32>} : memref<80x128xf32, #tpu.memory_space<vmem>>, vector<16xf32>,
        %mul3A_1179 = vector.broadcast %squeeze3A_1127 : f32 to vector<16xf32>
        %mul3A_1180 = arith.mulf %get3A_1178, %mul3A_1179 : vector<16xf32>
        %swap3A_1181 = arith.index_cast %add3A_1125 : i32 to index
        %swap3A_1182 = arith.constant 96 : index
        %swap3A_1183 = tpu.vector_load %arg13[%swap3A_1181, %swap3A_1182] {strides = array<i32>} : memref<80x128xf32, #tpu.memory_space<vmem>>, vector<16xf32>,
        tpu.vector_store %arg13[%swap3A_1181, %swap3A_1182], %mul3A_1180 {strides = array<i32>} : memref<80x128xf32, #tpu.memory_space<vmem>>, vector<16xf32>,
        %get3A_1184 = arith.index_cast %add3A_1125 : i32 to index
        %get3A_1185 = arith.constant 112 : index
        %get3A_1186 = tpu.vector_load %arg13[%get3A_1184, %get3A_1185] {strides = array<i32>} : memref<80x128xf32, #tpu.memory_space<vmem>>, vector<16xf32>,
        %mul3A_1187 = vector.broadcast %squeeze3A_1127 : f32 to vector<16xf32>
        %mul3A_1188 = arith.mulf %get3A_1186, %mul3A_1187 : vector<16xf32>
        %swap3A_1189 = arith.index_cast %add3A_1125 : i32 to index
        %swap3A_1190 = arith.constant 112 : index
        %swap3A_1191 = tpu.vector_load %arg13[%swap3A_1189, %swap3A_1190] {strides = array<i32>} : memref<80x128xf32, #tpu.memory_space<vmem>>, vector<16xf32>,
        tpu.vector_store %arg13[%swap3A_1189, %swap3A_1190], %mul3A_1188 {strides = array<i32>} : memref<80x128xf32, #tpu.memory_space<vmem>>, vector<16xf32>,
        %mul3A_1192 = arith.constant 16 : i32
        %mul3A_1193 = arith.muli %add3A_72, %mul3A_1192 : i32
        %add3A_1194 = arith.constant 15 : i32
        %add3A_1195 = arith.addi %mul3A_1193, %add3A_1194 : i32
        %slice3A_1196 = vector.extract_strided_slice %exp3A {offsets = [15], sizes = [1], strides = [1]} : vector<16xf32> to vector<1xf32>
        %squeeze3A_1197 = vector.extract %slice3A_1196[0] : f32 from vector<1xf32>
        %get3A_1198 = arith.index_cast %add3A_1195 : i32 to index
        %get3A_1199 = arith.constant 0 : index
        %get3A_1200 = tpu.vector_load %arg13[%get3A_1198, %get3A_1199] {strides = array<i32>} : memref<80x128xf32, #tpu.memory_space<vmem>>, vector<16xf32>,
        %mul3A_1201 = vector.broadcast %squeeze3A_1197 : f32 to vector<16xf32>
        %mul3A_1202 = arith.mulf %get3A_1200, %mul3A_1201 : vector<16xf32>
        %swap3A_1203 = arith.index_cast %add3A_1195 : i32 to index
        %swap3A_1204 = arith.constant 0 : index
        %swap3A_1205 = tpu.vector_load %arg13[%swap3A_1203, %swap3A_1204] {strides = array<i32>} : memref<80x128xf32, #tpu.memory_space<vmem>>, vector<16xf32>,
        tpu.vector_store %arg13[%swap3A_1203, %swap3A_1204], %mul3A_1202 {strides = array<i32>} : memref<80x128xf32, #tpu.memory_space<vmem>>, vector<16xf32>,
        %get3A_1206 = arith.index_cast %add3A_1195 : i32 to index
        %get3A_1207 = arith.constant 16 : index
        %get3A_1208 = tpu.vector_load %arg13[%get3A_1206, %get3A_1207] {strides = array<i32>} : memref<80x128xf32, #tpu.memory_space<vmem>>, vector<16xf32>,
        %mul3A_1209 = vector.broadcast %squeeze3A_1197 : f32 to vector<16xf32>
        %mul3A_1210 = arith.mulf %get3A_1208, %mul3A_1209 : vector<16xf32>
        %swap3A_1211 = arith.index_cast %add3A_1195 : i32 to index
        %swap3A_1212 = arith.constant 16 : index
        %swap3A_1213 = tpu.vector_load %arg13[%swap3A_1211, %swap3A_1212] {strides = array<i32>} : memref<80x128xf32, #tpu.memory_space<vmem>>, vector<16xf32>,
        tpu.vector_store %arg13[%swap3A_1211, %swap3A_1212], %mul3A_1210 {strides = array<i32>} : memref<80x128xf32, #tpu.memory_space<vmem>>, vector<16xf32>,
        %get3A_1214 = arith.index_cast %add3A_1195 : i32 to index
        %get3A_1215 = arith.constant 32 : index
        %get3A_1216 = tpu.vector_load %arg13[%get3A_1214, %get3A_1215] {strides = array<i32>} : memref<80x128xf32, #tpu.memory_space<vmem>>, vector<16xf32>,
        %mul3A_1217 = vector.broadcast %squeeze3A_1197 : f32 to vector<16xf32>
        %mul3A_1218 = arith.mulf %get3A_1216, %mul3A_1217 : vector<16xf32>
        %swap3A_1219 = arith.index_cast %add3A_1195 : i32 to index
        %swap3A_1220 = arith.constant 32 : index
        %swap3A_1221 = tpu.vector_load %arg13[%swap3A_1219, %swap3A_1220] {strides = array<i32>} : memref<80x128xf32, #tpu.memory_space<vmem>>, vector<16xf32>,
        tpu.vector_store %arg13[%swap3A_1219, %swap3A_1220], %mul3A_1218 {strides = array<i32>} : memref<80x128xf32, #tpu.memory_space<vmem>>, vector<16xf32>,
        %get3A_1222 = arith.index_cast %add3A_1195 : i32 to index
        %get3A_1223 = arith.constant 48 : index
        %get3A_1224 = tpu.vector_load %arg13[%get3A_1222, %get3A_1223] {strides = array<i32>} : memref<80x128xf32, #tpu.memory_space<vmem>>, vector<16xf32>,
        %mul3A_1225 = vector.broadcast %squeeze3A_1197 : f32 to vector<16xf32>
        %mul3A_1226 = arith.mulf %get3A_1224, %mul3A_1225 : vector<16xf32>
        %swap3A_1227 = arith.index_cast %add3A_1195 : i32 to index
        %swap3A_1228 = arith.constant 48 : index
        %swap3A_1229 = tpu.vector_load %arg13[%swap3A_1227, %swap3A_1228] {strides = array<i32>} : memref<80x128xf32, #tpu.memory_space<vmem>>, vector<16xf32>,
        tpu.vector_store %arg13[%swap3A_1227, %swap3A_1228], %mul3A_1226 {strides = array<i32>} : memref<80x128xf32, #tpu.memory_space<vmem>>, vector<16xf32>,
        %get3A_1230 = arith.index_cast %add3A_1195 : i32 to index
        %get3A_1231 = arith.constant 64 : index
        %get3A_1232 = tpu.vector_load %arg13[%get3A_1230, %get3A_1231] {strides = array<i32>} : memref<80x128xf32, #tpu.memory_space<vmem>>, vector<16xf32>,
        %mul3A_1233 = vector.broadcast %squeeze3A_1197 : f32 to vector<16xf32>
        %mul3A_1234 = arith.mulf %get3A_1232, %mul3A_1233 : vector<16xf32>
        %swap3A_1235 = arith.index_cast %add3A_1195 : i32 to index
        %swap3A_1236 = arith.constant 64 : index
        %swap3A_1237 = tpu.vector_load %arg13[%swap3A_1235, %swap3A_1236] {strides = array<i32>} : memref<80x128xf32, #tpu.memory_space<vmem>>, vector<16xf32>,
        tpu.vector_store %arg13[%swap3A_1235, %swap3A_1236], %mul3A_1234 {strides = array<i32>} : memref<80x128xf32, #tpu.memory_space<vmem>>, vector<16xf32>,
        %get3A_1238 = arith.index_cast %add3A_1195 : i32 to index
        %get3A_1239 = arith.constant 80 : index
        %get3A_1240 = tpu.vector_load %arg13[%get3A_1238, %get3A_1239] {strides = array<i32>} : memref<80x128xf32, #tpu.memory_space<vmem>>, vector<16xf32>,
        %mul3A_1241 = vector.broadcast %squeeze3A_1197 : f32 to vector<16xf32>
        %mul3A_1242 = arith.mulf %get3A_1240, %mul3A_1241 : vector<16xf32>
        %swap3A_1243 = arith.index_cast %add3A_1195 : i32 to index
        %swap3A_1244 = arith.constant 80 : index
        %swap3A_1245 = tpu.vector_load %arg13[%swap3A_1243, %swap3A_1244] {strides = array<i32>} : memref<80x128xf32, #tpu.memory_space<vmem>>, vector<16xf32>,
        tpu.vector_store %arg13[%swap3A_1243, %swap3A_1244], %mul3A_1242 {strides = array<i32>} : memref<80x128xf32, #tpu.memory_space<vmem>>, vector<16xf32>,
        %get3A_1246 = arith.index_cast %add3A_1195 : i32 to index
        %get3A_1247 = arith.constant 96 : index
        %get3A_1248 = tpu.vector_load %arg13[%get3A_1246, %get3A_1247] {strides = array<i32>} : memref<80x128xf32, #tpu.memory_space<vmem>>, vector<16xf32>,
        %mul3A_1249 = vector.broadcast %squeeze3A_1197 : f32 to vector<16xf32>
        %mul3A_1250 = arith.mulf %get3A_1248, %mul3A_1249 : vector<16xf32>
        %swap3A_1251 = arith.index_cast %add3A_1195 : i32 to index
        %swap3A_1252 = arith.constant 96 : index
        %swap3A_1253 = tpu.vector_load %arg13[%swap3A_1251, %swap3A_1252] {strides = array<i32>} : memref<80x128xf32, #tpu.memory_space<vmem>>, vector<16xf32>,
        tpu.vector_store %arg13[%swap3A_1251, %swap3A_1252], %mul3A_1250 {strides = array<i32>} : memref<80x128xf32, #tpu.memory_space<vmem>>, vector<16xf32>,
        %get3A_1254 = arith.index_cast %add3A_1195 : i32 to index
        %get3A_1255 = arith.constant 112 : index
        %get3A_1256 = tpu.vector_load %arg13[%get3A_1254, %get3A_1255] {strides = array<i32>} : memref<80x128xf32, #tpu.memory_space<vmem>>, vector<16xf32>,
        %mul3A_1257 = vector.broadcast %squeeze3A_1197 : f32 to vector<16xf32>
        %mul3A_1258 = arith.mulf %get3A_1256, %mul3A_1257 : vector<16xf32>
        %swap3A_1259 = arith.index_cast %add3A_1195 : i32 to index
        %swap3A_1260 = arith.constant 112 : index
        %swap3A_1261 = tpu.vector_load %arg13[%swap3A_1259, %swap3A_1260] {strides = array<i32>} : memref<80x128xf32, #tpu.memory_space<vmem>>, vector<16xf32>,
        tpu.vector_store %arg13[%swap3A_1259, %swap3A_1260], %mul3A_1258 {strides = array<i32>} : memref<80x128xf32, #tpu.memory_space<vmem>>, vector<16xf32>,
      }
      %scan3A_67 = arith.constant 5 : i32
      "tpu.region"() ({
        %run_scoped3A = tpu.sem_alloc : memref<!tpu.dma_semaphore, #tpu.memory_space<semaphore_mem>>
        %dma_start3A_68 = arith.constant 0 : i32
        %dma_start3A_69 = arith.constant 0 : i32
        %dma_start3A_70 = tpu.memref_slice %arg15[%dma_start3A_68, %dma_start3A_69] : memref<10000x128xf32, #tpu.memory_space<vmem_shared>> -> memref<10000x128xf32, #tpu.memory_space<vmem_shared>>
        tpu.enqueue_indirect_dma source(%arg13 : memref<80x128xf32, #tpu.memory_space<vmem>>) target(%dma_start3A_70 : memref<10000x128xf32, #tpu.memory_space<vmem_shared>>) offsets(%arg10 : memref<80xi32, #tpu.memory_space<vmem>>) semaphore(%run_scoped3A : memref<!tpu.dma_semaphore, #tpu.memory_space<semaphore_mem>>) {add = true}
        %dma_wait3A_71 = arith.constant 0 : i32
        %dma_wait3A_72 = arith.constant 0 : i32
        %dma_wait3A_73 = tpu.memref_slice %arg15[%dma_wait3A_71, %dma_wait3A_72] : memref<10000x128xf32, #tpu.memory_space<vmem_shared>> -> memref<10000x128xf32, #tpu.memory_space<vmem_shared>>
        tpu.wait_indirect_dma semaphore(%run_scoped3A : memref<!tpu.dma_semaphore, #tpu.memory_space<semaphore_mem>>) src(%arg13 : memref<80x128xf32, #tpu.memory_space<vmem>>) dst(%dma_wait3A_73 : memref<10000x128xf32, #tpu.memory_space<vmem_shared>>)
        tpu.yield
      }) : () -> ()
    }
    %scan3A_22 = arith.constant 125 : i32
    %barrier3A_23 = arith.constant 0 : index
    tpu.barrier barrier_id(%barrier3A_23)
    %eq3A_24 = arith.constant 0 : i32
    %eq3A_25 = arith.cmpi eq, %arg1, %eq3A_24 : i32
    %convert_element_type3A_26 = arith.extui %eq3A_25 : i1 to i32
    %cond3A_27 = arith.constant 0 : i32
    %cond3A_28 = arith.cmpi ne, %convert_element_type3A_26, %cond3A_27 : i32
    scf.if %cond3A_28 {
      %mul3A_31 = arith.constant 10000 : i32
      %mul3A_32 = arith.muli %arg0, %mul3A_31 : i32
      %multiple_of3A_33 = tpu.assume_multiple %mul3A_32, 16 : i32
      "tpu.region"() ({
        %run_scoped3A = tpu.sem_alloc : memref<!tpu.dma_semaphore, #tpu.memory_space<semaphore_mem>>
        %dma_start3A = arith.constant 0 : i32
        %dma_start3A_34 = tpu.memref_slice %arg7[%multiple_of3A_33, %dma_start3A] : memref<20000x128xf32, #tpu.memory_space<hbm>> -> memref<10000x128xf32, #tpu.memory_space<hbm>>
        tpu.enqueue_dma source(%arg15 : memref<10000x128xf32, #tpu.memory_space<vmem_shared>>) target(%dma_start3A_34 : memref<10000x128xf32, #tpu.memory_space<hbm>>) target_semaphore(%run_scoped3A : memref<!tpu.dma_semaphore, #tpu.memory_space<semaphore_mem>>)
        %dma_wait3A = arith.constant 0 : i32
        %dma_wait3A_35 = tpu.memref_slice %arg7[%multiple_of3A_33, %dma_wait3A] : memref<20000x128xf32, #tpu.memory_space<hbm>> -> memref<10000x128xf32, #tpu.memory_space<hbm>>
        tpu.wait_dma2 semaphore(%run_scoped3A : memref<!tpu.dma_semaphore, #tpu.memory_space<semaphore_mem>>) src(%arg15 : memref<10000x128xf32, #tpu.memory_space<vmem_shared>>) dst(%dma_wait3A_35 : memref<10000x128xf32, #tpu.memory_space<hbm>>)
        tpu.yield
      }) : () -> ()
    } else {
    }
    %mul3A_29 = arith.constant 10000 : i32
    %mul3A_30 = arith.muli %add3A, %mul3A_29 : i32
    %multiple_of3A = tpu.assume_multiple %mul3A_30, 16 : i32
    "tpu.region"() ({
      %run_scoped3A = tpu.sem_alloc : memref<!tpu.dma_semaphore, #tpu.memory_space<semaphore_mem>>
      %dma_start3A = tpu.memref_slice %arg8[%multiple_of3A] : memref<320000xf32, #tpu.memory_space<hbm>> -> memref<10000xf32, #tpu.memory_space<hbm>>
      %dma_start3A_31 = tpu.memref_slice %arg8[%multiple_of3A] : memref<320000xf32, #tpu.memory_space<hbm>> -> memref<10000xf32, #tpu.memory_space<hbm>>
      tpu.enqueue_dma source(%arg14 : memref<10000xf32, #tpu.memory_space<vmem>>) target(%dma_start3A_31 : memref<10000xf32, #tpu.memory_space<hbm>>) target_semaphore(%run_scoped3A : memref<!tpu.dma_semaphore, #tpu.memory_space<semaphore_mem>>)
      %dma_wait3A = tpu.memref_slice %arg8[%multiple_of3A] : memref<320000xf32, #tpu.memory_space<hbm>> -> memref<10000xf32, #tpu.memory_space<hbm>>
      %dma_wait3A_32 = tpu.memref_slice %arg8[%multiple_of3A] : memref<320000xf32, #tpu.memory_space<hbm>> -> memref<10000xf32, #tpu.memory_space<hbm>>
      tpu.wait_dma2 semaphore(%run_scoped3A : memref<!tpu.dma_semaphore, #tpu.memory_space<semaphore_mem>>) src(%arg14 : memref<10000xf32, #tpu.memory_space<vmem>>) dst(%dma_wait3A_32 : memref<10000xf32, #tpu.memory_space<hbm>>)
      tpu.yield
    }) : () -> ()
    return
  }
}

#map = affine_map<(d0, d1) -> (0, 0)>
#map1 = affine_map<(d0, d1) -> (0)>
module attributes {stable_mosaic.version = 14 : i64} {
  func.func @_sc_edge(%arg0: i32, %arg1: i32, %arg2: memref<10000x128xf32, #tpu.memory_space<hbm>>, %arg3: memref<10000x128xf32, #tpu.memory_space<hbm>>, %arg4: memref<10000x128xf32, #tpu.memory_space<hbm>>, %arg5: memref<320000xi32, #tpu.memory_space<hbm>>, %arg6: memref<320000xi32, #tpu.memory_space<hbm>>, %arg7: memref<20000x128xf32, #tpu.memory_space<hbm>>, %arg8: memref<320000xf32, #tpu.memory_space<hbm>>, %arg9: memref<80xi32, #tpu.memory_space<vmem>>, %arg10: memref<80xi32, #tpu.memory_space<vmem>>, %arg11: memref<80x128xf32, #tpu.memory_space<vmem>>, %arg12: memref<80x128xf32, #tpu.memory_space<vmem>>, %arg13: memref<80x128xf32, #tpu.memory_space<vmem>>, %arg14: memref<10000xf32, #tpu.memory_space<vmem>>, %arg15: memref<10000x128xf32, #tpu.memory_space<vmem_shared>>, %arg16: memref<!tpu.dma_semaphore, #tpu.memory_space<semaphore_mem>>, %arg17: memref<!tpu.dma_semaphore, #tpu.memory_space<semaphore_mem>>, %arg18: memref<!tpu.dma_semaphore, #tpu.memory_space<semaphore_mem>>) attributes {dimension_semantics = [#tpu.dimension_semantics<core_parallel>, #tpu.dimension_semantics<subcore_parallel>], iteration_bounds = array<i64: 2, 16>, scalar_prefetch = 0 : i64, scratch_operands = 10 : i64, tpu.core_type = #tpu.core_type<sc_vector_subcore>, window_params = [{transform_indices = #map}, {transform_indices = #map}, {transform_indices = #map}, {transform_indices = #map1}, {transform_indices = #map1}, {transform_indices = #map}, {transform_indices = #map1}]} {
    %mul3A = arith.constant 16 : i32
    %mul3A_0 = arith.muli %arg0, %mul3A : i32
    %add3A = arith.addi %mul3A_0, %arg1 : i32
    %broadcast_in_dim3A = arith.constant 0.000000e+00 : f32
    %broadcast_in_dim3A_1 = vector.broadcast %broadcast_in_dim3A : f32 to vector<16xf32>
    %scan3A = arith.constant 0 : i32
    %scan3A_2 = arith.constant 625 : i32
    %scan3A_3 = arith.addi %scan3A, %scan3A_2 : i32
    %scan3A_4 = arith.constant 1 : i32
    scf.for %scan3A_31 = %scan3A to %scan3A_3 step %scan3A_4  : i32 {
      %mul3A_32 = arith.constant 16 : i32
      %mul3A_33 = arith.muli %scan3A_31, %mul3A_32 : i32
      %add3A_34 = arith.constant 0 : i32
      %add3A_35 = arith.addi %add3A_34, %mul3A_33 : i32
      %swap3A = arith.index_cast %add3A_35 : i32 to index
      %swap3A_36 = tpu.vector_load %arg14[%swap3A] {strides = array<i32>} : memref<10000xf32, #tpu.memory_space<vmem>>, vector<16xf32>,
      tpu.vector_store %arg14[%swap3A], %broadcast_in_dim3A_1 {strides = array<i32>} : memref<10000xf32, #tpu.memory_space<vmem>>, vector<16xf32>,
    }
    %scan3A_5 = arith.constant 625 : i32
    %scan3A_6 = arith.constant 0 : i32
    %scan3A_7 = arith.constant 8 : i32
    %scan3A_8 = arith.addi %scan3A_6, %scan3A_7 : i32
    %scan3A_9 = arith.constant 1 : i32
    scf.for %scan3A_31 = %scan3A_6 to %scan3A_8 step %scan3A_9  : i32 {
      %mul3A_32 = arith.constant 1 : i32
      %mul3A_33 = arith.muli %scan3A_31, %mul3A_32 : i32
      %add3A_34 = arith.constant 0 : i32
      %add3A_35 = arith.addi %add3A_34, %mul3A_33 : i32
      %scan3A_36 = arith.constant 0 : i32
      %scan3A_37 = arith.constant 8 : i32
      %scan3A_38 = arith.addi %scan3A_36, %scan3A_37 : i32
      %scan3A_39 = arith.constant 1 : i32
      scf.for %scan3A_41 = %scan3A_36 to %scan3A_38 step %scan3A_39  : i32 {
        %mul3A_42 = arith.constant 16 : i32
        %mul3A_43 = arith.muli %scan3A_41, %mul3A_42 : i32
        %add3A_44 = arith.constant 0 : i32
        %add3A_45 = arith.addi %add3A_44, %mul3A_43 : i32
        %swap3A = arith.index_cast %add3A_35 : i32 to index
        %swap3A_46 = arith.index_cast %add3A_45 : i32 to index
        %swap3A_47 = tpu.vector_load %arg13[%swap3A, %swap3A_46] {strides = array<i32>} : memref<80x128xf32, #tpu.memory_space<vmem>>, vector<16xf32>,
        tpu.vector_store %arg13[%swap3A, %swap3A_46], %broadcast_in_dim3A_1 {strides = array<i32>} : memref<80x128xf32, #tpu.memory_space<vmem>>, vector<16xf32>,
      }
      %scan3A_40 = arith.constant 8 : i32
    }
    %scan3A_10 = arith.constant 8 : i32
    %scan3A_11 = arith.constant 0 : i32
    %scan3A_12 = arith.constant 78 : i32
    %scan3A_13 = arith.addi %scan3A_11, %scan3A_12 : i32
    %scan3A_14 = arith.constant 1 : i32
    scf.for %scan3A_31 = %scan3A_11 to %scan3A_13 step %scan3A_14  : i32 {
      %mul3A_32 = arith.constant 1 : i32
      %mul3A_33 = arith.muli %scan3A_31, %mul3A_32 : i32
      %add3A_34 = arith.constant 0 : i32
      %add3A_35 = arith.addi %add3A_34, %mul3A_33 : i32
      %mul3A_36 = arith.constant 624 : i32
      %mul3A_37 = arith.muli %arg1, %mul3A_36 : i32
      %mul3A_38 = arith.constant 8 : i32
      %mul3A_39 = arith.muli %add3A_35, %mul3A_38 : i32
      %add3A_40 = arith.addi %mul3A_37, %mul3A_39 : i32
      %multiple_of3A_41 = tpu.assume_multiple %add3A_40, 8 : i32
      "tpu.region"() ({
        %run_scoped3A = tpu.sem_alloc : memref<!tpu.dma_semaphore, #tpu.memory_space<semaphore_mem>>
        %dma_start3A = arith.constant 0 : i32
        %dma_start3A_42 = arith.constant 0 : i32
        %dma_start3A_43 = tpu.memref_slice %arg13[%dma_start3A, %dma_start3A_42] : memref<80x128xf32, #tpu.memory_space<vmem>> -> memref<8x128xf32, #tpu.memory_space<vmem>>
        %dma_start3A_44 = arith.constant 0 : i32
        %dma_start3A_45 = tpu.memref_slice %arg15[%multiple_of3A_41, %dma_start3A_44] : memref<10000x128xf32, #tpu.memory_space<vmem_shared>> -> memref<8x128xf32, #tpu.memory_space<vmem_shared>>
        %dma_start3A_46 = arith.constant 0 : i32
        %dma_start3A_47 = tpu.memref_slice %arg15[%multiple_of3A_41, %dma_start3A_46] : memref<10000x128xf32, #tpu.memory_space<vmem_shared>> -> memref<8x128xf32, #tpu.memory_space<vmem_shared>>
        %dma_start3A_48 = arith.constant 0 : i32
        %dma_start3A_49 = arith.constant 0 : i32
        %dma_start3A_50 = tpu.memref_slice %arg13[%dma_start3A_48, %dma_start3A_49] : memref<80x128xf32, #tpu.memory_space<vmem>> -> memref<8x128xf32, #tpu.memory_space<vmem>>
        tpu.enqueue_dma source(%dma_start3A_50 : memref<8x128xf32, #tpu.memory_space<vmem>>) target(%dma_start3A_47 : memref<8x128xf32, #tpu.memory_space<vmem_shared>>) target_semaphore(%run_scoped3A : memref<!tpu.dma_semaphore, #tpu.memory_space<semaphore_mem>>)
        %dma_wait3A = arith.constant 0 : i32
        %dma_wait3A_51 = arith.constant 0 : i32
        %dma_wait3A_52 = tpu.memref_slice %arg13[%dma_wait3A, %dma_wait3A_51] : memref<80x128xf32, #tpu.memory_space<vmem>> -> memref<8x128xf32, #tpu.memory_space<vmem>>
        %dma_wait3A_53 = arith.constant 0 : i32
        %dma_wait3A_54 = tpu.memref_slice %arg15[%multiple_of3A_41, %dma_wait3A_53] : memref<10000x128xf32, #tpu.memory_space<vmem_shared>> -> memref<8x128xf32, #tpu.memory_space<vmem_shared>>
        %dma_wait3A_55 = arith.constant 0 : i32
        %dma_wait3A_56 = tpu.memref_slice %arg15[%multiple_of3A_41, %dma_wait3A_55] : memref<10000x128xf32, #tpu.memory_space<vmem_shared>> -> memref<8x128xf32, #tpu.memory_space<vmem_shared>>
        %dma_wait3A_57 = arith.constant 0 : i32
        %dma_wait3A_58 = arith.constant 0 : i32
        %dma_wait3A_59 = tpu.memref_slice %arg13[%dma_wait3A_57, %dma_wait3A_58] : memref<80x128xf32, #tpu.memory_space<vmem>> -> memref<8x128xf32, #tpu.memory_space<vmem>>
        tpu.wait_dma2 semaphore(%run_scoped3A : memref<!tpu.dma_semaphore, #tpu.memory_space<semaphore_mem>>) src(%dma_wait3A_59 : memref<8x128xf32, #tpu.memory_space<vmem>>) dst(%dma_wait3A_56 : memref<8x128xf32, #tpu.memory_space<vmem_shared>>)
        tpu.yield
      }) : () -> ()
    }
    %scan3A_15 = arith.constant 78 : i32
    %eq3A = arith.constant 15 : i32
    %eq3A_16 = arith.cmpi eq, %arg1, %eq3A : i32
    %convert_element_type3A = arith.extui %eq3A_16 : i1 to i32
    %cond3A = arith.constant 0 : i32
    %cond3A_17 = arith.cmpi ne, %convert_element_type3A, %cond3A : i32
    scf.if %cond3A_17 {
      %scan3A_31 = arith.constant 0 : i32
      %scan3A_32 = arith.constant 2 : i32
      %scan3A_33 = arith.addi %scan3A_31, %scan3A_32 : i32
      %scan3A_34 = arith.constant 1 : i32
      scf.for %scan3A_36 = %scan3A_31 to %scan3A_33 step %scan3A_34  : i32 {
        %mul3A_37 = arith.constant 1 : i32
        %mul3A_38 = arith.muli %scan3A_36, %mul3A_37 : i32
        %add3A_39 = arith.constant 0 : i32
        %add3A_40 = arith.addi %add3A_39, %mul3A_38 : i32
        %mul3A_41 = arith.constant 8 : i32
        %mul3A_42 = arith.muli %add3A_40, %mul3A_41 : i32
        %add3A_43 = arith.constant 9984 : i32
        %add3A_44 = arith.addi %add3A_43, %mul3A_42 : i32
        %multiple_of3A_45 = tpu.assume_multiple %add3A_44, 8 : i32
        "tpu.region"() ({
          %run_scoped3A = tpu.sem_alloc : memref<!tpu.dma_semaphore, #tpu.memory_space<semaphore_mem>>
          %dma_start3A = arith.constant 0 : i32
          %dma_start3A_46 = arith.constant 0 : i32
          %dma_start3A_47 = tpu.memref_slice %arg13[%dma_start3A, %dma_start3A_46] : memref<80x128xf32, #tpu.memory_space<vmem>> -> memref<8x128xf32, #tpu.memory_space<vmem>>
          %dma_start3A_48 = arith.constant 0 : i32
          %dma_start3A_49 = tpu.memref_slice %arg15[%multiple_of3A_45, %dma_start3A_48] : memref<10000x128xf32, #tpu.memory_space<vmem_shared>> -> memref<8x128xf32, #tpu.memory_space<vmem_shared>>
          %dma_start3A_50 = arith.constant 0 : i32
          %dma_start3A_51 = tpu.memref_slice %arg15[%multiple_of3A_45, %dma_start3A_50] : memref<10000x128xf32, #tpu.memory_space<vmem_shared>> -> memref<8x128xf32, #tpu.memory_space<vmem_shared>>
          %dma_start3A_52 = arith.constant 0 : i32
          %dma_start3A_53 = arith.constant 0 : i32
          %dma_start3A_54 = tpu.memref_slice %arg13[%dma_start3A_52, %dma_start3A_53] : memref<80x128xf32, #tpu.memory_space<vmem>> -> memref<8x128xf32, #tpu.memory_space<vmem>>
          tpu.enqueue_dma source(%dma_start3A_54 : memref<8x128xf32, #tpu.memory_space<vmem>>) target(%dma_start3A_51 : memref<8x128xf32, #tpu.memory_space<vmem_shared>>) target_semaphore(%run_scoped3A : memref<!tpu.dma_semaphore, #tpu.memory_space<semaphore_mem>>)
          %dma_wait3A = arith.constant 0 : i32
          %dma_wait3A_55 = arith.constant 0 : i32
          %dma_wait3A_56 = tpu.memref_slice %arg13[%dma_wait3A, %dma_wait3A_55] : memref<80x128xf32, #tpu.memory_space<vmem>> -> memref<8x128xf32, #tpu.memory_space<vmem>>
          %dma_wait3A_57 = arith.constant 0 : i32
          %dma_wait3A_58 = tpu.memref_slice %arg15[%multiple_of3A_45, %dma_wait3A_57] : memref<10000x128xf32, #tpu.memory_space<vmem_shared>> -> memref<8x128xf32, #tpu.memory_space<vmem_shared>>
          %dma_wait3A_59 = arith.constant 0 : i32
          %dma_wait3A_60 = tpu.memref_slice %arg15[%multiple_of3A_45, %dma_wait3A_59] : memref<10000x128xf32, #tpu.memory_space<vmem_shared>> -> memref<8x128xf32, #tpu.memory_space<vmem_shared>>
          %dma_wait3A_61 = arith.constant 0 : i32
          %dma_wait3A_62 = arith.constant 0 : i32
          %dma_wait3A_63 = tpu.memref_slice %arg13[%dma_wait3A_61, %dma_wait3A_62] : memref<80x128xf32, #tpu.memory_space<vmem>> -> memref<8x128xf32, #tpu.memory_space<vmem>>
          tpu.wait_dma2 semaphore(%run_scoped3A : memref<!tpu.dma_semaphore, #tpu.memory_space<semaphore_mem>>) src(%dma_wait3A_63 : memref<8x128xf32, #tpu.memory_space<vmem>>) dst(%dma_wait3A_60 : memref<8x128xf32, #tpu.memory_space<vmem_shared>>)
          tpu.yield
        }) : () -> ()
      }
      %scan3A_35 = arith.constant 2 : i32
    } else {
    }
    %barrier3A = arith.constant 0 : index
    tpu.barrier barrier_id(%barrier3A)
    %iota3A = tpu.iota {dimensions = array<i32: 0>} : vector<16xi32>
    %scan3A_18 = arith.constant 0 : i32
    %scan3A_19 = arith.constant 125 : i32
    %scan3A_20 = arith.addi %scan3A_18, %scan3A_19 : i32
    %scan3A_21 = arith.constant 1 : i32
    scf.for %scan3A_31 = %scan3A_18 to %scan3A_20 step %scan3A_21  : i32 {
      %mul3A_32 = arith.constant 1 : i32
      %mul3A_33 = arith.muli %scan3A_31, %mul3A_32 : i32
      %add3A_34 = arith.constant 0 : i32
      %add3A_35 = arith.addi %add3A_34, %mul3A_33 : i32
      %mul3A_36 = arith.constant 10000 : i32
      %mul3A_37 = arith.muli %add3A, %mul3A_36 : i32
      %mul3A_38 = arith.constant 80 : i32
      %mul3A_39 = arith.muli %add3A_35, %mul3A_38 : i32
      %add3A_40 = arith.addi %mul3A_37, %mul3A_39 : i32
      %multiple_of3A_41 = tpu.assume_multiple %add3A_40, 16 : i32
      "tpu.region"() ({
        %run_scoped3A = tpu.sem_alloc : memref<!tpu.dma_semaphore, #tpu.memory_space<semaphore_mem>>
        %dma_start3A_68 = tpu.memref_slice %arg5[%multiple_of3A_41] : memref<320000xi32, #tpu.memory_space<hbm>> -> memref<80xi32, #tpu.memory_space<hbm>>
        %dma_start3A_69 = tpu.memref_slice %arg5[%multiple_of3A_41] : memref<320000xi32, #tpu.memory_space<hbm>> -> memref<80xi32, #tpu.memory_space<hbm>>
        tpu.enqueue_dma source(%dma_start3A_69 : memref<80xi32, #tpu.memory_space<hbm>>) target(%arg9 : memref<80xi32, #tpu.memory_space<vmem>>) target_semaphore(%run_scoped3A : memref<!tpu.dma_semaphore, #tpu.memory_space<semaphore_mem>>)
        %dma_wait3A_70 = tpu.memref_slice %arg5[%multiple_of3A_41] : memref<320000xi32, #tpu.memory_space<hbm>> -> memref<80xi32, #tpu.memory_space<hbm>>
        %dma_wait3A_71 = tpu.memref_slice %arg5[%multiple_of3A_41] : memref<320000xi32, #tpu.memory_space<hbm>> -> memref<80xi32, #tpu.memory_space<hbm>>
        tpu.wait_dma2 semaphore(%run_scoped3A : memref<!tpu.dma_semaphore, #tpu.memory_space<semaphore_mem>>) src(%dma_wait3A_71 : memref<80xi32, #tpu.memory_space<hbm>>) dst(%arg9 : memref<80xi32, #tpu.memory_space<vmem>>)
        tpu.yield
      }) : () -> ()
      "tpu.region"() ({
        %run_scoped3A = tpu.sem_alloc : memref<!tpu.dma_semaphore, #tpu.memory_space<semaphore_mem>>
        %dma_start3A_68 = tpu.memref_slice %arg6[%multiple_of3A_41] : memref<320000xi32, #tpu.memory_space<hbm>> -> memref<80xi32, #tpu.memory_space<hbm>>
        %dma_start3A_69 = tpu.memref_slice %arg6[%multiple_of3A_41] : memref<320000xi32, #tpu.memory_space<hbm>> -> memref<80xi32, #tpu.memory_space<hbm>>
        tpu.enqueue_dma source(%dma_start3A_69 : memref<80xi32, #tpu.memory_space<hbm>>) target(%arg10 : memref<80xi32, #tpu.memory_space<vmem>>) target_semaphore(%run_scoped3A : memref<!tpu.dma_semaphore, #tpu.memory_space<semaphore_mem>>)
        %dma_wait3A_70 = tpu.memref_slice %arg6[%multiple_of3A_41] : memref<320000xi32, #tpu.memory_space<hbm>> -> memref<80xi32, #tpu.memory_space<hbm>>
        %dma_wait3A_71 = tpu.memref_slice %arg6[%multiple_of3A_41] : memref<320000xi32, #tpu.memory_space<hbm>> -> memref<80xi32, #tpu.memory_space<hbm>>
        tpu.wait_dma2 semaphore(%run_scoped3A : memref<!tpu.dma_semaphore, #tpu.memory_space<semaphore_mem>>) src(%dma_wait3A_71 : memref<80xi32, #tpu.memory_space<hbm>>) dst(%arg10 : memref<80xi32, #tpu.memory_space<vmem>>)
        tpu.yield
      }) : () -> ()
      %dma_start3A = arith.constant 0 : i32
      %dma_start3A_42 = arith.constant 0 : i32
      %dma_start3A_43 = tpu.memref_slice %arg2[%dma_start3A, %dma_start3A_42] : memref<10000x128xf32, #tpu.memory_space<hbm>> -> memref<10000x128xf32, #tpu.memory_space<hbm>>
      tpu.enqueue_indirect_dma source(%dma_start3A_43 : memref<10000x128xf32, #tpu.memory_space<hbm>>) target(%arg11 : memref<80x128xf32, #tpu.memory_space<vmem>>) offsets(%arg10 : memref<80xi32, #tpu.memory_space<vmem>>) semaphore(%arg16 : memref<!tpu.dma_semaphore, #tpu.memory_space<semaphore_mem>>)
      %dma_start3A_44 = arith.constant 0 : i32
      %dma_start3A_45 = arith.constant 0 : i32
      %dma_start3A_46 = tpu.memref_slice %arg3[%dma_start3A_44, %dma_start3A_45] : memref<10000x128xf32, #tpu.memory_space<hbm>> -> memref<10000x128xf32, #tpu.memory_space<hbm>>
      tpu.enqueue_indirect_dma source(%dma_start3A_46 : memref<10000x128xf32, #tpu.memory_space<hbm>>) target(%arg12 : memref<80x128xf32, #tpu.memory_space<vmem>>) offsets(%arg9 : memref<80xi32, #tpu.memory_space<vmem>>) semaphore(%arg17 : memref<!tpu.dma_semaphore, #tpu.memory_space<semaphore_mem>>)
      %dma_start3A_47 = arith.constant 0 : i32
      %dma_start3A_48 = arith.constant 0 : i32
      %dma_start3A_49 = tpu.memref_slice %arg4[%dma_start3A_47, %dma_start3A_48] : memref<10000x128xf32, #tpu.memory_space<hbm>> -> memref<10000x128xf32, #tpu.memory_space<hbm>>
      tpu.enqueue_indirect_dma source(%dma_start3A_49 : memref<10000x128xf32, #tpu.memory_space<hbm>>) target(%arg13 : memref<80x128xf32, #tpu.memory_space<vmem>>) offsets(%arg9 : memref<80xi32, #tpu.memory_space<vmem>>) semaphore(%arg18 : memref<!tpu.dma_semaphore, #tpu.memory_space<semaphore_mem>>)
      %dma_wait3A = arith.constant 0 : i32
      %dma_wait3A_50 = arith.constant 0 : i32
      %dma_wait3A_51 = tpu.memref_slice %arg2[%dma_wait3A, %dma_wait3A_50] : memref<10000x128xf32, #tpu.memory_space<hbm>> -> memref<10000x128xf32, #tpu.memory_space<hbm>>
      tpu.wait_indirect_dma semaphore(%arg16 : memref<!tpu.dma_semaphore, #tpu.memory_space<semaphore_mem>>) src(%dma_wait3A_51 : memref<10000x128xf32, #tpu.memory_space<hbm>>) dst(%arg11 : memref<80x128xf32, #tpu.memory_space<vmem>>)
      %dma_wait3A_52 = arith.constant 0 : i32
      %dma_wait3A_53 = arith.constant 0 : i32
      %dma_wait3A_54 = tpu.memref_slice %arg3[%dma_wait3A_52, %dma_wait3A_53] : memref<10000x128xf32, #tpu.memory_space<hbm>> -> memref<10000x128xf32, #tpu.memory_space<hbm>>
      tpu.wait_indirect_dma semaphore(%arg17 : memref<!tpu.dma_semaphore, #tpu.memory_space<semaphore_mem>>) src(%dma_wait3A_54 : memref<10000x128xf32, #tpu.memory_space<hbm>>) dst(%arg12 : memref<80x128xf32, #tpu.memory_space<vmem>>)
      %dma_wait3A_55 = arith.constant 0 : i32
      %dma_wait3A_56 = arith.constant 0 : i32
      %dma_wait3A_57 = tpu.memref_slice %arg4[%dma_wait3A_55, %dma_wait3A_56] : memref<10000x128xf32, #tpu.memory_space<hbm>> -> memref<10000x128xf32, #tpu.memory_space<hbm>>
      tpu.wait_indirect_dma semaphore(%arg18 : memref<!tpu.dma_semaphore, #tpu.memory_space<semaphore_mem>>) src(%dma_wait3A_57 : memref<10000x128xf32, #tpu.memory_space<hbm>>) dst(%arg13 : memref<80x128xf32, #tpu.memory_space<vmem>>)
      %scan3A_58 = arith.constant 0 : i32
      %scan3A_59 = arith.constant 80 : i32
      %scan3A_60 = arith.addi %scan3A_58, %scan3A_59 : i32
      %scan3A_61 = arith.constant 1 : i32
      scf.for %scan3A_68 = %scan3A_58 to %scan3A_60 step %scan3A_61  : i32 {
        %mul3A_69 = arith.constant 1 : i32
        %mul3A_70 = arith.muli %scan3A_68, %mul3A_69 : i32
        %add3A_71 = arith.constant 0 : i32
        %add3A_72 = arith.addi %add3A_71, %mul3A_70 : i32
        %get3A = arith.index_cast %add3A_72 : i32 to index
        %get3A_73 = arith.constant 0 : index
        %get3A_74 = tpu.vector_load %arg11[%get3A, %get3A_73] {strides = array<i32>} : memref<80x128xf32, #tpu.memory_space<vmem>>, vector<16xf32>,
        %get3A_75 = arith.index_cast %add3A_72 : i32 to index
        %get3A_76 = arith.constant 0 : index
        %get3A_77 = tpu.vector_load %arg12[%get3A_75, %get3A_76] {strides = array<i32>} : memref<80x128xf32, #tpu.memory_space<vmem>>, vector<16xf32>,
        %mul3A_78 = arith.mulf %get3A_74, %get3A_77 : vector<16xf32>
        %get3A_79 = arith.index_cast %add3A_72 : i32 to index
        %get3A_80 = arith.constant 16 : index
        %get3A_81 = tpu.vector_load %arg11[%get3A_79, %get3A_80] {strides = array<i32>} : memref<80x128xf32, #tpu.memory_space<vmem>>, vector<16xf32>,
        %get3A_82 = arith.index_cast %add3A_72 : i32 to index
        %get3A_83 = arith.constant 16 : index
        %get3A_84 = tpu.vector_load %arg12[%get3A_82, %get3A_83] {strides = array<i32>} : memref<80x128xf32, #tpu.memory_space<vmem>>, vector<16xf32>,
        %mul3A_85 = arith.mulf %get3A_81, %get3A_84 : vector<16xf32>
        %add3A_86 = arith.addf %mul3A_78, %mul3A_85 : vector<16xf32>
        %get3A_87 = arith.index_cast %add3A_72 : i32 to index
        %get3A_88 = arith.constant 32 : index
        %get3A_89 = tpu.vector_load %arg11[%get3A_87, %get3A_88] {strides = array<i32>} : memref<80x128xf32, #tpu.memory_space<vmem>>, vector<16xf32>,
        %get3A_90 = arith.index_cast %add3A_72 : i32 to index
        %get3A_91 = arith.constant 32 : index
        %get3A_92 = tpu.vector_load %arg12[%get3A_90, %get3A_91] {strides = array<i32>} : memref<80x128xf32, #tpu.memory_space<vmem>>, vector<16xf32>,
        %mul3A_93 = arith.mulf %get3A_89, %get3A_92 : vector<16xf32>
        %add3A_94 = arith.addf %add3A_86, %mul3A_93 : vector<16xf32>
        %get3A_95 = arith.index_cast %add3A_72 : i32 to index
        %get3A_96 = arith.constant 48 : index
        %get3A_97 = tpu.vector_load %arg11[%get3A_95, %get3A_96] {strides = array<i32>} : memref<80x128xf32, #tpu.memory_space<vmem>>, vector<16xf32>,
        %get3A_98 = arith.index_cast %add3A_72 : i32 to index
        %get3A_99 = arith.constant 48 : index
        %get3A_100 = tpu.vector_load %arg12[%get3A_98, %get3A_99] {strides = array<i32>} : memref<80x128xf32, #tpu.memory_space<vmem>>, vector<16xf32>,
        %mul3A_101 = arith.mulf %get3A_97, %get3A_100 : vector<16xf32>
        %add3A_102 = arith.addf %add3A_94, %mul3A_101 : vector<16xf32>
        %get3A_103 = arith.index_cast %add3A_72 : i32 to index
        %get3A_104 = arith.constant 64 : index
        %get3A_105 = tpu.vector_load %arg11[%get3A_103, %get3A_104] {strides = array<i32>} : memref<80x128xf32, #tpu.memory_space<vmem>>, vector<16xf32>,
        %get3A_106 = arith.index_cast %add3A_72 : i32 to index
        %get3A_107 = arith.constant 64 : index
        %get3A_108 = tpu.vector_load %arg12[%get3A_106, %get3A_107] {strides = array<i32>} : memref<80x128xf32, #tpu.memory_space<vmem>>, vector<16xf32>,
        %mul3A_109 = arith.mulf %get3A_105, %get3A_108 : vector<16xf32>
        %add3A_110 = arith.addf %add3A_102, %mul3A_109 : vector<16xf32>
        %get3A_111 = arith.index_cast %add3A_72 : i32 to index
        %get3A_112 = arith.constant 80 : index
        %get3A_113 = tpu.vector_load %arg11[%get3A_111, %get3A_112] {strides = array<i32>} : memref<80x128xf32, #tpu.memory_space<vmem>>, vector<16xf32>,
        %get3A_114 = arith.index_cast %add3A_72 : i32 to index
        %get3A_115 = arith.constant 80 : index
        %get3A_116 = tpu.vector_load %arg12[%get3A_114, %get3A_115] {strides = array<i32>} : memref<80x128xf32, #tpu.memory_space<vmem>>, vector<16xf32>,
        %mul3A_117 = arith.mulf %get3A_113, %get3A_116 : vector<16xf32>
        %add3A_118 = arith.addf %add3A_110, %mul3A_117 : vector<16xf32>
        %get3A_119 = arith.index_cast %add3A_72 : i32 to index
        %get3A_120 = arith.constant 96 : index
        %get3A_121 = tpu.vector_load %arg11[%get3A_119, %get3A_120] {strides = array<i32>} : memref<80x128xf32, #tpu.memory_space<vmem>>, vector<16xf32>,
        %get3A_122 = arith.index_cast %add3A_72 : i32 to index
        %get3A_123 = arith.constant 96 : index
        %get3A_124 = tpu.vector_load %arg12[%get3A_122, %get3A_123] {strides = array<i32>} : memref<80x128xf32, #tpu.memory_space<vmem>>, vector<16xf32>,
        %mul3A_125 = arith.mulf %get3A_121, %get3A_124 : vector<16xf32>
        %add3A_126 = arith.addf %add3A_118, %mul3A_125 : vector<16xf32>
        %get3A_127 = arith.index_cast %add3A_72 : i32 to index
        %get3A_128 = arith.constant 112 : index
        %get3A_129 = tpu.vector_load %arg11[%get3A_127, %get3A_128] {strides = array<i32>} : memref<80x128xf32, #tpu.memory_space<vmem>>, vector<16xf32>,
        %get3A_130 = arith.index_cast %add3A_72 : i32 to index
        %get3A_131 = arith.constant 112 : index
        %get3A_132 = tpu.vector_load %arg12[%get3A_130, %get3A_131] {strides = array<i32>} : memref<80x128xf32, #tpu.memory_space<vmem>>, vector<16xf32>,
        %mul3A_133 = arith.mulf %get3A_129, %get3A_132 : vector<16xf32>
        %add3A_134 = arith.addf %add3A_126, %mul3A_133 : vector<16xf32>
        %swap3A = arith.index_cast %add3A_72 : i32 to index
        %swap3A_135 = arith.constant 0 : index
        %swap3A_136 = tpu.vector_load %arg11[%swap3A, %swap3A_135] {strides = array<i32>} : memref<80x128xf32, #tpu.memory_space<vmem>>, vector<16xf32>,
        tpu.vector_store %arg11[%swap3A, %swap3A_135], %add3A_134 {strides = array<i32>} : memref<80x128xf32, #tpu.memory_space<vmem>>, vector<16xf32>,
      }
      %scan3A_62 = arith.constant 80 : i32
      %scan3A_63 = arith.constant 0 : i32
      %scan3A_64 = arith.constant 5 : i32
      %scan3A_65 = arith.addi %scan3A_63, %scan3A_64 : i32
      %scan3A_66 = arith.constant 1 : i32
      scf.for %scan3A_68 = %scan3A_63 to %scan3A_65 step %scan3A_66  : i32 {
        %mul3A_69 = arith.constant 1 : i32
        %mul3A_70 = arith.muli %scan3A_68, %mul3A_69 : i32
        %add3A_71 = arith.constant 0 : i32
        %add3A_72 = arith.addi %add3A_71, %mul3A_70 : i32
        %mul3A_73 = arith.constant 16 : i32
        %mul3A_74 = arith.muli %add3A_72, %mul3A_73 : i32
        %add3A_75 = vector.broadcast %mul3A_74 : i32 to vector<16xi32>
        %add3A_76 = arith.addi %iota3A, %add3A_75 : vector<16xi32>
        %broadcast_in_dim3A_77 = arith.constant 0 : i32
        %broadcast_in_dim3A_78 = vector.broadcast %broadcast_in_dim3A_77 : i32 to vector<16xi32>
        %gather3A = tpu.vector_load_idx %arg11[%add3A_76, %broadcast_in_dim3A_78] : memref<80x128xf32, #tpu.memory_space<vmem>>[vector<16xi32>, vector<16xi32>], vector<16xf32>,
        %broadcast_in_dim3A_79 = arith.constant 1 : i32
        %broadcast_in_dim3A_80 = vector.broadcast %broadcast_in_dim3A_79 : i32 to vector<16xi32>
        %gather3A_81 = tpu.vector_load_idx %arg11[%add3A_76, %broadcast_in_dim3A_80] : memref<80x128xf32, #tpu.memory_space<vmem>>[vector<16xi32>, vector<16xi32>], vector<16xf32>,
        %add3A_82 = arith.addf %gather3A, %gather3A_81 : vector<16xf32>
        %broadcast_in_dim3A_83 = arith.constant 2 : i32
        %broadcast_in_dim3A_84 = vector.broadcast %broadcast_in_dim3A_83 : i32 to vector<16xi32>
        %gather3A_85 = tpu.vector_load_idx %arg11[%add3A_76, %broadcast_in_dim3A_84] : memref<80x128xf32, #tpu.memory_space<vmem>>[vector<16xi32>, vector<16xi32>], vector<16xf32>,
        %add3A_86 = arith.addf %add3A_82, %gather3A_85 : vector<16xf32>
        %broadcast_in_dim3A_87 = arith.constant 3 : i32
        %broadcast_in_dim3A_88 = vector.broadcast %broadcast_in_dim3A_87 : i32 to vector<16xi32>
        %gather3A_89 = tpu.vector_load_idx %arg11[%add3A_76, %broadcast_in_dim3A_88] : memref<80x128xf32, #tpu.memory_space<vmem>>[vector<16xi32>, vector<16xi32>], vector<16xf32>,
        %add3A_90 = arith.addf %add3A_86, %gather3A_89 : vector<16xf32>
        %broadcast_in_dim3A_91 = arith.constant 4 : i32
        %broadcast_in_dim3A_92 = vector.broadcast %broadcast_in_dim3A_91 : i32 to vector<16xi32>
        %gather3A_93 = tpu.vector_load_idx %arg11[%add3A_76, %broadcast_in_dim3A_92] : memref<80x128xf32, #tpu.memory_space<vmem>>[vector<16xi32>, vector<16xi32>], vector<16xf32>,
        %add3A_94 = arith.addf %add3A_90, %gather3A_93 : vector<16xf32>
        %broadcast_in_dim3A_95 = arith.constant 5 : i32
        %broadcast_in_dim3A_96 = vector.broadcast %broadcast_in_dim3A_95 : i32 to vector<16xi32>
        %gather3A_97 = tpu.vector_load_idx %arg11[%add3A_76, %broadcast_in_dim3A_96] : memref<80x128xf32, #tpu.memory_space<vmem>>[vector<16xi32>, vector<16xi32>], vector<16xf32>,
        %add3A_98 = arith.addf %add3A_94, %gather3A_97 : vector<16xf32>
        %broadcast_in_dim3A_99 = arith.constant 6 : i32
        %broadcast_in_dim3A_100 = vector.broadcast %broadcast_in_dim3A_99 : i32 to vector<16xi32>
        %gather3A_101 = tpu.vector_load_idx %arg11[%add3A_76, %broadcast_in_dim3A_100] : memref<80x128xf32, #tpu.memory_space<vmem>>[vector<16xi32>, vector<16xi32>], vector<16xf32>,
        %add3A_102 = arith.addf %add3A_98, %gather3A_101 : vector<16xf32>
        %broadcast_in_dim3A_103 = arith.constant 7 : i32
        %broadcast_in_dim3A_104 = vector.broadcast %broadcast_in_dim3A_103 : i32 to vector<16xi32>
        %gather3A_105 = tpu.vector_load_idx %arg11[%add3A_76, %broadcast_in_dim3A_104] : memref<80x128xf32, #tpu.memory_space<vmem>>[vector<16xi32>, vector<16xi32>], vector<16xf32>,
        %add3A_106 = arith.addf %add3A_102, %gather3A_105 : vector<16xf32>
        %broadcast_in_dim3A_107 = arith.constant 8 : i32
        %broadcast_in_dim3A_108 = vector.broadcast %broadcast_in_dim3A_107 : i32 to vector<16xi32>
        %gather3A_109 = tpu.vector_load_idx %arg11[%add3A_76, %broadcast_in_dim3A_108] : memref<80x128xf32, #tpu.memory_space<vmem>>[vector<16xi32>, vector<16xi32>], vector<16xf32>,
        %add3A_110 = arith.addf %add3A_106, %gather3A_109 : vector<16xf32>
        %broadcast_in_dim3A_111 = arith.constant 9 : i32
        %broadcast_in_dim3A_112 = vector.broadcast %broadcast_in_dim3A_111 : i32 to vector<16xi32>
        %gather3A_113 = tpu.vector_load_idx %arg11[%add3A_76, %broadcast_in_dim3A_112] : memref<80x128xf32, #tpu.memory_space<vmem>>[vector<16xi32>, vector<16xi32>], vector<16xf32>,
        %add3A_114 = arith.addf %add3A_110, %gather3A_113 : vector<16xf32>
        %broadcast_in_dim3A_115 = arith.constant 10 : i32
        %broadcast_in_dim3A_116 = vector.broadcast %broadcast_in_dim3A_115 : i32 to vector<16xi32>
        %gather3A_117 = tpu.vector_load_idx %arg11[%add3A_76, %broadcast_in_dim3A_116] : memref<80x128xf32, #tpu.memory_space<vmem>>[vector<16xi32>, vector<16xi32>], vector<16xf32>,
        %add3A_118 = arith.addf %add3A_114, %gather3A_117 : vector<16xf32>
        %broadcast_in_dim3A_119 = arith.constant 11 : i32
        %broadcast_in_dim3A_120 = vector.broadcast %broadcast_in_dim3A_119 : i32 to vector<16xi32>
        %gather3A_121 = tpu.vector_load_idx %arg11[%add3A_76, %broadcast_in_dim3A_120] : memref<80x128xf32, #tpu.memory_space<vmem>>[vector<16xi32>, vector<16xi32>], vector<16xf32>,
        %add3A_122 = arith.addf %add3A_118, %gather3A_121 : vector<16xf32>
        %broadcast_in_dim3A_123 = arith.constant 12 : i32
        %broadcast_in_dim3A_124 = vector.broadcast %broadcast_in_dim3A_123 : i32 to vector<16xi32>
        %gather3A_125 = tpu.vector_load_idx %arg11[%add3A_76, %broadcast_in_dim3A_124] : memref<80x128xf32, #tpu.memory_space<vmem>>[vector<16xi32>, vector<16xi32>], vector<16xf32>,
        %add3A_126 = arith.addf %add3A_122, %gather3A_125 : vector<16xf32>
        %broadcast_in_dim3A_127 = arith.constant 13 : i32
        %broadcast_in_dim3A_128 = vector.broadcast %broadcast_in_dim3A_127 : i32 to vector<16xi32>
        %gather3A_129 = tpu.vector_load_idx %arg11[%add3A_76, %broadcast_in_dim3A_128] : memref<80x128xf32, #tpu.memory_space<vmem>>[vector<16xi32>, vector<16xi32>], vector<16xf32>,
        %add3A_130 = arith.addf %add3A_126, %gather3A_129 : vector<16xf32>
        %broadcast_in_dim3A_131 = arith.constant 14 : i32
        %broadcast_in_dim3A_132 = vector.broadcast %broadcast_in_dim3A_131 : i32 to vector<16xi32>
        %gather3A_133 = tpu.vector_load_idx %arg11[%add3A_76, %broadcast_in_dim3A_132] : memref<80x128xf32, #tpu.memory_space<vmem>>[vector<16xi32>, vector<16xi32>], vector<16xf32>,
        %add3A_134 = arith.addf %add3A_130, %gather3A_133 : vector<16xf32>
        %broadcast_in_dim3A_135 = arith.constant 15 : i32
        %broadcast_in_dim3A_136 = vector.broadcast %broadcast_in_dim3A_135 : i32 to vector<16xi32>
        %gather3A_137 = tpu.vector_load_idx %arg11[%add3A_76, %broadcast_in_dim3A_136] : memref<80x128xf32, #tpu.memory_space<vmem>>[vector<16xi32>, vector<16xi32>], vector<16xf32>,
        %add3A_138 = arith.addf %add3A_134, %gather3A_137 : vector<16xf32>
        %mul3A_139 = arith.constant 0.0883883461 : f32
        %mul3A_140 = vector.broadcast %mul3A_139 : f32 to vector<16xf32>
        %mul3A_141 = arith.mulf %add3A_138, %mul3A_140 : vector<16xf32>
        %exp3A = math.exp %mul3A_141 : vector<16xf32>
        %mul3A_142 = arith.constant 16 : i32
        %mul3A_143 = arith.muli %add3A_72, %mul3A_142 : i32
        %get3A = arith.index_cast %mul3A_143 : i32 to index
        %get3A_144 = tpu.vector_load %arg10[%get3A] {strides = array<i32>} : memref<80xi32, #tpu.memory_space<vmem>>, vector<16xi32>,
        tpu.vector_store_idx %arg14[%get3A_144], %exp3A {add = true} : memref<10000xf32, #tpu.memory_space<vmem>>[vector<16xi32>], vector<16xf32>,
        %mul3A_145 = arith.constant 16 : i32
        %mul3A_146 = arith.muli %add3A_72, %mul3A_145 : i32
        %add3A_147 = arith.constant 0 : i32
        %add3A_148 = arith.addi %mul3A_146, %add3A_147 : i32
        %slice3A = vector.extract_strided_slice %exp3A {offsets = [0], sizes = [1], strides = [1]} : vector<16xf32> to vector<1xf32>
        %squeeze3A = vector.extract %slice3A[0] : f32 from vector<1xf32>
        %get3A_149 = arith.index_cast %add3A_148 : i32 to index
        %get3A_150 = arith.constant 0 : index
        %get3A_151 = tpu.vector_load %arg13[%get3A_149, %get3A_150] {strides = array<i32>} : memref<80x128xf32, #tpu.memory_space<vmem>>, vector<16xf32>,
        %mul3A_152 = vector.broadcast %squeeze3A : f32 to vector<16xf32>
        %mul3A_153 = arith.mulf %get3A_151, %mul3A_152 : vector<16xf32>
        %swap3A = arith.index_cast %add3A_148 : i32 to index
        %swap3A_154 = arith.constant 0 : index
        %swap3A_155 = tpu.vector_load %arg13[%swap3A, %swap3A_154] {strides = array<i32>} : memref<80x128xf32, #tpu.memory_space<vmem>>, vector<16xf32>,
        tpu.vector_store %arg13[%swap3A, %swap3A_154], %mul3A_153 {strides = array<i32>} : memref<80x128xf32, #tpu.memory_space<vmem>>, vector<16xf32>,
        %get3A_156 = arith.index_cast %add3A_148 : i32 to index
        %get3A_157 = arith.constant 16 : index
        %get3A_158 = tpu.vector_load %arg13[%get3A_156, %get3A_157] {strides = array<i32>} : memref<80x128xf32, #tpu.memory_space<vmem>>, vector<16xf32>,
        %mul3A_159 = vector.broadcast %squeeze3A : f32 to vector<16xf32>
        %mul3A_160 = arith.mulf %get3A_158, %mul3A_159 : vector<16xf32>
        %swap3A_161 = arith.index_cast %add3A_148 : i32 to index
        %swap3A_162 = arith.constant 16 : index
        %swap3A_163 = tpu.vector_load %arg13[%swap3A_161, %swap3A_162] {strides = array<i32>} : memref<80x128xf32, #tpu.memory_space<vmem>>, vector<16xf32>,
        tpu.vector_store %arg13[%swap3A_161, %swap3A_162], %mul3A_160 {strides = array<i32>} : memref<80x128xf32, #tpu.memory_space<vmem>>, vector<16xf32>,
        %get3A_164 = arith.index_cast %add3A_148 : i32 to index
        %get3A_165 = arith.constant 32 : index
        %get3A_166 = tpu.vector_load %arg13[%get3A_164, %get3A_165] {strides = array<i32>} : memref<80x128xf32, #tpu.memory_space<vmem>>, vector<16xf32>,
        %mul3A_167 = vector.broadcast %squeeze3A : f32 to vector<16xf32>
        %mul3A_168 = arith.mulf %get3A_166, %mul3A_167 : vector<16xf32>
        %swap3A_169 = arith.index_cast %add3A_148 : i32 to index
        %swap3A_170 = arith.constant 32 : index
        %swap3A_171 = tpu.vector_load %arg13[%swap3A_169, %swap3A_170] {strides = array<i32>} : memref<80x128xf32, #tpu.memory_space<vmem>>, vector<16xf32>,
        tpu.vector_store %arg13[%swap3A_169, %swap3A_170], %mul3A_168 {strides = array<i32>} : memref<80x128xf32, #tpu.memory_space<vmem>>, vector<16xf32>,
        %get3A_172 = arith.index_cast %add3A_148 : i32 to index
        %get3A_173 = arith.constant 48 : index
        %get3A_174 = tpu.vector_load %arg13[%get3A_172, %get3A_173] {strides = array<i32>} : memref<80x128xf32, #tpu.memory_space<vmem>>, vector<16xf32>,
        %mul3A_175 = vector.broadcast %squeeze3A : f32 to vector<16xf32>
        %mul3A_176 = arith.mulf %get3A_174, %mul3A_175 : vector<16xf32>
        %swap3A_177 = arith.index_cast %add3A_148 : i32 to index
        %swap3A_178 = arith.constant 48 : index
        %swap3A_179 = tpu.vector_load %arg13[%swap3A_177, %swap3A_178] {strides = array<i32>} : memref<80x128xf32, #tpu.memory_space<vmem>>, vector<16xf32>,
        tpu.vector_store %arg13[%swap3A_177, %swap3A_178], %mul3A_176 {strides = array<i32>} : memref<80x128xf32, #tpu.memory_space<vmem>>, vector<16xf32>,
        %get3A_180 = arith.index_cast %add3A_148 : i32 to index
        %get3A_181 = arith.constant 64 : index
        %get3A_182 = tpu.vector_load %arg13[%get3A_180, %get3A_181] {strides = array<i32>} : memref<80x128xf32, #tpu.memory_space<vmem>>, vector<16xf32>,
        %mul3A_183 = vector.broadcast %squeeze3A : f32 to vector<16xf32>
        %mul3A_184 = arith.mulf %get3A_182, %mul3A_183 : vector<16xf32>
        %swap3A_185 = arith.index_cast %add3A_148 : i32 to index
        %swap3A_186 = arith.constant 64 : index
        %swap3A_187 = tpu.vector_load %arg13[%swap3A_185, %swap3A_186] {strides = array<i32>} : memref<80x128xf32, #tpu.memory_space<vmem>>, vector<16xf32>,
        tpu.vector_store %arg13[%swap3A_185, %swap3A_186], %mul3A_184 {strides = array<i32>} : memref<80x128xf32, #tpu.memory_space<vmem>>, vector<16xf32>,
        %get3A_188 = arith.index_cast %add3A_148 : i32 to index
        %get3A_189 = arith.constant 80 : index
        %get3A_190 = tpu.vector_load %arg13[%get3A_188, %get3A_189] {strides = array<i32>} : memref<80x128xf32, #tpu.memory_space<vmem>>, vector<16xf32>,
        %mul3A_191 = vector.broadcast %squeeze3A : f32 to vector<16xf32>
        %mul3A_192 = arith.mulf %get3A_190, %mul3A_191 : vector<16xf32>
        %swap3A_193 = arith.index_cast %add3A_148 : i32 to index
        %swap3A_194 = arith.constant 80 : index
        %swap3A_195 = tpu.vector_load %arg13[%swap3A_193, %swap3A_194] {strides = array<i32>} : memref<80x128xf32, #tpu.memory_space<vmem>>, vector<16xf32>,
        tpu.vector_store %arg13[%swap3A_193, %swap3A_194], %mul3A_192 {strides = array<i32>} : memref<80x128xf32, #tpu.memory_space<vmem>>, vector<16xf32>,
        %get3A_196 = arith.index_cast %add3A_148 : i32 to index
        %get3A_197 = arith.constant 96 : index
        %get3A_198 = tpu.vector_load %arg13[%get3A_196, %get3A_197] {strides = array<i32>} : memref<80x128xf32, #tpu.memory_space<vmem>>, vector<16xf32>,
        %mul3A_199 = vector.broadcast %squeeze3A : f32 to vector<16xf32>
        %mul3A_200 = arith.mulf %get3A_198, %mul3A_199 : vector<16xf32>
        %swap3A_201 = arith.index_cast %add3A_148 : i32 to index
        %swap3A_202 = arith.constant 96 : index
        %swap3A_203 = tpu.vector_load %arg13[%swap3A_201, %swap3A_202] {strides = array<i32>} : memref<80x128xf32, #tpu.memory_space<vmem>>, vector<16xf32>,
        tpu.vector_store %arg13[%swap3A_201, %swap3A_202], %mul3A_200 {strides = array<i32>} : memref<80x128xf32, #tpu.memory_space<vmem>>, vector<16xf32>,
        %get3A_204 = arith.index_cast %add3A_148 : i32 to index
        %get3A_205 = arith.constant 112 : index
        %get3A_206 = tpu.vector_load %arg13[%get3A_204, %get3A_205] {strides = array<i32>} : memref<80x128xf32, #tpu.memory_space<vmem>>, vector<16xf32>,
        %mul3A_207 = vector.broadcast %squeeze3A : f32 to vector<16xf32>
        %mul3A_208 = arith.mulf %get3A_206, %mul3A_207 : vector<16xf32>
        %swap3A_209 = arith.index_cast %add3A_148 : i32 to index
        %swap3A_210 = arith.constant 112 : index
        %swap3A_211 = tpu.vector_load %arg13[%swap3A_209, %swap3A_210] {strides = array<i32>} : memref<80x128xf32, #tpu.memory_space<vmem>>, vector<16xf32>,
        tpu.vector_store %arg13[%swap3A_209, %swap3A_210], %mul3A_208 {strides = array<i32>} : memref<80x128xf32, #tpu.memory_space<vmem>>, vector<16xf32>,
        %mul3A_212 = arith.constant 16 : i32
        %mul3A_213 = arith.muli %add3A_72, %mul3A_212 : i32
        %add3A_214 = arith.constant 1 : i32
        %add3A_215 = arith.addi %mul3A_213, %add3A_214 : i32
        %slice3A_216 = vector.extract_strided_slice %exp3A {offsets = [1], sizes = [1], strides = [1]} : vector<16xf32> to vector<1xf32>
        %squeeze3A_217 = vector.extract %slice3A_216[0] : f32 from vector<1xf32>
        %get3A_218 = arith.index_cast %add3A_215 : i32 to index
        %get3A_219 = arith.constant 0 : index
        %get3A_220 = tpu.vector_load %arg13[%get3A_218, %get3A_219] {strides = array<i32>} : memref<80x128xf32, #tpu.memory_space<vmem>>, vector<16xf32>,
        %mul3A_221 = vector.broadcast %squeeze3A_217 : f32 to vector<16xf32>
        %mul3A_222 = arith.mulf %get3A_220, %mul3A_221 : vector<16xf32>
        %swap3A_223 = arith.index_cast %add3A_215 : i32 to index
        %swap3A_224 = arith.constant 0 : index
        %swap3A_225 = tpu.vector_load %arg13[%swap3A_223, %swap3A_224] {strides = array<i32>} : memref<80x128xf32, #tpu.memory_space<vmem>>, vector<16xf32>,
        tpu.vector_store %arg13[%swap3A_223, %swap3A_224], %mul3A_222 {strides = array<i32>} : memref<80x128xf32, #tpu.memory_space<vmem>>, vector<16xf32>,
        %get3A_226 = arith.index_cast %add3A_215 : i32 to index
        %get3A_227 = arith.constant 16 : index
        %get3A_228 = tpu.vector_load %arg13[%get3A_226, %get3A_227] {strides = array<i32>} : memref<80x128xf32, #tpu.memory_space<vmem>>, vector<16xf32>,
        %mul3A_229 = vector.broadcast %squeeze3A_217 : f32 to vector<16xf32>
        %mul3A_230 = arith.mulf %get3A_228, %mul3A_229 : vector<16xf32>
        %swap3A_231 = arith.index_cast %add3A_215 : i32 to index
        %swap3A_232 = arith.constant 16 : index
        %swap3A_233 = tpu.vector_load %arg13[%swap3A_231, %swap3A_232] {strides = array<i32>} : memref<80x128xf32, #tpu.memory_space<vmem>>, vector<16xf32>,
        tpu.vector_store %arg13[%swap3A_231, %swap3A_232], %mul3A_230 {strides = array<i32>} : memref<80x128xf32, #tpu.memory_space<vmem>>, vector<16xf32>,
        %get3A_234 = arith.index_cast %add3A_215 : i32 to index
        %get3A_235 = arith.constant 32 : index
        %get3A_236 = tpu.vector_load %arg13[%get3A_234, %get3A_235] {strides = array<i32>} : memref<80x128xf32, #tpu.memory_space<vmem>>, vector<16xf32>,
        %mul3A_237 = vector.broadcast %squeeze3A_217 : f32 to vector<16xf32>
        %mul3A_238 = arith.mulf %get3A_236, %mul3A_237 : vector<16xf32>
        %swap3A_239 = arith.index_cast %add3A_215 : i32 to index
        %swap3A_240 = arith.constant 32 : index
        %swap3A_241 = tpu.vector_load %arg13[%swap3A_239, %swap3A_240] {strides = array<i32>} : memref<80x128xf32, #tpu.memory_space<vmem>>, vector<16xf32>,
        tpu.vector_store %arg13[%swap3A_239, %swap3A_240], %mul3A_238 {strides = array<i32>} : memref<80x128xf32, #tpu.memory_space<vmem>>, vector<16xf32>,
        %get3A_242 = arith.index_cast %add3A_215 : i32 to index
        %get3A_243 = arith.constant 48 : index
        %get3A_244 = tpu.vector_load %arg13[%get3A_242, %get3A_243] {strides = array<i32>} : memref<80x128xf32, #tpu.memory_space<vmem>>, vector<16xf32>,
        %mul3A_245 = vector.broadcast %squeeze3A_217 : f32 to vector<16xf32>
        %mul3A_246 = arith.mulf %get3A_244, %mul3A_245 : vector<16xf32>
        %swap3A_247 = arith.index_cast %add3A_215 : i32 to index
        %swap3A_248 = arith.constant 48 : index
        %swap3A_249 = tpu.vector_load %arg13[%swap3A_247, %swap3A_248] {strides = array<i32>} : memref<80x128xf32, #tpu.memory_space<vmem>>, vector<16xf32>,
        tpu.vector_store %arg13[%swap3A_247, %swap3A_248], %mul3A_246 {strides = array<i32>} : memref<80x128xf32, #tpu.memory_space<vmem>>, vector<16xf32>,
        %get3A_250 = arith.index_cast %add3A_215 : i32 to index
        %get3A_251 = arith.constant 64 : index
        %get3A_252 = tpu.vector_load %arg13[%get3A_250, %get3A_251] {strides = array<i32>} : memref<80x128xf32, #tpu.memory_space<vmem>>, vector<16xf32>,
        %mul3A_253 = vector.broadcast %squeeze3A_217 : f32 to vector<16xf32>
        %mul3A_254 = arith.mulf %get3A_252, %mul3A_253 : vector<16xf32>
        %swap3A_255 = arith.index_cast %add3A_215 : i32 to index
        %swap3A_256 = arith.constant 64 : index
        %swap3A_257 = tpu.vector_load %arg13[%swap3A_255, %swap3A_256] {strides = array<i32>} : memref<80x128xf32, #tpu.memory_space<vmem>>, vector<16xf32>,
        tpu.vector_store %arg13[%swap3A_255, %swap3A_256], %mul3A_254 {strides = array<i32>} : memref<80x128xf32, #tpu.memory_space<vmem>>, vector<16xf32>,
        %get3A_258 = arith.index_cast %add3A_215 : i32 to index
        %get3A_259 = arith.constant 80 : index
        %get3A_260 = tpu.vector_load %arg13[%get3A_258, %get3A_259] {strides = array<i32>} : memref<80x128xf32, #tpu.memory_space<vmem>>, vector<16xf32>,
        %mul3A_261 = vector.broadcast %squeeze3A_217 : f32 to vector<16xf32>
        %mul3A_262 = arith.mulf %get3A_260, %mul3A_261 : vector<16xf32>
        %swap3A_263 = arith.index_cast %add3A_215 : i32 to index
        %swap3A_264 = arith.constant 80 : index
        %swap3A_265 = tpu.vector_load %arg13[%swap3A_263, %swap3A_264] {strides = array<i32>} : memref<80x128xf32, #tpu.memory_space<vmem>>, vector<16xf32>,
        tpu.vector_store %arg13[%swap3A_263, %swap3A_264], %mul3A_262 {strides = array<i32>} : memref<80x128xf32, #tpu.memory_space<vmem>>, vector<16xf32>,
        %get3A_266 = arith.index_cast %add3A_215 : i32 to index
        %get3A_267 = arith.constant 96 : index
        %get3A_268 = tpu.vector_load %arg13[%get3A_266, %get3A_267] {strides = array<i32>} : memref<80x128xf32, #tpu.memory_space<vmem>>, vector<16xf32>,
        %mul3A_269 = vector.broadcast %squeeze3A_217 : f32 to vector<16xf32>
        %mul3A_270 = arith.mulf %get3A_268, %mul3A_269 : vector<16xf32>
        %swap3A_271 = arith.index_cast %add3A_215 : i32 to index
        %swap3A_272 = arith.constant 96 : index
        %swap3A_273 = tpu.vector_load %arg13[%swap3A_271, %swap3A_272] {strides = array<i32>} : memref<80x128xf32, #tpu.memory_space<vmem>>, vector<16xf32>,
        tpu.vector_store %arg13[%swap3A_271, %swap3A_272], %mul3A_270 {strides = array<i32>} : memref<80x128xf32, #tpu.memory_space<vmem>>, vector<16xf32>,
        %get3A_274 = arith.index_cast %add3A_215 : i32 to index
        %get3A_275 = arith.constant 112 : index
        %get3A_276 = tpu.vector_load %arg13[%get3A_274, %get3A_275] {strides = array<i32>} : memref<80x128xf32, #tpu.memory_space<vmem>>, vector<16xf32>,
        %mul3A_277 = vector.broadcast %squeeze3A_217 : f32 to vector<16xf32>
        %mul3A_278 = arith.mulf %get3A_276, %mul3A_277 : vector<16xf32>
        %swap3A_279 = arith.index_cast %add3A_215 : i32 to index
        %swap3A_280 = arith.constant 112 : index
        %swap3A_281 = tpu.vector_load %arg13[%swap3A_279, %swap3A_280] {strides = array<i32>} : memref<80x128xf32, #tpu.memory_space<vmem>>, vector<16xf32>,
        tpu.vector_store %arg13[%swap3A_279, %swap3A_280], %mul3A_278 {strides = array<i32>} : memref<80x128xf32, #tpu.memory_space<vmem>>, vector<16xf32>,
        %mul3A_282 = arith.constant 16 : i32
        %mul3A_283 = arith.muli %add3A_72, %mul3A_282 : i32
        %add3A_284 = arith.constant 2 : i32
        %add3A_285 = arith.addi %mul3A_283, %add3A_284 : i32
        %slice3A_286 = vector.extract_strided_slice %exp3A {offsets = [2], sizes = [1], strides = [1]} : vector<16xf32> to vector<1xf32>
        %squeeze3A_287 = vector.extract %slice3A_286[0] : f32 from vector<1xf32>
        %get3A_288 = arith.index_cast %add3A_285 : i32 to index
        %get3A_289 = arith.constant 0 : index
        %get3A_290 = tpu.vector_load %arg13[%get3A_288, %get3A_289] {strides = array<i32>} : memref<80x128xf32, #tpu.memory_space<vmem>>, vector<16xf32>,
        %mul3A_291 = vector.broadcast %squeeze3A_287 : f32 to vector<16xf32>
        %mul3A_292 = arith.mulf %get3A_290, %mul3A_291 : vector<16xf32>
        %swap3A_293 = arith.index_cast %add3A_285 : i32 to index
        %swap3A_294 = arith.constant 0 : index
        %swap3A_295 = tpu.vector_load %arg13[%swap3A_293, %swap3A_294] {strides = array<i32>} : memref<80x128xf32, #tpu.memory_space<vmem>>, vector<16xf32>,
        tpu.vector_store %arg13[%swap3A_293, %swap3A_294], %mul3A_292 {strides = array<i32>} : memref<80x128xf32, #tpu.memory_space<vmem>>, vector<16xf32>,
        %get3A_296 = arith.index_cast %add3A_285 : i32 to index
        %get3A_297 = arith.constant 16 : index
        %get3A_298 = tpu.vector_load %arg13[%get3A_296, %get3A_297] {strides = array<i32>} : memref<80x128xf32, #tpu.memory_space<vmem>>, vector<16xf32>,
        %mul3A_299 = vector.broadcast %squeeze3A_287 : f32 to vector<16xf32>
        %mul3A_300 = arith.mulf %get3A_298, %mul3A_299 : vector<16xf32>
        %swap3A_301 = arith.index_cast %add3A_285 : i32 to index
        %swap3A_302 = arith.constant 16 : index
        %swap3A_303 = tpu.vector_load %arg13[%swap3A_301, %swap3A_302] {strides = array<i32>} : memref<80x128xf32, #tpu.memory_space<vmem>>, vector<16xf32>,
        tpu.vector_store %arg13[%swap3A_301, %swap3A_302], %mul3A_300 {strides = array<i32>} : memref<80x128xf32, #tpu.memory_space<vmem>>, vector<16xf32>,
        %get3A_304 = arith.index_cast %add3A_285 : i32 to index
        %get3A_305 = arith.constant 32 : index
        %get3A_306 = tpu.vector_load %arg13[%get3A_304, %get3A_305] {strides = array<i32>} : memref<80x128xf32, #tpu.memory_space<vmem>>, vector<16xf32>,
        %mul3A_307 = vector.broadcast %squeeze3A_287 : f32 to vector<16xf32>
        %mul3A_308 = arith.mulf %get3A_306, %mul3A_307 : vector<16xf32>
        %swap3A_309 = arith.index_cast %add3A_285 : i32 to index
        %swap3A_310 = arith.constant 32 : index
        %swap3A_311 = tpu.vector_load %arg13[%swap3A_309, %swap3A_310] {strides = array<i32>} : memref<80x128xf32, #tpu.memory_space<vmem>>, vector<16xf32>,
        tpu.vector_store %arg13[%swap3A_309, %swap3A_310], %mul3A_308 {strides = array<i32>} : memref<80x128xf32, #tpu.memory_space<vmem>>, vector<16xf32>,
        %get3A_312 = arith.index_cast %add3A_285 : i32 to index
        %get3A_313 = arith.constant 48 : index
        %get3A_314 = tpu.vector_load %arg13[%get3A_312, %get3A_313] {strides = array<i32>} : memref<80x128xf32, #tpu.memory_space<vmem>>, vector<16xf32>,
        %mul3A_315 = vector.broadcast %squeeze3A_287 : f32 to vector<16xf32>
        %mul3A_316 = arith.mulf %get3A_314, %mul3A_315 : vector<16xf32>
        %swap3A_317 = arith.index_cast %add3A_285 : i32 to index
        %swap3A_318 = arith.constant 48 : index
        %swap3A_319 = tpu.vector_load %arg13[%swap3A_317, %swap3A_318] {strides = array<i32>} : memref<80x128xf32, #tpu.memory_space<vmem>>, vector<16xf32>,
        tpu.vector_store %arg13[%swap3A_317, %swap3A_318], %mul3A_316 {strides = array<i32>} : memref<80x128xf32, #tpu.memory_space<vmem>>, vector<16xf32>,
        %get3A_320 = arith.index_cast %add3A_285 : i32 to index
        %get3A_321 = arith.constant 64 : index
        %get3A_322 = tpu.vector_load %arg13[%get3A_320, %get3A_321] {strides = array<i32>} : memref<80x128xf32, #tpu.memory_space<vmem>>, vector<16xf32>,
        %mul3A_323 = vector.broadcast %squeeze3A_287 : f32 to vector<16xf32>
        %mul3A_324 = arith.mulf %get3A_322, %mul3A_323 : vector<16xf32>
        %swap3A_325 = arith.index_cast %add3A_285 : i32 to index
        %swap3A_326 = arith.constant 64 : index
        %swap3A_327 = tpu.vector_load %arg13[%swap3A_325, %swap3A_326] {strides = array<i32>} : memref<80x128xf32, #tpu.memory_space<vmem>>, vector<16xf32>,
        tpu.vector_store %arg13[%swap3A_325, %swap3A_326], %mul3A_324 {strides = array<i32>} : memref<80x128xf32, #tpu.memory_space<vmem>>, vector<16xf32>,
        %get3A_328 = arith.index_cast %add3A_285 : i32 to index
        %get3A_329 = arith.constant 80 : index
        %get3A_330 = tpu.vector_load %arg13[%get3A_328, %get3A_329] {strides = array<i32>} : memref<80x128xf32, #tpu.memory_space<vmem>>, vector<16xf32>,
        %mul3A_331 = vector.broadcast %squeeze3A_287 : f32 to vector<16xf32>
        %mul3A_332 = arith.mulf %get3A_330, %mul3A_331 : vector<16xf32>
        %swap3A_333 = arith.index_cast %add3A_285 : i32 to index
        %swap3A_334 = arith.constant 80 : index
        %swap3A_335 = tpu.vector_load %arg13[%swap3A_333, %swap3A_334] {strides = array<i32>} : memref<80x128xf32, #tpu.memory_space<vmem>>, vector<16xf32>,
        tpu.vector_store %arg13[%swap3A_333, %swap3A_334], %mul3A_332 {strides = array<i32>} : memref<80x128xf32, #tpu.memory_space<vmem>>, vector<16xf32>,
        %get3A_336 = arith.index_cast %add3A_285 : i32 to index
        %get3A_337 = arith.constant 96 : index
        %get3A_338 = tpu.vector_load %arg13[%get3A_336, %get3A_337] {strides = array<i32>} : memref<80x128xf32, #tpu.memory_space<vmem>>, vector<16xf32>,
        %mul3A_339 = vector.broadcast %squeeze3A_287 : f32 to vector<16xf32>
        %mul3A_340 = arith.mulf %get3A_338, %mul3A_339 : vector<16xf32>
        %swap3A_341 = arith.index_cast %add3A_285 : i32 to index
        %swap3A_342 = arith.constant 96 : index
        %swap3A_343 = tpu.vector_load %arg13[%swap3A_341, %swap3A_342] {strides = array<i32>} : memref<80x128xf32, #tpu.memory_space<vmem>>, vector<16xf32>,
        tpu.vector_store %arg13[%swap3A_341, %swap3A_342], %mul3A_340 {strides = array<i32>} : memref<80x128xf32, #tpu.memory_space<vmem>>, vector<16xf32>,
        %get3A_344 = arith.index_cast %add3A_285 : i32 to index
        %get3A_345 = arith.constant 112 : index
        %get3A_346 = tpu.vector_load %arg13[%get3A_344, %get3A_345] {strides = array<i32>} : memref<80x128xf32, #tpu.memory_space<vmem>>, vector<16xf32>,
        %mul3A_347 = vector.broadcast %squeeze3A_287 : f32 to vector<16xf32>
        %mul3A_348 = arith.mulf %get3A_346, %mul3A_347 : vector<16xf32>
        %swap3A_349 = arith.index_cast %add3A_285 : i32 to index
        %swap3A_350 = arith.constant 112 : index
        %swap3A_351 = tpu.vector_load %arg13[%swap3A_349, %swap3A_350] {strides = array<i32>} : memref<80x128xf32, #tpu.memory_space<vmem>>, vector<16xf32>,
        tpu.vector_store %arg13[%swap3A_349, %swap3A_350], %mul3A_348 {strides = array<i32>} : memref<80x128xf32, #tpu.memory_space<vmem>>, vector<16xf32>,
        %mul3A_352 = arith.constant 16 : i32
        %mul3A_353 = arith.muli %add3A_72, %mul3A_352 : i32
        %add3A_354 = arith.constant 3 : i32
        %add3A_355 = arith.addi %mul3A_353, %add3A_354 : i32
        %slice3A_356 = vector.extract_strided_slice %exp3A {offsets = [3], sizes = [1], strides = [1]} : vector<16xf32> to vector<1xf32>
        %squeeze3A_357 = vector.extract %slice3A_356[0] : f32 from vector<1xf32>
        %get3A_358 = arith.index_cast %add3A_355 : i32 to index
        %get3A_359 = arith.constant 0 : index
        %get3A_360 = tpu.vector_load %arg13[%get3A_358, %get3A_359] {strides = array<i32>} : memref<80x128xf32, #tpu.memory_space<vmem>>, vector<16xf32>,
        %mul3A_361 = vector.broadcast %squeeze3A_357 : f32 to vector<16xf32>
        %mul3A_362 = arith.mulf %get3A_360, %mul3A_361 : vector<16xf32>
        %swap3A_363 = arith.index_cast %add3A_355 : i32 to index
        %swap3A_364 = arith.constant 0 : index
        %swap3A_365 = tpu.vector_load %arg13[%swap3A_363, %swap3A_364] {strides = array<i32>} : memref<80x128xf32, #tpu.memory_space<vmem>>, vector<16xf32>,
        tpu.vector_store %arg13[%swap3A_363, %swap3A_364], %mul3A_362 {strides = array<i32>} : memref<80x128xf32, #tpu.memory_space<vmem>>, vector<16xf32>,
        %get3A_366 = arith.index_cast %add3A_355 : i32 to index
        %get3A_367 = arith.constant 16 : index
        %get3A_368 = tpu.vector_load %arg13[%get3A_366, %get3A_367] {strides = array<i32>} : memref<80x128xf32, #tpu.memory_space<vmem>>, vector<16xf32>,
        %mul3A_369 = vector.broadcast %squeeze3A_357 : f32 to vector<16xf32>
        %mul3A_370 = arith.mulf %get3A_368, %mul3A_369 : vector<16xf32>
        %swap3A_371 = arith.index_cast %add3A_355 : i32 to index
        %swap3A_372 = arith.constant 16 : index
        %swap3A_373 = tpu.vector_load %arg13[%swap3A_371, %swap3A_372] {strides = array<i32>} : memref<80x128xf32, #tpu.memory_space<vmem>>, vector<16xf32>,
        tpu.vector_store %arg13[%swap3A_371, %swap3A_372], %mul3A_370 {strides = array<i32>} : memref<80x128xf32, #tpu.memory_space<vmem>>, vector<16xf32>,
        %get3A_374 = arith.index_cast %add3A_355 : i32 to index
        %get3A_375 = arith.constant 32 : index
        %get3A_376 = tpu.vector_load %arg13[%get3A_374, %get3A_375] {strides = array<i32>} : memref<80x128xf32, #tpu.memory_space<vmem>>, vector<16xf32>,
        %mul3A_377 = vector.broadcast %squeeze3A_357 : f32 to vector<16xf32>
        %mul3A_378 = arith.mulf %get3A_376, %mul3A_377 : vector<16xf32>
        %swap3A_379 = arith.index_cast %add3A_355 : i32 to index
        %swap3A_380 = arith.constant 32 : index
        %swap3A_381 = tpu.vector_load %arg13[%swap3A_379, %swap3A_380] {strides = array<i32>} : memref<80x128xf32, #tpu.memory_space<vmem>>, vector<16xf32>,
        tpu.vector_store %arg13[%swap3A_379, %swap3A_380], %mul3A_378 {strides = array<i32>} : memref<80x128xf32, #tpu.memory_space<vmem>>, vector<16xf32>,
        %get3A_382 = arith.index_cast %add3A_355 : i32 to index
        %get3A_383 = arith.constant 48 : index
        %get3A_384 = tpu.vector_load %arg13[%get3A_382, %get3A_383] {strides = array<i32>} : memref<80x128xf32, #tpu.memory_space<vmem>>, vector<16xf32>,
        %mul3A_385 = vector.broadcast %squeeze3A_357 : f32 to vector<16xf32>
        %mul3A_386 = arith.mulf %get3A_384, %mul3A_385 : vector<16xf32>
        %swap3A_387 = arith.index_cast %add3A_355 : i32 to index
        %swap3A_388 = arith.constant 48 : index
        %swap3A_389 = tpu.vector_load %arg13[%swap3A_387, %swap3A_388] {strides = array<i32>} : memref<80x128xf32, #tpu.memory_space<vmem>>, vector<16xf32>,
        tpu.vector_store %arg13[%swap3A_387, %swap3A_388], %mul3A_386 {strides = array<i32>} : memref<80x128xf32, #tpu.memory_space<vmem>>, vector<16xf32>,
        %get3A_390 = arith.index_cast %add3A_355 : i32 to index
        %get3A_391 = arith.constant 64 : index
        %get3A_392 = tpu.vector_load %arg13[%get3A_390, %get3A_391] {strides = array<i32>} : memref<80x128xf32, #tpu.memory_space<vmem>>, vector<16xf32>,
        %mul3A_393 = vector.broadcast %squeeze3A_357 : f32 to vector<16xf32>
        %mul3A_394 = arith.mulf %get3A_392, %mul3A_393 : vector<16xf32>
        %swap3A_395 = arith.index_cast %add3A_355 : i32 to index
        %swap3A_396 = arith.constant 64 : index
        %swap3A_397 = tpu.vector_load %arg13[%swap3A_395, %swap3A_396] {strides = array<i32>} : memref<80x128xf32, #tpu.memory_space<vmem>>, vector<16xf32>,
        tpu.vector_store %arg13[%swap3A_395, %swap3A_396], %mul3A_394 {strides = array<i32>} : memref<80x128xf32, #tpu.memory_space<vmem>>, vector<16xf32>,
        %get3A_398 = arith.index_cast %add3A_355 : i32 to index
        %get3A_399 = arith.constant 80 : index
        %get3A_400 = tpu.vector_load %arg13[%get3A_398, %get3A_399] {strides = array<i32>} : memref<80x128xf32, #tpu.memory_space<vmem>>, vector<16xf32>,
        %mul3A_401 = vector.broadcast %squeeze3A_357 : f32 to vector<16xf32>
        %mul3A_402 = arith.mulf %get3A_400, %mul3A_401 : vector<16xf32>
        %swap3A_403 = arith.index_cast %add3A_355 : i32 to index
        %swap3A_404 = arith.constant 80 : index
        %swap3A_405 = tpu.vector_load %arg13[%swap3A_403, %swap3A_404] {strides = array<i32>} : memref<80x128xf32, #tpu.memory_space<vmem>>, vector<16xf32>,
        tpu.vector_store %arg13[%swap3A_403, %swap3A_404], %mul3A_402 {strides = array<i32>} : memref<80x128xf32, #tpu.memory_space<vmem>>, vector<16xf32>,
        %get3A_406 = arith.index_cast %add3A_355 : i32 to index
        %get3A_407 = arith.constant 96 : index
        %get3A_408 = tpu.vector_load %arg13[%get3A_406, %get3A_407] {strides = array<i32>} : memref<80x128xf32, #tpu.memory_space<vmem>>, vector<16xf32>,
        %mul3A_409 = vector.broadcast %squeeze3A_357 : f32 to vector<16xf32>
        %mul3A_410 = arith.mulf %get3A_408, %mul3A_409 : vector<16xf32>
        %swap3A_411 = arith.index_cast %add3A_355 : i32 to index
        %swap3A_412 = arith.constant 96 : index
        %swap3A_413 = tpu.vector_load %arg13[%swap3A_411, %swap3A_412] {strides = array<i32>} : memref<80x128xf32, #tpu.memory_space<vmem>>, vector<16xf32>,
        tpu.vector_store %arg13[%swap3A_411, %swap3A_412], %mul3A_410 {strides = array<i32>} : memref<80x128xf32, #tpu.memory_space<vmem>>, vector<16xf32>,
        %get3A_414 = arith.index_cast %add3A_355 : i32 to index
        %get3A_415 = arith.constant 112 : index
        %get3A_416 = tpu.vector_load %arg13[%get3A_414, %get3A_415] {strides = array<i32>} : memref<80x128xf32, #tpu.memory_space<vmem>>, vector<16xf32>,
        %mul3A_417 = vector.broadcast %squeeze3A_357 : f32 to vector<16xf32>
        %mul3A_418 = arith.mulf %get3A_416, %mul3A_417 : vector<16xf32>
        %swap3A_419 = arith.index_cast %add3A_355 : i32 to index
        %swap3A_420 = arith.constant 112 : index
        %swap3A_421 = tpu.vector_load %arg13[%swap3A_419, %swap3A_420] {strides = array<i32>} : memref<80x128xf32, #tpu.memory_space<vmem>>, vector<16xf32>,
        tpu.vector_store %arg13[%swap3A_419, %swap3A_420], %mul3A_418 {strides = array<i32>} : memref<80x128xf32, #tpu.memory_space<vmem>>, vector<16xf32>,
        %mul3A_422 = arith.constant 16 : i32
        %mul3A_423 = arith.muli %add3A_72, %mul3A_422 : i32
        %add3A_424 = arith.constant 4 : i32
        %add3A_425 = arith.addi %mul3A_423, %add3A_424 : i32
        %slice3A_426 = vector.extract_strided_slice %exp3A {offsets = [4], sizes = [1], strides = [1]} : vector<16xf32> to vector<1xf32>
        %squeeze3A_427 = vector.extract %slice3A_426[0] : f32 from vector<1xf32>
        %get3A_428 = arith.index_cast %add3A_425 : i32 to index
        %get3A_429 = arith.constant 0 : index
        %get3A_430 = tpu.vector_load %arg13[%get3A_428, %get3A_429] {strides = array<i32>} : memref<80x128xf32, #tpu.memory_space<vmem>>, vector<16xf32>,
        %mul3A_431 = vector.broadcast %squeeze3A_427 : f32 to vector<16xf32>
        %mul3A_432 = arith.mulf %get3A_430, %mul3A_431 : vector<16xf32>
        %swap3A_433 = arith.index_cast %add3A_425 : i32 to index
        %swap3A_434 = arith.constant 0 : index
        %swap3A_435 = tpu.vector_load %arg13[%swap3A_433, %swap3A_434] {strides = array<i32>} : memref<80x128xf32, #tpu.memory_space<vmem>>, vector<16xf32>,
        tpu.vector_store %arg13[%swap3A_433, %swap3A_434], %mul3A_432 {strides = array<i32>} : memref<80x128xf32, #tpu.memory_space<vmem>>, vector<16xf32>,
        %get3A_436 = arith.index_cast %add3A_425 : i32 to index
        %get3A_437 = arith.constant 16 : index
        %get3A_438 = tpu.vector_load %arg13[%get3A_436, %get3A_437] {strides = array<i32>} : memref<80x128xf32, #tpu.memory_space<vmem>>, vector<16xf32>,
        %mul3A_439 = vector.broadcast %squeeze3A_427 : f32 to vector<16xf32>
        %mul3A_440 = arith.mulf %get3A_438, %mul3A_439 : vector<16xf32>
        %swap3A_441 = arith.index_cast %add3A_425 : i32 to index
        %swap3A_442 = arith.constant 16 : index
        %swap3A_443 = tpu.vector_load %arg13[%swap3A_441, %swap3A_442] {strides = array<i32>} : memref<80x128xf32, #tpu.memory_space<vmem>>, vector<16xf32>,
        tpu.vector_store %arg13[%swap3A_441, %swap3A_442], %mul3A_440 {strides = array<i32>} : memref<80x128xf32, #tpu.memory_space<vmem>>, vector<16xf32>,
        %get3A_444 = arith.index_cast %add3A_425 : i32 to index
        %get3A_445 = arith.constant 32 : index
        %get3A_446 = tpu.vector_load %arg13[%get3A_444, %get3A_445] {strides = array<i32>} : memref<80x128xf32, #tpu.memory_space<vmem>>, vector<16xf32>,
        %mul3A_447 = vector.broadcast %squeeze3A_427 : f32 to vector<16xf32>
        %mul3A_448 = arith.mulf %get3A_446, %mul3A_447 : vector<16xf32>
        %swap3A_449 = arith.index_cast %add3A_425 : i32 to index
        %swap3A_450 = arith.constant 32 : index
        %swap3A_451 = tpu.vector_load %arg13[%swap3A_449, %swap3A_450] {strides = array<i32>} : memref<80x128xf32, #tpu.memory_space<vmem>>, vector<16xf32>,
        tpu.vector_store %arg13[%swap3A_449, %swap3A_450], %mul3A_448 {strides = array<i32>} : memref<80x128xf32, #tpu.memory_space<vmem>>, vector<16xf32>,
        %get3A_452 = arith.index_cast %add3A_425 : i32 to index
        %get3A_453 = arith.constant 48 : index
        %get3A_454 = tpu.vector_load %arg13[%get3A_452, %get3A_453] {strides = array<i32>} : memref<80x128xf32, #tpu.memory_space<vmem>>, vector<16xf32>,
        %mul3A_455 = vector.broadcast %squeeze3A_427 : f32 to vector<16xf32>
        %mul3A_456 = arith.mulf %get3A_454, %mul3A_455 : vector<16xf32>
        %swap3A_457 = arith.index_cast %add3A_425 : i32 to index
        %swap3A_458 = arith.constant 48 : index
        %swap3A_459 = tpu.vector_load %arg13[%swap3A_457, %swap3A_458] {strides = array<i32>} : memref<80x128xf32, #tpu.memory_space<vmem>>, vector<16xf32>,
        tpu.vector_store %arg13[%swap3A_457, %swap3A_458], %mul3A_456 {strides = array<i32>} : memref<80x128xf32, #tpu.memory_space<vmem>>, vector<16xf32>,
        %get3A_460 = arith.index_cast %add3A_425 : i32 to index
        %get3A_461 = arith.constant 64 : index
        %get3A_462 = tpu.vector_load %arg13[%get3A_460, %get3A_461] {strides = array<i32>} : memref<80x128xf32, #tpu.memory_space<vmem>>, vector<16xf32>,
        %mul3A_463 = vector.broadcast %squeeze3A_427 : f32 to vector<16xf32>
        %mul3A_464 = arith.mulf %get3A_462, %mul3A_463 : vector<16xf32>
        %swap3A_465 = arith.index_cast %add3A_425 : i32 to index
        %swap3A_466 = arith.constant 64 : index
        %swap3A_467 = tpu.vector_load %arg13[%swap3A_465, %swap3A_466] {strides = array<i32>} : memref<80x128xf32, #tpu.memory_space<vmem>>, vector<16xf32>,
        tpu.vector_store %arg13[%swap3A_465, %swap3A_466], %mul3A_464 {strides = array<i32>} : memref<80x128xf32, #tpu.memory_space<vmem>>, vector<16xf32>,
        %get3A_468 = arith.index_cast %add3A_425 : i32 to index
        %get3A_469 = arith.constant 80 : index
        %get3A_470 = tpu.vector_load %arg13[%get3A_468, %get3A_469] {strides = array<i32>} : memref<80x128xf32, #tpu.memory_space<vmem>>, vector<16xf32>,
        %mul3A_471 = vector.broadcast %squeeze3A_427 : f32 to vector<16xf32>
        %mul3A_472 = arith.mulf %get3A_470, %mul3A_471 : vector<16xf32>
        %swap3A_473 = arith.index_cast %add3A_425 : i32 to index
        %swap3A_474 = arith.constant 80 : index
        %swap3A_475 = tpu.vector_load %arg13[%swap3A_473, %swap3A_474] {strides = array<i32>} : memref<80x128xf32, #tpu.memory_space<vmem>>, vector<16xf32>,
        tpu.vector_store %arg13[%swap3A_473, %swap3A_474], %mul3A_472 {strides = array<i32>} : memref<80x128xf32, #tpu.memory_space<vmem>>, vector<16xf32>,
        %get3A_476 = arith.index_cast %add3A_425 : i32 to index
        %get3A_477 = arith.constant 96 : index
        %get3A_478 = tpu.vector_load %arg13[%get3A_476, %get3A_477] {strides = array<i32>} : memref<80x128xf32, #tpu.memory_space<vmem>>, vector<16xf32>,
        %mul3A_479 = vector.broadcast %squeeze3A_427 : f32 to vector<16xf32>
        %mul3A_480 = arith.mulf %get3A_478, %mul3A_479 : vector<16xf32>
        %swap3A_481 = arith.index_cast %add3A_425 : i32 to index
        %swap3A_482 = arith.constant 96 : index
        %swap3A_483 = tpu.vector_load %arg13[%swap3A_481, %swap3A_482] {strides = array<i32>} : memref<80x128xf32, #tpu.memory_space<vmem>>, vector<16xf32>,
        tpu.vector_store %arg13[%swap3A_481, %swap3A_482], %mul3A_480 {strides = array<i32>} : memref<80x128xf32, #tpu.memory_space<vmem>>, vector<16xf32>,
        %get3A_484 = arith.index_cast %add3A_425 : i32 to index
        %get3A_485 = arith.constant 112 : index
        %get3A_486 = tpu.vector_load %arg13[%get3A_484, %get3A_485] {strides = array<i32>} : memref<80x128xf32, #tpu.memory_space<vmem>>, vector<16xf32>,
        %mul3A_487 = vector.broadcast %squeeze3A_427 : f32 to vector<16xf32>
        %mul3A_488 = arith.mulf %get3A_486, %mul3A_487 : vector<16xf32>
        %swap3A_489 = arith.index_cast %add3A_425 : i32 to index
        %swap3A_490 = arith.constant 112 : index
        %swap3A_491 = tpu.vector_load %arg13[%swap3A_489, %swap3A_490] {strides = array<i32>} : memref<80x128xf32, #tpu.memory_space<vmem>>, vector<16xf32>,
        tpu.vector_store %arg13[%swap3A_489, %swap3A_490], %mul3A_488 {strides = array<i32>} : memref<80x128xf32, #tpu.memory_space<vmem>>, vector<16xf32>,
        %mul3A_492 = arith.constant 16 : i32
        %mul3A_493 = arith.muli %add3A_72, %mul3A_492 : i32
        %add3A_494 = arith.constant 5 : i32
        %add3A_495 = arith.addi %mul3A_493, %add3A_494 : i32
        %slice3A_496 = vector.extract_strided_slice %exp3A {offsets = [5], sizes = [1], strides = [1]} : vector<16xf32> to vector<1xf32>
        %squeeze3A_497 = vector.extract %slice3A_496[0] : f32 from vector<1xf32>
        %get3A_498 = arith.index_cast %add3A_495 : i32 to index
        %get3A_499 = arith.constant 0 : index
        %get3A_500 = tpu.vector_load %arg13[%get3A_498, %get3A_499] {strides = array<i32>} : memref<80x128xf32, #tpu.memory_space<vmem>>, vector<16xf32>,
        %mul3A_501 = vector.broadcast %squeeze3A_497 : f32 to vector<16xf32>
        %mul3A_502 = arith.mulf %get3A_500, %mul3A_501 : vector<16xf32>
        %swap3A_503 = arith.index_cast %add3A_495 : i32 to index
        %swap3A_504 = arith.constant 0 : index
        %swap3A_505 = tpu.vector_load %arg13[%swap3A_503, %swap3A_504] {strides = array<i32>} : memref<80x128xf32, #tpu.memory_space<vmem>>, vector<16xf32>,
        tpu.vector_store %arg13[%swap3A_503, %swap3A_504], %mul3A_502 {strides = array<i32>} : memref<80x128xf32, #tpu.memory_space<vmem>>, vector<16xf32>,
        %get3A_506 = arith.index_cast %add3A_495 : i32 to index
        %get3A_507 = arith.constant 16 : index
        %get3A_508 = tpu.vector_load %arg13[%get3A_506, %get3A_507] {strides = array<i32>} : memref<80x128xf32, #tpu.memory_space<vmem>>, vector<16xf32>,
        %mul3A_509 = vector.broadcast %squeeze3A_497 : f32 to vector<16xf32>
        %mul3A_510 = arith.mulf %get3A_508, %mul3A_509 : vector<16xf32>
        %swap3A_511 = arith.index_cast %add3A_495 : i32 to index
        %swap3A_512 = arith.constant 16 : index
        %swap3A_513 = tpu.vector_load %arg13[%swap3A_511, %swap3A_512] {strides = array<i32>} : memref<80x128xf32, #tpu.memory_space<vmem>>, vector<16xf32>,
        tpu.vector_store %arg13[%swap3A_511, %swap3A_512], %mul3A_510 {strides = array<i32>} : memref<80x128xf32, #tpu.memory_space<vmem>>, vector<16xf32>,
        %get3A_514 = arith.index_cast %add3A_495 : i32 to index
        %get3A_515 = arith.constant 32 : index
        %get3A_516 = tpu.vector_load %arg13[%get3A_514, %get3A_515] {strides = array<i32>} : memref<80x128xf32, #tpu.memory_space<vmem>>, vector<16xf32>,
        %mul3A_517 = vector.broadcast %squeeze3A_497 : f32 to vector<16xf32>
        %mul3A_518 = arith.mulf %get3A_516, %mul3A_517 : vector<16xf32>
        %swap3A_519 = arith.index_cast %add3A_495 : i32 to index
        %swap3A_520 = arith.constant 32 : index
        %swap3A_521 = tpu.vector_load %arg13[%swap3A_519, %swap3A_520] {strides = array<i32>} : memref<80x128xf32, #tpu.memory_space<vmem>>, vector<16xf32>,
        tpu.vector_store %arg13[%swap3A_519, %swap3A_520], %mul3A_518 {strides = array<i32>} : memref<80x128xf32, #tpu.memory_space<vmem>>, vector<16xf32>,
        %get3A_522 = arith.index_cast %add3A_495 : i32 to index
        %get3A_523 = arith.constant 48 : index
        %get3A_524 = tpu.vector_load %arg13[%get3A_522, %get3A_523] {strides = array<i32>} : memref<80x128xf32, #tpu.memory_space<vmem>>, vector<16xf32>,
        %mul3A_525 = vector.broadcast %squeeze3A_497 : f32 to vector<16xf32>
        %mul3A_526 = arith.mulf %get3A_524, %mul3A_525 : vector<16xf32>
        %swap3A_527 = arith.index_cast %add3A_495 : i32 to index
        %swap3A_528 = arith.constant 48 : index
        %swap3A_529 = tpu.vector_load %arg13[%swap3A_527, %swap3A_528] {strides = array<i32>} : memref<80x128xf32, #tpu.memory_space<vmem>>, vector<16xf32>,
        tpu.vector_store %arg13[%swap3A_527, %swap3A_528], %mul3A_526 {strides = array<i32>} : memref<80x128xf32, #tpu.memory_space<vmem>>, vector<16xf32>,
        %get3A_530 = arith.index_cast %add3A_495 : i32 to index
        %get3A_531 = arith.constant 64 : index
        %get3A_532 = tpu.vector_load %arg13[%get3A_530, %get3A_531] {strides = array<i32>} : memref<80x128xf32, #tpu.memory_space<vmem>>, vector<16xf32>,
        %mul3A_533 = vector.broadcast %squeeze3A_497 : f32 to vector<16xf32>
        %mul3A_534 = arith.mulf %get3A_532, %mul3A_533 : vector<16xf32>
        %swap3A_535 = arith.index_cast %add3A_495 : i32 to index
        %swap3A_536 = arith.constant 64 : index
        %swap3A_537 = tpu.vector_load %arg13[%swap3A_535, %swap3A_536] {strides = array<i32>} : memref<80x128xf32, #tpu.memory_space<vmem>>, vector<16xf32>,
        tpu.vector_store %arg13[%swap3A_535, %swap3A_536], %mul3A_534 {strides = array<i32>} : memref<80x128xf32, #tpu.memory_space<vmem>>, vector<16xf32>,
        %get3A_538 = arith.index_cast %add3A_495 : i32 to index
        %get3A_539 = arith.constant 80 : index
        %get3A_540 = tpu.vector_load %arg13[%get3A_538, %get3A_539] {strides = array<i32>} : memref<80x128xf32, #tpu.memory_space<vmem>>, vector<16xf32>,
        %mul3A_541 = vector.broadcast %squeeze3A_497 : f32 to vector<16xf32>
        %mul3A_542 = arith.mulf %get3A_540, %mul3A_541 : vector<16xf32>
        %swap3A_543 = arith.index_cast %add3A_495 : i32 to index
        %swap3A_544 = arith.constant 80 : index
        %swap3A_545 = tpu.vector_load %arg13[%swap3A_543, %swap3A_544] {strides = array<i32>} : memref<80x128xf32, #tpu.memory_space<vmem>>, vector<16xf32>,
        tpu.vector_store %arg13[%swap3A_543, %swap3A_544], %mul3A_542 {strides = array<i32>} : memref<80x128xf32, #tpu.memory_space<vmem>>, vector<16xf32>,
        %get3A_546 = arith.index_cast %add3A_495 : i32 to index
        %get3A_547 = arith.constant 96 : index
        %get3A_548 = tpu.vector_load %arg13[%get3A_546, %get3A_547] {strides = array<i32>} : memref<80x128xf32, #tpu.memory_space<vmem>>, vector<16xf32>,
        %mul3A_549 = vector.broadcast %squeeze3A_497 : f32 to vector<16xf32>
        %mul3A_550 = arith.mulf %get3A_548, %mul3A_549 : vector<16xf32>
        %swap3A_551 = arith.index_cast %add3A_495 : i32 to index
        %swap3A_552 = arith.constant 96 : index
        %swap3A_553 = tpu.vector_load %arg13[%swap3A_551, %swap3A_552] {strides = array<i32>} : memref<80x128xf32, #tpu.memory_space<vmem>>, vector<16xf32>,
        tpu.vector_store %arg13[%swap3A_551, %swap3A_552], %mul3A_550 {strides = array<i32>} : memref<80x128xf32, #tpu.memory_space<vmem>>, vector<16xf32>,
        %get3A_554 = arith.index_cast %add3A_495 : i32 to index
        %get3A_555 = arith.constant 112 : index
        %get3A_556 = tpu.vector_load %arg13[%get3A_554, %get3A_555] {strides = array<i32>} : memref<80x128xf32, #tpu.memory_space<vmem>>, vector<16xf32>,
        %mul3A_557 = vector.broadcast %squeeze3A_497 : f32 to vector<16xf32>
        %mul3A_558 = arith.mulf %get3A_556, %mul3A_557 : vector<16xf32>
        %swap3A_559 = arith.index_cast %add3A_495 : i32 to index
        %swap3A_560 = arith.constant 112 : index
        %swap3A_561 = tpu.vector_load %arg13[%swap3A_559, %swap3A_560] {strides = array<i32>} : memref<80x128xf32, #tpu.memory_space<vmem>>, vector<16xf32>,
        tpu.vector_store %arg13[%swap3A_559, %swap3A_560], %mul3A_558 {strides = array<i32>} : memref<80x128xf32, #tpu.memory_space<vmem>>, vector<16xf32>,
        %mul3A_562 = arith.constant 16 : i32
        %mul3A_563 = arith.muli %add3A_72, %mul3A_562 : i32
        %add3A_564 = arith.constant 6 : i32
        %add3A_565 = arith.addi %mul3A_563, %add3A_564 : i32
        %slice3A_566 = vector.extract_strided_slice %exp3A {offsets = [6], sizes = [1], strides = [1]} : vector<16xf32> to vector<1xf32>
        %squeeze3A_567 = vector.extract %slice3A_566[0] : f32 from vector<1xf32>
        %get3A_568 = arith.index_cast %add3A_565 : i32 to index
        %get3A_569 = arith.constant 0 : index
        %get3A_570 = tpu.vector_load %arg13[%get3A_568, %get3A_569] {strides = array<i32>} : memref<80x128xf32, #tpu.memory_space<vmem>>, vector<16xf32>,
        %mul3A_571 = vector.broadcast %squeeze3A_567 : f32 to vector<16xf32>
        %mul3A_572 = arith.mulf %get3A_570, %mul3A_571 : vector<16xf32>
        %swap3A_573 = arith.index_cast %add3A_565 : i32 to index
        %swap3A_574 = arith.constant 0 : index
        %swap3A_575 = tpu.vector_load %arg13[%swap3A_573, %swap3A_574] {strides = array<i32>} : memref<80x128xf32, #tpu.memory_space<vmem>>, vector<16xf32>,
        tpu.vector_store %arg13[%swap3A_573, %swap3A_574], %mul3A_572 {strides = array<i32>} : memref<80x128xf32, #tpu.memory_space<vmem>>, vector<16xf32>,
        %get3A_576 = arith.index_cast %add3A_565 : i32 to index
        %get3A_577 = arith.constant 16 : index
        %get3A_578 = tpu.vector_load %arg13[%get3A_576, %get3A_577] {strides = array<i32>} : memref<80x128xf32, #tpu.memory_space<vmem>>, vector<16xf32>,
        %mul3A_579 = vector.broadcast %squeeze3A_567 : f32 to vector<16xf32>
        %mul3A_580 = arith.mulf %get3A_578, %mul3A_579 : vector<16xf32>
        %swap3A_581 = arith.index_cast %add3A_565 : i32 to index
        %swap3A_582 = arith.constant 16 : index
        %swap3A_583 = tpu.vector_load %arg13[%swap3A_581, %swap3A_582] {strides = array<i32>} : memref<80x128xf32, #tpu.memory_space<vmem>>, vector<16xf32>,
        tpu.vector_store %arg13[%swap3A_581, %swap3A_582], %mul3A_580 {strides = array<i32>} : memref<80x128xf32, #tpu.memory_space<vmem>>, vector<16xf32>,
        %get3A_584 = arith.index_cast %add3A_565 : i32 to index
        %get3A_585 = arith.constant 32 : index
        %get3A_586 = tpu.vector_load %arg13[%get3A_584, %get3A_585] {strides = array<i32>} : memref<80x128xf32, #tpu.memory_space<vmem>>, vector<16xf32>,
        %mul3A_587 = vector.broadcast %squeeze3A_567 : f32 to vector<16xf32>
        %mul3A_588 = arith.mulf %get3A_586, %mul3A_587 : vector<16xf32>
        %swap3A_589 = arith.index_cast %add3A_565 : i32 to index
        %swap3A_590 = arith.constant 32 : index
        %swap3A_591 = tpu.vector_load %arg13[%swap3A_589, %swap3A_590] {strides = array<i32>} : memref<80x128xf32, #tpu.memory_space<vmem>>, vector<16xf32>,
        tpu.vector_store %arg13[%swap3A_589, %swap3A_590], %mul3A_588 {strides = array<i32>} : memref<80x128xf32, #tpu.memory_space<vmem>>, vector<16xf32>,
        %get3A_592 = arith.index_cast %add3A_565 : i32 to index
        %get3A_593 = arith.constant 48 : index
        %get3A_594 = tpu.vector_load %arg13[%get3A_592, %get3A_593] {strides = array<i32>} : memref<80x128xf32, #tpu.memory_space<vmem>>, vector<16xf32>,
        %mul3A_595 = vector.broadcast %squeeze3A_567 : f32 to vector<16xf32>
        %mul3A_596 = arith.mulf %get3A_594, %mul3A_595 : vector<16xf32>
        %swap3A_597 = arith.index_cast %add3A_565 : i32 to index
        %swap3A_598 = arith.constant 48 : index
        %swap3A_599 = tpu.vector_load %arg13[%swap3A_597, %swap3A_598] {strides = array<i32>} : memref<80x128xf32, #tpu.memory_space<vmem>>, vector<16xf32>,
        tpu.vector_store %arg13[%swap3A_597, %swap3A_598], %mul3A_596 {strides = array<i32>} : memref<80x128xf32, #tpu.memory_space<vmem>>, vector<16xf32>,
        %get3A_600 = arith.index_cast %add3A_565 : i32 to index
        %get3A_601 = arith.constant 64 : index
        %get3A_602 = tpu.vector_load %arg13[%get3A_600, %get3A_601] {strides = array<i32>} : memref<80x128xf32, #tpu.memory_space<vmem>>, vector<16xf32>,
        %mul3A_603 = vector.broadcast %squeeze3A_567 : f32 to vector<16xf32>
        %mul3A_604 = arith.mulf %get3A_602, %mul3A_603 : vector<16xf32>
        %swap3A_605 = arith.index_cast %add3A_565 : i32 to index
        %swap3A_606 = arith.constant 64 : index
        %swap3A_607 = tpu.vector_load %arg13[%swap3A_605, %swap3A_606] {strides = array<i32>} : memref<80x128xf32, #tpu.memory_space<vmem>>, vector<16xf32>,
        tpu.vector_store %arg13[%swap3A_605, %swap3A_606], %mul3A_604 {strides = array<i32>} : memref<80x128xf32, #tpu.memory_space<vmem>>, vector<16xf32>,
        %get3A_608 = arith.index_cast %add3A_565 : i32 to index
        %get3A_609 = arith.constant 80 : index
        %get3A_610 = tpu.vector_load %arg13[%get3A_608, %get3A_609] {strides = array<i32>} : memref<80x128xf32, #tpu.memory_space<vmem>>, vector<16xf32>,
        %mul3A_611 = vector.broadcast %squeeze3A_567 : f32 to vector<16xf32>
        %mul3A_612 = arith.mulf %get3A_610, %mul3A_611 : vector<16xf32>
        %swap3A_613 = arith.index_cast %add3A_565 : i32 to index
        %swap3A_614 = arith.constant 80 : index
        %swap3A_615 = tpu.vector_load %arg13[%swap3A_613, %swap3A_614] {strides = array<i32>} : memref<80x128xf32, #tpu.memory_space<vmem>>, vector<16xf32>,
        tpu.vector_store %arg13[%swap3A_613, %swap3A_614], %mul3A_612 {strides = array<i32>} : memref<80x128xf32, #tpu.memory_space<vmem>>, vector<16xf32>,
        %get3A_616 = arith.index_cast %add3A_565 : i32 to index
        %get3A_617 = arith.constant 96 : index
        %get3A_618 = tpu.vector_load %arg13[%get3A_616, %get3A_617] {strides = array<i32>} : memref<80x128xf32, #tpu.memory_space<vmem>>, vector<16xf32>,
        %mul3A_619 = vector.broadcast %squeeze3A_567 : f32 to vector<16xf32>
        %mul3A_620 = arith.mulf %get3A_618, %mul3A_619 : vector<16xf32>
        %swap3A_621 = arith.index_cast %add3A_565 : i32 to index
        %swap3A_622 = arith.constant 96 : index
        %swap3A_623 = tpu.vector_load %arg13[%swap3A_621, %swap3A_622] {strides = array<i32>} : memref<80x128xf32, #tpu.memory_space<vmem>>, vector<16xf32>,
        tpu.vector_store %arg13[%swap3A_621, %swap3A_622], %mul3A_620 {strides = array<i32>} : memref<80x128xf32, #tpu.memory_space<vmem>>, vector<16xf32>,
        %get3A_624 = arith.index_cast %add3A_565 : i32 to index
        %get3A_625 = arith.constant 112 : index
        %get3A_626 = tpu.vector_load %arg13[%get3A_624, %get3A_625] {strides = array<i32>} : memref<80x128xf32, #tpu.memory_space<vmem>>, vector<16xf32>,
        %mul3A_627 = vector.broadcast %squeeze3A_567 : f32 to vector<16xf32>
        %mul3A_628 = arith.mulf %get3A_626, %mul3A_627 : vector<16xf32>
        %swap3A_629 = arith.index_cast %add3A_565 : i32 to index
        %swap3A_630 = arith.constant 112 : index
        %swap3A_631 = tpu.vector_load %arg13[%swap3A_629, %swap3A_630] {strides = array<i32>} : memref<80x128xf32, #tpu.memory_space<vmem>>, vector<16xf32>,
        tpu.vector_store %arg13[%swap3A_629, %swap3A_630], %mul3A_628 {strides = array<i32>} : memref<80x128xf32, #tpu.memory_space<vmem>>, vector<16xf32>,
        %mul3A_632 = arith.constant 16 : i32
        %mul3A_633 = arith.muli %add3A_72, %mul3A_632 : i32
        %add3A_634 = arith.constant 7 : i32
        %add3A_635 = arith.addi %mul3A_633, %add3A_634 : i32
        %slice3A_636 = vector.extract_strided_slice %exp3A {offsets = [7], sizes = [1], strides = [1]} : vector<16xf32> to vector<1xf32>
        %squeeze3A_637 = vector.extract %slice3A_636[0] : f32 from vector<1xf32>
        %get3A_638 = arith.index_cast %add3A_635 : i32 to index
        %get3A_639 = arith.constant 0 : index
        %get3A_640 = tpu.vector_load %arg13[%get3A_638, %get3A_639] {strides = array<i32>} : memref<80x128xf32, #tpu.memory_space<vmem>>, vector<16xf32>,
        %mul3A_641 = vector.broadcast %squeeze3A_637 : f32 to vector<16xf32>
        %mul3A_642 = arith.mulf %get3A_640, %mul3A_641 : vector<16xf32>
        %swap3A_643 = arith.index_cast %add3A_635 : i32 to index
        %swap3A_644 = arith.constant 0 : index
        %swap3A_645 = tpu.vector_load %arg13[%swap3A_643, %swap3A_644] {strides = array<i32>} : memref<80x128xf32, #tpu.memory_space<vmem>>, vector<16xf32>,
        tpu.vector_store %arg13[%swap3A_643, %swap3A_644], %mul3A_642 {strides = array<i32>} : memref<80x128xf32, #tpu.memory_space<vmem>>, vector<16xf32>,
        %get3A_646 = arith.index_cast %add3A_635 : i32 to index
        %get3A_647 = arith.constant 16 : index
        %get3A_648 = tpu.vector_load %arg13[%get3A_646, %get3A_647] {strides = array<i32>} : memref<80x128xf32, #tpu.memory_space<vmem>>, vector<16xf32>,
        %mul3A_649 = vector.broadcast %squeeze3A_637 : f32 to vector<16xf32>
        %mul3A_650 = arith.mulf %get3A_648, %mul3A_649 : vector<16xf32>
        %swap3A_651 = arith.index_cast %add3A_635 : i32 to index
        %swap3A_652 = arith.constant 16 : index
        %swap3A_653 = tpu.vector_load %arg13[%swap3A_651, %swap3A_652] {strides = array<i32>} : memref<80x128xf32, #tpu.memory_space<vmem>>, vector<16xf32>,
        tpu.vector_store %arg13[%swap3A_651, %swap3A_652], %mul3A_650 {strides = array<i32>} : memref<80x128xf32, #tpu.memory_space<vmem>>, vector<16xf32>,
        %get3A_654 = arith.index_cast %add3A_635 : i32 to index
        %get3A_655 = arith.constant 32 : index
        %get3A_656 = tpu.vector_load %arg13[%get3A_654, %get3A_655] {strides = array<i32>} : memref<80x128xf32, #tpu.memory_space<vmem>>, vector<16xf32>,
        %mul3A_657 = vector.broadcast %squeeze3A_637 : f32 to vector<16xf32>
        %mul3A_658 = arith.mulf %get3A_656, %mul3A_657 : vector<16xf32>
        %swap3A_659 = arith.index_cast %add3A_635 : i32 to index
        %swap3A_660 = arith.constant 32 : index
        %swap3A_661 = tpu.vector_load %arg13[%swap3A_659, %swap3A_660] {strides = array<i32>} : memref<80x128xf32, #tpu.memory_space<vmem>>, vector<16xf32>,
        tpu.vector_store %arg13[%swap3A_659, %swap3A_660], %mul3A_658 {strides = array<i32>} : memref<80x128xf32, #tpu.memory_space<vmem>>, vector<16xf32>,
        %get3A_662 = arith.index_cast %add3A_635 : i32 to index
        %get3A_663 = arith.constant 48 : index
        %get3A_664 = tpu.vector_load %arg13[%get3A_662, %get3A_663] {strides = array<i32>} : memref<80x128xf32, #tpu.memory_space<vmem>>, vector<16xf32>,
        %mul3A_665 = vector.broadcast %squeeze3A_637 : f32 to vector<16xf32>
        %mul3A_666 = arith.mulf %get3A_664, %mul3A_665 : vector<16xf32>
        %swap3A_667 = arith.index_cast %add3A_635 : i32 to index
        %swap3A_668 = arith.constant 48 : index
        %swap3A_669 = tpu.vector_load %arg13[%swap3A_667, %swap3A_668] {strides = array<i32>} : memref<80x128xf32, #tpu.memory_space<vmem>>, vector<16xf32>,
        tpu.vector_store %arg13[%swap3A_667, %swap3A_668], %mul3A_666 {strides = array<i32>} : memref<80x128xf32, #tpu.memory_space<vmem>>, vector<16xf32>,
        %get3A_670 = arith.index_cast %add3A_635 : i32 to index
        %get3A_671 = arith.constant 64 : index
        %get3A_672 = tpu.vector_load %arg13[%get3A_670, %get3A_671] {strides = array<i32>} : memref<80x128xf32, #tpu.memory_space<vmem>>, vector<16xf32>,
        %mul3A_673 = vector.broadcast %squeeze3A_637 : f32 to vector<16xf32>
        %mul3A_674 = arith.mulf %get3A_672, %mul3A_673 : vector<16xf32>
        %swap3A_675 = arith.index_cast %add3A_635 : i32 to index
        %swap3A_676 = arith.constant 64 : index
        %swap3A_677 = tpu.vector_load %arg13[%swap3A_675, %swap3A_676] {strides = array<i32>} : memref<80x128xf32, #tpu.memory_space<vmem>>, vector<16xf32>,
        tpu.vector_store %arg13[%swap3A_675, %swap3A_676], %mul3A_674 {strides = array<i32>} : memref<80x128xf32, #tpu.memory_space<vmem>>, vector<16xf32>,
        %get3A_678 = arith.index_cast %add3A_635 : i32 to index
        %get3A_679 = arith.constant 80 : index
        %get3A_680 = tpu.vector_load %arg13[%get3A_678, %get3A_679] {strides = array<i32>} : memref<80x128xf32, #tpu.memory_space<vmem>>, vector<16xf32>,
        %mul3A_681 = vector.broadcast %squeeze3A_637 : f32 to vector<16xf32>
        %mul3A_682 = arith.mulf %get3A_680, %mul3A_681 : vector<16xf32>
        %swap3A_683 = arith.index_cast %add3A_635 : i32 to index
        %swap3A_684 = arith.constant 80 : index
        %swap3A_685 = tpu.vector_load %arg13[%swap3A_683, %swap3A_684] {strides = array<i32>} : memref<80x128xf32, #tpu.memory_space<vmem>>, vector<16xf32>,
        tpu.vector_store %arg13[%swap3A_683, %swap3A_684], %mul3A_682 {strides = array<i32>} : memref<80x128xf32, #tpu.memory_space<vmem>>, vector<16xf32>,
        %get3A_686 = arith.index_cast %add3A_635 : i32 to index
        %get3A_687 = arith.constant 96 : index
        %get3A_688 = tpu.vector_load %arg13[%get3A_686, %get3A_687] {strides = array<i32>} : memref<80x128xf32, #tpu.memory_space<vmem>>, vector<16xf32>,
        %mul3A_689 = vector.broadcast %squeeze3A_637 : f32 to vector<16xf32>
        %mul3A_690 = arith.mulf %get3A_688, %mul3A_689 : vector<16xf32>
        %swap3A_691 = arith.index_cast %add3A_635 : i32 to index
        %swap3A_692 = arith.constant 96 : index
        %swap3A_693 = tpu.vector_load %arg13[%swap3A_691, %swap3A_692] {strides = array<i32>} : memref<80x128xf32, #tpu.memory_space<vmem>>, vector<16xf32>,
        tpu.vector_store %arg13[%swap3A_691, %swap3A_692], %mul3A_690 {strides = array<i32>} : memref<80x128xf32, #tpu.memory_space<vmem>>, vector<16xf32>,
        %get3A_694 = arith.index_cast %add3A_635 : i32 to index
        %get3A_695 = arith.constant 112 : index
        %get3A_696 = tpu.vector_load %arg13[%get3A_694, %get3A_695] {strides = array<i32>} : memref<80x128xf32, #tpu.memory_space<vmem>>, vector<16xf32>,
        %mul3A_697 = vector.broadcast %squeeze3A_637 : f32 to vector<16xf32>
        %mul3A_698 = arith.mulf %get3A_696, %mul3A_697 : vector<16xf32>
        %swap3A_699 = arith.index_cast %add3A_635 : i32 to index
        %swap3A_700 = arith.constant 112 : index
        %swap3A_701 = tpu.vector_load %arg13[%swap3A_699, %swap3A_700] {strides = array<i32>} : memref<80x128xf32, #tpu.memory_space<vmem>>, vector<16xf32>,
        tpu.vector_store %arg13[%swap3A_699, %swap3A_700], %mul3A_698 {strides = array<i32>} : memref<80x128xf32, #tpu.memory_space<vmem>>, vector<16xf32>,
        %mul3A_702 = arith.constant 16 : i32
        %mul3A_703 = arith.muli %add3A_72, %mul3A_702 : i32
        %add3A_704 = arith.constant 8 : i32
        %add3A_705 = arith.addi %mul3A_703, %add3A_704 : i32
        %slice3A_706 = vector.extract_strided_slice %exp3A {offsets = [8], sizes = [1], strides = [1]} : vector<16xf32> to vector<1xf32>
        %squeeze3A_707 = vector.extract %slice3A_706[0] : f32 from vector<1xf32>
        %get3A_708 = arith.index_cast %add3A_705 : i32 to index
        %get3A_709 = arith.constant 0 : index
        %get3A_710 = tpu.vector_load %arg13[%get3A_708, %get3A_709] {strides = array<i32>} : memref<80x128xf32, #tpu.memory_space<vmem>>, vector<16xf32>,
        %mul3A_711 = vector.broadcast %squeeze3A_707 : f32 to vector<16xf32>
        %mul3A_712 = arith.mulf %get3A_710, %mul3A_711 : vector<16xf32>
        %swap3A_713 = arith.index_cast %add3A_705 : i32 to index
        %swap3A_714 = arith.constant 0 : index
        %swap3A_715 = tpu.vector_load %arg13[%swap3A_713, %swap3A_714] {strides = array<i32>} : memref<80x128xf32, #tpu.memory_space<vmem>>, vector<16xf32>,
        tpu.vector_store %arg13[%swap3A_713, %swap3A_714], %mul3A_712 {strides = array<i32>} : memref<80x128xf32, #tpu.memory_space<vmem>>, vector<16xf32>,
        %get3A_716 = arith.index_cast %add3A_705 : i32 to index
        %get3A_717 = arith.constant 16 : index
        %get3A_718 = tpu.vector_load %arg13[%get3A_716, %get3A_717] {strides = array<i32>} : memref<80x128xf32, #tpu.memory_space<vmem>>, vector<16xf32>,
        %mul3A_719 = vector.broadcast %squeeze3A_707 : f32 to vector<16xf32>
        %mul3A_720 = arith.mulf %get3A_718, %mul3A_719 : vector<16xf32>
        %swap3A_721 = arith.index_cast %add3A_705 : i32 to index
        %swap3A_722 = arith.constant 16 : index
        %swap3A_723 = tpu.vector_load %arg13[%swap3A_721, %swap3A_722] {strides = array<i32>} : memref<80x128xf32, #tpu.memory_space<vmem>>, vector<16xf32>,
        tpu.vector_store %arg13[%swap3A_721, %swap3A_722], %mul3A_720 {strides = array<i32>} : memref<80x128xf32, #tpu.memory_space<vmem>>, vector<16xf32>,
        %get3A_724 = arith.index_cast %add3A_705 : i32 to index
        %get3A_725 = arith.constant 32 : index
        %get3A_726 = tpu.vector_load %arg13[%get3A_724, %get3A_725] {strides = array<i32>} : memref<80x128xf32, #tpu.memory_space<vmem>>, vector<16xf32>,
        %mul3A_727 = vector.broadcast %squeeze3A_707 : f32 to vector<16xf32>
        %mul3A_728 = arith.mulf %get3A_726, %mul3A_727 : vector<16xf32>
        %swap3A_729 = arith.index_cast %add3A_705 : i32 to index
        %swap3A_730 = arith.constant 32 : index
        %swap3A_731 = tpu.vector_load %arg13[%swap3A_729, %swap3A_730] {strides = array<i32>} : memref<80x128xf32, #tpu.memory_space<vmem>>, vector<16xf32>,
        tpu.vector_store %arg13[%swap3A_729, %swap3A_730], %mul3A_728 {strides = array<i32>} : memref<80x128xf32, #tpu.memory_space<vmem>>, vector<16xf32>,
        %get3A_732 = arith.index_cast %add3A_705 : i32 to index
        %get3A_733 = arith.constant 48 : index
        %get3A_734 = tpu.vector_load %arg13[%get3A_732, %get3A_733] {strides = array<i32>} : memref<80x128xf32, #tpu.memory_space<vmem>>, vector<16xf32>,
        %mul3A_735 = vector.broadcast %squeeze3A_707 : f32 to vector<16xf32>
        %mul3A_736 = arith.mulf %get3A_734, %mul3A_735 : vector<16xf32>
        %swap3A_737 = arith.index_cast %add3A_705 : i32 to index
        %swap3A_738 = arith.constant 48 : index
        %swap3A_739 = tpu.vector_load %arg13[%swap3A_737, %swap3A_738] {strides = array<i32>} : memref<80x128xf32, #tpu.memory_space<vmem>>, vector<16xf32>,
        tpu.vector_store %arg13[%swap3A_737, %swap3A_738], %mul3A_736 {strides = array<i32>} : memref<80x128xf32, #tpu.memory_space<vmem>>, vector<16xf32>,
        %get3A_740 = arith.index_cast %add3A_705 : i32 to index
        %get3A_741 = arith.constant 64 : index
        %get3A_742 = tpu.vector_load %arg13[%get3A_740, %get3A_741] {strides = array<i32>} : memref<80x128xf32, #tpu.memory_space<vmem>>, vector<16xf32>,
        %mul3A_743 = vector.broadcast %squeeze3A_707 : f32 to vector<16xf32>
        %mul3A_744 = arith.mulf %get3A_742, %mul3A_743 : vector<16xf32>
        %swap3A_745 = arith.index_cast %add3A_705 : i32 to index
        %swap3A_746 = arith.constant 64 : index
        %swap3A_747 = tpu.vector_load %arg13[%swap3A_745, %swap3A_746] {strides = array<i32>} : memref<80x128xf32, #tpu.memory_space<vmem>>, vector<16xf32>,
        tpu.vector_store %arg13[%swap3A_745, %swap3A_746], %mul3A_744 {strides = array<i32>} : memref<80x128xf32, #tpu.memory_space<vmem>>, vector<16xf32>,
        %get3A_748 = arith.index_cast %add3A_705 : i32 to index
        %get3A_749 = arith.constant 80 : index
        %get3A_750 = tpu.vector_load %arg13[%get3A_748, %get3A_749] {strides = array<i32>} : memref<80x128xf32, #tpu.memory_space<vmem>>, vector<16xf32>,
        %mul3A_751 = vector.broadcast %squeeze3A_707 : f32 to vector<16xf32>
        %mul3A_752 = arith.mulf %get3A_750, %mul3A_751 : vector<16xf32>
        %swap3A_753 = arith.index_cast %add3A_705 : i32 to index
        %swap3A_754 = arith.constant 80 : index
        %swap3A_755 = tpu.vector_load %arg13[%swap3A_753, %swap3A_754] {strides = array<i32>} : memref<80x128xf32, #tpu.memory_space<vmem>>, vector<16xf32>,
        tpu.vector_store %arg13[%swap3A_753, %swap3A_754], %mul3A_752 {strides = array<i32>} : memref<80x128xf32, #tpu.memory_space<vmem>>, vector<16xf32>,
        %get3A_756 = arith.index_cast %add3A_705 : i32 to index
        %get3A_757 = arith.constant 96 : index
        %get3A_758 = tpu.vector_load %arg13[%get3A_756, %get3A_757] {strides = array<i32>} : memref<80x128xf32, #tpu.memory_space<vmem>>, vector<16xf32>,
        %mul3A_759 = vector.broadcast %squeeze3A_707 : f32 to vector<16xf32>
        %mul3A_760 = arith.mulf %get3A_758, %mul3A_759 : vector<16xf32>
        %swap3A_761 = arith.index_cast %add3A_705 : i32 to index
        %swap3A_762 = arith.constant 96 : index
        %swap3A_763 = tpu.vector_load %arg13[%swap3A_761, %swap3A_762] {strides = array<i32>} : memref<80x128xf32, #tpu.memory_space<vmem>>, vector<16xf32>,
        tpu.vector_store %arg13[%swap3A_761, %swap3A_762], %mul3A_760 {strides = array<i32>} : memref<80x128xf32, #tpu.memory_space<vmem>>, vector<16xf32>,
        %get3A_764 = arith.index_cast %add3A_705 : i32 to index
        %get3A_765 = arith.constant 112 : index
        %get3A_766 = tpu.vector_load %arg13[%get3A_764, %get3A_765] {strides = array<i32>} : memref<80x128xf32, #tpu.memory_space<vmem>>, vector<16xf32>,
        %mul3A_767 = vector.broadcast %squeeze3A_707 : f32 to vector<16xf32>
        %mul3A_768 = arith.mulf %get3A_766, %mul3A_767 : vector<16xf32>
        %swap3A_769 = arith.index_cast %add3A_705 : i32 to index
        %swap3A_770 = arith.constant 112 : index
        %swap3A_771 = tpu.vector_load %arg13[%swap3A_769, %swap3A_770] {strides = array<i32>} : memref<80x128xf32, #tpu.memory_space<vmem>>, vector<16xf32>,
        tpu.vector_store %arg13[%swap3A_769, %swap3A_770], %mul3A_768 {strides = array<i32>} : memref<80x128xf32, #tpu.memory_space<vmem>>, vector<16xf32>,
        %mul3A_772 = arith.constant 16 : i32
        %mul3A_773 = arith.muli %add3A_72, %mul3A_772 : i32
        %add3A_774 = arith.constant 9 : i32
        %add3A_775 = arith.addi %mul3A_773, %add3A_774 : i32
        %slice3A_776 = vector.extract_strided_slice %exp3A {offsets = [9], sizes = [1], strides = [1]} : vector<16xf32> to vector<1xf32>
        %squeeze3A_777 = vector.extract %slice3A_776[0] : f32 from vector<1xf32>
        %get3A_778 = arith.index_cast %add3A_775 : i32 to index
        %get3A_779 = arith.constant 0 : index
        %get3A_780 = tpu.vector_load %arg13[%get3A_778, %get3A_779] {strides = array<i32>} : memref<80x128xf32, #tpu.memory_space<vmem>>, vector<16xf32>,
        %mul3A_781 = vector.broadcast %squeeze3A_777 : f32 to vector<16xf32>
        %mul3A_782 = arith.mulf %get3A_780, %mul3A_781 : vector<16xf32>
        %swap3A_783 = arith.index_cast %add3A_775 : i32 to index
        %swap3A_784 = arith.constant 0 : index
        %swap3A_785 = tpu.vector_load %arg13[%swap3A_783, %swap3A_784] {strides = array<i32>} : memref<80x128xf32, #tpu.memory_space<vmem>>, vector<16xf32>,
        tpu.vector_store %arg13[%swap3A_783, %swap3A_784], %mul3A_782 {strides = array<i32>} : memref<80x128xf32, #tpu.memory_space<vmem>>, vector<16xf32>,
        %get3A_786 = arith.index_cast %add3A_775 : i32 to index
        %get3A_787 = arith.constant 16 : index
        %get3A_788 = tpu.vector_load %arg13[%get3A_786, %get3A_787] {strides = array<i32>} : memref<80x128xf32, #tpu.memory_space<vmem>>, vector<16xf32>,
        %mul3A_789 = vector.broadcast %squeeze3A_777 : f32 to vector<16xf32>
        %mul3A_790 = arith.mulf %get3A_788, %mul3A_789 : vector<16xf32>
        %swap3A_791 = arith.index_cast %add3A_775 : i32 to index
        %swap3A_792 = arith.constant 16 : index
        %swap3A_793 = tpu.vector_load %arg13[%swap3A_791, %swap3A_792] {strides = array<i32>} : memref<80x128xf32, #tpu.memory_space<vmem>>, vector<16xf32>,
        tpu.vector_store %arg13[%swap3A_791, %swap3A_792], %mul3A_790 {strides = array<i32>} : memref<80x128xf32, #tpu.memory_space<vmem>>, vector<16xf32>,
        %get3A_794 = arith.index_cast %add3A_775 : i32 to index
        %get3A_795 = arith.constant 32 : index
        %get3A_796 = tpu.vector_load %arg13[%get3A_794, %get3A_795] {strides = array<i32>} : memref<80x128xf32, #tpu.memory_space<vmem>>, vector<16xf32>,
        %mul3A_797 = vector.broadcast %squeeze3A_777 : f32 to vector<16xf32>
        %mul3A_798 = arith.mulf %get3A_796, %mul3A_797 : vector<16xf32>
        %swap3A_799 = arith.index_cast %add3A_775 : i32 to index
        %swap3A_800 = arith.constant 32 : index
        %swap3A_801 = tpu.vector_load %arg13[%swap3A_799, %swap3A_800] {strides = array<i32>} : memref<80x128xf32, #tpu.memory_space<vmem>>, vector<16xf32>,
        tpu.vector_store %arg13[%swap3A_799, %swap3A_800], %mul3A_798 {strides = array<i32>} : memref<80x128xf32, #tpu.memory_space<vmem>>, vector<16xf32>,
        %get3A_802 = arith.index_cast %add3A_775 : i32 to index
        %get3A_803 = arith.constant 48 : index
        %get3A_804 = tpu.vector_load %arg13[%get3A_802, %get3A_803] {strides = array<i32>} : memref<80x128xf32, #tpu.memory_space<vmem>>, vector<16xf32>,
        %mul3A_805 = vector.broadcast %squeeze3A_777 : f32 to vector<16xf32>
        %mul3A_806 = arith.mulf %get3A_804, %mul3A_805 : vector<16xf32>
        %swap3A_807 = arith.index_cast %add3A_775 : i32 to index
        %swap3A_808 = arith.constant 48 : index
        %swap3A_809 = tpu.vector_load %arg13[%swap3A_807, %swap3A_808] {strides = array<i32>} : memref<80x128xf32, #tpu.memory_space<vmem>>, vector<16xf32>,
        tpu.vector_store %arg13[%swap3A_807, %swap3A_808], %mul3A_806 {strides = array<i32>} : memref<80x128xf32, #tpu.memory_space<vmem>>, vector<16xf32>,
        %get3A_810 = arith.index_cast %add3A_775 : i32 to index
        %get3A_811 = arith.constant 64 : index
        %get3A_812 = tpu.vector_load %arg13[%get3A_810, %get3A_811] {strides = array<i32>} : memref<80x128xf32, #tpu.memory_space<vmem>>, vector<16xf32>,
        %mul3A_813 = vector.broadcast %squeeze3A_777 : f32 to vector<16xf32>
        %mul3A_814 = arith.mulf %get3A_812, %mul3A_813 : vector<16xf32>
        %swap3A_815 = arith.index_cast %add3A_775 : i32 to index
        %swap3A_816 = arith.constant 64 : index
        %swap3A_817 = tpu.vector_load %arg13[%swap3A_815, %swap3A_816] {strides = array<i32>} : memref<80x128xf32, #tpu.memory_space<vmem>>, vector<16xf32>,
        tpu.vector_store %arg13[%swap3A_815, %swap3A_816], %mul3A_814 {strides = array<i32>} : memref<80x128xf32, #tpu.memory_space<vmem>>, vector<16xf32>,
        %get3A_818 = arith.index_cast %add3A_775 : i32 to index
        %get3A_819 = arith.constant 80 : index
        %get3A_820 = tpu.vector_load %arg13[%get3A_818, %get3A_819] {strides = array<i32>} : memref<80x128xf32, #tpu.memory_space<vmem>>, vector<16xf32>,
        %mul3A_821 = vector.broadcast %squeeze3A_777 : f32 to vector<16xf32>
        %mul3A_822 = arith.mulf %get3A_820, %mul3A_821 : vector<16xf32>
        %swap3A_823 = arith.index_cast %add3A_775 : i32 to index
        %swap3A_824 = arith.constant 80 : index
        %swap3A_825 = tpu.vector_load %arg13[%swap3A_823, %swap3A_824] {strides = array<i32>} : memref<80x128xf32, #tpu.memory_space<vmem>>, vector<16xf32>,
        tpu.vector_store %arg13[%swap3A_823, %swap3A_824], %mul3A_822 {strides = array<i32>} : memref<80x128xf32, #tpu.memory_space<vmem>>, vector<16xf32>,
        %get3A_826 = arith.index_cast %add3A_775 : i32 to index
        %get3A_827 = arith.constant 96 : index
        %get3A_828 = tpu.vector_load %arg13[%get3A_826, %get3A_827] {strides = array<i32>} : memref<80x128xf32, #tpu.memory_space<vmem>>, vector<16xf32>,
        %mul3A_829 = vector.broadcast %squeeze3A_777 : f32 to vector<16xf32>
        %mul3A_830 = arith.mulf %get3A_828, %mul3A_829 : vector<16xf32>
        %swap3A_831 = arith.index_cast %add3A_775 : i32 to index
        %swap3A_832 = arith.constant 96 : index
        %swap3A_833 = tpu.vector_load %arg13[%swap3A_831, %swap3A_832] {strides = array<i32>} : memref<80x128xf32, #tpu.memory_space<vmem>>, vector<16xf32>,
        tpu.vector_store %arg13[%swap3A_831, %swap3A_832], %mul3A_830 {strides = array<i32>} : memref<80x128xf32, #tpu.memory_space<vmem>>, vector<16xf32>,
        %get3A_834 = arith.index_cast %add3A_775 : i32 to index
        %get3A_835 = arith.constant 112 : index
        %get3A_836 = tpu.vector_load %arg13[%get3A_834, %get3A_835] {strides = array<i32>} : memref<80x128xf32, #tpu.memory_space<vmem>>, vector<16xf32>,
        %mul3A_837 = vector.broadcast %squeeze3A_777 : f32 to vector<16xf32>
        %mul3A_838 = arith.mulf %get3A_836, %mul3A_837 : vector<16xf32>
        %swap3A_839 = arith.index_cast %add3A_775 : i32 to index
        %swap3A_840 = arith.constant 112 : index
        %swap3A_841 = tpu.vector_load %arg13[%swap3A_839, %swap3A_840] {strides = array<i32>} : memref<80x128xf32, #tpu.memory_space<vmem>>, vector<16xf32>,
        tpu.vector_store %arg13[%swap3A_839, %swap3A_840], %mul3A_838 {strides = array<i32>} : memref<80x128xf32, #tpu.memory_space<vmem>>, vector<16xf32>,
        %mul3A_842 = arith.constant 16 : i32
        %mul3A_843 = arith.muli %add3A_72, %mul3A_842 : i32
        %add3A_844 = arith.constant 10 : i32
        %add3A_845 = arith.addi %mul3A_843, %add3A_844 : i32
        %slice3A_846 = vector.extract_strided_slice %exp3A {offsets = [10], sizes = [1], strides = [1]} : vector<16xf32> to vector<1xf32>
        %squeeze3A_847 = vector.extract %slice3A_846[0] : f32 from vector<1xf32>
        %get3A_848 = arith.index_cast %add3A_845 : i32 to index
        %get3A_849 = arith.constant 0 : index
        %get3A_850 = tpu.vector_load %arg13[%get3A_848, %get3A_849] {strides = array<i32>} : memref<80x128xf32, #tpu.memory_space<vmem>>, vector<16xf32>,
        %mul3A_851 = vector.broadcast %squeeze3A_847 : f32 to vector<16xf32>
        %mul3A_852 = arith.mulf %get3A_850, %mul3A_851 : vector<16xf32>
        %swap3A_853 = arith.index_cast %add3A_845 : i32 to index
        %swap3A_854 = arith.constant 0 : index
        %swap3A_855 = tpu.vector_load %arg13[%swap3A_853, %swap3A_854] {strides = array<i32>} : memref<80x128xf32, #tpu.memory_space<vmem>>, vector<16xf32>,
        tpu.vector_store %arg13[%swap3A_853, %swap3A_854], %mul3A_852 {strides = array<i32>} : memref<80x128xf32, #tpu.memory_space<vmem>>, vector<16xf32>,
        %get3A_856 = arith.index_cast %add3A_845 : i32 to index
        %get3A_857 = arith.constant 16 : index
        %get3A_858 = tpu.vector_load %arg13[%get3A_856, %get3A_857] {strides = array<i32>} : memref<80x128xf32, #tpu.memory_space<vmem>>, vector<16xf32>,
        %mul3A_859 = vector.broadcast %squeeze3A_847 : f32 to vector<16xf32>
        %mul3A_860 = arith.mulf %get3A_858, %mul3A_859 : vector<16xf32>
        %swap3A_861 = arith.index_cast %add3A_845 : i32 to index
        %swap3A_862 = arith.constant 16 : index
        %swap3A_863 = tpu.vector_load %arg13[%swap3A_861, %swap3A_862] {strides = array<i32>} : memref<80x128xf32, #tpu.memory_space<vmem>>, vector<16xf32>,
        tpu.vector_store %arg13[%swap3A_861, %swap3A_862], %mul3A_860 {strides = array<i32>} : memref<80x128xf32, #tpu.memory_space<vmem>>, vector<16xf32>,
        %get3A_864 = arith.index_cast %add3A_845 : i32 to index
        %get3A_865 = arith.constant 32 : index
        %get3A_866 = tpu.vector_load %arg13[%get3A_864, %get3A_865] {strides = array<i32>} : memref<80x128xf32, #tpu.memory_space<vmem>>, vector<16xf32>,
        %mul3A_867 = vector.broadcast %squeeze3A_847 : f32 to vector<16xf32>
        %mul3A_868 = arith.mulf %get3A_866, %mul3A_867 : vector<16xf32>
        %swap3A_869 = arith.index_cast %add3A_845 : i32 to index
        %swap3A_870 = arith.constant 32 : index
        %swap3A_871 = tpu.vector_load %arg13[%swap3A_869, %swap3A_870] {strides = array<i32>} : memref<80x128xf32, #tpu.memory_space<vmem>>, vector<16xf32>,
        tpu.vector_store %arg13[%swap3A_869, %swap3A_870], %mul3A_868 {strides = array<i32>} : memref<80x128xf32, #tpu.memory_space<vmem>>, vector<16xf32>,
        %get3A_872 = arith.index_cast %add3A_845 : i32 to index
        %get3A_873 = arith.constant 48 : index
        %get3A_874 = tpu.vector_load %arg13[%get3A_872, %get3A_873] {strides = array<i32>} : memref<80x128xf32, #tpu.memory_space<vmem>>, vector<16xf32>,
        %mul3A_875 = vector.broadcast %squeeze3A_847 : f32 to vector<16xf32>
        %mul3A_876 = arith.mulf %get3A_874, %mul3A_875 : vector<16xf32>
        %swap3A_877 = arith.index_cast %add3A_845 : i32 to index
        %swap3A_878 = arith.constant 48 : index
        %swap3A_879 = tpu.vector_load %arg13[%swap3A_877, %swap3A_878] {strides = array<i32>} : memref<80x128xf32, #tpu.memory_space<vmem>>, vector<16xf32>,
        tpu.vector_store %arg13[%swap3A_877, %swap3A_878], %mul3A_876 {strides = array<i32>} : memref<80x128xf32, #tpu.memory_space<vmem>>, vector<16xf32>,
        %get3A_880 = arith.index_cast %add3A_845 : i32 to index
        %get3A_881 = arith.constant 64 : index
        %get3A_882 = tpu.vector_load %arg13[%get3A_880, %get3A_881] {strides = array<i32>} : memref<80x128xf32, #tpu.memory_space<vmem>>, vector<16xf32>,
        %mul3A_883 = vector.broadcast %squeeze3A_847 : f32 to vector<16xf32>
        %mul3A_884 = arith.mulf %get3A_882, %mul3A_883 : vector<16xf32>
        %swap3A_885 = arith.index_cast %add3A_845 : i32 to index
        %swap3A_886 = arith.constant 64 : index
        %swap3A_887 = tpu.vector_load %arg13[%swap3A_885, %swap3A_886] {strides = array<i32>} : memref<80x128xf32, #tpu.memory_space<vmem>>, vector<16xf32>,
        tpu.vector_store %arg13[%swap3A_885, %swap3A_886], %mul3A_884 {strides = array<i32>} : memref<80x128xf32, #tpu.memory_space<vmem>>, vector<16xf32>,
        %get3A_888 = arith.index_cast %add3A_845 : i32 to index
        %get3A_889 = arith.constant 80 : index
        %get3A_890 = tpu.vector_load %arg13[%get3A_888, %get3A_889] {strides = array<i32>} : memref<80x128xf32, #tpu.memory_space<vmem>>, vector<16xf32>,
        %mul3A_891 = vector.broadcast %squeeze3A_847 : f32 to vector<16xf32>
        %mul3A_892 = arith.mulf %get3A_890, %mul3A_891 : vector<16xf32>
        %swap3A_893 = arith.index_cast %add3A_845 : i32 to index
        %swap3A_894 = arith.constant 80 : index
        %swap3A_895 = tpu.vector_load %arg13[%swap3A_893, %swap3A_894] {strides = array<i32>} : memref<80x128xf32, #tpu.memory_space<vmem>>, vector<16xf32>,
        tpu.vector_store %arg13[%swap3A_893, %swap3A_894], %mul3A_892 {strides = array<i32>} : memref<80x128xf32, #tpu.memory_space<vmem>>, vector<16xf32>,
        %get3A_896 = arith.index_cast %add3A_845 : i32 to index
        %get3A_897 = arith.constant 96 : index
        %get3A_898 = tpu.vector_load %arg13[%get3A_896, %get3A_897] {strides = array<i32>} : memref<80x128xf32, #tpu.memory_space<vmem>>, vector<16xf32>,
        %mul3A_899 = vector.broadcast %squeeze3A_847 : f32 to vector<16xf32>
        %mul3A_900 = arith.mulf %get3A_898, %mul3A_899 : vector<16xf32>
        %swap3A_901 = arith.index_cast %add3A_845 : i32 to index
        %swap3A_902 = arith.constant 96 : index
        %swap3A_903 = tpu.vector_load %arg13[%swap3A_901, %swap3A_902] {strides = array<i32>} : memref<80x128xf32, #tpu.memory_space<vmem>>, vector<16xf32>,
        tpu.vector_store %arg13[%swap3A_901, %swap3A_902], %mul3A_900 {strides = array<i32>} : memref<80x128xf32, #tpu.memory_space<vmem>>, vector<16xf32>,
        %get3A_904 = arith.index_cast %add3A_845 : i32 to index
        %get3A_905 = arith.constant 112 : index
        %get3A_906 = tpu.vector_load %arg13[%get3A_904, %get3A_905] {strides = array<i32>} : memref<80x128xf32, #tpu.memory_space<vmem>>, vector<16xf32>,
        %mul3A_907 = vector.broadcast %squeeze3A_847 : f32 to vector<16xf32>
        %mul3A_908 = arith.mulf %get3A_906, %mul3A_907 : vector<16xf32>
        %swap3A_909 = arith.index_cast %add3A_845 : i32 to index
        %swap3A_910 = arith.constant 112 : index
        %swap3A_911 = tpu.vector_load %arg13[%swap3A_909, %swap3A_910] {strides = array<i32>} : memref<80x128xf32, #tpu.memory_space<vmem>>, vector<16xf32>,
        tpu.vector_store %arg13[%swap3A_909, %swap3A_910], %mul3A_908 {strides = array<i32>} : memref<80x128xf32, #tpu.memory_space<vmem>>, vector<16xf32>,
        %mul3A_912 = arith.constant 16 : i32
        %mul3A_913 = arith.muli %add3A_72, %mul3A_912 : i32
        %add3A_914 = arith.constant 11 : i32
        %add3A_915 = arith.addi %mul3A_913, %add3A_914 : i32
        %slice3A_916 = vector.extract_strided_slice %exp3A {offsets = [11], sizes = [1], strides = [1]} : vector<16xf32> to vector<1xf32>
        %squeeze3A_917 = vector.extract %slice3A_916[0] : f32 from vector<1xf32>
        %get3A_918 = arith.index_cast %add3A_915 : i32 to index
        %get3A_919 = arith.constant 0 : index
        %get3A_920 = tpu.vector_load %arg13[%get3A_918, %get3A_919] {strides = array<i32>} : memref<80x128xf32, #tpu.memory_space<vmem>>, vector<16xf32>,
        %mul3A_921 = vector.broadcast %squeeze3A_917 : f32 to vector<16xf32>
        %mul3A_922 = arith.mulf %get3A_920, %mul3A_921 : vector<16xf32>
        %swap3A_923 = arith.index_cast %add3A_915 : i32 to index
        %swap3A_924 = arith.constant 0 : index
        %swap3A_925 = tpu.vector_load %arg13[%swap3A_923, %swap3A_924] {strides = array<i32>} : memref<80x128xf32, #tpu.memory_space<vmem>>, vector<16xf32>,
        tpu.vector_store %arg13[%swap3A_923, %swap3A_924], %mul3A_922 {strides = array<i32>} : memref<80x128xf32, #tpu.memory_space<vmem>>, vector<16xf32>,
        %get3A_926 = arith.index_cast %add3A_915 : i32 to index
        %get3A_927 = arith.constant 16 : index
        %get3A_928 = tpu.vector_load %arg13[%get3A_926, %get3A_927] {strides = array<i32>} : memref<80x128xf32, #tpu.memory_space<vmem>>, vector<16xf32>,
        %mul3A_929 = vector.broadcast %squeeze3A_917 : f32 to vector<16xf32>
        %mul3A_930 = arith.mulf %get3A_928, %mul3A_929 : vector<16xf32>
        %swap3A_931 = arith.index_cast %add3A_915 : i32 to index
        %swap3A_932 = arith.constant 16 : index
        %swap3A_933 = tpu.vector_load %arg13[%swap3A_931, %swap3A_932] {strides = array<i32>} : memref<80x128xf32, #tpu.memory_space<vmem>>, vector<16xf32>,
        tpu.vector_store %arg13[%swap3A_931, %swap3A_932], %mul3A_930 {strides = array<i32>} : memref<80x128xf32, #tpu.memory_space<vmem>>, vector<16xf32>,
        %get3A_934 = arith.index_cast %add3A_915 : i32 to index
        %get3A_935 = arith.constant 32 : index
        %get3A_936 = tpu.vector_load %arg13[%get3A_934, %get3A_935] {strides = array<i32>} : memref<80x128xf32, #tpu.memory_space<vmem>>, vector<16xf32>,
        %mul3A_937 = vector.broadcast %squeeze3A_917 : f32 to vector<16xf32>
        %mul3A_938 = arith.mulf %get3A_936, %mul3A_937 : vector<16xf32>
        %swap3A_939 = arith.index_cast %add3A_915 : i32 to index
        %swap3A_940 = arith.constant 32 : index
        %swap3A_941 = tpu.vector_load %arg13[%swap3A_939, %swap3A_940] {strides = array<i32>} : memref<80x128xf32, #tpu.memory_space<vmem>>, vector<16xf32>,
        tpu.vector_store %arg13[%swap3A_939, %swap3A_940], %mul3A_938 {strides = array<i32>} : memref<80x128xf32, #tpu.memory_space<vmem>>, vector<16xf32>,
        %get3A_942 = arith.index_cast %add3A_915 : i32 to index
        %get3A_943 = arith.constant 48 : index
        %get3A_944 = tpu.vector_load %arg13[%get3A_942, %get3A_943] {strides = array<i32>} : memref<80x128xf32, #tpu.memory_space<vmem>>, vector<16xf32>,
        %mul3A_945 = vector.broadcast %squeeze3A_917 : f32 to vector<16xf32>
        %mul3A_946 = arith.mulf %get3A_944, %mul3A_945 : vector<16xf32>
        %swap3A_947 = arith.index_cast %add3A_915 : i32 to index
        %swap3A_948 = arith.constant 48 : index
        %swap3A_949 = tpu.vector_load %arg13[%swap3A_947, %swap3A_948] {strides = array<i32>} : memref<80x128xf32, #tpu.memory_space<vmem>>, vector<16xf32>,
        tpu.vector_store %arg13[%swap3A_947, %swap3A_948], %mul3A_946 {strides = array<i32>} : memref<80x128xf32, #tpu.memory_space<vmem>>, vector<16xf32>,
        %get3A_950 = arith.index_cast %add3A_915 : i32 to index
        %get3A_951 = arith.constant 64 : index
        %get3A_952 = tpu.vector_load %arg13[%get3A_950, %get3A_951] {strides = array<i32>} : memref<80x128xf32, #tpu.memory_space<vmem>>, vector<16xf32>,
        %mul3A_953 = vector.broadcast %squeeze3A_917 : f32 to vector<16xf32>
        %mul3A_954 = arith.mulf %get3A_952, %mul3A_953 : vector<16xf32>
        %swap3A_955 = arith.index_cast %add3A_915 : i32 to index
        %swap3A_956 = arith.constant 64 : index
        %swap3A_957 = tpu.vector_load %arg13[%swap3A_955, %swap3A_956] {strides = array<i32>} : memref<80x128xf32, #tpu.memory_space<vmem>>, vector<16xf32>,
        tpu.vector_store %arg13[%swap3A_955, %swap3A_956], %mul3A_954 {strides = array<i32>} : memref<80x128xf32, #tpu.memory_space<vmem>>, vector<16xf32>,
        %get3A_958 = arith.index_cast %add3A_915 : i32 to index
        %get3A_959 = arith.constant 80 : index
        %get3A_960 = tpu.vector_load %arg13[%get3A_958, %get3A_959] {strides = array<i32>} : memref<80x128xf32, #tpu.memory_space<vmem>>, vector<16xf32>,
        %mul3A_961 = vector.broadcast %squeeze3A_917 : f32 to vector<16xf32>
        %mul3A_962 = arith.mulf %get3A_960, %mul3A_961 : vector<16xf32>
        %swap3A_963 = arith.index_cast %add3A_915 : i32 to index
        %swap3A_964 = arith.constant 80 : index
        %swap3A_965 = tpu.vector_load %arg13[%swap3A_963, %swap3A_964] {strides = array<i32>} : memref<80x128xf32, #tpu.memory_space<vmem>>, vector<16xf32>,
        tpu.vector_store %arg13[%swap3A_963, %swap3A_964], %mul3A_962 {strides = array<i32>} : memref<80x128xf32, #tpu.memory_space<vmem>>, vector<16xf32>,
        %get3A_966 = arith.index_cast %add3A_915 : i32 to index
        %get3A_967 = arith.constant 96 : index
        %get3A_968 = tpu.vector_load %arg13[%get3A_966, %get3A_967] {strides = array<i32>} : memref<80x128xf32, #tpu.memory_space<vmem>>, vector<16xf32>,
        %mul3A_969 = vector.broadcast %squeeze3A_917 : f32 to vector<16xf32>
        %mul3A_970 = arith.mulf %get3A_968, %mul3A_969 : vector<16xf32>
        %swap3A_971 = arith.index_cast %add3A_915 : i32 to index
        %swap3A_972 = arith.constant 96 : index
        %swap3A_973 = tpu.vector_load %arg13[%swap3A_971, %swap3A_972] {strides = array<i32>} : memref<80x128xf32, #tpu.memory_space<vmem>>, vector<16xf32>,
        tpu.vector_store %arg13[%swap3A_971, %swap3A_972], %mul3A_970 {strides = array<i32>} : memref<80x128xf32, #tpu.memory_space<vmem>>, vector<16xf32>,
        %get3A_974 = arith.index_cast %add3A_915 : i32 to index
        %get3A_975 = arith.constant 112 : index
        %get3A_976 = tpu.vector_load %arg13[%get3A_974, %get3A_975] {strides = array<i32>} : memref<80x128xf32, #tpu.memory_space<vmem>>, vector<16xf32>,
        %mul3A_977 = vector.broadcast %squeeze3A_917 : f32 to vector<16xf32>
        %mul3A_978 = arith.mulf %get3A_976, %mul3A_977 : vector<16xf32>
        %swap3A_979 = arith.index_cast %add3A_915 : i32 to index
        %swap3A_980 = arith.constant 112 : index
        %swap3A_981 = tpu.vector_load %arg13[%swap3A_979, %swap3A_980] {strides = array<i32>} : memref<80x128xf32, #tpu.memory_space<vmem>>, vector<16xf32>,
        tpu.vector_store %arg13[%swap3A_979, %swap3A_980], %mul3A_978 {strides = array<i32>} : memref<80x128xf32, #tpu.memory_space<vmem>>, vector<16xf32>,
        %mul3A_982 = arith.constant 16 : i32
        %mul3A_983 = arith.muli %add3A_72, %mul3A_982 : i32
        %add3A_984 = arith.constant 12 : i32
        %add3A_985 = arith.addi %mul3A_983, %add3A_984 : i32
        %slice3A_986 = vector.extract_strided_slice %exp3A {offsets = [12], sizes = [1], strides = [1]} : vector<16xf32> to vector<1xf32>
        %squeeze3A_987 = vector.extract %slice3A_986[0] : f32 from vector<1xf32>
        %get3A_988 = arith.index_cast %add3A_985 : i32 to index
        %get3A_989 = arith.constant 0 : index
        %get3A_990 = tpu.vector_load %arg13[%get3A_988, %get3A_989] {strides = array<i32>} : memref<80x128xf32, #tpu.memory_space<vmem>>, vector<16xf32>,
        %mul3A_991 = vector.broadcast %squeeze3A_987 : f32 to vector<16xf32>
        %mul3A_992 = arith.mulf %get3A_990, %mul3A_991 : vector<16xf32>
        %swap3A_993 = arith.index_cast %add3A_985 : i32 to index
        %swap3A_994 = arith.constant 0 : index
        %swap3A_995 = tpu.vector_load %arg13[%swap3A_993, %swap3A_994] {strides = array<i32>} : memref<80x128xf32, #tpu.memory_space<vmem>>, vector<16xf32>,
        tpu.vector_store %arg13[%swap3A_993, %swap3A_994], %mul3A_992 {strides = array<i32>} : memref<80x128xf32, #tpu.memory_space<vmem>>, vector<16xf32>,
        %get3A_996 = arith.index_cast %add3A_985 : i32 to index
        %get3A_997 = arith.constant 16 : index
        %get3A_998 = tpu.vector_load %arg13[%get3A_996, %get3A_997] {strides = array<i32>} : memref<80x128xf32, #tpu.memory_space<vmem>>, vector<16xf32>,
        %mul3A_999 = vector.broadcast %squeeze3A_987 : f32 to vector<16xf32>
        %mul3A_1000 = arith.mulf %get3A_998, %mul3A_999 : vector<16xf32>
        %swap3A_1001 = arith.index_cast %add3A_985 : i32 to index
        %swap3A_1002 = arith.constant 16 : index
        %swap3A_1003 = tpu.vector_load %arg13[%swap3A_1001, %swap3A_1002] {strides = array<i32>} : memref<80x128xf32, #tpu.memory_space<vmem>>, vector<16xf32>,
        tpu.vector_store %arg13[%swap3A_1001, %swap3A_1002], %mul3A_1000 {strides = array<i32>} : memref<80x128xf32, #tpu.memory_space<vmem>>, vector<16xf32>,
        %get3A_1004 = arith.index_cast %add3A_985 : i32 to index
        %get3A_1005 = arith.constant 32 : index
        %get3A_1006 = tpu.vector_load %arg13[%get3A_1004, %get3A_1005] {strides = array<i32>} : memref<80x128xf32, #tpu.memory_space<vmem>>, vector<16xf32>,
        %mul3A_1007 = vector.broadcast %squeeze3A_987 : f32 to vector<16xf32>
        %mul3A_1008 = arith.mulf %get3A_1006, %mul3A_1007 : vector<16xf32>
        %swap3A_1009 = arith.index_cast %add3A_985 : i32 to index
        %swap3A_1010 = arith.constant 32 : index
        %swap3A_1011 = tpu.vector_load %arg13[%swap3A_1009, %swap3A_1010] {strides = array<i32>} : memref<80x128xf32, #tpu.memory_space<vmem>>, vector<16xf32>,
        tpu.vector_store %arg13[%swap3A_1009, %swap3A_1010], %mul3A_1008 {strides = array<i32>} : memref<80x128xf32, #tpu.memory_space<vmem>>, vector<16xf32>,
        %get3A_1012 = arith.index_cast %add3A_985 : i32 to index
        %get3A_1013 = arith.constant 48 : index
        %get3A_1014 = tpu.vector_load %arg13[%get3A_1012, %get3A_1013] {strides = array<i32>} : memref<80x128xf32, #tpu.memory_space<vmem>>, vector<16xf32>,
        %mul3A_1015 = vector.broadcast %squeeze3A_987 : f32 to vector<16xf32>
        %mul3A_1016 = arith.mulf %get3A_1014, %mul3A_1015 : vector<16xf32>
        %swap3A_1017 = arith.index_cast %add3A_985 : i32 to index
        %swap3A_1018 = arith.constant 48 : index
        %swap3A_1019 = tpu.vector_load %arg13[%swap3A_1017, %swap3A_1018] {strides = array<i32>} : memref<80x128xf32, #tpu.memory_space<vmem>>, vector<16xf32>,
        tpu.vector_store %arg13[%swap3A_1017, %swap3A_1018], %mul3A_1016 {strides = array<i32>} : memref<80x128xf32, #tpu.memory_space<vmem>>, vector<16xf32>,
        %get3A_1020 = arith.index_cast %add3A_985 : i32 to index
        %get3A_1021 = arith.constant 64 : index
        %get3A_1022 = tpu.vector_load %arg13[%get3A_1020, %get3A_1021] {strides = array<i32>} : memref<80x128xf32, #tpu.memory_space<vmem>>, vector<16xf32>,
        %mul3A_1023 = vector.broadcast %squeeze3A_987 : f32 to vector<16xf32>
        %mul3A_1024 = arith.mulf %get3A_1022, %mul3A_1023 : vector<16xf32>
        %swap3A_1025 = arith.index_cast %add3A_985 : i32 to index
        %swap3A_1026 = arith.constant 64 : index
        %swap3A_1027 = tpu.vector_load %arg13[%swap3A_1025, %swap3A_1026] {strides = array<i32>} : memref<80x128xf32, #tpu.memory_space<vmem>>, vector<16xf32>,
        tpu.vector_store %arg13[%swap3A_1025, %swap3A_1026], %mul3A_1024 {strides = array<i32>} : memref<80x128xf32, #tpu.memory_space<vmem>>, vector<16xf32>,
        %get3A_1028 = arith.index_cast %add3A_985 : i32 to index
        %get3A_1029 = arith.constant 80 : index
        %get3A_1030 = tpu.vector_load %arg13[%get3A_1028, %get3A_1029] {strides = array<i32>} : memref<80x128xf32, #tpu.memory_space<vmem>>, vector<16xf32>,
        %mul3A_1031 = vector.broadcast %squeeze3A_987 : f32 to vector<16xf32>
        %mul3A_1032 = arith.mulf %get3A_1030, %mul3A_1031 : vector<16xf32>
        %swap3A_1033 = arith.index_cast %add3A_985 : i32 to index
        %swap3A_1034 = arith.constant 80 : index
        %swap3A_1035 = tpu.vector_load %arg13[%swap3A_1033, %swap3A_1034] {strides = array<i32>} : memref<80x128xf32, #tpu.memory_space<vmem>>, vector<16xf32>,
        tpu.vector_store %arg13[%swap3A_1033, %swap3A_1034], %mul3A_1032 {strides = array<i32>} : memref<80x128xf32, #tpu.memory_space<vmem>>, vector<16xf32>,
        %get3A_1036 = arith.index_cast %add3A_985 : i32 to index
        %get3A_1037 = arith.constant 96 : index
        %get3A_1038 = tpu.vector_load %arg13[%get3A_1036, %get3A_1037] {strides = array<i32>} : memref<80x128xf32, #tpu.memory_space<vmem>>, vector<16xf32>,
        %mul3A_1039 = vector.broadcast %squeeze3A_987 : f32 to vector<16xf32>
        %mul3A_1040 = arith.mulf %get3A_1038, %mul3A_1039 : vector<16xf32>
        %swap3A_1041 = arith.index_cast %add3A_985 : i32 to index
        %swap3A_1042 = arith.constant 96 : index
        %swap3A_1043 = tpu.vector_load %arg13[%swap3A_1041, %swap3A_1042] {strides = array<i32>} : memref<80x128xf32, #tpu.memory_space<vmem>>, vector<16xf32>,
        tpu.vector_store %arg13[%swap3A_1041, %swap3A_1042], %mul3A_1040 {strides = array<i32>} : memref<80x128xf32, #tpu.memory_space<vmem>>, vector<16xf32>,
        %get3A_1044 = arith.index_cast %add3A_985 : i32 to index
        %get3A_1045 = arith.constant 112 : index
        %get3A_1046 = tpu.vector_load %arg13[%get3A_1044, %get3A_1045] {strides = array<i32>} : memref<80x128xf32, #tpu.memory_space<vmem>>, vector<16xf32>,
        %mul3A_1047 = vector.broadcast %squeeze3A_987 : f32 to vector<16xf32>
        %mul3A_1048 = arith.mulf %get3A_1046, %mul3A_1047 : vector<16xf32>
        %swap3A_1049 = arith.index_cast %add3A_985 : i32 to index
        %swap3A_1050 = arith.constant 112 : index
        %swap3A_1051 = tpu.vector_load %arg13[%swap3A_1049, %swap3A_1050] {strides = array<i32>} : memref<80x128xf32, #tpu.memory_space<vmem>>, vector<16xf32>,
        tpu.vector_store %arg13[%swap3A_1049, %swap3A_1050], %mul3A_1048 {strides = array<i32>} : memref<80x128xf32, #tpu.memory_space<vmem>>, vector<16xf32>,
        %mul3A_1052 = arith.constant 16 : i32
        %mul3A_1053 = arith.muli %add3A_72, %mul3A_1052 : i32
        %add3A_1054 = arith.constant 13 : i32
        %add3A_1055 = arith.addi %mul3A_1053, %add3A_1054 : i32
        %slice3A_1056 = vector.extract_strided_slice %exp3A {offsets = [13], sizes = [1], strides = [1]} : vector<16xf32> to vector<1xf32>
        %squeeze3A_1057 = vector.extract %slice3A_1056[0] : f32 from vector<1xf32>
        %get3A_1058 = arith.index_cast %add3A_1055 : i32 to index
        %get3A_1059 = arith.constant 0 : index
        %get3A_1060 = tpu.vector_load %arg13[%get3A_1058, %get3A_1059] {strides = array<i32>} : memref<80x128xf32, #tpu.memory_space<vmem>>, vector<16xf32>,
        %mul3A_1061 = vector.broadcast %squeeze3A_1057 : f32 to vector<16xf32>
        %mul3A_1062 = arith.mulf %get3A_1060, %mul3A_1061 : vector<16xf32>
        %swap3A_1063 = arith.index_cast %add3A_1055 : i32 to index
        %swap3A_1064 = arith.constant 0 : index
        %swap3A_1065 = tpu.vector_load %arg13[%swap3A_1063, %swap3A_1064] {strides = array<i32>} : memref<80x128xf32, #tpu.memory_space<vmem>>, vector<16xf32>,
        tpu.vector_store %arg13[%swap3A_1063, %swap3A_1064], %mul3A_1062 {strides = array<i32>} : memref<80x128xf32, #tpu.memory_space<vmem>>, vector<16xf32>,
        %get3A_1066 = arith.index_cast %add3A_1055 : i32 to index
        %get3A_1067 = arith.constant 16 : index
        %get3A_1068 = tpu.vector_load %arg13[%get3A_1066, %get3A_1067] {strides = array<i32>} : memref<80x128xf32, #tpu.memory_space<vmem>>, vector<16xf32>,
        %mul3A_1069 = vector.broadcast %squeeze3A_1057 : f32 to vector<16xf32>
        %mul3A_1070 = arith.mulf %get3A_1068, %mul3A_1069 : vector<16xf32>
        %swap3A_1071 = arith.index_cast %add3A_1055 : i32 to index
        %swap3A_1072 = arith.constant 16 : index
        %swap3A_1073 = tpu.vector_load %arg13[%swap3A_1071, %swap3A_1072] {strides = array<i32>} : memref<80x128xf32, #tpu.memory_space<vmem>>, vector<16xf32>,
        tpu.vector_store %arg13[%swap3A_1071, %swap3A_1072], %mul3A_1070 {strides = array<i32>} : memref<80x128xf32, #tpu.memory_space<vmem>>, vector<16xf32>,
        %get3A_1074 = arith.index_cast %add3A_1055 : i32 to index
        %get3A_1075 = arith.constant 32 : index
        %get3A_1076 = tpu.vector_load %arg13[%get3A_1074, %get3A_1075] {strides = array<i32>} : memref<80x128xf32, #tpu.memory_space<vmem>>, vector<16xf32>,
        %mul3A_1077 = vector.broadcast %squeeze3A_1057 : f32 to vector<16xf32>
        %mul3A_1078 = arith.mulf %get3A_1076, %mul3A_1077 : vector<16xf32>
        %swap3A_1079 = arith.index_cast %add3A_1055 : i32 to index
        %swap3A_1080 = arith.constant 32 : index
        %swap3A_1081 = tpu.vector_load %arg13[%swap3A_1079, %swap3A_1080] {strides = array<i32>} : memref<80x128xf32, #tpu.memory_space<vmem>>, vector<16xf32>,
        tpu.vector_store %arg13[%swap3A_1079, %swap3A_1080], %mul3A_1078 {strides = array<i32>} : memref<80x128xf32, #tpu.memory_space<vmem>>, vector<16xf32>,
        %get3A_1082 = arith.index_cast %add3A_1055 : i32 to index
        %get3A_1083 = arith.constant 48 : index
        %get3A_1084 = tpu.vector_load %arg13[%get3A_1082, %get3A_1083] {strides = array<i32>} : memref<80x128xf32, #tpu.memory_space<vmem>>, vector<16xf32>,
        %mul3A_1085 = vector.broadcast %squeeze3A_1057 : f32 to vector<16xf32>
        %mul3A_1086 = arith.mulf %get3A_1084, %mul3A_1085 : vector<16xf32>
        %swap3A_1087 = arith.index_cast %add3A_1055 : i32 to index
        %swap3A_1088 = arith.constant 48 : index
        %swap3A_1089 = tpu.vector_load %arg13[%swap3A_1087, %swap3A_1088] {strides = array<i32>} : memref<80x128xf32, #tpu.memory_space<vmem>>, vector<16xf32>,
        tpu.vector_store %arg13[%swap3A_1087, %swap3A_1088], %mul3A_1086 {strides = array<i32>} : memref<80x128xf32, #tpu.memory_space<vmem>>, vector<16xf32>,
        %get3A_1090 = arith.index_cast %add3A_1055 : i32 to index
        %get3A_1091 = arith.constant 64 : index
        %get3A_1092 = tpu.vector_load %arg13[%get3A_1090, %get3A_1091] {strides = array<i32>} : memref<80x128xf32, #tpu.memory_space<vmem>>, vector<16xf32>,
        %mul3A_1093 = vector.broadcast %squeeze3A_1057 : f32 to vector<16xf32>
        %mul3A_1094 = arith.mulf %get3A_1092, %mul3A_1093 : vector<16xf32>
        %swap3A_1095 = arith.index_cast %add3A_1055 : i32 to index
        %swap3A_1096 = arith.constant 64 : index
        %swap3A_1097 = tpu.vector_load %arg13[%swap3A_1095, %swap3A_1096] {strides = array<i32>} : memref<80x128xf32, #tpu.memory_space<vmem>>, vector<16xf32>,
        tpu.vector_store %arg13[%swap3A_1095, %swap3A_1096], %mul3A_1094 {strides = array<i32>} : memref<80x128xf32, #tpu.memory_space<vmem>>, vector<16xf32>,
        %get3A_1098 = arith.index_cast %add3A_1055 : i32 to index
        %get3A_1099 = arith.constant 80 : index
        %get3A_1100 = tpu.vector_load %arg13[%get3A_1098, %get3A_1099] {strides = array<i32>} : memref<80x128xf32, #tpu.memory_space<vmem>>, vector<16xf32>,
        %mul3A_1101 = vector.broadcast %squeeze3A_1057 : f32 to vector<16xf32>
        %mul3A_1102 = arith.mulf %get3A_1100, %mul3A_1101 : vector<16xf32>
        %swap3A_1103 = arith.index_cast %add3A_1055 : i32 to index
        %swap3A_1104 = arith.constant 80 : index
        %swap3A_1105 = tpu.vector_load %arg13[%swap3A_1103, %swap3A_1104] {strides = array<i32>} : memref<80x128xf32, #tpu.memory_space<vmem>>, vector<16xf32>,
        tpu.vector_store %arg13[%swap3A_1103, %swap3A_1104], %mul3A_1102 {strides = array<i32>} : memref<80x128xf32, #tpu.memory_space<vmem>>, vector<16xf32>,
        %get3A_1106 = arith.index_cast %add3A_1055 : i32 to index
        %get3A_1107 = arith.constant 96 : index
        %get3A_1108 = tpu.vector_load %arg13[%get3A_1106, %get3A_1107] {strides = array<i32>} : memref<80x128xf32, #tpu.memory_space<vmem>>, vector<16xf32>,
        %mul3A_1109 = vector.broadcast %squeeze3A_1057 : f32 to vector<16xf32>
        %mul3A_1110 = arith.mulf %get3A_1108, %mul3A_1109 : vector<16xf32>
        %swap3A_1111 = arith.index_cast %add3A_1055 : i32 to index
        %swap3A_1112 = arith.constant 96 : index
        %swap3A_1113 = tpu.vector_load %arg13[%swap3A_1111, %swap3A_1112] {strides = array<i32>} : memref<80x128xf32, #tpu.memory_space<vmem>>, vector<16xf32>,
        tpu.vector_store %arg13[%swap3A_1111, %swap3A_1112], %mul3A_1110 {strides = array<i32>} : memref<80x128xf32, #tpu.memory_space<vmem>>, vector<16xf32>,
        %get3A_1114 = arith.index_cast %add3A_1055 : i32 to index
        %get3A_1115 = arith.constant 112 : index
        %get3A_1116 = tpu.vector_load %arg13[%get3A_1114, %get3A_1115] {strides = array<i32>} : memref<80x128xf32, #tpu.memory_space<vmem>>, vector<16xf32>,
        %mul3A_1117 = vector.broadcast %squeeze3A_1057 : f32 to vector<16xf32>
        %mul3A_1118 = arith.mulf %get3A_1116, %mul3A_1117 : vector<16xf32>
        %swap3A_1119 = arith.index_cast %add3A_1055 : i32 to index
        %swap3A_1120 = arith.constant 112 : index
        %swap3A_1121 = tpu.vector_load %arg13[%swap3A_1119, %swap3A_1120] {strides = array<i32>} : memref<80x128xf32, #tpu.memory_space<vmem>>, vector<16xf32>,
        tpu.vector_store %arg13[%swap3A_1119, %swap3A_1120], %mul3A_1118 {strides = array<i32>} : memref<80x128xf32, #tpu.memory_space<vmem>>, vector<16xf32>,
        %mul3A_1122 = arith.constant 16 : i32
        %mul3A_1123 = arith.muli %add3A_72, %mul3A_1122 : i32
        %add3A_1124 = arith.constant 14 : i32
        %add3A_1125 = arith.addi %mul3A_1123, %add3A_1124 : i32
        %slice3A_1126 = vector.extract_strided_slice %exp3A {offsets = [14], sizes = [1], strides = [1]} : vector<16xf32> to vector<1xf32>
        %squeeze3A_1127 = vector.extract %slice3A_1126[0] : f32 from vector<1xf32>
        %get3A_1128 = arith.index_cast %add3A_1125 : i32 to index
        %get3A_1129 = arith.constant 0 : index
        %get3A_1130 = tpu.vector_load %arg13[%get3A_1128, %get3A_1129] {strides = array<i32>} : memref<80x128xf32, #tpu.memory_space<vmem>>, vector<16xf32>,
        %mul3A_1131 = vector.broadcast %squeeze3A_1127 : f32 to vector<16xf32>
        %mul3A_1132 = arith.mulf %get3A_1130, %mul3A_1131 : vector<16xf32>
        %swap3A_1133 = arith.index_cast %add3A_1125 : i32 to index
        %swap3A_1134 = arith.constant 0 : index
        %swap3A_1135 = tpu.vector_load %arg13[%swap3A_1133, %swap3A_1134] {strides = array<i32>} : memref<80x128xf32, #tpu.memory_space<vmem>>, vector<16xf32>,
        tpu.vector_store %arg13[%swap3A_1133, %swap3A_1134], %mul3A_1132 {strides = array<i32>} : memref<80x128xf32, #tpu.memory_space<vmem>>, vector<16xf32>,
        %get3A_1136 = arith.index_cast %add3A_1125 : i32 to index
        %get3A_1137 = arith.constant 16 : index
        %get3A_1138 = tpu.vector_load %arg13[%get3A_1136, %get3A_1137] {strides = array<i32>} : memref<80x128xf32, #tpu.memory_space<vmem>>, vector<16xf32>,
        %mul3A_1139 = vector.broadcast %squeeze3A_1127 : f32 to vector<16xf32>
        %mul3A_1140 = arith.mulf %get3A_1138, %mul3A_1139 : vector<16xf32>
        %swap3A_1141 = arith.index_cast %add3A_1125 : i32 to index
        %swap3A_1142 = arith.constant 16 : index
        %swap3A_1143 = tpu.vector_load %arg13[%swap3A_1141, %swap3A_1142] {strides = array<i32>} : memref<80x128xf32, #tpu.memory_space<vmem>>, vector<16xf32>,
        tpu.vector_store %arg13[%swap3A_1141, %swap3A_1142], %mul3A_1140 {strides = array<i32>} : memref<80x128xf32, #tpu.memory_space<vmem>>, vector<16xf32>,
        %get3A_1144 = arith.index_cast %add3A_1125 : i32 to index
        %get3A_1145 = arith.constant 32 : index
        %get3A_1146 = tpu.vector_load %arg13[%get3A_1144, %get3A_1145] {strides = array<i32>} : memref<80x128xf32, #tpu.memory_space<vmem>>, vector<16xf32>,
        %mul3A_1147 = vector.broadcast %squeeze3A_1127 : f32 to vector<16xf32>
        %mul3A_1148 = arith.mulf %get3A_1146, %mul3A_1147 : vector<16xf32>
        %swap3A_1149 = arith.index_cast %add3A_1125 : i32 to index
        %swap3A_1150 = arith.constant 32 : index
        %swap3A_1151 = tpu.vector_load %arg13[%swap3A_1149, %swap3A_1150] {strides = array<i32>} : memref<80x128xf32, #tpu.memory_space<vmem>>, vector<16xf32>,
        tpu.vector_store %arg13[%swap3A_1149, %swap3A_1150], %mul3A_1148 {strides = array<i32>} : memref<80x128xf32, #tpu.memory_space<vmem>>, vector<16xf32>,
        %get3A_1152 = arith.index_cast %add3A_1125 : i32 to index
        %get3A_1153 = arith.constant 48 : index
        %get3A_1154 = tpu.vector_load %arg13[%get3A_1152, %get3A_1153] {strides = array<i32>} : memref<80x128xf32, #tpu.memory_space<vmem>>, vector<16xf32>,
        %mul3A_1155 = vector.broadcast %squeeze3A_1127 : f32 to vector<16xf32>
        %mul3A_1156 = arith.mulf %get3A_1154, %mul3A_1155 : vector<16xf32>
        %swap3A_1157 = arith.index_cast %add3A_1125 : i32 to index
        %swap3A_1158 = arith.constant 48 : index
        %swap3A_1159 = tpu.vector_load %arg13[%swap3A_1157, %swap3A_1158] {strides = array<i32>} : memref<80x128xf32, #tpu.memory_space<vmem>>, vector<16xf32>,
        tpu.vector_store %arg13[%swap3A_1157, %swap3A_1158], %mul3A_1156 {strides = array<i32>} : memref<80x128xf32, #tpu.memory_space<vmem>>, vector<16xf32>,
        %get3A_1160 = arith.index_cast %add3A_1125 : i32 to index
        %get3A_1161 = arith.constant 64 : index
        %get3A_1162 = tpu.vector_load %arg13[%get3A_1160, %get3A_1161] {strides = array<i32>} : memref<80x128xf32, #tpu.memory_space<vmem>>, vector<16xf32>,
        %mul3A_1163 = vector.broadcast %squeeze3A_1127 : f32 to vector<16xf32>
        %mul3A_1164 = arith.mulf %get3A_1162, %mul3A_1163 : vector<16xf32>
        %swap3A_1165 = arith.index_cast %add3A_1125 : i32 to index
        %swap3A_1166 = arith.constant 64 : index
        %swap3A_1167 = tpu.vector_load %arg13[%swap3A_1165, %swap3A_1166] {strides = array<i32>} : memref<80x128xf32, #tpu.memory_space<vmem>>, vector<16xf32>,
        tpu.vector_store %arg13[%swap3A_1165, %swap3A_1166], %mul3A_1164 {strides = array<i32>} : memref<80x128xf32, #tpu.memory_space<vmem>>, vector<16xf32>,
        %get3A_1168 = arith.index_cast %add3A_1125 : i32 to index
        %get3A_1169 = arith.constant 80 : index
        %get3A_1170 = tpu.vector_load %arg13[%get3A_1168, %get3A_1169] {strides = array<i32>} : memref<80x128xf32, #tpu.memory_space<vmem>>, vector<16xf32>,
        %mul3A_1171 = vector.broadcast %squeeze3A_1127 : f32 to vector<16xf32>
        %mul3A_1172 = arith.mulf %get3A_1170, %mul3A_1171 : vector<16xf32>
        %swap3A_1173 = arith.index_cast %add3A_1125 : i32 to index
        %swap3A_1174 = arith.constant 80 : index
        %swap3A_1175 = tpu.vector_load %arg13[%swap3A_1173, %swap3A_1174] {strides = array<i32>} : memref<80x128xf32, #tpu.memory_space<vmem>>, vector<16xf32>,
        tpu.vector_store %arg13[%swap3A_1173, %swap3A_1174], %mul3A_1172 {strides = array<i32>} : memref<80x128xf32, #tpu.memory_space<vmem>>, vector<16xf32>,
        %get3A_1176 = arith.index_cast %add3A_1125 : i32 to index
        %get3A_1177 = arith.constant 96 : index
        %get3A_1178 = tpu.vector_load %arg13[%get3A_1176, %get3A_1177] {strides = array<i32>} : memref<80x128xf32, #tpu.memory_space<vmem>>, vector<16xf32>,
        %mul3A_1179 = vector.broadcast %squeeze3A_1127 : f32 to vector<16xf32>
        %mul3A_1180 = arith.mulf %get3A_1178, %mul3A_1179 : vector<16xf32>
        %swap3A_1181 = arith.index_cast %add3A_1125 : i32 to index
        %swap3A_1182 = arith.constant 96 : index
        %swap3A_1183 = tpu.vector_load %arg13[%swap3A_1181, %swap3A_1182] {strides = array<i32>} : memref<80x128xf32, #tpu.memory_space<vmem>>, vector<16xf32>,
        tpu.vector_store %arg13[%swap3A_1181, %swap3A_1182], %mul3A_1180 {strides = array<i32>} : memref<80x128xf32, #tpu.memory_space<vmem>>, vector<16xf32>,
        %get3A_1184 = arith.index_cast %add3A_1125 : i32 to index
        %get3A_1185 = arith.constant 112 : index
        %get3A_1186 = tpu.vector_load %arg13[%get3A_1184, %get3A_1185] {strides = array<i32>} : memref<80x128xf32, #tpu.memory_space<vmem>>, vector<16xf32>,
        %mul3A_1187 = vector.broadcast %squeeze3A_1127 : f32 to vector<16xf32>
        %mul3A_1188 = arith.mulf %get3A_1186, %mul3A_1187 : vector<16xf32>
        %swap3A_1189 = arith.index_cast %add3A_1125 : i32 to index
        %swap3A_1190 = arith.constant 112 : index
        %swap3A_1191 = tpu.vector_load %arg13[%swap3A_1189, %swap3A_1190] {strides = array<i32>} : memref<80x128xf32, #tpu.memory_space<vmem>>, vector<16xf32>,
        tpu.vector_store %arg13[%swap3A_1189, %swap3A_1190], %mul3A_1188 {strides = array<i32>} : memref<80x128xf32, #tpu.memory_space<vmem>>, vector<16xf32>,
        %mul3A_1192 = arith.constant 16 : i32
        %mul3A_1193 = arith.muli %add3A_72, %mul3A_1192 : i32
        %add3A_1194 = arith.constant 15 : i32
        %add3A_1195 = arith.addi %mul3A_1193, %add3A_1194 : i32
        %slice3A_1196 = vector.extract_strided_slice %exp3A {offsets = [15], sizes = [1], strides = [1]} : vector<16xf32> to vector<1xf32>
        %squeeze3A_1197 = vector.extract %slice3A_1196[0] : f32 from vector<1xf32>
        %get3A_1198 = arith.index_cast %add3A_1195 : i32 to index
        %get3A_1199 = arith.constant 0 : index
        %get3A_1200 = tpu.vector_load %arg13[%get3A_1198, %get3A_1199] {strides = array<i32>} : memref<80x128xf32, #tpu.memory_space<vmem>>, vector<16xf32>,
        %mul3A_1201 = vector.broadcast %squeeze3A_1197 : f32 to vector<16xf32>
        %mul3A_1202 = arith.mulf %get3A_1200, %mul3A_1201 : vector<16xf32>
        %swap3A_1203 = arith.index_cast %add3A_1195 : i32 to index
        %swap3A_1204 = arith.constant 0 : index
        %swap3A_1205 = tpu.vector_load %arg13[%swap3A_1203, %swap3A_1204] {strides = array<i32>} : memref<80x128xf32, #tpu.memory_space<vmem>>, vector<16xf32>,
        tpu.vector_store %arg13[%swap3A_1203, %swap3A_1204], %mul3A_1202 {strides = array<i32>} : memref<80x128xf32, #tpu.memory_space<vmem>>, vector<16xf32>,
        %get3A_1206 = arith.index_cast %add3A_1195 : i32 to index
        %get3A_1207 = arith.constant 16 : index
        %get3A_1208 = tpu.vector_load %arg13[%get3A_1206, %get3A_1207] {strides = array<i32>} : memref<80x128xf32, #tpu.memory_space<vmem>>, vector<16xf32>,
        %mul3A_1209 = vector.broadcast %squeeze3A_1197 : f32 to vector<16xf32>
        %mul3A_1210 = arith.mulf %get3A_1208, %mul3A_1209 : vector<16xf32>
        %swap3A_1211 = arith.index_cast %add3A_1195 : i32 to index
        %swap3A_1212 = arith.constant 16 : index
        %swap3A_1213 = tpu.vector_load %arg13[%swap3A_1211, %swap3A_1212] {strides = array<i32>} : memref<80x128xf32, #tpu.memory_space<vmem>>, vector<16xf32>,
        tpu.vector_store %arg13[%swap3A_1211, %swap3A_1212], %mul3A_1210 {strides = array<i32>} : memref<80x128xf32, #tpu.memory_space<vmem>>, vector<16xf32>,
        %get3A_1214 = arith.index_cast %add3A_1195 : i32 to index
        %get3A_1215 = arith.constant 32 : index
        %get3A_1216 = tpu.vector_load %arg13[%get3A_1214, %get3A_1215] {strides = array<i32>} : memref<80x128xf32, #tpu.memory_space<vmem>>, vector<16xf32>,
        %mul3A_1217 = vector.broadcast %squeeze3A_1197 : f32 to vector<16xf32>
        %mul3A_1218 = arith.mulf %get3A_1216, %mul3A_1217 : vector<16xf32>
        %swap3A_1219 = arith.index_cast %add3A_1195 : i32 to index
        %swap3A_1220 = arith.constant 32 : index
        %swap3A_1221 = tpu.vector_load %arg13[%swap3A_1219, %swap3A_1220] {strides = array<i32>} : memref<80x128xf32, #tpu.memory_space<vmem>>, vector<16xf32>,
        tpu.vector_store %arg13[%swap3A_1219, %swap3A_1220], %mul3A_1218 {strides = array<i32>} : memref<80x128xf32, #tpu.memory_space<vmem>>, vector<16xf32>,
        %get3A_1222 = arith.index_cast %add3A_1195 : i32 to index
        %get3A_1223 = arith.constant 48 : index
        %get3A_1224 = tpu.vector_load %arg13[%get3A_1222, %get3A_1223] {strides = array<i32>} : memref<80x128xf32, #tpu.memory_space<vmem>>, vector<16xf32>,
        %mul3A_1225 = vector.broadcast %squeeze3A_1197 : f32 to vector<16xf32>
        %mul3A_1226 = arith.mulf %get3A_1224, %mul3A_1225 : vector<16xf32>
        %swap3A_1227 = arith.index_cast %add3A_1195 : i32 to index
        %swap3A_1228 = arith.constant 48 : index
        %swap3A_1229 = tpu.vector_load %arg13[%swap3A_1227, %swap3A_1228] {strides = array<i32>} : memref<80x128xf32, #tpu.memory_space<vmem>>, vector<16xf32>,
        tpu.vector_store %arg13[%swap3A_1227, %swap3A_1228], %mul3A_1226 {strides = array<i32>} : memref<80x128xf32, #tpu.memory_space<vmem>>, vector<16xf32>,
        %get3A_1230 = arith.index_cast %add3A_1195 : i32 to index
        %get3A_1231 = arith.constant 64 : index
        %get3A_1232 = tpu.vector_load %arg13[%get3A_1230, %get3A_1231] {strides = array<i32>} : memref<80x128xf32, #tpu.memory_space<vmem>>, vector<16xf32>,
        %mul3A_1233 = vector.broadcast %squeeze3A_1197 : f32 to vector<16xf32>
        %mul3A_1234 = arith.mulf %get3A_1232, %mul3A_1233 : vector<16xf32>
        %swap3A_1235 = arith.index_cast %add3A_1195 : i32 to index
        %swap3A_1236 = arith.constant 64 : index
        %swap3A_1237 = tpu.vector_load %arg13[%swap3A_1235, %swap3A_1236] {strides = array<i32>} : memref<80x128xf32, #tpu.memory_space<vmem>>, vector<16xf32>,
        tpu.vector_store %arg13[%swap3A_1235, %swap3A_1236], %mul3A_1234 {strides = array<i32>} : memref<80x128xf32, #tpu.memory_space<vmem>>, vector<16xf32>,
        %get3A_1238 = arith.index_cast %add3A_1195 : i32 to index
        %get3A_1239 = arith.constant 80 : index
        %get3A_1240 = tpu.vector_load %arg13[%get3A_1238, %get3A_1239] {strides = array<i32>} : memref<80x128xf32, #tpu.memory_space<vmem>>, vector<16xf32>,
        %mul3A_1241 = vector.broadcast %squeeze3A_1197 : f32 to vector<16xf32>
        %mul3A_1242 = arith.mulf %get3A_1240, %mul3A_1241 : vector<16xf32>
        %swap3A_1243 = arith.index_cast %add3A_1195 : i32 to index
        %swap3A_1244 = arith.constant 80 : index
        %swap3A_1245 = tpu.vector_load %arg13[%swap3A_1243, %swap3A_1244] {strides = array<i32>} : memref<80x128xf32, #tpu.memory_space<vmem>>, vector<16xf32>,
        tpu.vector_store %arg13[%swap3A_1243, %swap3A_1244], %mul3A_1242 {strides = array<i32>} : memref<80x128xf32, #tpu.memory_space<vmem>>, vector<16xf32>,
        %get3A_1246 = arith.index_cast %add3A_1195 : i32 to index
        %get3A_1247 = arith.constant 96 : index
        %get3A_1248 = tpu.vector_load %arg13[%get3A_1246, %get3A_1247] {strides = array<i32>} : memref<80x128xf32, #tpu.memory_space<vmem>>, vector<16xf32>,
        %mul3A_1249 = vector.broadcast %squeeze3A_1197 : f32 to vector<16xf32>
        %mul3A_1250 = arith.mulf %get3A_1248, %mul3A_1249 : vector<16xf32>
        %swap3A_1251 = arith.index_cast %add3A_1195 : i32 to index
        %swap3A_1252 = arith.constant 96 : index
        %swap3A_1253 = tpu.vector_load %arg13[%swap3A_1251, %swap3A_1252] {strides = array<i32>} : memref<80x128xf32, #tpu.memory_space<vmem>>, vector<16xf32>,
        tpu.vector_store %arg13[%swap3A_1251, %swap3A_1252], %mul3A_1250 {strides = array<i32>} : memref<80x128xf32, #tpu.memory_space<vmem>>, vector<16xf32>,
        %get3A_1254 = arith.index_cast %add3A_1195 : i32 to index
        %get3A_1255 = arith.constant 112 : index
        %get3A_1256 = tpu.vector_load %arg13[%get3A_1254, %get3A_1255] {strides = array<i32>} : memref<80x128xf32, #tpu.memory_space<vmem>>, vector<16xf32>,
        %mul3A_1257 = vector.broadcast %squeeze3A_1197 : f32 to vector<16xf32>
        %mul3A_1258 = arith.mulf %get3A_1256, %mul3A_1257 : vector<16xf32>
        %swap3A_1259 = arith.index_cast %add3A_1195 : i32 to index
        %swap3A_1260 = arith.constant 112 : index
        %swap3A_1261 = tpu.vector_load %arg13[%swap3A_1259, %swap3A_1260] {strides = array<i32>} : memref<80x128xf32, #tpu.memory_space<vmem>>, vector<16xf32>,
        tpu.vector_store %arg13[%swap3A_1259, %swap3A_1260], %mul3A_1258 {strides = array<i32>} : memref<80x128xf32, #tpu.memory_space<vmem>>, vector<16xf32>,
      }
      %scan3A_67 = arith.constant 5 : i32
      "tpu.region"() ({
        %run_scoped3A = tpu.sem_alloc : memref<!tpu.dma_semaphore, #tpu.memory_space<semaphore_mem>>
        %dma_start3A_68 = arith.constant 0 : i32
        %dma_start3A_69 = arith.constant 0 : i32
        %dma_start3A_70 = tpu.memref_slice %arg15[%dma_start3A_68, %dma_start3A_69] : memref<10000x128xf32, #tpu.memory_space<vmem_shared>> -> memref<10000x128xf32, #tpu.memory_space<vmem_shared>>
        tpu.enqueue_indirect_dma source(%arg13 : memref<80x128xf32, #tpu.memory_space<vmem>>) target(%dma_start3A_70 : memref<10000x128xf32, #tpu.memory_space<vmem_shared>>) offsets(%arg10 : memref<80xi32, #tpu.memory_space<vmem>>) semaphore(%run_scoped3A : memref<!tpu.dma_semaphore, #tpu.memory_space<semaphore_mem>>) {add = true}
        %dma_wait3A_71 = arith.constant 0 : i32
        %dma_wait3A_72 = arith.constant 0 : i32
        %dma_wait3A_73 = tpu.memref_slice %arg15[%dma_wait3A_71, %dma_wait3A_72] : memref<10000x128xf32, #tpu.memory_space<vmem_shared>> -> memref<10000x128xf32, #tpu.memory_space<vmem_shared>>
        tpu.wait_indirect_dma semaphore(%run_scoped3A : memref<!tpu.dma_semaphore, #tpu.memory_space<semaphore_mem>>) src(%arg13 : memref<80x128xf32, #tpu.memory_space<vmem>>) dst(%dma_wait3A_73 : memref<10000x128xf32, #tpu.memory_space<vmem_shared>>)
        tpu.yield
      }) : () -> ()
    }
    %scan3A_22 = arith.constant 125 : i32
    %barrier3A_23 = arith.constant 0 : index
    tpu.barrier barrier_id(%barrier3A_23)
    %eq3A_24 = arith.constant 0 : i32
    %eq3A_25 = arith.cmpi eq, %arg1, %eq3A_24 : i32
    %convert_element_type3A_26 = arith.extui %eq3A_25 : i1 to i32
    %cond3A_27 = arith.constant 0 : i32
    %cond3A_28 = arith.cmpi ne, %convert_element_type3A_26, %cond3A_27 : i32
    scf.if %cond3A_28 {
      %mul3A_31 = arith.constant 10000 : i32
      %mul3A_32 = arith.muli %arg0, %mul3A_31 : i32
      %multiple_of3A_33 = tpu.assume_multiple %mul3A_32, 16 : i32
      "tpu.region"() ({
        %run_scoped3A = tpu.sem_alloc : memref<!tpu.dma_semaphore, #tpu.memory_space<semaphore_mem>>
        %dma_start3A = arith.constant 0 : i32
        %dma_start3A_34 = tpu.memref_slice %arg7[%multiple_of3A_33, %dma_start3A] : memref<20000x128xf32, #tpu.memory_space<hbm>> -> memref<10000x128xf32, #tpu.memory_space<hbm>>
        tpu.enqueue_dma source(%arg15 : memref<10000x128xf32, #tpu.memory_space<vmem_shared>>) target(%dma_start3A_34 : memref<10000x128xf32, #tpu.memory_space<hbm>>) target_semaphore(%run_scoped3A : memref<!tpu.dma_semaphore, #tpu.memory_space<semaphore_mem>>)
        %dma_wait3A = arith.constant 0 : i32
        %dma_wait3A_35 = tpu.memref_slice %arg7[%multiple_of3A_33, %dma_wait3A] : memref<20000x128xf32, #tpu.memory_space<hbm>> -> memref<10000x128xf32, #tpu.memory_space<hbm>>
        tpu.wait_dma2 semaphore(%run_scoped3A : memref<!tpu.dma_semaphore, #tpu.memory_space<semaphore_mem>>) src(%arg15 : memref<10000x128xf32, #tpu.memory_space<vmem_shared>>) dst(%dma_wait3A_35 : memref<10000x128xf32, #tpu.memory_space<hbm>>)
        tpu.yield
      }) : () -> ()
    } else {
    }
    %mul3A_29 = arith.constant 10000 : i32
    %mul3A_30 = arith.muli %add3A, %mul3A_29 : i32
    %multiple_of3A = tpu.assume_multiple %mul3A_30, 16 : i32
    "tpu.region"() ({
      %run_scoped3A = tpu.sem_alloc : memref<!tpu.dma_semaphore, #tpu.memory_space<semaphore_mem>>
      %dma_start3A = tpu.memref_slice %arg8[%multiple_of3A] : memref<320000xf32, #tpu.memory_space<hbm>> -> memref<10000xf32, #tpu.memory_space<hbm>>
      %dma_start3A_31 = tpu.memref_slice %arg8[%multiple_of3A] : memref<320000xf32, #tpu.memory_space<hbm>> -> memref<10000xf32, #tpu.memory_space<hbm>>
      tpu.enqueue_dma source(%arg14 : memref<10000xf32, #tpu.memory_space<vmem>>) target(%dma_start3A_31 : memref<10000xf32, #tpu.memory_space<hbm>>) target_semaphore(%run_scoped3A : memref<!tpu.dma_semaphore, #tpu.memory_space<semaphore_mem>>)
      %dma_wait3A = tpu.memref_slice %arg8[%multiple_of3A] : memref<320000xf32, #tpu.memory_space<hbm>> -> memref<10000xf32, #tpu.memory_space<hbm>>
      %dma_wait3A_32 = tpu.memref_slice %arg8[%multiple_of3A] : memref<320000xf32, #tpu.memory_space<hbm>> -> memref<10000xf32, #tpu.memory_space<hbm>>
      tpu.wait_dma2 semaphore(%run_scoped3A : memref<!tpu.dma_semaphore, #tpu.memory_space<semaphore_mem>>) src(%arg14 : memref<10000xf32, #tpu.memory_space<vmem>>) dst(%dma_wait3A_32 : memref<10000xf32, #tpu.memory_space<hbm>>)
      tpu.yield
    }) : () -> ()
    return
  }
}

module attributes {stable_mosaic.version = 14 : i64} {
  func.func @_qkvs_body(%arg0: i32, %arg1: memref<1000x128xf32, #tpu.memory_space<vmem>>, %arg2: memref<128x512xf32, #tpu.memory_space<vmem>>, %arg3: memref<1x512xf32, #tpu.memory_space<vmem>>, %arg4: memref<1000x128xf32, #tpu.memory_space<vmem>>, %arg5: memref<1000x128xf32, #tpu.memory_space<vmem>>, %arg6: memref<1000x128xf32, #tpu.memory_space<vmem>>, %arg7: memref<1000x128xf32, #tpu.memory_space<vmem>>) attributes {dimension_semantics = [#tpu.dimension_semantics<arbitrary>], iteration_bounds = array<i64: 10>, scalar_prefetch = 0 : i64, scratch_operands = 0 : i64, tpu.core_type = #tpu.core_type<tc>, window_params = [{transform_indices = @transform_0, window_bounds = array<i64: 1000, 128>}, {pipeline_mode = #tpu.pipeline_mode<synchronous>, transform_indices = @transform_1, window_bounds = array<i64: 128, 512>}, {pipeline_mode = #tpu.pipeline_mode<synchronous>, transform_indices = @transform_2, window_bounds = array<i64: 1, 512>}, {transform_indices = @transform_3, window_bounds = array<i64: 1000, 128>}, {transform_indices = @transform_4, window_bounds = array<i64: 1000, 128>}, {transform_indices = @transform_5, window_bounds = array<i64: 1000, 128>}, {transform_indices = @transform_6, window_bounds = array<i64: 1000, 128>}]} {
    %get3A = arith.constant 0 : index
    %get3A_0 = arith.constant 0 : index
    %get3A_1 = vector.load %arg1[%get3A, %get3A_0] : memref<1000x128xf32, #tpu.memory_space<vmem>>, vector<1000x128xf32>
    %get3A_2 = arith.constant 0 : index
    %get3A_3 = arith.constant 0 : index
    %get3A_4 = vector.load %arg2[%get3A_2, %get3A_3] : memref<128x512xf32, #tpu.memory_space<vmem>>, vector<128x512xf32>
    %dot_general3A = arith.constant dense<0.000000e+00> : vector<1000x512xf32>
    %dot_general3A_5 = tpu.matmul %get3A_1, %get3A_4, %dot_general3A {dimension_numbers = #tpu.dot_dimension_numbers<[1], [0], [0], [1], [0, 0, 1, 1], [], []>, transpose_lhs_hint = false} : vector<1000x128xf32>, vector<128x512xf32>, vector<1000x512xf32> -> vector<1000x512xf32>
    %get3A_6 = arith.constant 0 : index
    %get3A_7 = arith.constant 0 : index
    %get3A_8 = vector.load %arg3[%get3A_6, %get3A_7] : memref<1x512xf32, #tpu.memory_space<vmem>>, vector<1x512xf32>
    %add3A = vector.broadcast %get3A_8 : vector<1x512xf32> to vector<1000x512xf32>
    %add3A_9 = arith.addf %dot_general3A_5, %add3A : vector<1000x512xf32>
    %slice3A = vector.extract_strided_slice %add3A_9 {offsets = [0, 0], sizes = [1000, 128], strides = [1, 1]} : vector<1000x512xf32> to vector<1000x128xf32>
    %swap3A = arith.constant 0 : index
    %swap3A_10 = arith.constant 0 : index
    %swap3A_11 = vector.load %arg4[%swap3A, %swap3A_10] : memref<1000x128xf32, #tpu.memory_space<vmem>>, vector<1000x128xf32>
    tpu.vector_store %arg4[%swap3A, %swap3A_10], %slice3A {strides = array<i32>} : memref<1000x128xf32, #tpu.memory_space<vmem>>, vector<1000x128xf32>,
    %slice3A_12 = vector.extract_strided_slice %add3A_9 {offsets = [0, 128], sizes = [1000, 128], strides = [1, 1]} : vector<1000x512xf32> to vector<1000x128xf32>
    %swap3A_13 = arith.constant 0 : index
    %swap3A_14 = arith.constant 0 : index
    %swap3A_15 = vector.load %arg5[%swap3A_13, %swap3A_14] : memref<1000x128xf32, #tpu.memory_space<vmem>>, vector<1000x128xf32>
    tpu.vector_store %arg5[%swap3A_13, %swap3A_14], %slice3A_12 {strides = array<i32>} : memref<1000x128xf32, #tpu.memory_space<vmem>>, vector<1000x128xf32>,
    %slice3A_16 = vector.extract_strided_slice %add3A_9 {offsets = [0, 256], sizes = [1000, 128], strides = [1, 1]} : vector<1000x512xf32> to vector<1000x128xf32>
    %swap3A_17 = arith.constant 0 : index
    %swap3A_18 = arith.constant 0 : index
    %swap3A_19 = vector.load %arg6[%swap3A_17, %swap3A_18] : memref<1000x128xf32, #tpu.memory_space<vmem>>, vector<1000x128xf32>
    tpu.vector_store %arg6[%swap3A_17, %swap3A_18], %slice3A_16 {strides = array<i32>} : memref<1000x128xf32, #tpu.memory_space<vmem>>, vector<1000x128xf32>,
    %slice3A_20 = vector.extract_strided_slice %add3A_9 {offsets = [0, 384], sizes = [1000, 128], strides = [1, 1]} : vector<1000x512xf32> to vector<1000x128xf32>
    %swap3A_21 = arith.constant 0 : index
    %swap3A_22 = arith.constant 0 : index
    %swap3A_23 = vector.load %arg7[%swap3A_21, %swap3A_22] : memref<1000x128xf32, #tpu.memory_space<vmem>>, vector<1000x128xf32>
    tpu.vector_store %arg7[%swap3A_21, %swap3A_22], %slice3A_20 {strides = array<i32>} : memref<1000x128xf32, #tpu.memory_space<vmem>>, vector<1000x128xf32>,
    return
  }
  func.func @transform_0(%arg0: i32) -> (i32, i32) {
    %c0_i32 = arith.constant 0 : i32
    %c0_i32_0 = arith.constant 0 : i32
    return %arg0, %c0_i32 : i32, i32
  }
  func.func @transform_1(%arg0: i32) -> (i32, i32) {
    %c0_i32 = arith.constant 0 : i32
    %c0_i32_0 = arith.constant 0 : i32
    %c0_i32_1 = arith.constant 0 : i32
    return %c0_i32, %c0_i32_0 : i32, i32
  }
  func.func @transform_2(%arg0: i32) -> (i32, i32) {
    %c0_i32 = arith.constant 0 : i32
    %c0_i32_0 = arith.constant 0 : i32
    %c0_i32_1 = arith.constant 0 : i32
    return %c0_i32, %c0_i32_0 : i32, i32
  }
  func.func @transform_3(%arg0: i32) -> (i32, i32) {
    %c0_i32 = arith.constant 0 : i32
    %c0_i32_0 = arith.constant 0 : i32
    return %arg0, %c0_i32 : i32, i32
  }
  func.func @transform_4(%arg0: i32) -> (i32, i32) {
    %c0_i32 = arith.constant 0 : i32
    %c0_i32_0 = arith.constant 0 : i32
    return %arg0, %c0_i32 : i32, i32
  }
  func.func @transform_5(%arg0: i32) -> (i32, i32) {
    %c0_i32 = arith.constant 0 : i32
    %c0_i32_0 = arith.constant 0 : i32
    return %arg0, %c0_i32 : i32, i32
  }
  func.func @transform_6(%arg0: i32) -> (i32, i32) {
    %c0_i32 = arith.constant 0 : i32
    %c0_i32_0 = arith.constant 0 : i32
    return %arg0, %c0_i32 : i32, i32
  }
}

module attributes {stable_mosaic.version = 14 : i64} {
  func.func @_mid_body(%arg0: i32, %arg1: memref<2x1000x128xf32, #tpu.memory_space<vmem>>, %arg2: memref<1x32x1000xf32, #tpu.memory_space<vmem>>, %arg3: memref<1000x128xf32, #tpu.memory_space<vmem>>, %arg4: memref<128x512xf32, #tpu.memory_space<vmem>>, %arg5: memref<1x512xf32, #tpu.memory_space<vmem>>, %arg6: memref<1000x128xf32, #tpu.memory_space<vmem>>, %arg7: memref<1000x128xf32, #tpu.memory_space<vmem>>, %arg8: memref<1000x128xf32, #tpu.memory_space<vmem>>, %arg9: memref<1000x128xf32, #tpu.memory_space<vmem>>) attributes {dimension_semantics = [#tpu.dimension_semantics<arbitrary>], iteration_bounds = array<i64: 10>, scalar_prefetch = 0 : i64, scratch_operands = 0 : i64, tpu.core_type = #tpu.core_type<tc>, window_params = [{transform_indices = @transform_0, window_bounds = array<i64: 2, 1000, 128>}, {transform_indices = @transform_1, window_bounds = array<i64: 1, 32, 1000>}, {transform_indices = @transform_2, window_bounds = array<i64: 1000, 128>}, {pipeline_mode = #tpu.pipeline_mode<synchronous>, transform_indices = @transform_3, window_bounds = array<i64: 128, 512>}, {pipeline_mode = #tpu.pipeline_mode<synchronous>, transform_indices = @transform_4, window_bounds = array<i64: 1, 512>}, {transform_indices = @transform_5, window_bounds = array<i64: 1000, 128>}, {transform_indices = @transform_6, window_bounds = array<i64: 1000, 128>}, {transform_indices = @transform_7, window_bounds = array<i64: 1000, 128>}, {transform_indices = @transform_8, window_bounds = array<i64: 1000, 128>}]} {
    %get3A = arith.constant 0 : index
    %get3A_0 = arith.constant 0 : index
    %get3A_1 = arith.constant 0 : index
    %get3A_2 = vector.load %arg2[%get3A, %get3A_0, %get3A_1] : memref<1x32x1000xf32, #tpu.memory_space<vmem>>, vector<1x32x1000xf32>
    %get3A_3 = vector.shape_cast %get3A_2 : vector<1x32x1000xf32> to vector<32x1000xf32>
    %reduce_sum3A = arith.constant dense<0.000000e+00> : vector<1000xf32>
    %reduce_sum3A_4 = vector.multi_reduction <add>, %get3A_3, %reduce_sum3A [0] : vector<32x1000xf32> to vector<1000xf32>
    %get3A_5 = arith.constant 0 : index
    %get3A_6 = arith.constant 0 : index
    %get3A_7 = arith.constant 0 : index
    %get3A_8 = vector.load %arg1[%get3A_5, %get3A_6, %get3A_7] : memref<2x1000x128xf32, #tpu.memory_space<vmem>>, vector<1x1000x128xf32>
    %get3A_9 = vector.shape_cast %get3A_8 : vector<1x1000x128xf32> to vector<1000x128xf32>
    %get3A_10 = arith.constant 1 : index
    %get3A_11 = arith.constant 0 : index
    %get3A_12 = arith.constant 0 : index
    %get3A_13 = vector.load %arg1[%get3A_10, %get3A_11, %get3A_12] : memref<2x1000x128xf32, #tpu.memory_space<vmem>>, vector<1x1000x128xf32>
    %get3A_14 = vector.shape_cast %get3A_13 : vector<1x1000x128xf32> to vector<1000x128xf32>
    %add3A = arith.addf %get3A_9, %get3A_14 : vector<1000x128xf32>
    %broadcast_in_dim3A = vector.shape_cast %reduce_sum3A_4 : vector<1000xf32> to vector<1000x1xf32>
    %add3A_15 = arith.constant 1.000000e-16 : f32
    %add3A_16 = vector.broadcast %add3A_15 : f32 to vector<1000x1xf32>
    %add3A_17 = arith.addf %broadcast_in_dim3A, %add3A_16 : vector<1000x1xf32>
    %div3A = vector.broadcast %add3A_17 : vector<1000x1xf32> to vector<1000x128xf32>
    %div3A_18 = arith.divf %add3A, %div3A : vector<1000x128xf32>
    %get3A_19 = arith.constant 0 : index
    %get3A_20 = arith.constant 0 : index
    %get3A_21 = vector.load %arg3[%get3A_19, %get3A_20] : memref<1000x128xf32, #tpu.memory_space<vmem>>, vector<1000x128xf32>
    %add3A_22 = arith.addf %div3A_18, %get3A_21 : vector<1000x128xf32>
    %max3A = arith.constant 0.000000e+00 : f32
    %max3A_23 = vector.broadcast %max3A : f32 to vector<1000x128xf32>
    %max3A_24 = arith.maximumf %add3A_22, %max3A_23 : vector<1000x128xf32>
    %get3A_25 = arith.constant 0 : index
    %get3A_26 = arith.constant 0 : index
    %get3A_27 = vector.load %arg4[%get3A_25, %get3A_26] : memref<128x512xf32, #tpu.memory_space<vmem>>, vector<128x512xf32>
    %dot_general3A = arith.constant dense<0.000000e+00> : vector<1000x512xf32>
    %dot_general3A_28 = tpu.matmul %max3A_24, %get3A_27, %dot_general3A {dimension_numbers = #tpu.dot_dimension_numbers<[1], [0], [0], [1], [0, 0, 1, 1], [], []>, transpose_lhs_hint = false} : vector<1000x128xf32>, vector<128x512xf32>, vector<1000x512xf32> -> vector<1000x512xf32>
    %get3A_29 = arith.constant 0 : index
    %get3A_30 = arith.constant 0 : index
    %get3A_31 = vector.load %arg5[%get3A_29, %get3A_30] : memref<1x512xf32, #tpu.memory_space<vmem>>, vector<1x512xf32>
    %add3A_32 = vector.broadcast %get3A_31 : vector<1x512xf32> to vector<1000x512xf32>
    %add3A_33 = arith.addf %dot_general3A_28, %add3A_32 : vector<1000x512xf32>
    %slice3A = vector.extract_strided_slice %add3A_33 {offsets = [0, 0], sizes = [1000, 128], strides = [1, 1]} : vector<1000x512xf32> to vector<1000x128xf32>
    %swap3A = arith.constant 0 : index
    %swap3A_34 = arith.constant 0 : index
    %swap3A_35 = vector.load %arg6[%swap3A, %swap3A_34] : memref<1000x128xf32, #tpu.memory_space<vmem>>, vector<1000x128xf32>
    tpu.vector_store %arg6[%swap3A, %swap3A_34], %slice3A {strides = array<i32>} : memref<1000x128xf32, #tpu.memory_space<vmem>>, vector<1000x128xf32>,
    %slice3A_36 = vector.extract_strided_slice %add3A_33 {offsets = [0, 128], sizes = [1000, 128], strides = [1, 1]} : vector<1000x512xf32> to vector<1000x128xf32>
    %swap3A_37 = arith.constant 0 : index
    %swap3A_38 = arith.constant 0 : index
    %swap3A_39 = vector.load %arg7[%swap3A_37, %swap3A_38] : memref<1000x128xf32, #tpu.memory_space<vmem>>, vector<1000x128xf32>
    tpu.vector_store %arg7[%swap3A_37, %swap3A_38], %slice3A_36 {strides = array<i32>} : memref<1000x128xf32, #tpu.memory_space<vmem>>, vector<1000x128xf32>,
    %slice3A_40 = vector.extract_strided_slice %add3A_33 {offsets = [0, 256], sizes = [1000, 128], strides = [1, 1]} : vector<1000x512xf32> to vector<1000x128xf32>
    %swap3A_41 = arith.constant 0 : index
    %swap3A_42 = arith.constant 0 : index
    %swap3A_43 = vector.load %arg8[%swap3A_41, %swap3A_42] : memref<1000x128xf32, #tpu.memory_space<vmem>>, vector<1000x128xf32>
    tpu.vector_store %arg8[%swap3A_41, %swap3A_42], %slice3A_40 {strides = array<i32>} : memref<1000x128xf32, #tpu.memory_space<vmem>>, vector<1000x128xf32>,
    %slice3A_44 = vector.extract_strided_slice %add3A_33 {offsets = [0, 384], sizes = [1000, 128], strides = [1, 1]} : vector<1000x512xf32> to vector<1000x128xf32>
    %swap3A_45 = arith.constant 0 : index
    %swap3A_46 = arith.constant 0 : index
    %swap3A_47 = vector.load %arg9[%swap3A_45, %swap3A_46] : memref<1000x128xf32, #tpu.memory_space<vmem>>, vector<1000x128xf32>
    tpu.vector_store %arg9[%swap3A_45, %swap3A_46], %slice3A_44 {strides = array<i32>} : memref<1000x128xf32, #tpu.memory_space<vmem>>, vector<1000x128xf32>,
    return
  }
  func.func @transform_0(%arg0: i32) -> (i32, i32, i32) {
    %c0_i32 = arith.constant 0 : i32
    %c0_i32_0 = arith.constant 0 : i32
    %c0_i32_1 = arith.constant 0 : i32
    return %c0_i32, %arg0, %c0_i32_0 : i32, i32, i32
  }
  func.func @transform_1(%arg0: i32) -> (i32, i32, i32) {
    %c0_i32 = arith.constant 0 : i32
    %c0_i32_0 = arith.constant 0 : i32
    %c0_i32_1 = arith.constant 0 : i32
    return %arg0, %c0_i32, %c0_i32_0 : i32, i32, i32
  }
  func.func @transform_2(%arg0: i32) -> (i32, i32) {
    %c0_i32 = arith.constant 0 : i32
    %c0_i32_0 = arith.constant 0 : i32
    return %arg0, %c0_i32 : i32, i32
  }
  func.func @transform_3(%arg0: i32) -> (i32, i32) {
    %c0_i32 = arith.constant 0 : i32
    %c0_i32_0 = arith.constant 0 : i32
    %c0_i32_1 = arith.constant 0 : i32
    return %c0_i32, %c0_i32_0 : i32, i32
  }
  func.func @transform_4(%arg0: i32) -> (i32, i32) {
    %c0_i32 = arith.constant 0 : i32
    %c0_i32_0 = arith.constant 0 : i32
    %c0_i32_1 = arith.constant 0 : i32
    return %c0_i32, %c0_i32_0 : i32, i32
  }
  func.func @transform_5(%arg0: i32) -> (i32, i32) {
    %c0_i32 = arith.constant 0 : i32
    %c0_i32_0 = arith.constant 0 : i32
    return %arg0, %c0_i32 : i32, i32
  }
  func.func @transform_6(%arg0: i32) -> (i32, i32) {
    %c0_i32 = arith.constant 0 : i32
    %c0_i32_0 = arith.constant 0 : i32
    return %arg0, %c0_i32 : i32, i32
  }
  func.func @transform_7(%arg0: i32) -> (i32, i32) {
    %c0_i32 = arith.constant 0 : i32
    %c0_i32_0 = arith.constant 0 : i32
    return %arg0, %c0_i32 : i32, i32
  }
  func.func @transform_8(%arg0: i32) -> (i32, i32) {
    %c0_i32 = arith.constant 0 : i32
    %c0_i32_0 = arith.constant 0 : i32
    return %arg0, %c0_i32 : i32, i32
  }
}

module attributes {stable_mosaic.version = 14 : i64} {
  func.func @_final_body(%arg0: i32, %arg1: memref<2x1000x128xf32, #tpu.memory_space<vmem>>, %arg2: memref<1x32x1000xf32, #tpu.memory_space<vmem>>, %arg3: memref<1000x128xf32, #tpu.memory_space<vmem>>, %arg4: memref<1x1x1000xi32, #tpu.memory_space<vmem>>, %arg5: memref<128x128xf32, #tpu.memory_space<vmem>>, %arg6: memref<1x128xf32, #tpu.memory_space<vmem>>, %arg7: memref<128x128xf32, #tpu.memory_space<vmem>>, %arg8: memref<128x256xf32, #tpu.memory_space<vmem>>) attributes {dimension_semantics = [#tpu.dimension_semantics<arbitrary>], iteration_bounds = array<i64: 10>, scalar_prefetch = 0 : i64, scratch_operands = 1 : i64, tpu.core_type = #tpu.core_type<tc>, window_params = [{transform_indices = @transform_0, window_bounds = array<i64: 2, 1000, 128>}, {transform_indices = @transform_1, window_bounds = array<i64: 1, 32, 1000>}, {transform_indices = @transform_2, window_bounds = array<i64: 1000, 128>}, {transform_indices = @transform_3, window_bounds = array<i64: 1, 1, 1000>}, {pipeline_mode = #tpu.pipeline_mode<synchronous>, transform_indices = @transform_4, window_bounds = array<i64: 128, 128>}, {pipeline_mode = #tpu.pipeline_mode<synchronous>, transform_indices = @transform_5, window_bounds = array<i64: 1, 128>}, {pipeline_mode = #tpu.pipeline_mode<synchronous>, transform_indices = @transform_6, window_bounds = array<i64: 128, 128>}]} {
    %eq3A = arith.constant 0 : i32
    %eq3A_0 = arith.cmpi eq, %arg0, %eq3A : i32
    %convert_element_type3A = arith.extui %eq3A_0 : i1 to i32
    %cond3A = arith.constant 0 : i32
    %cond3A_1 = arith.cmpi ne, %convert_element_type3A, %cond3A : i32
    scf.if %cond3A_1 {
      %broadcast_in_dim3A_60 = arith.constant 0.000000e+00 : f32
      %broadcast_in_dim3A_61 = vector.broadcast %broadcast_in_dim3A_60 : f32 to vector<128x256xf32>
      %swap3A_62 = arith.constant 0 : index
      %swap3A_63 = arith.constant 0 : index
      %swap3A_64 = vector.load %arg8[%swap3A_62, %swap3A_63] : memref<128x256xf32, #tpu.memory_space<vmem>>, vector<128x256xf32>
      tpu.vector_store %arg8[%swap3A_62, %swap3A_63], %broadcast_in_dim3A_61 {strides = array<i32>} : memref<128x256xf32, #tpu.memory_space<vmem>>, vector<128x256xf32>,
    } else {
    }
    %get3A = arith.constant 0 : index
    %get3A_2 = arith.constant 0 : index
    %get3A_3 = arith.constant 0 : index
    %get3A_4 = vector.load %arg2[%get3A, %get3A_2, %get3A_3] : memref<1x32x1000xf32, #tpu.memory_space<vmem>>, vector<1x32x1000xf32>
    %get3A_5 = vector.shape_cast %get3A_4 : vector<1x32x1000xf32> to vector<32x1000xf32>
    %reduce_sum3A = arith.constant dense<0.000000e+00> : vector<1000xf32>
    %reduce_sum3A_6 = vector.multi_reduction <add>, %get3A_5, %reduce_sum3A [0] : vector<32x1000xf32> to vector<1000xf32>
    %get3A_7 = arith.constant 0 : index
    %get3A_8 = arith.constant 0 : index
    %get3A_9 = arith.constant 0 : index
    %get3A_10 = vector.load %arg1[%get3A_7, %get3A_8, %get3A_9] : memref<2x1000x128xf32, #tpu.memory_space<vmem>>, vector<1x1000x128xf32>
    %get3A_11 = vector.shape_cast %get3A_10 : vector<1x1000x128xf32> to vector<1000x128xf32>
    %get3A_12 = arith.constant 1 : index
    %get3A_13 = arith.constant 0 : index
    %get3A_14 = arith.constant 0 : index
    %get3A_15 = vector.load %arg1[%get3A_12, %get3A_13, %get3A_14] : memref<2x1000x128xf32, #tpu.memory_space<vmem>>, vector<1x1000x128xf32>
    %get3A_16 = vector.shape_cast %get3A_15 : vector<1x1000x128xf32> to vector<1000x128xf32>
    %add3A = arith.addf %get3A_11, %get3A_16 : vector<1000x128xf32>
    %broadcast_in_dim3A = vector.shape_cast %reduce_sum3A_6 : vector<1000xf32> to vector<1000x1xf32>
    %add3A_17 = arith.constant 1.000000e-16 : f32
    %add3A_18 = vector.broadcast %add3A_17 : f32 to vector<1000x1xf32>
    %add3A_19 = arith.addf %broadcast_in_dim3A, %add3A_18 : vector<1000x1xf32>
    %div3A = vector.broadcast %add3A_19 : vector<1000x1xf32> to vector<1000x128xf32>
    %div3A_20 = arith.divf %add3A, %div3A : vector<1000x128xf32>
    %get3A_21 = arith.constant 0 : index
    %get3A_22 = arith.constant 0 : index
    %get3A_23 = vector.load %arg3[%get3A_21, %get3A_22] : memref<1000x128xf32, #tpu.memory_space<vmem>>, vector<1000x128xf32>
    %add3A_24 = arith.addf %div3A_20, %get3A_23 : vector<1000x128xf32>
    %max3A = arith.constant 0.000000e+00 : f32
    %max3A_25 = vector.broadcast %max3A : f32 to vector<1000x128xf32>
    %max3A_26 = arith.maximumf %add3A_24, %max3A_25 : vector<1000x128xf32>
    %get3A_27 = arith.constant 0 : index
    %get3A_28 = arith.constant 0 : index
    %get3A_29 = arith.constant 0 : index
    %get3A_30 = vector.load %arg4[%get3A_27, %get3A_28, %get3A_29] : memref<1x1x1000xi32, #tpu.memory_space<vmem>>, vector<1x1x1000xi32>
    %get3A_31 = vector.shape_cast %get3A_30 : vector<1x1x1000xi32> to vector<1000xi32>
    %broadcast_in_dim3A_32 = vector.shape_cast %get3A_31 : vector<1000xi32> to vector<1000x1xi32>
    %iota3A = tpu.iota {dimensions = array<i32: 1>} : vector<1000x128xi32>
    %eq3A_33 = vector.broadcast %broadcast_in_dim3A_32 : vector<1000x1xi32> to vector<1000x128xi32>
    %eq3A_34 = arith.cmpi eq, %eq3A_33, %iota3A : vector<1000x128xi32>
    %convert_element_type3A_35 = arith.extui %eq3A_34 : vector<1000x128xi1> to vector<1000x128xi32>
    %convert_element_type3A_36 = arith.sitofp %convert_element_type3A_35 : vector<1000x128xi32> to vector<1000x128xf32>
    %dot_general3A = arith.constant dense<0.000000e+00> : vector<128x128xf32>
    %dot_general3A_37 = tpu.matmul %convert_element_type3A_36, %max3A_26, %dot_general3A {dimension_numbers = #tpu.dot_dimension_numbers<[0], [0], [1], [1], [0, 1, 1, 1], [], []>, transpose_lhs_hint = false} : vector<1000x128xf32>, vector<1000x128xf32>, vector<128x128xf32> -> vector<128x128xf32>
    %broadcast_in_dim3A_38 = arith.constant 1.000000e+00 : f32
    %broadcast_in_dim3A_39 = vector.broadcast %broadcast_in_dim3A_38 : f32 to vector<1000x128xf32>
    %dot_general3A_40 = arith.constant dense<0.000000e+00> : vector<128x128xf32>
    %dot_general3A_41 = tpu.matmul %convert_element_type3A_36, %broadcast_in_dim3A_39, %dot_general3A_40 {dimension_numbers = #tpu.dot_dimension_numbers<[0], [0], [1], [1], [0, 1, 1, 1], [], []>, transpose_lhs_hint = false} : vector<1000x128xf32>, vector<1000x128xf32>, vector<128x128xf32> -> vector<128x128xf32>
    %get3A_42 = arith.constant 0 : index
    %get3A_43 = arith.constant 0 : index
    %get3A_44 = vector.load %arg8[%get3A_42, %get3A_43] : memref<128x256xf32, #tpu.memory_space<vmem>>, vector<128x128xf32>
    %add3A_45 = arith.addf %get3A_44, %dot_general3A_37 : vector<128x128xf32>
    %swap3A = arith.constant 0 : index
    %swap3A_46 = arith.constant 0 : index
    %swap3A_47 = vector.load %arg8[%swap3A, %swap3A_46] : memref<128x256xf32, #tpu.memory_space<vmem>>, vector<128x128xf32>
    tpu.vector_store %arg8[%swap3A, %swap3A_46], %add3A_45 {strides = array<i32>} : memref<128x256xf32, #tpu.memory_space<vmem>>, vector<128x128xf32>,
    %get3A_48 = arith.constant 0 : index
    %get3A_49 = arith.constant 128 : index
    %get3A_50 = vector.load %arg8[%get3A_48, %get3A_49] : memref<128x256xf32, #tpu.memory_space<vmem>>, vector<128x128xf32>
    %add3A_51 = arith.addf %get3A_50, %dot_general3A_41 : vector<128x128xf32>
    %swap3A_52 = arith.constant 0 : index
    %swap3A_53 = arith.constant 128 : index
    %swap3A_54 = vector.load %arg8[%swap3A_52, %swap3A_53] : memref<128x256xf32, #tpu.memory_space<vmem>>, vector<128x128xf32>
    tpu.vector_store %arg8[%swap3A_52, %swap3A_53], %add3A_51 {strides = array<i32>} : memref<128x256xf32, #tpu.memory_space<vmem>>, vector<128x128xf32>,
    %eq3A_55 = arith.constant 9 : i32
    %eq3A_56 = arith.cmpi eq, %arg0, %eq3A_55 : i32
    %convert_element_type3A_57 = arith.extui %eq3A_56 : i1 to i32
    %cond3A_58 = arith.constant 0 : i32
    %cond3A_59 = arith.cmpi ne, %convert_element_type3A_57, %cond3A_58 : i32
    scf.if %cond3A_59 {
      %get3A_60 = arith.constant 0 : index
      %get3A_61 = arith.constant 0 : index
      %get3A_62 = vector.load %arg8[%get3A_60, %get3A_61] : memref<128x256xf32, #tpu.memory_space<vmem>>, vector<128x128xf32>
      %get3A_63 = arith.constant 0 : index
      %get3A_64 = arith.constant 128 : index
      %get3A_65 = vector.load %arg8[%get3A_63, %get3A_64] : memref<128x256xf32, #tpu.memory_space<vmem>>, vector<128x128xf32>
      %max3A_66 = arith.constant 1.000000e+00 : f32
      %max3A_67 = vector.broadcast %max3A_66 : f32 to vector<128x128xf32>
      %max3A_68 = arith.maximumf %get3A_65, %max3A_67 : vector<128x128xf32>
      %div3A_69 = arith.divf %get3A_62, %max3A_68 : vector<128x128xf32>
      %get3A_70 = arith.constant 0 : index
      %get3A_71 = arith.constant 0 : index
      %get3A_72 = vector.load %arg5[%get3A_70, %get3A_71] : memref<128x128xf32, #tpu.memory_space<vmem>>, vector<128x128xf32>
      %dot_general3A_73 = arith.constant dense<0.000000e+00> : vector<128x128xf32>
      %dot_general3A_74 = tpu.matmul %div3A_69, %get3A_72, %dot_general3A_73 {dimension_numbers = #tpu.dot_dimension_numbers<[1], [0], [0], [1], [0, 0, 1, 1], [], []>, transpose_lhs_hint = false} : vector<128x128xf32>, vector<128x128xf32>, vector<128x128xf32> -> vector<128x128xf32>
      %get3A_75 = arith.constant 0 : index
      %get3A_76 = arith.constant 0 : index
      %get3A_77 = vector.load %arg6[%get3A_75, %get3A_76] : memref<1x128xf32, #tpu.memory_space<vmem>>, vector<1x128xf32>
      %add3A_78 = vector.broadcast %get3A_77 : vector<1x128xf32> to vector<128x128xf32>
      %add3A_79 = arith.addf %dot_general3A_74, %add3A_78 : vector<128x128xf32>
      %swap3A_80 = arith.constant 0 : index
      %swap3A_81 = arith.constant 0 : index
      %swap3A_82 = vector.load %arg7[%swap3A_80, %swap3A_81] : memref<128x128xf32, #tpu.memory_space<vmem>>, vector<128x128xf32>
      tpu.vector_store %arg7[%swap3A_80, %swap3A_81], %add3A_79 {strides = array<i32>} : memref<128x128xf32, #tpu.memory_space<vmem>>, vector<128x128xf32>,
    } else {
    }
    return
  }
  func.func @transform_0(%arg0: i32) -> (i32, i32, i32) {
    %c0_i32 = arith.constant 0 : i32
    %c0_i32_0 = arith.constant 0 : i32
    %c0_i32_1 = arith.constant 0 : i32
    return %c0_i32, %arg0, %c0_i32_0 : i32, i32, i32
  }
  func.func @transform_1(%arg0: i32) -> (i32, i32, i32) {
    %c0_i32 = arith.constant 0 : i32
    %c0_i32_0 = arith.constant 0 : i32
    %c0_i32_1 = arith.constant 0 : i32
    return %arg0, %c0_i32, %c0_i32_0 : i32, i32, i32
  }
  func.func @transform_2(%arg0: i32) -> (i32, i32) {
    %c0_i32 = arith.constant 0 : i32
    %c0_i32_0 = arith.constant 0 : i32
    return %arg0, %c0_i32 : i32, i32
  }
  func.func @transform_3(%arg0: i32) -> (i32, i32, i32) {
    %c0_i32 = arith.constant 0 : i32
    %c0_i32_0 = arith.constant 0 : i32
    %c0_i32_1 = arith.constant 0 : i32
    return %arg0, %c0_i32, %c0_i32_0 : i32, i32, i32
  }
  func.func @transform_4(%arg0: i32) -> (i32, i32) {
    %c0_i32 = arith.constant 0 : i32
    %c0_i32_0 = arith.constant 0 : i32
    %c0_i32_1 = arith.constant 0 : i32
    return %c0_i32, %c0_i32_0 : i32, i32
  }
  func.func @transform_5(%arg0: i32) -> (i32, i32) {
    %c0_i32 = arith.constant 0 : i32
    %c0_i32_0 = arith.constant 0 : i32
    %c0_i32_1 = arith.constant 0 : i32
    return %c0_i32, %c0_i32_0 : i32, i32
  }
  func.func @transform_6(%arg0: i32) -> (i32, i32) {
    %c0_i32 = arith.constant 0 : i32
    %c0_i32_0 = arith.constant 0 : i32
    %c0_i32_1 = arith.constant 0 : i32
    return %c0_i32, %c0_i32_0 : i32, i32
  }
}

</mosaic_0001>

<sc_bundles>
// kernel: kernel.10.cloned.1.call-start
scs
__scs_entry_jumppad:
0x0: {  	(pc) =	sbr.rel $0x88, $3  }
0x1: {  	(tag) =	ssettag $0x0;
	lr =	simm.s32 $0x1  }
0x2: {  	[smem:$0x3F8C] =	sst lr;
	_ =	strace $0xD0000000  }
0x3: {  	_ = 	snop  }
0x4: {  	_ = 	snop  }
0x5: {  	_ = 	snop  }
0x6: {  	_ = 	snop  }
0x7: {  	_ = 	snop  }
__scs_overlays_trampoline_lowered:
0x8: {  	[smem:$0x3F9B] =	sst s0  }
0x9: {  	[smem:$0x3F9C] =	sst s1  }
0xa: {  	[smem:$0x3F9D] =	sst s2  }
0xb: {  	[smem:$0x3F9E] =	sst s3  }
0xc: {  	[smem:$0x3F9F] =	sst s4  }
0xd: {  	[smem:$0x3FA0] =	sst s5  }
0xe: {  	[smem:$0x3FA1] =	sst s6  }
0xf: {  	[smem:$0x3FA2] =	sst s7  }
0x10: {  	[smem:$0x3FA3] =	sst s8  }
0x11: {  	[smem:$0x3FA4] =	sst s9;
	s0 =	simm.s32 @!p0 $0x0  }
0x12: {  	s1 =	sld [smem:$0x3F8A];
	s0 =	simm.s32 @p0 $0x1  }
0x13: {  	[smem:$0x3FA5] =	sst s0;
	s0 =	simm.s32 @!p1 $0x0  }
0x14: {  	s2 =	sld [smem:$0x3F89];
	s0 =	simm.s32 @p1 $0x1  }
0x15: {  	[smem:$0x3FA6] =	sst s0;
	s0 =	simm.s32 @!p2 $0x0  }
0x16: {  	s3 =	sld [smem:$0x3FDB];
	s0 =	simm.s32 @p2 $0x1  }
0x17: {  	s4 =	simm.s32 $0x1BF5;
	[smem:$0x3FA8] =	sst s0  }
0x18: {  	s0 =	sld [smem:$0x3F8B];
	_ =	swait.ge [sflag:s4], $0x0  }
0x19: {  	s7 =	sld [smem:$0x3F8C]  }
0x1a: {  	s8 =	sadd.s32 $0xFFFFE003, lr  }
0x1b: {  	s9 =	sadd.s32 $0xFFFFFEF7, lr;
	s5 =	simm.s32 $0xFFFFFFFF;
	p2 =	slt.u32 s8, $0xFFFFF086  }
0x1c: {  	p1 =	slt.u32 s9, $0xF7A;
	s5 =	simm.s32 @!p2 $0x0  }
0x1d: {  	s5 =	simm.s32 @p1 $0x1;
	p0 =	seq.s32 s7, s2  }
0x1e: {  	s7 =	smul.u32 @!p0 $0xF7A, s2;
	p2 =	seq.s32 @!p0 s5, $0x0  }
0x1f: {  	s9 =	smul.u32 $0xF7A, s1;
	s8 =	simm.s32 @!p0 $0x1BF5;
	p2 =	por !p2, p0  }
0x20: {  	[sflag:s8] =	ssyncset.s32 @!p0 $0xFFFFF086;
	s6 =	sadd.s32 @!p0 s3, s7;
	s7 =	simm.s32 @!p0 $0x108  }
0x21: {  	s3 =	sadd.s32 s3, s9;
	s6 =	sadd.s32 @!p0 $0x88, s6;
	s7 =	simm.s32 @p2 $0x1082  }
0x22: {  	[simem:s7], [sflag:s8] =	dma.local @!p0 [hbm:s6], $0xF7A  }
0x23: {  	s9 =	sor.u32 $0xD0000000, s2;
	s6 =	simm.s32 $0x108;
	_ =	swait.ge @!p0 [sflag:s8], $0x0  }
0x24: {  	s3 =	sadd.s32 $0x88, s3;
	s6 =	simm.s32 @!p1 $0x1082;
	[sflag:s4] =	ssyncset.s32 $0xFFFFF086  }
0x25: {  	[simem:s6], [sflag:s4] =	dma.local [hbm:s3], $0xF7A  }
0x26: {  	[smem:$0x3F8C] =	sst s1;
	(tag) =	ssettag s2;
	_ =	strace s9  }
0x27: {  	s1 =	sld [smem:$0x3F9C]  }
0x28: {  	s2 =	sld [smem:$0x3F9D]  }
0x29: {  	s4 =	sld [smem:$0x3F9F]  }
0x2a: {  	p0 =	seq.s32 s5, $0x0;
	s5 =	sld [smem:$0x3FA0]  }
0x2b: {  	s6 =	sld [smem:$0x3FA1]  }
0x2c: {  	s7 =	sld [smem:$0x3FA2]  }
0x2d: {  	s3 =	simm.s32 $0x108;
	s8 =	sld [smem:$0x3FA3]  }
0x2e: {  	s3 =	simm.s32 @!p0 $0x1082;
	s9 =	sld [smem:$0x3FA4]  }
0x2f: {  	lr =	sadd.s32 s0, s3;
	s0 =	sld [smem:$0x3F9B]  }
0x30: {  	s3 =	sld [smem:$0x3F9E]  }
0x31: {  	[smem:$0x3FA7] =	sst s10  }
0x32: {  	s10 =	sld [smem:$0x3FA5];
	_ =	sdelay $0x3  }
0x33: {  	p0 =	seq.s32 s10, $0x1;
	s10 =	sld [smem:$0x3FA7];
	_ =	sdelay $0x3  }
0x34: {  	[smem:$0x3FA7] =	sst s10  }
0x35: {  	s10 =	sld [smem:$0x3FA6];
	_ =	sdelay $0x3  }
0x36: {  	p1 =	seq.s32 s10, $0x1;
	s10 =	sld [smem:$0x3FA7];
	_ =	sdelay $0x3  }
0x37: {  	[smem:$0x3FA7] =	sst s10  }
0x38: {  	s10 =	sld [smem:$0x3FA8]  }
0x39: {  	_ = 	snop;
	(pc) =	sbr.ind lr, $3  }
0x3a: {  	_ = 	snop  }
0x3b: {  	_ = 	snop  }
0x3c: {  	p2 =	seq.s32 s10, $0x1;
	s10 =	sld [smem:$0x3FA7]  }
0x3d: {  	_ =	shalt  }
0x3e: {  	_ =	shalt  }
0x3f: {  	_ =	shalt  }
0x40: {  	_ =	shalt  }
0x41: {  	_ =	shalt  }
0x42: {  	_ =	shalt  }
0x43: {  	_ =	shalt  }
0x44: {  	_ =	shalt  }
0x45: {  	_ =	shalt  }
0x46: {  	_ =	shalt  }
0x47: {  	_ =	shalt  }
0x48: {  	_ =	shalt  }
0x49: {  	_ =	shalt  }
0x4a: {  	_ =	shalt  }
0x4b: {  	_ =	shalt  }
0x4c: {  	_ =	shalt  }
0x4d: {  	_ =	shalt  }
0x4e: {  	_ =	shalt  }
0x4f: {  	_ =	shalt  }
0x50: {  	_ =	shalt  }
0x51: {  	_ =	shalt  }
0x52: {  	_ =	shalt  }
0x53: {  	_ =	shalt  }
0x54: {  	_ =	shalt  }
0x55: {  	_ =	shalt  }
0x56: {  	_ =	shalt  }
0x57: {  	_ =	shalt  }
0x58: {  	_ =	shalt  }
0x59: {  	_ =	shalt  }
0x5a: {  	_ =	shalt  }
0x5b: {  	_ =	shalt  }
0x5c: {  	_ =	shalt  }
0x5d: {  	_ =	shalt  }
0x5e: {  	_ =	shalt  }
0x5f: {  	_ =	shalt  }
0x60: {  	_ =	shalt  }
0x61: {  	_ =	shalt  }
0x62: {  	_ =	shalt  }
0x63: {  	_ =	shalt  }
0x64: {  	_ =	shalt  }
0x65: {  	_ =	shalt  }
0x66: {  	_ =	shalt  }
0x67: {  	_ =	shalt  }
0x68: {  	_ =	shalt  }
0x69: {  	_ =	shalt  }
0x6a: {  	_ =	shalt  }
0x6b: {  	_ =	shalt  }
0x6c: {  	_ =	shalt  }
0x6d: {  	_ =	shalt  }
0x6e: {  	_ =	shalt  }
0x6f: {  	_ =	shalt  }
0x70: {  	_ =	shalt  }
0x71: {  	_ =	shalt  }
0x72: {  	_ =	shalt  }
0x73: {  	_ =	shalt  }
0x74: {  	_ =	shalt  }
0x75: {  	_ =	shalt  }
0x76: {  	_ =	shalt  }
0x77: {  	_ =	shalt  }
0x78: {  	_ =	shalt  }
0x79: {  	_ =	shalt  }
0x7a: {  	_ =	shalt  }
0x7b: {  	_ =	shalt  }
0x7c: {  	_ =	shalt  }
0x7d: {  	_ =	shalt  }
0x7e: {  	_ =	shalt  }
0x7f: {  	_ =	shalt  }
0x80: {  	_ =	shalt  }
0x81: {  	_ =	shalt  }
0x82: {  	_ =	shalt  }
0x83: {  	_ =	shalt  }
0x84: {  	_ =	shalt  }
0x85: {  	_ =	shalt  }
0x86: {  	_ =	shalt  }
0x87: {  	_ =	shalt  }
.Lfunc_end0:
.L_simem_size_0:
called_computation.1_lowered:
.L_overlay_start_0:
0x88: {  	s2 =	sld [smem:$0x3FD9]  }
0x89: {  	s3 =	sld [smem:$0x3FFE];
	_ =	sdelay $0x1  }
0x8a: {  	s1 =	srdreg.scid  }
0x8b: {  	s0 =	sand.u32 $0x1, s1  }
0x8c: {  	s16 =	sshll.u32 s0, $0xA;
	s2 =	sadd.s32 s3, s2  }
0x8d: {  	s2 =	sadd.s32 s2, s16  }
0x8e: {  	[smem:$0x3FB3] =	sst s2  }
0x8f: {  	_ = 	snop  }
0x90: {  	(tm) =	ssettm $0x1  }
0x91: {  	s17 =	sld [smem:$0x3FFB];
	_ =	sdelay $0x3  }
0x92: {  	_ =	strace s17  }
0x93: {  	s2 =	sld [smem:$0x3FFC];
	_ =	sdelay $0x3  }
0x94: {  	_ =	strace s2  }
0x95: {  	s2 =	sld [smem:$0x3FFD];
	_ =	sdelay $0x3  }
0x96: {  	_ =	strace s2  }
0x97: {  	_ =	strace $0x8FFFFFFF  }
0x98: {  	s18 =	sld [smem:$0x3FDB];
	_ =	sdelay $0x1  }
0x99: {  	s19 =	simm.s32 $_scs_section_size  }
0x9a: {  	s4 =	simm.s32 $_size__tile_overlayer_lowered;
	s5 =	simm.s32 $_tile_overlayer_lowered  }
0x9b: {  	s22 =	simm.s32 $0x1BFF;
	s21 =	sshll.u32 s5, $0x1;
	s2 =	sadd.s32 s19, s18  }
0x9c: {  	s6 =	simm.s32 $0x0;
	s20 =	sshll.u32 s4, $0x1;
	s4 =	sadd.s32 s21, s2  }
0x9d: {  	[timem:s6], [sflag:s22] =	dma.local [hbm:s4], s20  }
0x9e: {  	_ =	swait.ge [sflag:s22], s20  }
0x9f: {  	s3 =	ssub.s32 $0x0, s20;
	[sflag:s22] =	ssyncset.done $0x0  }
0xa0: {  	[sflag:s22] =	ssyncadd.s32 s3;
	_ =	sdelay $0x1  }
0xa1: {  	s23 =	simm.s32 $0x1B8B  }
0xa2: {  	_ =	swait.ge [sflag:s23], $0x1  }
0xa3: {  	[sflag:s23] =	ssyncset.done $0x0  }
0xa4: {  	s25 =	simm.s32 $0x1B8E;
	s24 =	sld [smem:$0x3FFE];
	[sflag:s23] =	ssyncadd.s32 $0xFFFFFFFF  }
0xa5: {  	s26 =	simm.s32 $execute0_lowered;
	[smem:$0x3FD2] =	sst s25  }
0xa6: {  	s4 =	sshll.u32 s26, $0x1;
	_ =	strace $0x80000049;
	[dreg:$0x1] =	wrdreg $0xFFFFFFFF  }
0xa7: {  	s28 =	simm.s32 $_size_execute0_lowered;
	s2 =	sadd.s32 s2, s4;
	[dreg:$0x0] =	wrdreg $0x0  }
0xa8: {  	s4 =	sshll.u32 s28, $0x1;
	[dreg:$0x2] =	wrdreg s2  }
0xa9: {  	[dreg:$0x3] =	wrdreg s4  }
0xaa: {  	[dreg:$0x4] =	wrdreg $0xC0  }
0xab: {  	_ =	task [dreg:s6], $0x5FFFF  }
0xac: {  	[dreg:$0x1] =	wrdreg $0xFFFFFFFF  }
0xad: {  	[dreg:$0x0] =	wrdreg $0x60  }
0xae: {  	[dreg:$0x2] =	wrdreg s24  }
0xaf: {  	[dreg:$0x3] =	wrdreg $0xA0800  }
0xb0: {  	[dreg:$0x4] =	wrdreg $0x9  }
0xb1: {  	_ =	task.clear_ibuf [dreg:s6], $0x5FFFF;
	_ =	strace $0x90000049  }
0xb2: {  	s29 =	simm.s32 $0x9;
	_ =	strace $0x8000004B  }
0xb3: {  	_ =	swait.ge [sflag:s29], $0x1  }
0xb4: {  	[sflag:s29] =	ssyncadd.s32 $0xFFFFFFFF  }
0xb5: {  	_ =	strace $0x9000004B  }
0xb6: {  	_ =	sfence  }
0xb7: {  	s30 =	sld [smem:$0x0];
	_ =	sdelay $0x2  }
0xb8: {  	s31 =	sshll.u32 s1, $0xD;
	s1 =	sshrl.u32 s1, $0x2  }
0xb9: {  	s3 =	sand.u32 $0x4000, s31;
	s1 =	sadd.s32 s1, s30  }
0xba: {  	s0 =	sor.u32 s3, s0;
	s1 =	sshll.u32 s1, $0x11  }
0xbb: {  	s0 =	sor.u32 s1, s0  }
0xbc: {  	s0 =	sadd.s32 $0x8F2B, s0  }
0xbd: {  	[sflag:s0] =	ssyncadd.remote.s32 $0x1  }
0xbe: {  	_ =	sfence.sel $0xFFFF  }
0xbf: {  	[dreg:$0x0] =	wrdreg $0xFFFFFFFF;
	(pc) =	sbr.abs _section_cstart, $3  }
0xc0: {  	[dreg:$0x1] =	wrdreg $0xFFFFFFFF  }
0xc1: {  	_ =	task.clear_ibuf [dreg:s6], $0x2FFFF;
	_ =	strace $0x9FFFFFFF  }
0xc2: {  	(tm) =	ssettm $0x7FFFFFFF  }
0xc3: {  	_ =	shalt  }
tec
execute0_lowered:
.L_overlay_start_1:
0x0: {  	(tag) =	ssettag $0x1  }
0x1: {  	s8 =	rddreg [dreg:$0x0]  }
0x2: {  	s1 =	rddreg [dreg:$0x1];
	s3 =	srdreg.scid  }
0x3: {  	s0 =	rddreg [dreg:$0x2];
	s2 =	simm.s32 $0x0;
	s25 =	stileid.u32  }
0x4: {  	s15 =	simm.s32 $0x5100;
	s16 =	simm.s32 $0x4;
	s17 =	simm.s32 $0x80  }
0x5: {  	s18 =	simm.s32 $0x50;
	s19 =	simm.s32 $0x100;
	s20 =	simm.s32 $0x2900  }
0x6: {  	s21 =	simm.s32 $0x1;
	s22 =	simm.s32 $0x2;
	s23 =	simm.s32 $0x3  }
0x7: {  	s24 =	simm.s32 $0x7900;
	s9 =	sand.u32 $0x1, s3;
	[smem:$0x7FF] =	sst s2  }
0x8: {  	s4 =	sadd.s32 $0x3F000, s8;
	s5 =	sadd.s32 $0x66200, s8;
	s6 =	sadd.s32 $0xE000, s8  }
0x9: {  	s13 =	smul.u32 $0x4E000, s25;
	s7 =	sadd.s32 $0x4200, s8;
	p0 =	sne.s32 s25, $0xF  }
0xa: {  	p1 =	sne.s32 s25, $0x0;
	s3 =	sshll.u32 s9, $0x4;
	_ =	strace $0x8000004A  }
0xb: {  	s10 =	smul.u32 $0x27100, s9;
	s9 =	ssub.s32 $0x2, s9;
	s11 =	sor.u32 s25, s3  }
0xc: {  	s3 =	sadd.s32 $0x17E00, s8;
	s31 =	sshrl.u32 s9, $0x1;
	s13 =	sshrl.u32 s13, $0x2  }
0xd: {  	s25 =	simm.s32 $0x0;
	s12 =	smul.u32 $0x4E2, s11;
	s10 =	sadd.s32 s10, s8  }
0xe: {  	s14 =	ssub.s32 s9, s31;
	s9 =	smul.u32 $0x2710, s11;
	s10 =	sadd.s32 $0x97200, s10  }
0xf: {  	v1 =	vlaneseq.u32;
	s12 =	sadd.s32 s12, s8;
	s8 =	sadd.s32 s13, s1;
	s13 =	sadd.s32 $0x138000, s1  }
0x10: {  	v0 =	vimm.f32 $0.0e+00;
	v1 =	vmul.u32 $0x80, v1;
	s11 =	sadd.s32 $0x8D400, s12;
	s12 =	smax.u32 s14, $0x1;
	s14 =	sadd.s32 $0x138400, s1  }
.LBB2_1:
0x11: {  	s26 =	simm.s32 $0x40;
	s28 =	simm.s32 $0x0  }
.LBB2_2:
0x12: {  	p2 =	sne.s32 s26, $0x9C00;
	[tilespmem:s28+$0x7900] =	vst v0;
	s28 =	smov.u32 s26;
	s26 =	sadd.s32 $0x40, s26  }
.Ltmp0:
0x13: {  	(pc) =	sbr.rel @p2 .LBB2_2-.Ltmp0, $2  }
0x14: {  	_ =	sdelay $0x2  }
0x15: {  	s28 =	sshra.s32 s28, $0x2  }
0x16: {  	[tilespmem:s28+$0x7900] =	vst v0  }
0x17: {  	[tilespmem:$0x5100] =	vst v0  }
0x18: {  	[tilespmem:$0x5110] =	vst v0  }
0x19: {  	[tilespmem:$0x5120] =	vst v0  }
0x1a: {  	[tilespmem:$0x5130] =	vst v0  }
0x1b: {  	[tilespmem:$0x5140] =	vst v0  }
0x1c: {  	[tilespmem:$0x5150] =	vst v0  }
0x1d: {  	[tilespmem:$0x5160] =	vst v0  }
0x1e: {  	[tilespmem:$0x5170] =	vst v0  }
0x1f: {  	[tilespmem:$0x5180] =	vst v0  }
0x20: {  	[tilespmem:$0x5190] =	vst v0  }
0x21: {  	[tilespmem:$0x51A0] =	vst v0  }
0x22: {  	[tilespmem:$0x51B0] =	vst v0  }
0x23: {  	[tilespmem:$0x51C0] =	vst v0  }
0x24: {  	[tilespmem:$0x51D0] =	vst v0  }
0x25: {  	[tilespmem:$0x51E0] =	vst v0  }
0x26: {  	[tilespmem:$0x51F0] =	vst v0  }
0x27: {  	[tilespmem:$0x5200] =	vst v0  }
0x28: {  	[tilespmem:$0x5210] =	vst v0  }
0x29: {  	[tilespmem:$0x5220] =	vst v0  }
0x2a: {  	[tilespmem:$0x5230] =	vst v0  }
0x2b: {  	[tilespmem:$0x5240] =	vst v0  }
0x2c: {  	[tilespmem:$0x5250] =	vst v0  }
0x2d: {  	[tilespmem:$0x5260] =	vst v0  }
0x2e: {  	[tilespmem:$0x5270] =	vst v0  }
0x2f: {  	[tilespmem:$0x5280] =	vst v0  }
0x30: {  	[tilespmem:$0x5290] =	vst v0  }
0x31: {  	[tilespmem:$0x52A0] =	vst v0  }
0x32: {  	[tilespmem:$0x52B0] =	vst v0  }
0x33: {  	[tilespmem:$0x52C0] =	vst v0  }
0x34: {  	[tilespmem:$0x52D0] =	vst v0  }
0x35: {  	[tilespmem:$0x52E0] =	vst v0  }
0x36: {  	[tilespmem:$0x52F0] =	vst v0  }
0x37: {  	[tilespmem:$0x5300] =	vst v0  }
0x38: {  	[tilespmem:$0x5310] =	vst v0  }
0x39: {  	[tilespmem:$0x5320] =	vst v0  }
0x3a: {  	[tilespmem:$0x5330] =	vst v0  }
0x3b: {  	[tilespmem:$0x5340] =	vst v0  }
0x3c: {  	[tilespmem:$0x5350] =	vst v0  }
0x3d: {  	[tilespmem:$0x5360] =	vst v0  }
0x3e: {  	[tilespmem:$0x5370] =	vst v0  }
0x3f: {  	[tilespmem:$0x5380] =	vst v0  }
0x40: {  	[tilespmem:$0x5390] =	vst v0  }
0x41: {  	[tilespmem:$0x53A0] =	vst v0  }
0x42: {  	[tilespmem:$0x53B0] =	vst v0  }
0x43: {  	[tilespmem:$0x53C0] =	vst v0  }
0x44: {  	[tilespmem:$0x53D0] =	vst v0  }
0x45: {  	[tilespmem:$0x53E0] =	vst v0  }
0x46: {  	[tilespmem:$0x53F0] =	vst v0  }
0x47: {  	[tilespmem:$0x5400] =	vst v0  }
0x48: {  	[tilespmem:$0x5410] =	vst v0  }
0x49: {  	[tilespmem:$0x5420] =	vst v0  }
0x4a: {  	[tilespmem:$0x5430] =	vst v0  }
0x4b: {  	[tilespmem:$0x5440] =	vst v0  }
0x4c: {  	[tilespmem:$0x5450] =	vst v0  }
0x4d: {  	[tilespmem:$0x5460] =	vst v0  }
0x4e: {  	[tilespmem:$0x5470] =	vst v0  }
0x4f: {  	[tilespmem:$0x5480] =	vst v0  }
0x50: {  	[tilespmem:$0x5490] =	vst v0  }
0x51: {  	[tilespmem:$0x54A0] =	vst v0  }
0x52: {  	[tilespmem:$0x54B0] =	vst v0  }
0x53: {  	[tilespmem:$0x54C0] =	vst v0  }
0x54: {  	[tilespmem:$0x54D0] =	vst v0  }
0x55: {  	[tilespmem:$0x54E0] =	vst v0  }
0x56: {  	s26 =	sadd.s32 $0x0, s8;
	[tilespmem:$0x54F0] =	vst v0  }
0x57: {  	[spmem:s26] =	stream.linear.scatter [tilespmem:s15], [sflag:$0x4], $0x400, $0x38;
	[tilespmem:$0x1D900] =	vst v63  }
0x58: {  	s26 =	simm.s32 $0x1000;
	_ =	swait.ge [sflag:s16], $0x400  }
.LBB2_4:
0x59: {  	s28 =	sshra.s32 s26, $0x2;
	[sflag:s16] =	ssyncset.done $0x0;
	p2 =	sne.s32 s26, $0x4D000  }
.Ltmp1:
0x5a: {  	s28 =	sadd.s32 s28, s8;
	[sflag:s16] =	ssyncadd.s32 $0xFFFFFC00;
	(pc) =	sbr.rel @p2 .LBB2_4-.Ltmp1, $3  }
0x5b: {  	[spmem:s28] =	stream.linear.scatter [tilespmem:s15], [sflag:$0x4], $0x400, $0x38;
	[tilespmem:$0x1D900] =	vst v63  }
0x5c: {  	s26 =	sadd.s32 $0x1000, s26;
	_ =	sdelay $0x1  }
0x5d: {  	_ =	swait.ge [sflag:s16], $0x400  }
0x5e: {  	[sflag:s16] =	ssyncset.done $0x0  }
0x5f: {  	s26 =	simm.s32 @!p0 $0x5100;
	s28 =	simm.s32 @!p0 $0x4;
	[sflag:s16] =	ssyncadd.s32 $0xFFFFFC00  }
0x60: {  	[spmem:s13] =	stream.linear.scatter @!p0 [tilespmem:s26], [sflag:$0x4], $0x400, $0x38;
	[tilespmem:$0x1D900] =	vst v63  }
0x61: {  	_ =	swait.ge @!p0 [sflag:s28], $0x400  }
0x62: {  	[sflag:s28] =	ssyncset.done @!p0 $0x0  }
0x63: {  	[sflag:s28] =	ssyncadd.s32 @!p0 $0xFFFFFC00  }
0x64: {  	[spmem:s14] =	stream.linear.scatter @!p0 [tilespmem:s26], [sflag:$0x4], $0x400, $0x38;
	[tilespmem:$0x1D900] =	vst v63  }
0x65: {  	_ =	swait.ge @!p0 [sflag:s28], $0x400  }
0x66: {  	[sflag:s28] =	ssyncset.done @!p0 $0x0  }
0x67: {  	[sflag:s28] =	ssyncadd.s32 @!p0 $0xFFFFFC00  }
0x68: {  	s26 =	simm.s32 $0x0;
	s28 =	simm.s32 $0x0;
	[bflag:$0x0] =	sbarrier.arrive $0xFFFF  }
.LBB2_6:
0x69: {  	s29 =	smul.u32 $0x50, s28;
	_ =	sdelay $0x1  }
0x6a: {  	s29 =	sadd.s32 s9, s29  }
0x6b: {  	s29 =	sshrl.u32 s29, $0x3  }
0x6c: {  	s30 =	sadd.s32 s6, s29  }
0x6d: {  	[tilespmem:s26], [sflag:$0x4] =	stream.linear.gather [hbm4b:s30+s26], $0x50, $0x38;
	[tilespmem:$0x1D900] =	vst v63  }
0x6e: {  	_ =	swait.ge [sflag:s16], $0x50  }
0x6f: {  	[sflag:s16] =	ssyncset.done $0x0  }
0x70: {  	s29 =	sadd.s32 s7, s29;
	[sflag:s16] =	ssyncadd.s32 $0xFFFFFFB0  }
0x71: {  	[tilespmem:s17], [sflag:$0x4] =	stream.linear.gather [hbm4b:s29+s26], $0x50, $0x38;
	[tilespmem:$0x1D900] =	vst v63  }
0x72: {  	_ =	swait.ge [sflag:s16], $0x50  }
0x73: {  	[sflag:s16] =	ssyncset.done $0x0  }
0x74: {  	[sflag:s16] =	ssyncadd.s32 $0xFFFFFFB0  }
0x75: {  	[tilespmem:s19], [sflag:$0x1] =	stream.indirect.gather [hbm4b:s3+s18], $0x80, s17, s18, $0xb8;
	[tilespmem:$0x1D900] =	vst v63  }
0x76: {  	_ = 	snop  }
0x77: {  	[tilespmem:s20], [sflag:$0x2] =	stream.indirect.gather [hbm4b:s4+s18], $0x80, s26, s18, $0xb8;
	[tilespmem:$0x1D900] =	vst v63  }
0x78: {  	_ = 	snop  }
0x79: {  	[tilespmem:s15], [sflag:$0x3] =	stream.indirect.gather [hbm4b:s5+s18], $0x80, s26, s18, $0xb8;
	[tilespmem:$0x1D900] =	vst v63  }
0x7a: {  	_ =	swait.ge [sflag:s21], $0x2800  }
0x7b: {  	[sflag:s21] =	ssyncset.done $0x0  }
0x7c: {  	[sflag:s21] =	ssyncadd.s32 $0xFFFFD800  }
0x7d: {  	_ =	swait.ge [sflag:s22], $0x2800  }
0x7e: {  	[sflag:s22] =	ssyncset.done $0x0  }
0x7f: {  	[sflag:s22] =	ssyncadd.s32 $0xFFFFD800  }
0x80: {  	_ =	swait.ge [sflag:s23], $0x2800  }
0x81: {  	[sflag:s23] =	ssyncset.done $0x0  }
0x82: {  	s29 =	simm.s32 $0x0;
	[sflag:s23] =	ssyncadd.s32 $0xFFFFD800  }
0x83: {  	v2 =	vld [tilespmem:s29+$0x2900]  }
0x84: {  	v3 =	vld [tilespmem:s29+$0x110]  }
0x85: {  	s30 =	simm.s32 $0x200;
	v4 =	vld [tilespmem:s29+$0x2910]  }
.LBB2_7:
0x86: {  	p2 =	sne.s32 s30, $0x9E00;
	v5 =	vld [tilespmem:s29+$0x100]  }
0x87: {  	v6 =	vld [tilespmem:s29+$0x120]  }
0x88: {  	v7 =	vld [tilespmem:s29+$0x2920]  }
0x89: {  	v8 =	vld [tilespmem:s29+$0x130]  }
0x8a: {  	v9 =	vld [tilespmem:s29+$0x2930]  }
0x8b: {  	v3 =	vmul.f32 v4, v3;
	v2 =	vmul.f32 v2, v5;
	v4 =	vld [tilespmem:s29+$0x140]  }
0x8c: {  	v5 =	vld [tilespmem:s29+$0x2940]  }
0x8d: {  	v2 =	vadd.f32 v3, v2;
	v3 =	vmul.f32 v7, v6;
	v6 =	vld [tilespmem:s29+$0x150]  }
0x8e: {  	v7 =	vld [tilespmem:s29+$0x2950]  }
0x8f: {  	v2 =	vadd.f32 v3, v2;
	v3 =	vmul.f32 v9, v8;
	v8 =	vld [tilespmem:s29+$0x160]  }
0x90: {  	v9 =	vld [tilespmem:s29+$0x2960]  }
0x91: {  	v2 =	vadd.f32 v3, v2;
	v3 =	vmul.f32 v5, v4;
	v4 =	vld [tilespmem:s29+$0x170]  }
0x92: {  	v5 =	vld [tilespmem:s29+$0x2970]  }
0x93: {  	v2 =	vadd.f32 v3, v2;
	v3 =	vmul.f32 v7, v6;
	_ =	sdelay $0x1  }
0x94: {  	v2 =	vadd.f32 v3, v2;
	v3 =	vmul.f32 v9, v8;
	_ =	sdelay $0x1  }
.Ltmp2:
0x95: {  	v3 =	vadd.f32 v3, v2;
	v4 =	vmul.f32 v5, v4;
	(pc) =	sbr.rel @p2 .LBB2_7-.Ltmp2, $4  }
0x96: {  	s31 =	sshra.s32 s30, $0x2  }
0x97: {  	v2 =	vld [tilespmem:s31+$0x2900];
	v5 =	vadd.f32 v4, v3  }
0x98: {  	v3 =	vld [tilespmem:s31+$0x110]  }
0x99: {  	s30 =	sadd.s32 $0x200, s30;
	v4 =	vld [tilespmem:s31+$0x2910];
	[tilespmem:s29+$0x100] =	vst v5;
	s29 =	smov.u32 s31  }
0x9a: {  	v5 =	vld [tilespmem:s29+$0x100]  }
0x9b: {  	v6 =	vld [tilespmem:s29+$0x120]  }
0x9c: {  	v7 =	vld [tilespmem:s29+$0x2920]  }
0x9d: {  	v8 =	vld [tilespmem:s29+$0x130]  }
0x9e: {  	v9 =	vld [tilespmem:s29+$0x2930]  }
0x9f: {  	v56 =	vld [tilespmem:s29+$0x140];
	v3 =	vmul.f32 v4, v3;
	v2 =	vmul.f32 v2, v5  }
0xa0: {  	v57 =	vld [tilespmem:s29+$0x2940]  }
0xa1: {  	v58 =	vld [tilespmem:s29+$0x150];
	v2 =	vadd.f32 v3, v2;
	v3 =	vmul.f32 v7, v6  }
0xa2: {  	v59 =	vld [tilespmem:s29+$0x2950]  }
0xa3: {  	v60 =	vld [tilespmem:s29+$0x160];
	v2 =	vadd.f32 v3, v2;
	v3 =	vmul.f32 v9, v8  }
0xa4: {  	v61 =	vld [tilespmem:s29+$0x2960]  }
0xa5: {  	v62 =	vld [tilespmem:s29+$0x170];
	v2 =	vadd.f32 v3, v2;
	v3 =	vmul.f32 v57, v56  }
0xa6: {  	v63 =	vld [tilespmem:s29+$0x2970]  }
0xa7: {  	v2 =	vadd.f32 v3, v2;
	v3 =	vmul.f32 v59, v58;
	_ =	sdelay $0x1  }
0xa8: {  	v2 =	vadd.f32 v3, v2;
	v3 =	vmul.f32 v61, v60;
	_ =	sdelay $0x1  }
0xa9: {  	v2 =	vadd.f32 v3, v2;
	v3 =	vmul.f32 v63, v62;
	_ =	sdelay $0x1  }
0xaa: {  	v2 =	vadd.f32 v3, v2;
	_ =	sdelay $0x1  }
0xab: {  	[tilespmem:s29+$0x100] =	vst v2;
	s29 =	simm.s32 $0x0  }
.LBB2_9:
0xac: {  	s30 =	sshll.u32 s29, $0x4  }
0xad: {  	v2 =	vmov s30  }
0xae: {  	v2 =	vshll.u32 v2, $0x7  }
0xaf: {  	v2 =	vor.u32 v1, v2  }
0xb0: {  	v3 =	vor.u32 $0x1, v2;
	_ =	sdelay $0x1  }
0xb1: {  	v4 =	vor.u32 $0x2, v2;
	_ =	sdelay $0x1  }
0xb2: {  	v6 =	vor.u32 $0x3, v2;
	v5 =	vld.idx.msk [tilespmem:v2+s19+$0x0], $0xffff  }
0xb3: {  	v3 =	vld.idx.msk [tilespmem:v3+s19+$0x0], $0xffff  }
0xb4: {  	v7 =	vor.u32 $0x4, v2  }
0xb5: {  	v4 =	vld.idx.msk [tilespmem:v4+s19+$0x0], $0xffff  }
0xb6: {  	v8 =	vor.u32 $0x5, v2  }
0xb7: {  	v6 =	vld.idx.msk [tilespmem:v6+s19+$0x0], $0xffff  }
0xb8: {  	v61 =	vor.u32 $0x6, v2;
	v3 =	vadd.f32 v3, v5  }
0xb9: {  	v7 =	vld.idx.msk [tilespmem:v7+s19+$0x0], $0xffff  }
0xba: {  	v62 =	vor.u32 $0x7, v2;
	v3 =	vadd.f32 v4, v3  }
0xbb: {  	v8 =	vld.idx.msk [tilespmem:v8+s19+$0x0], $0xffff  }
0xbc: {  	v63 =	vor.u32 $0x8, v2;
	v3 =	vadd.f32 v6, v3  }
0xbd: {  	v5 =	vld.idx.msk [tilespmem:v61+s19+$0x0], $0xffff  }
0xbe: {  	v12 =	vor.u32 $0x9, v2;
	v3 =	vadd.f32 v7, v3  }
0xbf: {  	v4 =	vld.idx.msk [tilespmem:v62+s19+$0x0], $0xffff  }
0xc0: {  	v13 =	vor.u32 $0xA, v2;
	v3 =	vadd.f32 v8, v3  }
0xc1: {  	v6 =	vld.idx.msk [tilespmem:v63+s19+$0x0], $0xffff  }
0xc2: {  	v14 =	vor.u32 $0xB, v2;
	v3 =	vadd.f32 v5, v3  }
0xc3: {  	v7 =	vld.idx.msk [tilespmem:v12+s19+$0x0], $0xffff  }
0xc4: {  	v15 =	vor.u32 $0xC, v2;
	v3 =	vadd.f32 v4, v3  }
0xc5: {  	v8 =	vld.idx.msk [tilespmem:v13+s19+$0x0], $0xffff  }
0xc6: {  	v16 =	vor.u32 $0xD, v2;
	v3 =	vadd.f32 v6, v3  }
0xc7: {  	v5 =	vld.idx.msk [tilespmem:v14+s19+$0x0], $0xffff  }
0xc8: {  	v17 =	vor.u32 $0xE, v2;
	v3 =	vadd.f32 v7, v3  }
0xc9: {  	v4 =	vld.idx.msk [tilespmem:v15+s19+$0x0], $0xffff  }
0xca: {  	v2 =	vor.u32 $0xF, v2;
	v3 =	vadd.f32 v8, v3  }
0xcb: {  	v6 =	vld.idx.msk [tilespmem:v16+s19+$0x0], $0xffff  }
0xcc: {  	v3 =	vadd.f32 v5, v3  }
0xcd: {  	v18 =	vld.idx.msk [tilespmem:v17+s19+$0x0], $0xffff  }
0xce: {  	v3 =	vadd.f32 v4, v3  }
0xcf: {  	v2 =	vld.idx.msk [tilespmem:v2+s19+$0x0], $0xffff  }
0xd0: {  	v3 =	vadd.f32 v6, v3;
	_ =	sdelay $0x1  }
0xd1: {  	v3 =	vadd.f32 v18, v3;
	_ =	sdelay $0x1  }
0xd2: {  	v2 =	vadd.f32 v2, v3;
	_ =	sdelay $0x1  }
0xd3: {  	v2 =	vmul.f32 $8.838834610e-02, v2;
	_ =	sdelay $0x1  }
0xd4: {  	v2 =	vmul.f32 $1.442695020e+00, v2;
	_ =	sdelay $0x1  }
0xd5: {  	(erf) = vpow2.f32 v2;
	_ =	sdelay $0x1  }
0xd6: {  	v3 =	vld [tilespmem:s30+$0x80];
	_ =	sdelay $0x6  }
0xd7: {  	s31 =	sshll.u32 s29, $0xB;
	v2 =	vpop (erf)  }
0xd8: {  	s30 =	sand.u32 $0x3FFFF800, s31;
	[tilespmem:v3+s24+$0x0] =	vst.idx.add.f32.msk $0xffff, v2  }
0xd9: {  	v3 =	vld [tilespmem:s30+$0x5100]  }
0xda: {  	v19 =	vld [tilespmem:s30+$0x5110]  }
0xdb: {  	v20 =	vld [tilespmem:s30+$0x5120]  }
0xdc: {  	v21 =	vbroadcast v2, $0x0;
	v22 =	vld [tilespmem:s30+$0x5130]  }
0xdd: {  	v23 =	vld [tilespmem:s30+$0x5140]  }
0xde: {  	v9 =	vld [tilespmem:s30+$0x5150];
	v3 =	vmul.f32 v21, v3  }
0xdf: {  	v10 =	vld [tilespmem:s30+$0x5160];
	v4 =	vmul.f32 v21, v19  }
0xe0: {  	v24 =	vld [tilespmem:s30+$0x5170];
	[tilespmem:s30+$0x5100] =	vst v3;
	v3 =	vmul.f32 v20, v21  }
0xe1: {  	v26 =	vld [tilespmem:s30+$0x5180];
	v25 =	vmul.f32 v22, v21;
	[tilespmem:s30+$0x5110] =	vst v4  }
0xe2: {  	v27 =	vld [tilespmem:s30+$0x5190];
	[tilespmem:s30+$0x5120] =	vst v3;
	v3 =	vmul.f32 v23, v21  }
0xe3: {  	v29 =	vld [tilespmem:s30+$0x51A0];
	v28 =	vmul.f32 v9, v21;
	[tilespmem:s30+$0x5130] =	vst v25  }
0xe4: {  	v30 =	vbroadcast v2, $0x1;
	v11 =	vld [tilespmem:s30+$0x51B0];
	[tilespmem:s30+$0x5140] =	vst v3;
	v3 =	vmul.f32 v10, v21  }
0xe5: {  	v32 =	vld [tilespmem:s30+$0x51C0];
	v31 =	vmul.f32 v24, v21;
	[tilespmem:s30+$0x5150] =	vst v28  }
0xe6: {  	v33 =	vld [tilespmem:s30+$0x51D0];
	[tilespmem:s30+$0x5160] =	vst v3;
	v3 =	vmul.f32 v26, v30  }
0xe7: {  	v35 =	vld [tilespmem:s30+$0x51E0];
	v34 =	vmul.f32 v27, v30;
	[tilespmem:s30+$0x5170] =	vst v31  }
0xe8: {  	v36 =	vld [tilespmem:s30+$0x51F0];
	[tilespmem:s30+$0x5180] =	vst v3;
	v3 =	vmul.f32 v29, v30  }
0xe9: {  	v38 =	vld [tilespmem:s30+$0x5200];
	v37 =	vmul.f32 v11, v30;
	[tilespmem:s30+$0x5190] =	vst v34  }
0xea: {  	v39 =	vld [tilespmem:s30+$0x5210];
	[tilespmem:s30+$0x51A0] =	vst v3;
	v3 =	vmul.f32 v32, v30  }
0xeb: {  	v41 =	vld [tilespmem:s30+$0x5220];
	v40 =	vmul.f32 v33, v30;
	[tilespmem:s30+$0x51B0] =	vst v37  }
0xec: {  	v42 =	vbroadcast v2, $0x2;
	v43 =	vld [tilespmem:s30+$0x5230];
	[tilespmem:s30+$0x51C0] =	vst v3;
	v3 =	vmul.f32 v35, v30  }
0xed: {  	v45 =	vld [tilespmem:s30+$0x5240];
	v44 =	vmul.f32 v36, v30;
	[tilespmem:s30+$0x51D0] =	vst v40  }
0xee: {  	v46 =	vld [tilespmem:s30+$0x5250];
	[tilespmem:s30+$0x51E0] =	vst v3;
	v3 =	vmul.f32 v38, v42  }
0xef: {  	v48 =	vld [tilespmem:s30+$0x5260];
	v47 =	vmul.f32 v39, v42;
	[tilespmem:s30+$0x51F0] =	vst v44  }
0xf0: {  	v49 =	vld [tilespmem:s30+$0x5270];
	[tilespmem:s30+$0x5200] =	vst v3;
	v3 =	vmul.f32 v41, v42  }
0xf1: {  	v51 =	vld [tilespmem:s30+$0x5280];
	v50 =	vmul.f32 v43, v42;
	[tilespmem:s30+$0x5210] =	vst v47  }
0xf2: {  	v52 =	vld [tilespmem:s30+$0x5290];
	[tilespmem:s30+$0x5220] =	vst v3;
	v3 =	vmul.f32 v45, v42  }
0xf3: {  	v54 =	vld [tilespmem:s30+$0x52A0];
	v53 =	vmul.f32 v46, v42;
	[tilespmem:s30+$0x5230] =	vst v50  }
0xf4: {  	v55 =	vbroadcast v2, $0x3;
	v56 =	vld [tilespmem:s30+$0x52B0];
	[tilespmem:s30+$0x5240] =	vst v3;
	v3 =	vmul.f32 v48, v42  }
0xf5: {  	v58 =	vld [tilespmem:s30+$0x52C0];
	v57 =	vmul.f32 v49, v42;
	[tilespmem:s30+$0x5250] =	vst v53  }
0xf6: {  	v59 =	vld [tilespmem:s30+$0x52D0];
	[tilespmem:s30+$0x5260] =	vst v3;
	v3 =	vmul.f32 v51, v55  }
0xf7: {  	v61 =	vld [tilespmem:s30+$0x52E0];
	v60 =	vmul.f32 v52, v55;
	[tilespmem:s30+$0x5270] =	vst v57  }
0xf8: {  	v62 =	vld [tilespmem:s30+$0x52F0];
	[tilespmem:s30+$0x5280] =	vst v3;
	v3 =	vmul.f32 v54, v55  }
0xf9: {  	v12 =	vld [tilespmem:s30+$0x5300];
	v63 =	vmul.f32 v56, v55;
	[tilespmem:s30+$0x5290] =	vst v60  }
0xfa: {  	v17 =	vld [tilespmem:s30+$0x5330];
	[tilespmem:s30+$0x52A0] =	vst v3;
	v3 =	vmul.f32 v58, v55  }
0xfb: {  	v15 =	vld [tilespmem:s30+$0x5320];
	v14 =	vmul.f32 v59, v55;
	[tilespmem:s30+$0x52B0] =	vst v63  }
0xfc: {  	v16 =	vbroadcast v2, $0x4;
	v13 =	vld [tilespmem:s30+$0x5310];
	[tilespmem:s30+$0x52C0] =	vst v3;
	v3 =	vmul.f32 v61, v55  }
0xfd: {  	v18 =	vmul.f32 v62, v55;
	v19 =	vld [tilespmem:s30+$0x5340];
	[tilespmem:s30+$0x52D0] =	vst v14  }
0xfe: {  	v20 =	vld [tilespmem:s30+$0x5350];
	[tilespmem:s30+$0x52E0] =	vst v3;
	v3 =	vmul.f32 v12, v16  }
0xff: {  	v22 =	vld [tilespmem:s30+$0x5360];
	v24 =	vmul.f32 v17, v16;
	[tilespmem:s30+$0x52F0] =	vst v18  }
0x100: {  	v23 =	vld [tilespmem:s30+$0x5370];
	[tilespmem:s30+$0x5300] =	vst v3;
	v3 =	vmul.f32 v15, v16  }
0x101: {  	v25 =	vld [tilespmem:s30+$0x5380];
	[tilespmem:s30+$0x5330] =	vst v24;
	v21 =	vmul.f32 v13, v16  }
0x102: {  	v33 =	vld [tilespmem:s30+$0x53D0];
	[tilespmem:s30+$0x5320] =	vst v3;
	v3 =	vmul.f32 v19, v16  }
0x103: {  	v28 =	vld [tilespmem:s30+$0x53A0];
	v27 =	vmul.f32 v20, v16;
	[tilespmem:s30+$0x5310] =	vst v21  }
0x104: {  	v36 =	vld [tilespmem:s30+$0x53F0];
	v29 =	vbroadcast v2, $0x5;
	[tilespmem:s30+$0x5340] =	vst v3;
	v3 =	vmul.f32 v22, v16  }
0x105: {  	[tilespmem:s30+$0x5350] =	vst v27;
	v31 =	vmul.f32 v23, v16;
	v32 =	vld [tilespmem:s30+$0x53C0]  }
0x106: {  	v26 =	vld [tilespmem:s30+$0x5390];
	[tilespmem:s30+$0x5360] =	vst v3;
	v3 =	vmul.f32 v25, v29  }
0x107: {  	[tilespmem:s30+$0x5370] =	vst v31;
	v40 =	vmul.f32 v33, v29;
	v35 =	vld [tilespmem:s30+$0x53E0]  }
0x108: {  	v30 =	vld [tilespmem:s30+$0x53B0];
	[tilespmem:s30+$0x5380] =	vst v3;
	v3 =	vmul.f32 v28, v29  }
0x109: {  	v44 =	vmul.f32 v36, v29;
	[tilespmem:s30+$0x53D0] =	vst v40;
	v38 =	vld [tilespmem:s30+$0x5400]  }
0x10a: {  	v39 =	vld [tilespmem:s30+$0x5410];
	[tilespmem:s30+$0x53A0] =	vst v3;
	v3 =	vmul.f32 v32, v29  }
0x10b: {  	v34 =	vmul.f32 v26, v29;
	[tilespmem:s30+$0x53F0] =	vst v44;
	v41 =	vld [tilespmem:s30+$0x5420]  }
0x10c: {  	v43 =	vld [tilespmem:s30+$0x5430];
	v42 =	vbroadcast v2, $0x6;
	[tilespmem:s30+$0x53C0] =	vst v3;
	v3 =	vmul.f32 v35, v29  }
0x10d: {  	[tilespmem:s30+$0x5390] =	vst v34;
	v37 =	vmul.f32 v30, v29;
	v45 =	vld [tilespmem:s30+$0x5440]  }
0x10e: {  	v46 =	vld [tilespmem:s30+$0x5450];
	[tilespmem:s30+$0x53E0] =	vst v3;
	v3 =	vmul.f32 v38, v42  }
0x10f: {  	[tilespmem:s30+$0x53B0] =	vst v37;
	v48 =	vld [tilespmem:s30+$0x5460];
	v47 =	vmul.f32 v39, v42  }
0x110: {  	v49 =	vld [tilespmem:s30+$0x5470];
	[tilespmem:s30+$0x5400] =	vst v3;
	v3 =	vmul.f32 v41, v42  }
0x111: {  	v50 =	vmul.f32 v43, v42;
	v51 =	vld [tilespmem:s30+$0x5480];
	[tilespmem:s30+$0x5410] =	vst v47  }
0x112: {  	v52 =	vld [tilespmem:s30+$0x5490];
	[tilespmem:s30+$0x5420] =	vst v3;
	v3 =	vmul.f32 v45, v42  }
0x113: {  	v53 =	vmul.f32 v46, v42;
	[tilespmem:s30+$0x5430] =	vst v50;
	v54 =	vld [tilespmem:s30+$0x54A0]  }
0x114: {  	v56 =	vld [tilespmem:s30+$0x54B0];
	v55 =	vbroadcast v2, $0x7;
	[tilespmem:s30+$0x5440] =	vst v3;
	v3 =	vmul.f32 v48, v42  }
0x115: {  	v57 =	vmul.f32 v49, v42;
	[tilespmem:s30+$0x5450] =	vst v53;
	v58 =	vld [tilespmem:s30+$0x54C0]  }
0x116: {  	v59 =	vld [tilespmem:s30+$0x54D0];
	[tilespmem:s30+$0x5460] =	vst v3;
	v3 =	vmul.f32 v51, v55  }
0x117: {  	[tilespmem:s30+$0x5470] =	vst v57;
	v61 =	vld [tilespmem:s30+$0x54E0];
	v60 =	vmul.f32 v52, v55  }
0x118: {  	v62 =	vld [tilespmem:s30+$0x54F0];
	[tilespmem:s30+$0x5480] =	vst v3;
	v3 =	vmul.f32 v54, v55  }
0x119: {  	v63 =	vmul.f32 v56, v55;
	v12 =	vld [tilespmem:s30+$0x5500];
	[tilespmem:s30+$0x5490] =	vst v60  }
0x11a: {  	v13 =	vld [tilespmem:s30+$0x5510];
	[tilespmem:s30+$0x54A0] =	vst v3;
	v3 =	vmul.f32 v58, v55  }
0x11b: {  	v14 =	vmul.f32 v59, v55;
	[tilespmem:s30+$0x54B0] =	vst v63;
	v15 =	vld [tilespmem:s30+$0x5520]  }
0x11c: {  	v17 =	vld [tilespmem:s30+$0x5530];
	v16 =	vbroadcast v2, $0x8;
	[tilespmem:s30+$0x54C0] =	vst v3;
	v3 =	vmul.f32 v61, v55  }
0x11d: {  	v18 =	vmul.f32 v62, v55;
	[tilespmem:s30+$0x54D0] =	vst v14;
	v19 =	vld [tilespmem:s30+$0x5540]  }
0x11e: {  	v20 =	vld [tilespmem:s30+$0x5550];
	[tilespmem:s30+$0x54E0] =	vst v3;
	v3 =	vmul.f32 v12, v16  }
0x11f: {  	[tilespmem:s30+$0x54F0] =	vst v18;
	v22 =	vld [tilespmem:s30+$0x5560];
	v21 =	vmul.f32 v13, v16  }
0x120: {  	v23 =	vld [tilespmem:s30+$0x5570];
	[tilespmem:s30+$0x5500] =	vst v3;
	v3 =	vmul.f32 v15, v16  }
0x121: {  	v24 =	vmul.f32 v17, v16;
	v25 =	vld [tilespmem:s30+$0x5580];
	[tilespmem:s30+$0x5510] =	vst v21  }
0x122: {  	v26 =	vld [tilespmem:s30+$0x5590];
	[tilespmem:s30+$0x5520] =	vst v3;
	v3 =	vmul.f32 v19, v16  }
0x123: {  	v27 =	vmul.f32 v20, v16;
	[tilespmem:s30+$0x5530] =	vst v24;
	v28 =	vld [tilespmem:s30+$0x55A0]  }
0x124: {  	v30 =	vld [tilespmem:s30+$0x55B0];
	v29 =	vbroadcast v2, $0x9;
	[tilespmem:s30+$0x5540] =	vst v3;
	v3 =	vmul.f32 v22, v16  }
0x125: {  	v31 =	vmul.f32 v23, v16;
	[tilespmem:s30+$0x5550] =	vst v27;
	v32 =	vld [tilespmem:s30+$0x55C0]  }
0x126: {  	v33 =	vld [tilespmem:s30+$0x55D0];
	[tilespmem:s30+$0x5560] =	vst v3;
	v3 =	vmul.f32 v25, v29  }
0x127: {  	[tilespmem:s30+$0x5570] =	vst v31;
	v35 =	vld [tilespmem:s30+$0x55E0];
	v34 =	vmul.f32 v26, v29  }
0x128: {  	v36 =	vld [tilespmem:s30+$0x55F0];
	[tilespmem:s30+$0x5580] =	vst v3;
	v3 =	vmul.f32 v28, v29  }
0x129: {  	v37 =	vmul.f32 v30, v29;
	v38 =	vld [tilespmem:s30+$0x5600];
	[tilespmem:s30+$0x5590] =	vst v34  }
0x12a: {  	v39 =	vld [tilespmem:s30+$0x5610];
	[tilespmem:s30+$0x55A0] =	vst v3;
	v3 =	vmul.f32 v32, v29  }
0x12b: {  	v40 =	vmul.f32 v33, v29;
	[tilespmem:s30+$0x55B0] =	vst v37;
	v41 =	vld [tilespmem:s30+$0x5620]  }
0x12c: {  	v43 =	vld [tilespmem:s30+$0x5630];
	v42 =	vbroadcast v2, $0xA;
	[tilespmem:s30+$0x55C0] =	vst v3;
	v3 =	vmul.f32 v35, v29  }
0x12d: {  	v44 =	vmul.f32 v36, v29;
	[tilespmem:s30+$0x55D0] =	vst v40;
	v45 =	vld [tilespmem:s30+$0x5640]  }
0x12e: {  	v46 =	vld [tilespmem:s30+$0x5650];
	[tilespmem:s30+$0x55E0] =	vst v3;
	v3 =	vmul.f32 v38, v42  }
0x12f: {  	[tilespmem:s30+$0x55F0] =	vst v44;
	v48 =	vld [tilespmem:s30+$0x5660];
	v47 =	vmul.f32 v39, v42  }
0x130: {  	v49 =	vld [tilespmem:s30+$0x5670];
	[tilespmem:s30+$0x5600] =	vst v3;
	v3 =	vmul.f32 v41, v42  }
0x131: {  	v50 =	vmul.f32 v43, v42;
	v51 =	vld [tilespmem:s30+$0x5680];
	[tilespmem:s30+$0x5610] =	vst v47  }
0x132: {  	v52 =	vld [tilespmem:s30+$0x5690];
	[tilespmem:s30+$0x5620] =	vst v3;
	v3 =	vmul.f32 v45, v42  }
0x133: {  	v53 =	vmul.f32 v46, v42;
	[tilespmem:s30+$0x5630] =	vst v50;
	v54 =	vld [tilespmem:s30+$0x56A0]  }
0x134: {  	v56 =	vld [tilespmem:s30+$0x56B0];
	v55 =	vbroadcast v2, $0xB;
	[tilespmem:s30+$0x5640] =	vst v3;
	v3 =	vmul.f32 v48, v42  }
0x135: {  	v57 =	vmul.f32 v49, v42;
	[tilespmem:s30+$0x5650] =	vst v53;
	v58 =	vld [tilespmem:s30+$0x56C0]  }
0x136: {  	v59 =	vld [tilespmem:s30+$0x56D0];
	[tilespmem:s30+$0x5660] =	vst v3;
	v3 =	vmul.f32 v51, v55  }
0x137: {  	[tilespmem:s30+$0x5670] =	vst v57;
	v61 =	vld [tilespmem:s30+$0x56E0];
	v60 =	vmul.f32 v52, v55  }
0x138: {  	v62 =	vld [tilespmem:s30+$0x56F0];
	[tilespmem:s30+$0x5680] =	vst v3;
	v3 =	vmul.f32 v54, v55  }
0x139: {  	v63 =	vmul.f32 v56, v55;
	v12 =	vld [tilespmem:s30+$0x5700];
	[tilespmem:s30+$0x5690] =	vst v60  }
0x13a: {  	v13 =	vld [tilespmem:s30+$0x5710];
	[tilespmem:s30+$0x56A0] =	vst v3;
	v3 =	vmul.f32 v58, v55  }
0x13b: {  	v14 =	vmul.f32 v59, v55;
	[tilespmem:s30+$0x56B0] =	vst v63;
	v15 =	vld [tilespmem:s30+$0x5720]  }
0x13c: {  	v17 =	vld [tilespmem:s30+$0x5730];
	v16 =	vbroadcast v2, $0xC;
	[tilespmem:s30+$0x56C0] =	vst v3;
	v3 =	vmul.f32 v61, v55  }
0x13d: {  	v18 =	vmul.f32 v62, v55;
	[tilespmem:s30+$0x56D0] =	vst v14;
	v19 =	vld [tilespmem:s30+$0x5740]  }
0x13e: {  	v20 =	vld [tilespmem:s30+$0x5750];
	[tilespmem:s30+$0x56E0] =	vst v3;
	v3 =	vmul.f32 v12, v16  }
0x13f: {  	[tilespmem:s30+$0x56F0] =	vst v18;
	v22 =	vld [tilespmem:s30+$0x5760];
	v21 =	vmul.f32 v13, v16  }
0x140: {  	v23 =	vld [tilespmem:s30+$0x5770];
	[tilespmem:s30+$0x5700] =	vst v3;
	v3 =	vmul.f32 v15, v16  }
0x141: {  	v24 =	vmul.f32 v17, v16;
	v25 =	vld [tilespmem:s30+$0x5780];
	[tilespmem:s30+$0x5710] =	vst v21  }
0x142: {  	v26 =	vld [tilespmem:s30+$0x5790];
	[tilespmem:s30+$0x5720] =	vst v3;
	v3 =	vmul.f32 v19, v16  }
0x143: {  	v27 =	vmul.f32 v20, v16;
	[tilespmem:s30+$0x5730] =	vst v24;
	v28 =	vld [tilespmem:s30+$0x57A0]  }
0x144: {  	v30 =	vld [tilespmem:s30+$0x57B0];
	v29 =	vbroadcast v2, $0xD;
	[tilespmem:s30+$0x5740] =	vst v3;
	v3 =	vmul.f32 v22, v16  }
0x145: {  	v31 =	vmul.f32 v23, v16;
	[tilespmem:s30+$0x5750] =	vst v27;
	v32 =	vld [tilespmem:s30+$0x57C0]  }
0x146: {  	v33 =	vld [tilespmem:s30+$0x57D0];
	[tilespmem:s30+$0x5760] =	vst v3;
	v3 =	vmul.f32 v25, v29  }
0x147: {  	[tilespmem:s30+$0x5770] =	vst v31;
	v35 =	vld [tilespmem:s30+$0x57E0];
	v34 =	vmul.f32 v26, v29  }
0x148: {  	v36 =	vld [tilespmem:s30+$0x57F0];
	[tilespmem:s30+$0x5780] =	vst v3;
	v3 =	vmul.f32 v28, v29  }
0x149: {  	v37 =	vmul.f32 v30, v29;
	v38 =	vld [tilespmem:s30+$0x5800];
	[tilespmem:s30+$0x5790] =	vst v34  }
0x14a: {  	v39 =	vld [tilespmem:s30+$0x5810];
	[tilespmem:s30+$0x57A0] =	vst v3;
	v3 =	vmul.f32 v32, v29  }
0x14b: {  	v40 =	vmul.f32 v33, v29;
	[tilespmem:s30+$0x57B0] =	vst v37;
	v41 =	vld [tilespmem:s30+$0x5820]  }
0x14c: {  	v43 =	vld [tilespmem:s30+$0x5830];
	v42 =	vbroadcast v2, $0xE;
	[tilespmem:s30+$0x57C0] =	vst v3;
	v3 =	vmul.f32 v35, v29  }
0x14d: {  	v44 =	vmul.f32 v36, v29;
	[tilespmem:s30+$0x57D0] =	vst v40;
	v45 =	vld [tilespmem:s30+$0x5840]  }
0x14e: {  	v46 =	vld [tilespmem:s30+$0x5850];
	[tilespmem:s30+$0x57E0] =	vst v3;
	v3 =	vmul.f32 v38, v42  }
0x14f: {  	[tilespmem:s30+$0x57F0] =	vst v44;
	v48 =	vld [tilespmem:s30+$0x5860];
	v47 =	vmul.f32 v39, v42  }
0x150: {  	v49 =	vld [tilespmem:s30+$0x5870];
	[tilespmem:s30+$0x5800] =	vst v3;
	v3 =	vmul.f32 v41, v42  }
0x151: {  	v50 =	vmul.f32 v43, v42;
	v51 =	vld [tilespmem:s30+$0x5880];
	[tilespmem:s30+$0x5810] =	vst v47  }
0x152: {  	v52 =	vld [tilespmem:s30+$0x5890];
	[tilespmem:s30+$0x5820] =	vst v3;
	v3 =	vmul.f32 v45, v42  }
0x153: {  	v53 =	vmul.f32 v46, v42;
	[tilespmem:s30+$0x5830] =	vst v50;
	v54 =	vld [tilespmem:s30+$0x58A0]  }
0x154: {  	v2 =	vbroadcast v2, $0xF;
	v58 =	vld [tilespmem:s30+$0x58D0];
	[tilespmem:s30+$0x5840] =	vst v3;
	v3 =	vmul.f32 v48, v42  }
0x155: {  	v57 =	vld [tilespmem:s30+$0x58C0];
	v56 =	vmul.f32 v49, v42;
	[tilespmem:s30+$0x5850] =	vst v53  }
0x156: {  	v55 =	vld [tilespmem:s30+$0x58B0];
	[tilespmem:s30+$0x5860] =	vst v3;
	v3 =	vmul.f32 v51, v2  }
0x157: {  	v60 =	vld [tilespmem:s30+$0x58E0];
	v59 =	vmul.f32 v52, v2;
	[tilespmem:s30+$0x5870] =	vst v56  }
0x158: {  	v61 =	vld [tilespmem:s30+$0x58F0];
	[tilespmem:s30+$0x5880] =	vst v3;
	v3 =	vmul.f32 v54, v2  }
0x159: {  	[tilespmem:s30+$0x5890] =	vst v59;
	v63 =	vmul.f32 v58, v2  }
0x15a: {  	p2 =	sne.s32 s29, $0x4;
	[tilespmem:s30+$0x58A0] =	vst v3;
	v3 =	vmul.f32 v57, v2  }
.Ltmp3:
0x15b: {  	v62 =	vmul.f32 v55, v2;
	[tilespmem:s30+$0x58D0] =	vst v63;
	(pc) =	sbr.rel @p2 .LBB2_9-.Ltmp3, $4  }
0x15c: {  	[tilespmem:s30+$0x58C0] =	vst v3;
	v3 =	vmul.f32 v60, v2  }
0x15d: {  	[tilespmem:s30+$0x58B0] =	vst v62;
	v2 =	vmul.f32 v61, v2  }
0x15e: {  	[tilespmem:s30+$0x58E0] =	vst v3  }
0x15f: {  	s29 =	sadd.s32 $0x1, s29;
	[tilespmem:s30+$0x58F0] =	vst v2  }
0x160: {  	s28 =	sadd.s32 $0x1, s28  }
0x161: {  	p2 =	sne.s32 s28, $0x7D  }
.Ltmp4:
0x162: {  	_ = 	snop;
	(pc) =	sbr.rel @p2 .LBB2_6-.Ltmp4, $4  }
0x163: {  	[spmem:s1] =	stream.indirect.scatter.add.f32 [tilespmem:s15], [sflag:$0x4], $0x80, s17, s18, $0xb8;
	[tilespmem:$0x1D900] =	vst v63  }
0x164: {  	_ =	swait.ge [sflag:s16], $0x2800  }
0x165: {  	[sflag:s16] =	ssyncset.done $0x0  }
0x166: {  	[sflag:s16] =	ssyncadd.s32 $0xFFFFD800  }
0x167: {  	[bflag:$0x0] =	sbarrier.arrive $0xFFFF;
	s26 =	sshrl.u32 @!p1 s1, $0x3;
	s28 =	simm.s32 @!p1 $0x1C04  }
0x168: {  	[hbm:s10], [sflag:s28] =	dma.local @!p1 [spmem:s26], $0x27100  }
0x169: {  	s26 =	simm.s32 @!p1 $0x4  }
0x16a: {  	s25 =	sadd.s32 $0x1, s25;
	_ =	swait.ge @!p1 [sflag:s26], $0x27100  }
0x16b: {  	p2 =	sne.s32 s25, s12;
	[sflag:s26] =	ssyncset.done @!p1 $0x0  }
.Ltmp5:
0x16c: {  	[sflag:s26] =	ssyncadd.s32 @!p1 $0xFFFD8F00;
	(pc) =	sbr.rel @p2 .LBB2_1-.Ltmp5, $4  }
0x16d: {  	[hbm4b:s11+s2] =	stream.linear.scatter [tilespmem:s24], [sflag:$0x4], $0x2710, $0x38;
	[tilespmem:$0x1D900] =	vst v63  }
0x16e: {  	_ =	swait.ge [sflag:s16], $0x2710  }
0x16f: {  	[sflag:s16] =	ssyncset.done $0x0  }
0x170: {  	[sflag:s16] =	ssyncadd.s32 $0xFFFFD8F0  }
0x171: {  	_ =	sfence.sel $0x180000  }
0x172: {  	[bflag:$0x0] =	sbarrier.arrive $0xFFFF  }
0x173: {  	_ =	strace $0x9000004A  }
0x174: {  	s0 =	sadd.s32 @!p1 $0x100000, s0;
	[bflag:$0x2] =	sbarrier.arrive $0xFFFF  }
0x175: {  	[sflag:s0] =	ssyncadd.tile.s32 @!p1 $0x1;
	_ =	shalt  }
.Lfunc_end2:
_tile_overlayer_lowered:
.L_overlay_start_2:
0x176: {  	(tag) =	ssettag $0x2  }
0x177: {  	s0 =	rddreg [dreg:$0x0];
	s2 =	stileid.u32  }
0x178: {  	s1 =	rddreg [dreg:$0x1];
	p0 =	sne.s32 s2, $0x0  }
0x179: {  	s3 =	rddreg [dreg:$0x2];
	[bflag:$0x3] =	sbarrier.arrive $0xFFFF;
	s2 =	simm.s32 @!p0 $0x1C04  }
0x17a: {  	[timem:s3], [sflag:s2] =	dma.local @!p0 [hbm:s0], s1  }
0x17b: {  	s0 =	simm.s32 @!p0 $0x4  }
0x17c: {  	_ =	swait.ge @!p0 [sflag:s0], s1  }
0x17d: {  	s1 =	ssub.s32 @!p0 $0x0, s1;
	[sflag:s0] =	ssyncset.done @!p0 $0x0  }
0x17e: {  	[sflag:s0] =	ssyncadd.s32 @!p0 s1  }
0x17f: {  	[bflag:$0x3] =	sbarrier.arrive $0xFFFF  }
0x180: {  	_ =	shalt  }

// kernel: kernel.7.cloned.1.call-start
scs
__scs_entry_jumppad:
0x0: {  	(pc) =	sbr.rel $0x88, $3  }
0x1: {  	(tag) =	ssettag $0x0;
	lr =	simm.s32 $0x1  }
0x2: {  	[smem:$0x3F8C] =	sst lr;
	_ =	strace $0xD0000000  }
0x3: {  	_ = 	snop  }
0x4: {  	_ = 	snop  }
0x5: {  	_ = 	snop  }
0x6: {  	_ = 	snop  }
0x7: {  	_ = 	snop  }
__scs_overlays_trampoline_lowered:
0x8: {  	[smem:$0x3F9B] =	sst s0  }
0x9: {  	[smem:$0x3F9C] =	sst s1  }
0xa: {  	[smem:$0x3F9D] =	sst s2  }
0xb: {  	[smem:$0x3F9E] =	sst s3  }
0xc: {  	[smem:$0x3F9F] =	sst s4  }
0xd: {  	[smem:$0x3FA0] =	sst s5  }
0xe: {  	[smem:$0x3FA1] =	sst s6  }
0xf: {  	[smem:$0x3FA2] =	sst s7  }
0x10: {  	[smem:$0x3FA3] =	sst s8  }
0x11: {  	[smem:$0x3FA4] =	sst s9;
	s0 =	simm.s32 @!p0 $0x0  }
0x12: {  	s1 =	sld [smem:$0x3F8A];
	s0 =	simm.s32 @p0 $0x1  }
0x13: {  	[smem:$0x3FA5] =	sst s0;
	s0 =	simm.s32 @!p1 $0x0  }
0x14: {  	s2 =	sld [smem:$0x3F89];
	s0 =	simm.s32 @p1 $0x1  }
0x15: {  	[smem:$0x3FA6] =	sst s0;
	s0 =	simm.s32 @!p2 $0x0  }
0x16: {  	s3 =	sld [smem:$0x3FDB];
	s0 =	simm.s32 @p2 $0x1  }
0x17: {  	s4 =	simm.s32 $0x1BF5;
	[smem:$0x3FA8] =	sst s0  }
0x18: {  	s0 =	sld [smem:$0x3F8B];
	_ =	swait.ge [sflag:s4], $0x0  }
0x19: {  	s7 =	sld [smem:$0x3F8C]  }
0x1a: {  	s8 =	sadd.s32 $0xFFFFE003, lr  }
0x1b: {  	s9 =	sadd.s32 $0xFFFFFEF7, lr;
	s5 =	simm.s32 $0xFFFFFFFF;
	p2 =	slt.u32 s8, $0xFFFFF086  }
0x1c: {  	p1 =	slt.u32 s9, $0xF7A;
	s5 =	simm.s32 @!p2 $0x0  }
0x1d: {  	s5 =	simm.s32 @p1 $0x1;
	p0 =	seq.s32 s7, s2  }
0x1e: {  	s7 =	smul.u32 @!p0 $0xF7A, s2;
	p2 =	seq.s32 @!p0 s5, $0x0  }
0x1f: {  	s9 =	smul.u32 $0xF7A, s1;
	s8 =	simm.s32 @!p0 $0x1BF5;
	p2 =	por !p2, p0  }
0x20: {  	[sflag:s8] =	ssyncset.s32 @!p0 $0xFFFFF086;
	s6 =	sadd.s32 @!p0 s3, s7;
	s7 =	simm.s32 @!p0 $0x108  }
0x21: {  	s3 =	sadd.s32 s3, s9;
	s6 =	sadd.s32 @!p0 $0x88, s6;
	s7 =	simm.s32 @p2 $0x1082  }
0x22: {  	[simem:s7], [sflag:s8] =	dma.local @!p0 [hbm:s6], $0xF7A  }
0x23: {  	s9 =	sor.u32 $0xD0000000, s2;
	s6 =	simm.s32 $0x108;
	_ =	swait.ge @!p0 [sflag:s8], $0x0  }
0x24: {  	s3 =	sadd.s32 $0x88, s3;
	s6 =	simm.s32 @!p1 $0x1082;
	[sflag:s4] =	ssyncset.s32 $0xFFFFF086  }
0x25: {  	[simem:s6], [sflag:s4] =	dma.local [hbm:s3], $0xF7A  }
0x26: {  	[smem:$0x3F8C] =	sst s1;
	(tag) =	ssettag s2;
	_ =	strace s9  }
0x27: {  	s1 =	sld [smem:$0x3F9C]  }
0x28: {  	s2 =	sld [smem:$0x3F9D]  }
0x29: {  	s4 =	sld [smem:$0x3F9F]  }
0x2a: {  	p0 =	seq.s32 s5, $0x0;
	s5 =	sld [smem:$0x3FA0]  }
0x2b: {  	s6 =	sld [smem:$0x3FA1]  }
0x2c: {  	s7 =	sld [smem:$0x3FA2]  }
0x2d: {  	s3 =	simm.s32 $0x108;
	s8 =	sld [smem:$0x3FA3]  }
0x2e: {  	s3 =	simm.s32 @!p0 $0x1082;
	s9 =	sld [smem:$0x3FA4]  }
0x2f: {  	lr =	sadd.s32 s0, s3;
	s0 =	sld [smem:$0x3F9B]  }
0x30: {  	s3 =	sld [smem:$0x3F9E]  }
0x31: {  	[smem:$0x3FA7] =	sst s10  }
0x32: {  	s10 =	sld [smem:$0x3FA5];
	_ =	sdelay $0x3  }
0x33: {  	p0 =	seq.s32 s10, $0x1;
	s10 =	sld [smem:$0x3FA7];
	_ =	sdelay $0x3  }
0x34: {  	[smem:$0x3FA7] =	sst s10  }
0x35: {  	s10 =	sld [smem:$0x3FA6];
	_ =	sdelay $0x3  }
0x36: {  	p1 =	seq.s32 s10, $0x1;
	s10 =	sld [smem:$0x3FA7];
	_ =	sdelay $0x3  }
0x37: {  	[smem:$0x3FA7] =	sst s10  }
0x38: {  	s10 =	sld [smem:$0x3FA8]  }
0x39: {  	_ = 	snop;
	(pc) =	sbr.ind lr, $3  }
0x3a: {  	_ = 	snop  }
0x3b: {  	_ = 	snop  }
0x3c: {  	p2 =	seq.s32 s10, $0x1;
	s10 =	sld [smem:$0x3FA7]  }
0x3d: {  	_ =	shalt  }
0x3e: {  	_ =	shalt  }
0x3f: {  	_ =	shalt  }
0x40: {  	_ =	shalt  }
0x41: {  	_ =	shalt  }
0x42: {  	_ =	shalt  }
0x43: {  	_ =	shalt  }
0x44: {  	_ =	shalt  }
0x45: {  	_ =	shalt  }
0x46: {  	_ =	shalt  }
0x47: {  	_ =	shalt  }
0x48: {  	_ =	shalt  }
0x49: {  	_ =	shalt  }
0x4a: {  	_ =	shalt  }
0x4b: {  	_ =	shalt  }
0x4c: {  	_ =	shalt  }
0x4d: {  	_ =	shalt  }
0x4e: {  	_ =	shalt  }
0x4f: {  	_ =	shalt  }
0x50: {  	_ =	shalt  }
0x51: {  	_ =	shalt  }
0x52: {  	_ =	shalt  }
0x53: {  	_ =	shalt  }
0x54: {  	_ =	shalt  }
0x55: {  	_ =	shalt  }
0x56: {  	_ =	shalt  }
0x57: {  	_ =	shalt  }
0x58: {  	_ =	shalt  }
0x59: {  	_ =	shalt  }
0x5a: {  	_ =	shalt  }
0x5b: {  	_ =	shalt  }
0x5c: {  	_ =	shalt  }
0x5d: {  	_ =	shalt  }
0x5e: {  	_ =	shalt  }
0x5f: {  	_ =	shalt  }
0x60: {  	_ =	shalt  }
0x61: {  	_ =	shalt  }
0x62: {  	_ =	shalt  }
0x63: {  	_ =	shalt  }
0x64: {  	_ =	shalt  }
0x65: {  	_ =	shalt  }
0x66: {  	_ =	shalt  }
0x67: {  	_ =	shalt  }
0x68: {  	_ =	shalt  }
0x69: {  	_ =	shalt  }
0x6a: {  	_ =	shalt  }
0x6b: {  	_ =	shalt  }
0x6c: {  	_ =	shalt  }
0x6d: {  	_ =	shalt  }
0x6e: {  	_ =	shalt  }
0x6f: {  	_ =	shalt  }
0x70: {  	_ =	shalt  }
0x71: {  	_ =	shalt  }
0x72: {  	_ =	shalt  }
0x73: {  	_ =	shalt  }
0x74: {  	_ =	shalt  }
0x75: {  	_ =	shalt  }
0x76: {  	_ =	shalt  }
0x77: {  	_ =	shalt  }
0x78: {  	_ =	shalt  }
0x79: {  	_ =	shalt  }
0x7a: {  	_ =	shalt  }
0x7b: {  	_ =	shalt  }
0x7c: {  	_ =	shalt  }
0x7d: {  	_ =	shalt  }
0x7e: {  	_ =	shalt  }
0x7f: {  	_ =	shalt  }
0x80: {  	_ =	shalt  }
0x81: {  	_ =	shalt  }
0x82: {  	_ =	shalt  }
0x83: {  	_ =	shalt  }
0x84: {  	_ =	shalt  }
0x85: {  	_ =	shalt  }
0x86: {  	_ =	shalt  }
0x87: {  	_ =	shalt  }
.Lfunc_end0:
.L_simem_size_0:
called_computation_lowered:
.L_overlay_start_0:
0x88: {  	s2 =	sld [smem:$0x3FD9]  }
0x89: {  	s3 =	sld [smem:$0x3FFE];
	_ =	sdelay $0x1  }
0x8a: {  	s1 =	srdreg.scid  }
0x8b: {  	s0 =	sand.u32 $0x1, s1  }
0x8c: {  	s16 =	sshll.u32 s0, $0xA;
	s2 =	sadd.s32 s3, s2  }
0x8d: {  	s2 =	sadd.s32 s2, s16  }
0x8e: {  	[smem:$0x3FB3] =	sst s2  }
0x8f: {  	_ = 	snop  }
0x90: {  	(tm) =	ssettm $0x1  }
0x91: {  	s17 =	sld [smem:$0x3FFB];
	_ =	sdelay $0x3  }
0x92: {  	_ =	strace s17  }
0x93: {  	s2 =	sld [smem:$0x3FFC];
	_ =	sdelay $0x3  }
0x94: {  	_ =	strace s2  }
0x95: {  	s2 =	sld [smem:$0x3FFD];
	_ =	sdelay $0x3  }
0x96: {  	_ =	strace s2  }
0x97: {  	_ =	strace $0x8FFFFFFF  }
0x98: {  	s18 =	sld [smem:$0x3FDB];
	_ =	sdelay $0x1  }
0x99: {  	s19 =	simm.s32 $_scs_section_size  }
0x9a: {  	s4 =	simm.s32 $_size__tile_overlayer_lowered;
	s5 =	simm.s32 $_tile_overlayer_lowered  }
0x9b: {  	s22 =	simm.s32 $0x1BFF;
	s21 =	sshll.u32 s5, $0x1;
	s2 =	sadd.s32 s19, s18  }
0x9c: {  	s6 =	simm.s32 $0x0;
	s20 =	sshll.u32 s4, $0x1;
	s4 =	sadd.s32 s21, s2  }
0x9d: {  	[timem:s6], [sflag:s22] =	dma.local [hbm:s4], s20  }
0x9e: {  	_ =	swait.ge [sflag:s22], s20  }
0x9f: {  	s3 =	ssub.s32 $0x0, s20;
	[sflag:s22] =	ssyncset.done $0x0  }
0xa0: {  	[sflag:s22] =	ssyncadd.s32 s3;
	_ =	sdelay $0x1  }
0xa1: {  	s23 =	simm.s32 $0x1B8B  }
0xa2: {  	_ =	swait.ge [sflag:s23], $0x1  }
0xa3: {  	[sflag:s23] =	ssyncset.done $0x0  }
0xa4: {  	s25 =	simm.s32 $0x1B8E;
	s24 =	sld [smem:$0x3FFE];
	[sflag:s23] =	ssyncadd.s32 $0xFFFFFFFF  }
0xa5: {  	s26 =	simm.s32 $execute0_lowered;
	[smem:$0x3FD2] =	sst s25  }
0xa6: {  	s4 =	sshll.u32 s26, $0x1;
	_ =	strace $0x80000046;
	[dreg:$0x1] =	wrdreg $0xFFFFFFFF  }
0xa7: {  	s28 =	simm.s32 $_size_execute0_lowered;
	s2 =	sadd.s32 s2, s4;
	[dreg:$0x0] =	wrdreg $0x0  }
0xa8: {  	s4 =	sshll.u32 s28, $0x1;
	[dreg:$0x2] =	wrdreg s2  }
0xa9: {  	[dreg:$0x3] =	wrdreg s4  }
0xaa: {  	[dreg:$0x4] =	wrdreg $0xC0  }
0xab: {  	_ =	task [dreg:s6], $0x5FFFF  }
0xac: {  	[dreg:$0x1] =	wrdreg $0xFFFFFFFF  }
0xad: {  	[dreg:$0x0] =	wrdreg $0x60  }
0xae: {  	[dreg:$0x2] =	wrdreg s24  }
0xaf: {  	[dreg:$0x3] =	wrdreg $0xA0800  }
0xb0: {  	[dreg:$0x4] =	wrdreg $0x9  }
0xb1: {  	_ =	task.clear_ibuf [dreg:s6], $0x5FFFF;
	_ =	strace $0x90000046  }
0xb2: {  	s29 =	simm.s32 $0x9;
	_ =	strace $0x80000048  }
0xb3: {  	_ =	swait.ge [sflag:s29], $0x1  }
0xb4: {  	[sflag:s29] =	ssyncadd.s32 $0xFFFFFFFF  }
0xb5: {  	_ =	strace $0x90000048  }
0xb6: {  	_ =	sfence  }
0xb7: {  	s30 =	sld [smem:$0x0];
	_ =	sdelay $0x2  }
0xb8: {  	s31 =	sshll.u32 s1, $0xD;
	s1 =	sshrl.u32 s1, $0x2  }
0xb9: {  	s3 =	sand.u32 $0x4000, s31;
	s1 =	sadd.s32 s1, s30  }
0xba: {  	s0 =	sor.u32 s3, s0;
	s1 =	sshll.u32 s1, $0x11  }
0xbb: {  	s0 =	sor.u32 s1, s0  }
0xbc: {  	s0 =	sadd.s32 $0x8F2B, s0  }
0xbd: {  	[sflag:s0] =	ssyncadd.remote.s32 $0x1  }
0xbe: {  	_ =	sfence.sel $0xFFFF  }
0xbf: {  	[dreg:$0x0] =	wrdreg $0xFFFFFFFF;
	(pc) =	sbr.abs _section_cstart, $3  }
0xc0: {  	[dreg:$0x1] =	wrdreg $0xFFFFFFFF  }
0xc1: {  	_ =	task.clear_ibuf [dreg:s6], $0x2FFFF;
	_ =	strace $0x9FFFFFFF  }
0xc2: {  	(tm) =	ssettm $0x7FFFFFFF  }
0xc3: {  	_ =	shalt  }
tec
execute0_lowered:
.L_overlay_start_1:
0x0: {  	(tag) =	ssettag $0x1  }
0x1: {  	s8 =	rddreg [dreg:$0x0]  }
0x2: {  	s1 =	rddreg [dreg:$0x1];
	s3 =	srdreg.scid  }
0x3: {  	s0 =	rddreg [dreg:$0x2];
	s2 =	simm.s32 $0x0;
	s25 =	stileid.u32  }
0x4: {  	s15 =	simm.s32 $0x5100;
	s16 =	simm.s32 $0x4;
	s17 =	simm.s32 $0x80  }
0x5: {  	s18 =	simm.s32 $0x50;
	s19 =	simm.s32 $0x100;
	s20 =	simm.s32 $0x2900  }
0x6: {  	s21 =	simm.s32 $0x1;
	s22 =	simm.s32 $0x2;
	s23 =	simm.s32 $0x3  }
0x7: {  	s24 =	simm.s32 $0x7900;
	s9 =	sand.u32 $0x1, s3;
	[smem:$0x7FF] =	sst s2  }
0x8: {  	s4 =	sadd.s32 $0x3F000, s8;
	s5 =	sadd.s32 $0x66200, s8;
	s6 =	sadd.s32 $0xE000, s8  }
0x9: {  	s13 =	smul.u32 $0x4E000, s25;
	s7 =	sadd.s32 $0x4200, s8;
	p0 =	sne.s32 s25, $0xF  }
0xa: {  	p1 =	sne.s32 s25, $0x0;
	s3 =	sshll.u32 s9, $0x4;
	_ =	strace $0x80000047  }
0xb: {  	s10 =	smul.u32 $0x27100, s9;
	s9 =	ssub.s32 $0x2, s9;
	s11 =	sor.u32 s25, s3  }
0xc: {  	s3 =	sadd.s32 $0x17E00, s8;
	s31 =	sshrl.u32 s9, $0x1;
	s13 =	sshrl.u32 s13, $0x2  }
0xd: {  	s25 =	simm.s32 $0x0;
	s12 =	smul.u32 $0x4E2, s11;
	s10 =	sadd.s32 s10, s8  }
0xe: {  	s14 =	ssub.s32 s9, s31;
	s9 =	smul.u32 $0x2710, s11;
	s10 =	sadd.s32 $0xBE400, s10  }
0xf: {  	v1 =	vlaneseq.u32;
	s12 =	sadd.s32 s12, s8;
	s8 =	sadd.s32 s13, s1;
	s13 =	sadd.s32 $0x138000, s1  }
0x10: {  	v0 =	vimm.f32 $0.0e+00;
	v1 =	vmul.u32 $0x80, v1;
	s11 =	sadd.s32 $0xB4600, s12;
	s12 =	smax.u32 s14, $0x1;
	s14 =	sadd.s32 $0x138400, s1  }
.LBB2_1:
0x11: {  	s26 =	simm.s32 $0x40;
	s28 =	simm.s32 $0x0  }
.LBB2_2:
0x12: {  	p2 =	sne.s32 s26, $0x9C00;
	[tilespmem:s28+$0x7900] =	vst v0;
	s28 =	smov.u32 s26;
	s26 =	sadd.s32 $0x40, s26  }
.Ltmp0:
0x13: {  	(pc) =	sbr.rel @p2 .LBB2_2-.Ltmp0, $2  }
0x14: {  	_ =	sdelay $0x2  }
0x15: {  	s28 =	sshra.s32 s28, $0x2  }
0x16: {  	[tilespmem:s28+$0x7900] =	vst v0  }
0x17: {  	[tilespmem:$0x5100] =	vst v0  }
0x18: {  	[tilespmem:$0x5110] =	vst v0  }
0x19: {  	[tilespmem:$0x5120] =	vst v0  }
0x1a: {  	[tilespmem:$0x5130] =	vst v0  }
0x1b: {  	[tilespmem:$0x5140] =	vst v0  }
0x1c: {  	[tilespmem:$0x5150] =	vst v0  }
0x1d: {  	[tilespmem:$0x5160] =	vst v0  }
0x1e: {  	[tilespmem:$0x5170] =	vst v0  }
0x1f: {  	[tilespmem:$0x5180] =	vst v0  }
0x20: {  	[tilespmem:$0x5190] =	vst v0  }
0x21: {  	[tilespmem:$0x51A0] =	vst v0  }
0x22: {  	[tilespmem:$0x51B0] =	vst v0  }
0x23: {  	[tilespmem:$0x51C0] =	vst v0  }
0x24: {  	[tilespmem:$0x51D0] =	vst v0  }
0x25: {  	[tilespmem:$0x51E0] =	vst v0  }
0x26: {  	[tilespmem:$0x51F0] =	vst v0  }
0x27: {  	[tilespmem:$0x5200] =	vst v0  }
0x28: {  	[tilespmem:$0x5210] =	vst v0  }
0x29: {  	[tilespmem:$0x5220] =	vst v0  }
0x2a: {  	[tilespmem:$0x5230] =	vst v0  }
0x2b: {  	[tilespmem:$0x5240] =	vst v0  }
0x2c: {  	[tilespmem:$0x5250] =	vst v0  }
0x2d: {  	[tilespmem:$0x5260] =	vst v0  }
0x2e: {  	[tilespmem:$0x5270] =	vst v0  }
0x2f: {  	[tilespmem:$0x5280] =	vst v0  }
0x30: {  	[tilespmem:$0x5290] =	vst v0  }
0x31: {  	[tilespmem:$0x52A0] =	vst v0  }
0x32: {  	[tilespmem:$0x52B0] =	vst v0  }
0x33: {  	[tilespmem:$0x52C0] =	vst v0  }
0x34: {  	[tilespmem:$0x52D0] =	vst v0  }
0x35: {  	[tilespmem:$0x52E0] =	vst v0  }
0x36: {  	[tilespmem:$0x52F0] =	vst v0  }
0x37: {  	[tilespmem:$0x5300] =	vst v0  }
0x38: {  	[tilespmem:$0x5310] =	vst v0  }
0x39: {  	[tilespmem:$0x5320] =	vst v0  }
0x3a: {  	[tilespmem:$0x5330] =	vst v0  }
0x3b: {  	[tilespmem:$0x5340] =	vst v0  }
0x3c: {  	[tilespmem:$0x5350] =	vst v0  }
0x3d: {  	[tilespmem:$0x5360] =	vst v0  }
0x3e: {  	[tilespmem:$0x5370] =	vst v0  }
0x3f: {  	[tilespmem:$0x5380] =	vst v0  }
0x40: {  	[tilespmem:$0x5390] =	vst v0  }
0x41: {  	[tilespmem:$0x53A0] =	vst v0  }
0x42: {  	[tilespmem:$0x53B0] =	vst v0  }
0x43: {  	[tilespmem:$0x53C0] =	vst v0  }
0x44: {  	[tilespmem:$0x53D0] =	vst v0  }
0x45: {  	[tilespmem:$0x53E0] =	vst v0  }
0x46: {  	[tilespmem:$0x53F0] =	vst v0  }
0x47: {  	[tilespmem:$0x5400] =	vst v0  }
0x48: {  	[tilespmem:$0x5410] =	vst v0  }
0x49: {  	[tilespmem:$0x5420] =	vst v0  }
0x4a: {  	[tilespmem:$0x5430] =	vst v0  }
0x4b: {  	[tilespmem:$0x5440] =	vst v0  }
0x4c: {  	[tilespmem:$0x5450] =	vst v0  }
0x4d: {  	[tilespmem:$0x5460] =	vst v0  }
0x4e: {  	[tilespmem:$0x5470] =	vst v0  }
0x4f: {  	[tilespmem:$0x5480] =	vst v0  }
0x50: {  	[tilespmem:$0x5490] =	vst v0  }
0x51: {  	[tilespmem:$0x54A0] =	vst v0  }
0x52: {  	[tilespmem:$0x54B0] =	vst v0  }
0x53: {  	[tilespmem:$0x54C0] =	vst v0  }
0x54: {  	[tilespmem:$0x54D0] =	vst v0  }
0x55: {  	[tilespmem:$0x54E0] =	vst v0  }
0x56: {  	s26 =	sadd.s32 $0x0, s8;
	[tilespmem:$0x54F0] =	vst v0  }
0x57: {  	[spmem:s26] =	stream.linear.scatter [tilespmem:s15], [sflag:$0x4], $0x400, $0x38;
	[tilespmem:$0x1D900] =	vst v63  }
0x58: {  	s26 =	simm.s32 $0x1000;
	_ =	swait.ge [sflag:s16], $0x400  }
.LBB2_4:
0x59: {  	s28 =	sshra.s32 s26, $0x2;
	[sflag:s16] =	ssyncset.done $0x0;
	p2 =	sne.s32 s26, $0x4D000  }
.Ltmp1:
0x5a: {  	s28 =	sadd.s32 s28, s8;
	[sflag:s16] =	ssyncadd.s32 $0xFFFFFC00;
	(pc) =	sbr.rel @p2 .LBB2_4-.Ltmp1, $3  }
0x5b: {  	[spmem:s28] =	stream.linear.scatter [tilespmem:s15], [sflag:$0x4], $0x400, $0x38;
	[tilespmem:$0x1D900] =	vst v63  }
0x5c: {  	s26 =	sadd.s32 $0x1000, s26;
	_ =	sdelay $0x1  }
0x5d: {  	_ =	swait.ge [sflag:s16], $0x400  }
0x5e: {  	[sflag:s16] =	ssyncset.done $0x0  }
0x5f: {  	s26 =	simm.s32 @!p0 $0x5100;
	s28 =	simm.s32 @!p0 $0x4;
	[sflag:s16] =	ssyncadd.s32 $0xFFFFFC00  }
0x60: {  	[spmem:s13] =	stream.linear.scatter @!p0 [tilespmem:s26], [sflag:$0x4], $0x400, $0x38;
	[tilespmem:$0x1D900] =	vst v63  }
0x61: {  	_ =	swait.ge @!p0 [sflag:s28], $0x400  }
0x62: {  	[sflag:s28] =	ssyncset.done @!p0 $0x0  }
0x63: {  	[sflag:s28] =	ssyncadd.s32 @!p0 $0xFFFFFC00  }
0x64: {  	[spmem:s14] =	stream.linear.scatter @!p0 [tilespmem:s26], [sflag:$0x4], $0x400, $0x38;
	[tilespmem:$0x1D900] =	vst v63  }
0x65: {  	_ =	swait.ge @!p0 [sflag:s28], $0x400  }
0x66: {  	[sflag:s28] =	ssyncset.done @!p0 $0x0  }
0x67: {  	[sflag:s28] =	ssyncadd.s32 @!p0 $0xFFFFFC00  }
0x68: {  	s26 =	simm.s32 $0x0;
	s28 =	simm.s32 $0x0;
	[bflag:$0x0] =	sbarrier.arrive $0xFFFF  }
.LBB2_6:
0x69: {  	s29 =	smul.u32 $0x50, s28;
	_ =	sdelay $0x1  }
0x6a: {  	s29 =	sadd.s32 s9, s29  }
0x6b: {  	s29 =	sshrl.u32 s29, $0x3  }
0x6c: {  	s30 =	sadd.s32 s6, s29  }
0x6d: {  	[tilespmem:s26], [sflag:$0x4] =	stream.linear.gather [hbm4b:s30+s26], $0x50, $0x38;
	[tilespmem:$0x1D900] =	vst v63  }
0x6e: {  	_ =	swait.ge [sflag:s16], $0x50  }
0x6f: {  	[sflag:s16] =	ssyncset.done $0x0  }
0x70: {  	s29 =	sadd.s32 s7, s29;
	[sflag:s16] =	ssyncadd.s32 $0xFFFFFFB0  }
0x71: {  	[tilespmem:s17], [sflag:$0x4] =	stream.linear.gather [hbm4b:s29+s26], $0x50, $0x38;
	[tilespmem:$0x1D900] =	vst v63  }
0x72: {  	_ =	swait.ge [sflag:s16], $0x50  }
0x73: {  	[sflag:s16] =	ssyncset.done $0x0  }
0x74: {  	[sflag:s16] =	ssyncadd.s32 $0xFFFFFFB0  }
0x75: {  	[tilespmem:s19], [sflag:$0x1] =	stream.indirect.gather [hbm4b:s3+s18], $0x80, s17, s18, $0xb8;
	[tilespmem:$0x1D900] =	vst v63  }
0x76: {  	_ = 	snop  }
0x77: {  	[tilespmem:s20], [sflag:$0x2] =	stream.indirect.gather [hbm4b:s4+s18], $0x80, s26, s18, $0xb8;
	[tilespmem:$0x1D900] =	vst v63  }
0x78: {  	_ = 	snop  }
0x79: {  	[tilespmem:s15], [sflag:$0x3] =	stream.indirect.gather [hbm4b:s5+s18], $0x80, s26, s18, $0xb8;
	[tilespmem:$0x1D900] =	vst v63  }
0x7a: {  	_ =	swait.ge [sflag:s21], $0x2800  }
0x7b: {  	[sflag:s21] =	ssyncset.done $0x0  }
0x7c: {  	[sflag:s21] =	ssyncadd.s32 $0xFFFFD800  }
0x7d: {  	_ =	swait.ge [sflag:s22], $0x2800  }
0x7e: {  	[sflag:s22] =	ssyncset.done $0x0  }
0x7f: {  	[sflag:s22] =	ssyncadd.s32 $0xFFFFD800  }
0x80: {  	_ =	swait.ge [sflag:s23], $0x2800  }
0x81: {  	[sflag:s23] =	ssyncset.done $0x0  }
0x82: {  	s29 =	simm.s32 $0x0;
	[sflag:s23] =	ssyncadd.s32 $0xFFFFD800  }
0x83: {  	v2 =	vld [tilespmem:s29+$0x2900]  }
0x84: {  	v3 =	vld [tilespmem:s29+$0x110]  }
0x85: {  	s30 =	simm.s32 $0x200;
	v4 =	vld [tilespmem:s29+$0x2910]  }
.LBB2_7:
0x86: {  	p2 =	sne.s32 s30, $0x9E00;
	v5 =	vld [tilespmem:s29+$0x100]  }
0x87: {  	v6 =	vld [tilespmem:s29+$0x120]  }
0x88: {  	v7 =	vld [tilespmem:s29+$0x2920]  }
0x89: {  	v8 =	vld [tilespmem:s29+$0x130]  }
0x8a: {  	v9 =	vld [tilespmem:s29+$0x2930]  }
0x8b: {  	v3 =	vmul.f32 v4, v3;
	v2 =	vmul.f32 v2, v5;
	v4 =	vld [tilespmem:s29+$0x140]  }
0x8c: {  	v5 =	vld [tilespmem:s29+$0x2940]  }
0x8d: {  	v2 =	vadd.f32 v3, v2;
	v3 =	vmul.f32 v7, v6;
	v6 =	vld [tilespmem:s29+$0x150]  }
0x8e: {  	v7 =	vld [tilespmem:s29+$0x2950]  }
0x8f: {  	v2 =	vadd.f32 v3, v2;
	v3 =	vmul.f32 v9, v8;
	v8 =	vld [tilespmem:s29+$0x160]  }
0x90: {  	v9 =	vld [tilespmem:s29+$0x2960]  }
0x91: {  	v2 =	vadd.f32 v3, v2;
	v3 =	vmul.f32 v5, v4;
	v4 =	vld [tilespmem:s29+$0x170]  }
0x92: {  	v5 =	vld [tilespmem:s29+$0x2970]  }
0x93: {  	v2 =	vadd.f32 v3, v2;
	v3 =	vmul.f32 v7, v6;
	_ =	sdelay $0x1  }
0x94: {  	v2 =	vadd.f32 v3, v2;
	v3 =	vmul.f32 v9, v8;
	_ =	sdelay $0x1  }
.Ltmp2:
0x95: {  	v3 =	vadd.f32 v3, v2;
	v4 =	vmul.f32 v5, v4;
	(pc) =	sbr.rel @p2 .LBB2_7-.Ltmp2, $4  }
0x96: {  	s31 =	sshra.s32 s30, $0x2  }
0x97: {  	v2 =	vld [tilespmem:s31+$0x2900];
	v5 =	vadd.f32 v4, v3  }
0x98: {  	v3 =	vld [tilespmem:s31+$0x110]  }
0x99: {  	s30 =	sadd.s32 $0x200, s30;
	v4 =	vld [tilespmem:s31+$0x2910];
	[tilespmem:s29+$0x100] =	vst v5;
	s29 =	smov.u32 s31  }
0x9a: {  	v5 =	vld [tilespmem:s29+$0x100]  }
0x9b: {  	v6 =	vld [tilespmem:s29+$0x120]  }
0x9c: {  	v7 =	vld [tilespmem:s29+$0x2920]  }
0x9d: {  	v8 =	vld [tilespmem:s29+$0x130]  }
0x9e: {  	v9 =	vld [tilespmem:s29+$0x2930]  }
0x9f: {  	v56 =	vld [tilespmem:s29+$0x140];
	v3 =	vmul.f32 v4, v3;
	v2 =	vmul.f32 v2, v5  }
0xa0: {  	v57 =	vld [tilespmem:s29+$0x2940]  }
0xa1: {  	v58 =	vld [tilespmem:s29+$0x150];
	v2 =	vadd.f32 v3, v2;
	v3 =	vmul.f32 v7, v6  }
0xa2: {  	v59 =	vld [tilespmem:s29+$0x2950]  }
0xa3: {  	v60 =	vld [tilespmem:s29+$0x160];
	v2 =	vadd.f32 v3, v2;
	v3 =	vmul.f32 v9, v8  }
0xa4: {  	v61 =	vld [tilespmem:s29+$0x2960]  }
0xa5: {  	v62 =	vld [tilespmem:s29+$0x170];
	v2 =	vadd.f32 v3, v2;
	v3 =	vmul.f32 v57, v56  }
0xa6: {  	v63 =	vld [tilespmem:s29+$0x2970]  }
0xa7: {  	v2 =	vadd.f32 v3, v2;
	v3 =	vmul.f32 v59, v58;
	_ =	sdelay $0x1  }
0xa8: {  	v2 =	vadd.f32 v3, v2;
	v3 =	vmul.f32 v61, v60;
	_ =	sdelay $0x1  }
0xa9: {  	v2 =	vadd.f32 v3, v2;
	v3 =	vmul.f32 v63, v62;
	_ =	sdelay $0x1  }
0xaa: {  	v2 =	vadd.f32 v3, v2;
	_ =	sdelay $0x1  }
0xab: {  	[tilespmem:s29+$0x100] =	vst v2;
	s29 =	simm.s32 $0x0  }
.LBB2_9:
0xac: {  	s30 =	sshll.u32 s29, $0x4  }
0xad: {  	v2 =	vmov s30  }
0xae: {  	v2 =	vshll.u32 v2, $0x7  }
0xaf: {  	v2 =	vor.u32 v1, v2  }
0xb0: {  	v3 =	vor.u32 $0x1, v2;
	_ =	sdelay $0x1  }
0xb1: {  	v4 =	vor.u32 $0x2, v2;
	_ =	sdelay $0x1  }
0xb2: {  	v6 =	vor.u32 $0x3, v2;
	v5 =	vld.idx.msk [tilespmem:v2+s19+$0x0], $0xffff  }
0xb3: {  	v3 =	vld.idx.msk [tilespmem:v3+s19+$0x0], $0xffff  }
0xb4: {  	v7 =	vor.u32 $0x4, v2  }
0xb5: {  	v4 =	vld.idx.msk [tilespmem:v4+s19+$0x0], $0xffff  }
0xb6: {  	v8 =	vor.u32 $0x5, v2  }
0xb7: {  	v6 =	vld.idx.msk [tilespmem:v6+s19+$0x0], $0xffff  }
0xb8: {  	v61 =	vor.u32 $0x6, v2;
	v3 =	vadd.f32 v3, v5  }
0xb9: {  	v7 =	vld.idx.msk [tilespmem:v7+s19+$0x0], $0xffff  }
0xba: {  	v62 =	vor.u32 $0x7, v2;
	v3 =	vadd.f32 v4, v3  }
0xbb: {  	v8 =	vld.idx.msk [tilespmem:v8+s19+$0x0], $0xffff  }
0xbc: {  	v63 =	vor.u32 $0x8, v2;
	v3 =	vadd.f32 v6, v3  }
0xbd: {  	v5 =	vld.idx.msk [tilespmem:v61+s19+$0x0], $0xffff  }
0xbe: {  	v12 =	vor.u32 $0x9, v2;
	v3 =	vadd.f32 v7, v3  }
0xbf: {  	v4 =	vld.idx.msk [tilespmem:v62+s19+$0x0], $0xffff  }
0xc0: {  	v13 =	vor.u32 $0xA, v2;
	v3 =	vadd.f32 v8, v3  }
0xc1: {  	v6 =	vld.idx.msk [tilespmem:v63+s19+$0x0], $0xffff  }
0xc2: {  	v14 =	vor.u32 $0xB, v2;
	v3 =	vadd.f32 v5, v3  }
0xc3: {  	v7 =	vld.idx.msk [tilespmem:v12+s19+$0x0], $0xffff  }
0xc4: {  	v15 =	vor.u32 $0xC, v2;
	v3 =	vadd.f32 v4, v3  }
0xc5: {  	v8 =	vld.idx.msk [tilespmem:v13+s19+$0x0], $0xffff  }
0xc6: {  	v16 =	vor.u32 $0xD, v2;
	v3 =	vadd.f32 v6, v3  }
0xc7: {  	v5 =	vld.idx.msk [tilespmem:v14+s19+$0x0], $0xffff  }
0xc8: {  	v17 =	vor.u32 $0xE, v2;
	v3 =	vadd.f32 v7, v3  }
0xc9: {  	v4 =	vld.idx.msk [tilespmem:v15+s19+$0x0], $0xffff  }
0xca: {  	v2 =	vor.u32 $0xF, v2;
	v3 =	vadd.f32 v8, v3  }
0xcb: {  	v6 =	vld.idx.msk [tilespmem:v16+s19+$0x0], $0xffff  }
0xcc: {  	v3 =	vadd.f32 v5, v3  }
0xcd: {  	v18 =	vld.idx.msk [tilespmem:v17+s19+$0x0], $0xffff  }
0xce: {  	v3 =	vadd.f32 v4, v3  }
0xcf: {  	v2 =	vld.idx.msk [tilespmem:v2+s19+$0x0], $0xffff  }
0xd0: {  	v3 =	vadd.f32 v6, v3;
	_ =	sdelay $0x1  }
0xd1: {  	v3 =	vadd.f32 v18, v3;
	_ =	sdelay $0x1  }
0xd2: {  	v2 =	vadd.f32 v2, v3;
	_ =	sdelay $0x1  }
0xd3: {  	v2 =	vmul.f32 $8.838834610e-02, v2;
	_ =	sdelay $0x1  }
0xd4: {  	v2 =	vmul.f32 $1.442695020e+00, v2;
	_ =	sdelay $0x1  }
0xd5: {  	(erf) = vpow2.f32 v2;
	_ =	sdelay $0x1  }
0xd6: {  	v3 =	vld [tilespmem:s30+$0x80];
	_ =	sdelay $0x6  }
0xd7: {  	s31 =	sshll.u32 s29, $0xB;
	v2 =	vpop (erf)  }
0xd8: {  	s30 =	sand.u32 $0x3FFFF800, s31;
	[tilespmem:v3+s24+$0x0] =	vst.idx.add.f32.msk $0xffff, v2  }
0xd9: {  	v3 =	vld [tilespmem:s30+$0x5100]  }
0xda: {  	v19 =	vld [tilespmem:s30+$0x5110]  }
0xdb: {  	v20 =	vld [tilespmem:s30+$0x5120]  }
0xdc: {  	v21 =	vbroadcast v2, $0x0;
	v22 =	vld [tilespmem:s30+$0x5130]  }
0xdd: {  	v23 =	vld [tilespmem:s30+$0x5140]  }
0xde: {  	v9 =	vld [tilespmem:s30+$0x5150];
	v3 =	vmul.f32 v21, v3  }
0xdf: {  	v10 =	vld [tilespmem:s30+$0x5160];
	v4 =	vmul.f32 v21, v19  }
0xe0: {  	v24 =	vld [tilespmem:s30+$0x5170];
	[tilespmem:s30+$0x5100] =	vst v3;
	v3 =	vmul.f32 v20, v21  }
0xe1: {  	v26 =	vld [tilespmem:s30+$0x5180];
	v25 =	vmul.f32 v22, v21;
	[tilespmem:s30+$0x5110] =	vst v4  }
0xe2: {  	v27 =	vld [tilespmem:s30+$0x5190];
	[tilespmem:s30+$0x5120] =	vst v3;
	v3 =	vmul.f32 v23, v21  }
0xe3: {  	v29 =	vld [tilespmem:s30+$0x51A0];
	v28 =	vmul.f32 v9, v21;
	[tilespmem:s30+$0x5130] =	vst v25  }
0xe4: {  	v30 =	vbroadcast v2, $0x1;
	v11 =	vld [tilespmem:s30+$0x51B0];
	[tilespmem:s30+$0x5140] =	vst v3;
	v3 =	vmul.f32 v10, v21  }
0xe5: {  	v32 =	vld [tilespmem:s30+$0x51C0];
	v31 =	vmul.f32 v24, v21;
	[tilespmem:s30+$0x5150] =	vst v28  }
0xe6: {  	v33 =	vld [tilespmem:s30+$0x51D0];
	[tilespmem:s30+$0x5160] =	vst v3;
	v3 =	vmul.f32 v26, v30  }
0xe7: {  	v35 =	vld [tilespmem:s30+$0x51E0];
	v34 =	vmul.f32 v27, v30;
	[tilespmem:s30+$0x5170] =	vst v31  }
0xe8: {  	v36 =	vld [tilespmem:s30+$0x51F0];
	[tilespmem:s30+$0x5180] =	vst v3;
	v3 =	vmul.f32 v29, v30  }
0xe9: {  	v38 =	vld [tilespmem:s30+$0x5200];
	v37 =	vmul.f32 v11, v30;
	[tilespmem:s30+$0x5190] =	vst v34  }
0xea: {  	v39 =	vld [tilespmem:s30+$0x5210];
	[tilespmem:s30+$0x51A0] =	vst v3;
	v3 =	vmul.f32 v32, v30  }
0xeb: {  	v41 =	vld [tilespmem:s30+$0x5220];
	v40 =	vmul.f32 v33, v30;
	[tilespmem:s30+$0x51B0] =	vst v37  }
0xec: {  	v42 =	vbroadcast v2, $0x2;
	v43 =	vld [tilespmem:s30+$0x5230];
	[tilespmem:s30+$0x51C0] =	vst v3;
	v3 =	vmul.f32 v35, v30  }
0xed: {  	v45 =	vld [tilespmem:s30+$0x5240];
	v44 =	vmul.f32 v36, v30;
	[tilespmem:s30+$0x51D0] =	vst v40  }
0xee: {  	v46 =	vld [tilespmem:s30+$0x5250];
	[tilespmem:s30+$0x51E0] =	vst v3;
	v3 =	vmul.f32 v38, v42  }
0xef: {  	v48 =	vld [tilespmem:s30+$0x5260];
	v47 =	vmul.f32 v39, v42;
	[tilespmem:s30+$0x51F0] =	vst v44  }
0xf0: {  	v49 =	vld [tilespmem:s30+$0x5270];
	[tilespmem:s30+$0x5200] =	vst v3;
	v3 =	vmul.f32 v41, v42  }
0xf1: {  	v51 =	vld [tilespmem:s30+$0x5280];
	v50 =	vmul.f32 v43, v42;
	[tilespmem:s30+$0x5210] =	vst v47  }
0xf2: {  	v52 =	vld [tilespmem:s30+$0x5290];
	[tilespmem:s30+$0x5220] =	vst v3;
	v3 =	vmul.f32 v45, v42  }
0xf3: {  	v54 =	vld [tilespmem:s30+$0x52A0];
	v53 =	vmul.f32 v46, v42;
	[tilespmem:s30+$0x5230] =	vst v50  }
0xf4: {  	v55 =	vbroadcast v2, $0x3;
	v56 =	vld [tilespmem:s30+$0x52B0];
	[tilespmem:s30+$0x5240] =	vst v3;
	v3 =	vmul.f32 v48, v42  }
0xf5: {  	v58 =	vld [tilespmem:s30+$0x52C0];
	v57 =	vmul.f32 v49, v42;
	[tilespmem:s30+$0x5250] =	vst v53  }
0xf6: {  	v59 =	vld [tilespmem:s30+$0x52D0];
	[tilespmem:s30+$0x5260] =	vst v3;
	v3 =	vmul.f32 v51, v55  }
0xf7: {  	v61 =	vld [tilespmem:s30+$0x52E0];
	v60 =	vmul.f32 v52, v55;
	[tilespmem:s30+$0x5270] =	vst v57  }
0xf8: {  	v62 =	vld [tilespmem:s30+$0x52F0];
	[tilespmem:s30+$0x5280] =	vst v3;
	v3 =	vmul.f32 v54, v55  }
0xf9: {  	v12 =	vld [tilespmem:s30+$0x5300];
	v63 =	vmul.f32 v56, v55;
	[tilespmem:s30+$0x5290] =	vst v60  }
0xfa: {  	v17 =	vld [tilespmem:s30+$0x5330];
	[tilespmem:s30+$0x52A0] =	vst v3;
	v3 =	vmul.f32 v58, v55  }
0xfb: {  	v15 =	vld [tilespmem:s30+$0x5320];
	v14 =	vmul.f32 v59, v55;
	[tilespmem:s30+$0x52B0] =	vst v63  }
0xfc: {  	v16 =	vbroadcast v2, $0x4;
	v13 =	vld [tilespmem:s30+$0x5310];
	[tilespmem:s30+$0x52C0] =	vst v3;
	v3 =	vmul.f32 v61, v55  }
0xfd: {  	v18 =	vmul.f32 v62, v55;
	v19 =	vld [tilespmem:s30+$0x5340];
	[tilespmem:s30+$0x52D0] =	vst v14  }
0xfe: {  	v20 =	vld [tilespmem:s30+$0x5350];
	[tilespmem:s30+$0x52E0] =	vst v3;
	v3 =	vmul.f32 v12, v16  }
0xff: {  	v22 =	vld [tilespmem:s30+$0x5360];
	v24 =	vmul.f32 v17, v16;
	[tilespmem:s30+$0x52F0] =	vst v18  }
0x100: {  	v23 =	vld [tilespmem:s30+$0x5370];
	[tilespmem:s30+$0x5300] =	vst v3;
	v3 =	vmul.f32 v15, v16  }
0x101: {  	v25 =	vld [tilespmem:s30+$0x5380];
	[tilespmem:s30+$0x5330] =	vst v24;
	v21 =	vmul.f32 v13, v16  }
0x102: {  	v33 =	vld [tilespmem:s30+$0x53D0];
	[tilespmem:s30+$0x5320] =	vst v3;
	v3 =	vmul.f32 v19, v16  }
0x103: {  	v28 =	vld [tilespmem:s30+$0x53A0];
	v27 =	vmul.f32 v20, v16;
	[tilespmem:s30+$0x5310] =	vst v21  }
0x104: {  	v36 =	vld [tilespmem:s30+$0x53F0];
	v29 =	vbroadcast v2, $0x5;
	[tilespmem:s30+$0x5340] =	vst v3;
	v3 =	vmul.f32 v22, v16  }
0x105: {  	[tilespmem:s30+$0x5350] =	vst v27;
	v31 =	vmul.f32 v23, v16;
	v32 =	vld [tilespmem:s30+$0x53C0]  }
0x106: {  	v26 =	vld [tilespmem:s30+$0x5390];
	[tilespmem:s30+$0x5360] =	vst v3;
	v3 =	vmul.f32 v25, v29  }
0x107: {  	[tilespmem:s30+$0x5370] =	vst v31;
	v40 =	vmul.f32 v33, v29;
	v35 =	vld [tilespmem:s30+$0x53E0]  }
0x108: {  	v30 =	vld [tilespmem:s30+$0x53B0];
	[tilespmem:s30+$0x5380] =	vst v3;
	v3 =	vmul.f32 v28, v29  }
0x109: {  	v44 =	vmul.f32 v36, v29;
	[tilespmem:s30+$0x53D0] =	vst v40;
	v38 =	vld [tilespmem:s30+$0x5400]  }
0x10a: {  	v39 =	vld [tilespmem:s30+$0x5410];
	[tilespmem:s30+$0x53A0] =	vst v3;
	v3 =	vmul.f32 v32, v29  }
0x10b: {  	v34 =	vmul.f32 v26, v29;
	[tilespmem:s30+$0x53F0] =	vst v44;
	v41 =	vld [tilespmem:s30+$0x5420]  }
0x10c: {  	v43 =	vld [tilespmem:s30+$0x5430];
	v42 =	vbroadcast v2, $0x6;
	[tilespmem:s30+$0x53C0] =	vst v3;
	v3 =	vmul.f32 v35, v29  }
0x10d: {  	[tilespmem:s30+$0x5390] =	vst v34;
	v37 =	vmul.f32 v30, v29;
	v45 =	vld [tilespmem:s30+$0x5440]  }
0x10e: {  	v46 =	vld [tilespmem:s30+$0x5450];
	[tilespmem:s30+$0x53E0] =	vst v3;
	v3 =	vmul.f32 v38, v42  }
0x10f: {  	[tilespmem:s30+$0x53B0] =	vst v37;
	v48 =	vld [tilespmem:s30+$0x5460];
	v47 =	vmul.f32 v39, v42  }
0x110: {  	v49 =	vld [tilespmem:s30+$0x5470];
	[tilespmem:s30+$0x5400] =	vst v3;
	v3 =	vmul.f32 v41, v42  }
0x111: {  	v50 =	vmul.f32 v43, v42;
	v51 =	vld [tilespmem:s30+$0x5480];
	[tilespmem:s30+$0x5410] =	vst v47  }
0x112: {  	v52 =	vld [tilespmem:s30+$0x5490];
	[tilespmem:s30+$0x5420] =	vst v3;
	v3 =	vmul.f32 v45, v42  }
0x113: {  	v53 =	vmul.f32 v46, v42;
	[tilespmem:s30+$0x5430] =	vst v50;
	v54 =	vld [tilespmem:s30+$0x54A0]  }
0x114: {  	v56 =	vld [tilespmem:s30+$0x54B0];
	v55 =	vbroadcast v2, $0x7;
	[tilespmem:s30+$0x5440] =	vst v3;
	v3 =	vmul.f32 v48, v42  }
0x115: {  	v57 =	vmul.f32 v49, v42;
	[tilespmem:s30+$0x5450] =	vst v53;
	v58 =	vld [tilespmem:s30+$0x54C0]  }
0x116: {  	v59 =	vld [tilespmem:s30+$0x54D0];
	[tilespmem:s30+$0x5460] =	vst v3;
	v3 =	vmul.f32 v51, v55  }
0x117: {  	[tilespmem:s30+$0x5470] =	vst v57;
	v61 =	vld [tilespmem:s30+$0x54E0];
	v60 =	vmul.f32 v52, v55  }
0x118: {  	v62 =	vld [tilespmem:s30+$0x54F0];
	[tilespmem:s30+$0x5480] =	vst v3;
	v3 =	vmul.f32 v54, v55  }
0x119: {  	v63 =	vmul.f32 v56, v55;
	v12 =	vld [tilespmem:s30+$0x5500];
	[tilespmem:s30+$0x5490] =	vst v60  }
0x11a: {  	v13 =	vld [tilespmem:s30+$0x5510];
	[tilespmem:s30+$0x54A0] =	vst v3;
	v3 =	vmul.f32 v58, v55  }
0x11b: {  	v14 =	vmul.f32 v59, v55;
	[tilespmem:s30+$0x54B0] =	vst v63;
	v15 =	vld [tilespmem:s30+$0x5520]  }
0x11c: {  	v17 =	vld [tilespmem:s30+$0x5530];
	v16 =	vbroadcast v2, $0x8;
	[tilespmem:s30+$0x54C0] =	vst v3;
	v3 =	vmul.f32 v61, v55  }
0x11d: {  	v18 =	vmul.f32 v62, v55;
	[tilespmem:s30+$0x54D0] =	vst v14;
	v19 =	vld [tilespmem:s30+$0x5540]  }
0x11e: {  	v20 =	vld [tilespmem:s30+$0x5550];
	[tilespmem:s30+$0x54E0] =	vst v3;
	v3 =	vmul.f32 v12, v16  }
0x11f: {  	[tilespmem:s30+$0x54F0] =	vst v18;
	v22 =	vld [tilespmem:s30+$0x5560];
	v21 =	vmul.f32 v13, v16  }
0x120: {  	v23 =	vld [tilespmem:s30+$0x5570];
	[tilespmem:s30+$0x5500] =	vst v3;
	v3 =	vmul.f32 v15, v16  }
0x121: {  	v24 =	vmul.f32 v17, v16;
	v25 =	vld [tilespmem:s30+$0x5580];
	[tilespmem:s30+$0x5510] =	vst v21  }
0x122: {  	v26 =	vld [tilespmem:s30+$0x5590];
	[tilespmem:s30+$0x5520] =	vst v3;
	v3 =	vmul.f32 v19, v16  }
0x123: {  	v27 =	vmul.f32 v20, v16;
	[tilespmem:s30+$0x5530] =	vst v24;
	v28 =	vld [tilespmem:s30+$0x55A0]  }
0x124: {  	v30 =	vld [tilespmem:s30+$0x55B0];
	v29 =	vbroadcast v2, $0x9;
	[tilespmem:s30+$0x5540] =	vst v3;
	v3 =	vmul.f32 v22, v16  }
0x125: {  	v31 =	vmul.f32 v23, v16;
	[tilespmem:s30+$0x5550] =	vst v27;
	v32 =	vld [tilespmem:s30+$0x55C0]  }
0x126: {  	v33 =	vld [tilespmem:s30+$0x55D0];
	[tilespmem:s30+$0x5560] =	vst v3;
	v3 =	vmul.f32 v25, v29  }
0x127: {  	[tilespmem:s30+$0x5570] =	vst v31;
	v35 =	vld [tilespmem:s30+$0x55E0];
	v34 =	vmul.f32 v26, v29  }
0x128: {  	v36 =	vld [tilespmem:s30+$0x55F0];
	[tilespmem:s30+$0x5580] =	vst v3;
	v3 =	vmul.f32 v28, v29  }
0x129: {  	v37 =	vmul.f32 v30, v29;
	v38 =	vld [tilespmem:s30+$0x5600];
	[tilespmem:s30+$0x5590] =	vst v34  }
0x12a: {  	v39 =	vld [tilespmem:s30+$0x5610];
	[tilespmem:s30+$0x55A0] =	vst v3;
	v3 =	vmul.f32 v32, v29  }
0x12b: {  	v40 =	vmul.f32 v33, v29;
	[tilespmem:s30+$0x55B0] =	vst v37;
	v41 =	vld [tilespmem:s30+$0x5620]  }
0x12c: {  	v43 =	vld [tilespmem:s30+$0x5630];
	v42 =	vbroadcast v2, $0xA;
	[tilespmem:s30+$0x55C0] =	vst v3;
	v3 =	vmul.f32 v35, v29  }
0x12d: {  	v44 =	vmul.f32 v36, v29;
	[tilespmem:s30+$0x55D0] =	vst v40;
	v45 =	vld [tilespmem:s30+$0x5640]  }
0x12e: {  	v46 =	vld [tilespmem:s30+$0x5650];
	[tilespmem:s30+$0x55E0] =	vst v3;
	v3 =	vmul.f32 v38, v42  }
0x12f: {  	[tilespmem:s30+$0x55F0] =	vst v44;
	v48 =	vld [tilespmem:s30+$0x5660];
	v47 =	vmul.f32 v39, v42  }
0x130: {  	v49 =	vld [tilespmem:s30+$0x5670];
	[tilespmem:s30+$0x5600] =	vst v3;
	v3 =	vmul.f32 v41, v42  }
0x131: {  	v50 =	vmul.f32 v43, v42;
	v51 =	vld [tilespmem:s30+$0x5680];
	[tilespmem:s30+$0x5610] =	vst v47  }
0x132: {  	v52 =	vld [tilespmem:s30+$0x5690];
	[tilespmem:s30+$0x5620] =	vst v3;
	v3 =	vmul.f32 v45, v42  }
0x133: {  	v53 =	vmul.f32 v46, v42;
	[tilespmem:s30+$0x5630] =	vst v50;
	v54 =	vld [tilespmem:s30+$0x56A0]  }
0x134: {  	v56 =	vld [tilespmem:s30+$0x56B0];
	v55 =	vbroadcast v2, $0xB;
	[tilespmem:s30+$0x5640] =	vst v3;
	v3 =	vmul.f32 v48, v42  }
0x135: {  	v57 =	vmul.f32 v49, v42;
	[tilespmem:s30+$0x5650] =	vst v53;
	v58 =	vld [tilespmem:s30+$0x56C0]  }
0x136: {  	v59 =	vld [tilespmem:s30+$0x56D0];
	[tilespmem:s30+$0x5660] =	vst v3;
	v3 =	vmul.f32 v51, v55  }
0x137: {  	[tilespmem:s30+$0x5670] =	vst v57;
	v61 =	vld [tilespmem:s30+$0x56E0];
	v60 =	vmul.f32 v52, v55  }
0x138: {  	v62 =	vld [tilespmem:s30+$0x56F0];
	[tilespmem:s30+$0x5680] =	vst v3;
	v3 =	vmul.f32 v54, v55  }
0x139: {  	v63 =	vmul.f32 v56, v55;
	v12 =	vld [tilespmem:s30+$0x5700];
	[tilespmem:s30+$0x5690] =	vst v60  }
0x13a: {  	v13 =	vld [tilespmem:s30+$0x5710];
	[tilespmem:s30+$0x56A0] =	vst v3;
	v3 =	vmul.f32 v58, v55  }
0x13b: {  	v14 =	vmul.f32 v59, v55;
	[tilespmem:s30+$0x56B0] =	vst v63;
	v15 =	vld [tilespmem:s30+$0x5720]  }
0x13c: {  	v17 =	vld [tilespmem:s30+$0x5730];
	v16 =	vbroadcast v2, $0xC;
	[tilespmem:s30+$0x56C0] =	vst v3;
	v3 =	vmul.f32 v61, v55  }
0x13d: {  	v18 =	vmul.f32 v62, v55;
	[tilespmem:s30+$0x56D0] =	vst v14;
	v19 =	vld [tilespmem:s30+$0x5740]  }
0x13e: {  	v20 =	vld [tilespmem:s30+$0x5750];
	[tilespmem:s30+$0x56E0] =	vst v3;
	v3 =	vmul.f32 v12, v16  }
0x13f: {  	[tilespmem:s30+$0x56F0] =	vst v18;
	v22 =	vld [tilespmem:s30+$0x5760];
	v21 =	vmul.f32 v13, v16  }
0x140: {  	v23 =	vld [tilespmem:s30+$0x5770];
	[tilespmem:s30+$0x5700] =	vst v3;
	v3 =	vmul.f32 v15, v16  }
0x141: {  	v24 =	vmul.f32 v17, v16;
	v25 =	vld [tilespmem:s30+$0x5780];
	[tilespmem:s30+$0x5710] =	vst v21  }
0x142: {  	v26 =	vld [tilespmem:s30+$0x5790];
	[tilespmem:s30+$0x5720] =	vst v3;
	v3 =	vmul.f32 v19, v16  }
0x143: {  	v27 =	vmul.f32 v20, v16;
	[tilespmem:s30+$0x5730] =	vst v24;
	v28 =	vld [tilespmem:s30+$0x57A0]  }
0x144: {  	v30 =	vld [tilespmem:s30+$0x57B0];
	v29 =	vbroadcast v2, $0xD;
	[tilespmem:s30+$0x5740] =	vst v3;
	v3 =	vmul.f32 v22, v16  }
0x145: {  	v31 =	vmul.f32 v23, v16;
	[tilespmem:s30+$0x5750] =	vst v27;
	v32 =	vld [tilespmem:s30+$0x57C0]  }
0x146: {  	v33 =	vld [tilespmem:s30+$0x57D0];
	[tilespmem:s30+$0x5760] =	vst v3;
	v3 =	vmul.f32 v25, v29  }
0x147: {  	[tilespmem:s30+$0x5770] =	vst v31;
	v35 =	vld [tilespmem:s30+$0x57E0];
	v34 =	vmul.f32 v26, v29  }
0x148: {  	v36 =	vld [tilespmem:s30+$0x57F0];
	[tilespmem:s30+$0x5780] =	vst v3;
	v3 =	vmul.f32 v28, v29  }
0x149: {  	v37 =	vmul.f32 v30, v29;
	v38 =	vld [tilespmem:s30+$0x5800];
	[tilespmem:s30+$0x5790] =	vst v34  }
0x14a: {  	v39 =	vld [tilespmem:s30+$0x5810];
	[tilespmem:s30+$0x57A0] =	vst v3;
	v3 =	vmul.f32 v32, v29  }
0x14b: {  	v40 =	vmul.f32 v33, v29;
	[tilespmem:s30+$0x57B0] =	vst v37;
	v41 =	vld [tilespmem:s30+$0x5820]  }
0x14c: {  	v43 =	vld [tilespmem:s30+$0x5830];
	v42 =	vbroadcast v2, $0xE;
	[tilespmem:s30+$0x57C0] =	vst v3;
	v3 =	vmul.f32 v35, v29  }
0x14d: {  	v44 =	vmul.f32 v36, v29;
	[tilespmem:s30+$0x57D0] =	vst v40;
	v45 =	vld [tilespmem:s30+$0x5840]  }
0x14e: {  	v46 =	vld [tilespmem:s30+$0x5850];
	[tilespmem:s30+$0x57E0] =	vst v3;
	v3 =	vmul.f32 v38, v42  }
0x14f: {  	[tilespmem:s30+$0x57F0] =	vst v44;
	v48 =	vld [tilespmem:s30+$0x5860];
	v47 =	vmul.f32 v39, v42  }
0x150: {  	v49 =	vld [tilespmem:s30+$0x5870];
	[tilespmem:s30+$0x5800] =	vst v3;
	v3 =	vmul.f32 v41, v42  }
0x151: {  	v50 =	vmul.f32 v43, v42;
	v51 =	vld [tilespmem:s30+$0x5880];
	[tilespmem:s30+$0x5810] =	vst v47  }
0x152: {  	v52 =	vld [tilespmem:s30+$0x5890];
	[tilespmem:s30+$0x5820] =	vst v3;
	v3 =	vmul.f32 v45, v42  }
0x153: {  	v53 =	vmul.f32 v46, v42;
	[tilespmem:s30+$0x5830] =	vst v50;
	v54 =	vld [tilespmem:s30+$0x58A0]  }
0x154: {  	v2 =	vbroadcast v2, $0xF;
	v58 =	vld [tilespmem:s30+$0x58D0];
	[tilespmem:s30+$0x5840] =	vst v3;
	v3 =	vmul.f32 v48, v42  }
0x155: {  	v57 =	vld [tilespmem:s30+$0x58C0];
	v56 =	vmul.f32 v49, v42;
	[tilespmem:s30+$0x5850] =	vst v53  }
0x156: {  	v55 =	vld [tilespmem:s30+$0x58B0];
	[tilespmem:s30+$0x5860] =	vst v3;
	v3 =	vmul.f32 v51, v2  }
0x157: {  	v60 =	vld [tilespmem:s30+$0x58E0];
	v59 =	vmul.f32 v52, v2;
	[tilespmem:s30+$0x5870] =	vst v56  }
0x158: {  	v61 =	vld [tilespmem:s30+$0x58F0];
	[tilespmem:s30+$0x5880] =	vst v3;
	v3 =	vmul.f32 v54, v2  }
0x159: {  	[tilespmem:s30+$0x5890] =	vst v59;
	v63 =	vmul.f32 v58, v2  }
0x15a: {  	p2 =	sne.s32 s29, $0x4;
	[tilespmem:s30+$0x58A0] =	vst v3;
	v3 =	vmul.f32 v57, v2  }
.Ltmp3:
0x15b: {  	v62 =	vmul.f32 v55, v2;
	[tilespmem:s30+$0x58D0] =	vst v63;
	(pc) =	sbr.rel @p2 .LBB2_9-.Ltmp3, $4  }
0x15c: {  	[tilespmem:s30+$0x58C0] =	vst v3;
	v3 =	vmul.f32 v60, v2  }
0x15d: {  	[tilespmem:s30+$0x58B0] =	vst v62;
	v2 =	vmul.f32 v61, v2  }
0x15e: {  	[tilespmem:s30+$0x58E0] =	vst v3  }
0x15f: {  	s29 =	sadd.s32 $0x1, s29;
	[tilespmem:s30+$0x58F0] =	vst v2  }
0x160: {  	s28 =	sadd.s32 $0x1, s28  }
0x161: {  	p2 =	sne.s32 s28, $0x7D  }
.Ltmp4:
0x162: {  	_ = 	snop;
	(pc) =	sbr.rel @p2 .LBB2_6-.Ltmp4, $4  }
0x163: {  	[spmem:s1] =	stream.indirect.scatter.add.f32 [tilespmem:s15], [sflag:$0x4], $0x80, s17, s18, $0xb8;
	[tilespmem:$0x1D900] =	vst v63  }
0x164: {  	_ =	swait.ge [sflag:s16], $0x2800  }
0x165: {  	[sflag:s16] =	ssyncset.done $0x0  }
0x166: {  	[sflag:s16] =	ssyncadd.s32 $0xFFFFD800  }
0x167: {  	[bflag:$0x0] =	sbarrier.arrive $0xFFFF;
	s26 =	sshrl.u32 @!p1 s1, $0x3;
	s28 =	simm.s32 @!p1 $0x1C04  }
0x168: {  	[hbm:s10], [sflag:s28] =	dma.local @!p1 [spmem:s26], $0x27100  }
0x169: {  	s26 =	simm.s32 @!p1 $0x4  }
0x16a: {  	s25 =	sadd.s32 $0x1, s25;
	_ =	swait.ge @!p1 [sflag:s26], $0x27100  }
0x16b: {  	p2 =	sne.s32 s25, s12;
	[sflag:s26] =	ssyncset.done @!p1 $0x0  }
.Ltmp5:
0x16c: {  	[sflag:s26] =	ssyncadd.s32 @!p1 $0xFFFD8F00;
	(pc) =	sbr.rel @p2 .LBB2_1-.Ltmp5, $4  }
0x16d: {  	[hbm4b:s11+s2] =	stream.linear.scatter [tilespmem:s24], [sflag:$0x4], $0x2710, $0x38;
	[tilespmem:$0x1D900] =	vst v63  }
0x16e: {  	_ =	swait.ge [sflag:s16], $0x2710  }
0x16f: {  	[sflag:s16] =	ssyncset.done $0x0  }
0x170: {  	[sflag:s16] =	ssyncadd.s32 $0xFFFFD8F0  }
0x171: {  	_ =	sfence.sel $0x180000  }
0x172: {  	[bflag:$0x0] =	sbarrier.arrive $0xFFFF  }
0x173: {  	_ =	strace $0x90000047  }
0x174: {  	s0 =	sadd.s32 @!p1 $0x100000, s0;
	[bflag:$0x2] =	sbarrier.arrive $0xFFFF  }
0x175: {  	[sflag:s0] =	ssyncadd.tile.s32 @!p1 $0x1;
	_ =	shalt  }
.Lfunc_end2:
_tile_overlayer_lowered:
.L_overlay_start_2:
0x176: {  	(tag) =	ssettag $0x2  }
0x177: {  	s0 =	rddreg [dreg:$0x0];
	s2 =	stileid.u32  }
0x178: {  	s1 =	rddreg [dreg:$0x1];
	p0 =	sne.s32 s2, $0x0  }
0x179: {  	s3 =	rddreg [dreg:$0x2];
	[bflag:$0x3] =	sbarrier.arrive $0xFFFF;
	s2 =	simm.s32 @!p0 $0x1C04  }
0x17a: {  	[timem:s3], [sflag:s2] =	dma.local @!p0 [hbm:s0], s1  }
0x17b: {  	s0 =	simm.s32 @!p0 $0x4  }
0x17c: {  	_ =	swait.ge @!p0 [sflag:s0], s1  }
0x17d: {  	s1 =	ssub.s32 @!p0 $0x0, s1;
	[sflag:s0] =	ssyncset.done @!p0 $0x0  }
0x17e: {  	[sflag:s0] =	ssyncadd.s32 @!p0 s1  }
0x17f: {  	[bflag:$0x3] =	sbarrier.arrive $0xFFFF  }
0x180: {  	_ =	shalt  }

</sc_bundles>
